<compile_context>
chip_gen: v7x
topology: tpu7x:2x2x1
jax: 0.10.2.dev20260603
libtpu: 0.0.44.dev20260713+nightly
codegen_flags: <defaults>
</compile_context>

<pallas_src>
import functools

import jax
import jax.numpy as jnp
from jax import lax
from jax.experimental import pallas as pl
from jax.experimental.pallas import tpu as pltpu
from jax.experimental.pallas import tpu_sc as plsc

VOCAB = 1000000
EMB = 64
NUM_L1 = 32
NUM_LEAF = 1024
B = 16384
L = 200
SPLIT = 104

NC, NS = 2, 16
NW = NC * NS
ROWS_PER_W = B // NW
PB = 4
N_STEP = ROWS_PER_W // PB
LANES = 16
C_CHUNKS = EMB // LANES
UNROLL = 10


def _gather_sum_kernel(x_hbm, emb_hbm, out_hbm,
                       idx0, idx1, rows0, rows1, os0, os1,
                       isem0, isem1, gsem0, gsem1, osem0, osem1):
    idx_v = (idx0, idx1)
    rows_v = (rows0, rows1)
    out_v = (os0, os1)
    isem = (isem0, isem1)
    gsem = (gsem0, gsem1)
    osem = (osem0, osem1)
    wid = lax.axis_index("s") * NC + lax.axis_index("c")
    base = wid * ROWS_PER_W

    def idx_start(slot, step):
        pltpu.async_copy(
            x_hbm.at[pl.ds(base + step * PB, PB)], idx_v[slot], isem[slot])

    def idx_wait(slot):
        pltpu.make_async_copy(
            x_hbm.at[pl.ds(0, PB)], idx_v[slot], isem[slot]).wait()

    def gathers_start(slot):
        for k in range(PB):
            pltpu.async_copy(
                emb_hbm.at[idx_v[slot].at[k, pl.ds(0, SPLIT)]],
                rows_v[slot].at[pl.ds(k * L, SPLIT)],
                gsem[slot])
            pltpu.async_copy(
                emb_hbm.at[idx_v[slot].at[k, pl.ds(SPLIT, L - SPLIT)]],
                rows_v[slot].at[pl.ds(k * L + SPLIT, L - SPLIT)],
                gsem[slot])

    def gathers_wait(slot):
        pltpu.make_async_copy(
            emb_hbm.at[pl.ds(0, PB * L)], rows_v[slot], gsem[slot]).wait()

    def out_start(slot, step):
        pltpu.async_copy(
            out_v[slot], out_hbm.at[pl.ds(base + step * PB, PB)], osem[slot])

    def out_wait(slot):
        pltpu.make_async_copy(
            out_v[slot], out_hbm.at[pl.ds(0, PB)], osem[slot]).wait()

    def count_recips(slot):
        lane = lax.iota(jnp.int32, 16)
        recips = []
        for k in range(PB):
            total = jnp.zeros((LANES,), jnp.int32)
            for c in range(12):
                ch = idx_v[slot][k, pl.ds(c * LANES, LANES)]
                total = total + plsc.all_reduce_population_count(ch != 0)
            tail = idx_v[slot][k, pl.ds(L - LANES, LANES)]
            total = total + plsc.all_reduce_population_count(
                (tail != 0) & (lane >= 12 * LANES - (L - LANES)))
            recips.append(1.0 / total.astype(jnp.float32))
        return recips

    def reduce(slot, recips):
        zero = jnp.zeros((LANES,), jnp.float32)
        for k in range(PB):
            rbase = k * L

            def body(r, acc, rbase=rbase, slot=slot):
                a = list(acc)
                for u in range(UNROLL):
                    rr = rbase + r * UNROLL + u
                    for c in range(C_CHUNKS):
                        a[c] = a[c] + rows_v[slot][rr, pl.ds(c * LANES, LANES)]
                return tuple(a)

            acc = lax.fori_loop(0, L // UNROLL, body, (zero,) * C_CHUNKS)
            for c in range(C_CHUNKS):
                out_v[slot][k, pl.ds(c * LANES, LANES)] = (
                    jnp.maximum(acc[c] * recips[k], 0.0))

    idx_start(0, 0)
    idx_wait(0)
    gathers_start(0)
    idx_start(1, 1)

    def body(i2, _):
        s0 = 2 * i2
        s1 = s0 + 1
        idx_wait(1)
        gathers_start(1)
        gathers_wait(0)
        r0 = count_recips(0)

        @pl.when(s0 + 2 < N_STEP)
        def _():
            idx_start(0, s0 + 2)

        @pl.when(s0 >= 2)
        def _():
            out_wait(0)

        reduce(0, r0)
        out_start(0, s0)

        @pl.when(s0 + 2 < N_STEP)
        def _():
            idx_wait(0)
            gathers_start(0)

        gathers_wait(1)
        r1 = count_recips(1)

        @pl.when(s1 + 2 < N_STEP)
        def _():
            idx_start(1, s1 + 2)

        @pl.when(s1 >= 2)
        def _():
            out_wait(1)

        reduce(1, r1)
        out_start(1, s1)
        return 0

    lax.fori_loop(0, N_STEP // 2, body, 0)
    out_wait(0)
    out_wait(1)


_gather_sum = functools.partial(
    pl.kernel,
    out_type=jax.ShapeDtypeStruct((B, EMB), jnp.float32),
    mesh=plsc.VectorSubcoreMesh(core_axis_name="c", subcore_axis_name="s"),
    scratch_types=[
        pltpu.VMEM((PB, L), jnp.int32),
        pltpu.VMEM((PB, L), jnp.int32),
        pltpu.VMEM((PB * L, EMB), jnp.float32),
        pltpu.VMEM((PB * L, EMB), jnp.float32),
        pltpu.VMEM((PB, EMB), jnp.float32),
        pltpu.VMEM((PB, EMB), jnp.float32),
        pltpu.SemaphoreType.DMA,
        pltpu.SemaphoreType.DMA,
        pltpu.SemaphoreType.DMA,
        pltpu.SemaphoreType.DMA,
        pltpu.SemaphoreType.DMA,
        pltpu.SemaphoreType.DMA,
    ],
    compiler_params=pltpu.CompilerParams(
        use_tc_tiling_on_sc=False, needs_layout_passes=False),
)(_gather_sum_kernel)


BLK = 2048


def _dense_body(h_ref, lab_ref, w1_ref, b1_ref, w2_ref, b2_ref,
                l1_ref, leaf_ref):
    h = h_ref[...]
    l1_ref[...] = (
        jnp.dot(h, w1_ref[...], preferred_element_type=jnp.float32)
        + b1_ref[...]
    )
    one_hot = (
        lab_ref[...]
        == lax.broadcasted_iota(jnp.int32, (BLK, NUM_L1), 1)
    ).astype(jnp.float32)
    leaf_ref[...] = (
        jnp.dot(h, w2_ref[0:EMB, :], preferred_element_type=jnp.float32)
        + jnp.dot(one_hot, w2_ref[EMB:, :], preferred_element_type=jnp.float32)
        + b2_ref[...]
    )


def kernel(x, level1_labels, emb, W1, b1, W2, b2):
    h = _gather_sum(x, emb)

    lab2d = level1_labels.reshape(B, 1)
    grid = B // BLK
    l1, leaf = pl.pallas_call(
        _dense_body,
        grid=(grid,),
        in_specs=[
            pl.BlockSpec((BLK, EMB), lambda i: (i, 0)),
            pl.BlockSpec((BLK, 1), lambda i: (i, 0)),
            pl.BlockSpec((EMB, NUM_L1), lambda i: (0, 0)),
            pl.BlockSpec((1, NUM_L1), lambda i: (0, 0)),
            pl.BlockSpec((EMB + NUM_L1, NUM_LEAF), lambda i: (0, 0)),
            pl.BlockSpec((1, NUM_LEAF), lambda i: (0, 0)),
        ],
        out_specs=[
            pl.BlockSpec((BLK, NUM_L1), lambda i: (i, 0)),
            pl.BlockSpec((BLK, NUM_LEAF), lambda i: (i, 0)),
        ],
        out_shape=[
            jax.ShapeDtypeStruct((B, NUM_L1), jnp.float32),
            jax.ShapeDtypeStruct((B, NUM_LEAF), jnp.float32),
        ],
    )(h, lab2d, W1, b1.reshape(1, NUM_L1), W2, b2.reshape(1, NUM_LEAF))
    return (l1, leaf)

# --- scband reference (transcript-rebuilt; emitter-appended) ---
"""Pipeline reference for scband-fast-text-52673478918569 (READ-ONLY COPY).

The authoritative reference and input builder live on the scoring server;
editing this copy changes nothing except your own understanding.
"""

import jax, jax.numpy as jnp
import numpy as np

VOCAB = 1000000
EMB = 64
PAD = 0
NUM_L1 = 32
NUM_LEAF = 1024
B = 16384
L = 200


def setup_inputs(seed: int = 0) -> dict:
    key = jax.random.key(seed)
    k1, k2, k3, k4, k5 = jax.random.split(key, 5)
    x = jax.random.randint(k1, (B, L), 0, VOCAB, dtype=jnp.int32)
    level1_labels = jax.random.randint(k2, (B,), 0, NUM_L1, dtype=jnp.int32)
    emb = jax.random.normal(k3, (VOCAB, EMB), dtype=jnp.float32) * 0.02
    emb = emb.at[PAD].set(0.0)  # padding_idx row zeroed, matching nn.Embedding(padding_idx=0)
    W1 = jax.random.normal(k4, (EMB, NUM_L1), dtype=jnp.float32) * 0.02
    b1 = jnp.zeros((NUM_L1,), dtype=jnp.float32)
    W2 = jax.random.normal(k5, (EMB + NUM_L1, NUM_LEAF), dtype=jnp.float32) * 0.02
    b2 = jnp.zeros((NUM_LEAF,), dtype=jnp.float32)
    return {"x": x, "level1_labels": level1_labels, "emb": emb, "W1": W1, "b1": b1, "W2": W2, "b2": b2}


def reference(x, level1_labels, emb, W1, b1, W2, b2):
    # non-pad mask and mean pooling over non-pad tokens
    non_pad_mask = (x != PAD)
    e = jnp.take(emb, x, axis=0)  # [B, L, EMB] gather
    denom = non_pad_mask.sum(axis=1, keepdims=True).astype(jnp.float32)
    pooled = e.sum(axis=1) / denom
    h = jax.nn.relu(pooled)  # use_relu=True; dropout is identity at inference
    level1_logits = h @ W1 + b1
    # level1_labels provided -> one-hot teacher forcing branch
    level1_one_hot = jax.nn.one_hot(level1_labels, NUM_L1, dtype=jnp.float32)
    leaf_input = jnp.concatenate([h, level1_one_hot], axis=-1)
    leaf_logits = leaf_input @ W2 + b2
    return (level1_logits, leaf_logits)

if __name__ == "__main__":
    import jax
    _d = setup_inputs()
    print(jax.jit(kernel)(*tuple(_d.values())))

</pallas_src>

<mosaic_0001>
#map = affine_map<(d0, d1) -> (0, 0)>
module attributes {stable_mosaic.version = 14 : i64} {
  func.func @_gather_sum_kernel(%arg0: i32, %arg1: i32, %arg2: memref<16384x200xi32, #tpu.memory_space<hbm>>, %arg3: memref<1000000x64xf32, #tpu.memory_space<hbm>>, %arg4: memref<16384x64xf32, #tpu.memory_space<hbm>>, %arg5: memref<4x200xi32, #tpu.memory_space<vmem>>, %arg6: memref<4x200xi32, #tpu.memory_space<vmem>>, %arg7: memref<800x64xf32, #tpu.memory_space<vmem>>, %arg8: memref<800x64xf32, #tpu.memory_space<vmem>>, %arg9: memref<4x64xf32, #tpu.memory_space<vmem>>, %arg10: memref<4x64xf32, #tpu.memory_space<vmem>>, %arg11: memref<!tpu.dma_semaphore, #tpu.memory_space<semaphore_mem>>, %arg12: memref<!tpu.dma_semaphore, #tpu.memory_space<semaphore_mem>>, %arg13: memref<!tpu.dma_semaphore, #tpu.memory_space<semaphore_mem>>, %arg14: memref<!tpu.dma_semaphore, #tpu.memory_space<semaphore_mem>>, %arg15: memref<!tpu.dma_semaphore, #tpu.memory_space<semaphore_mem>>, %arg16: memref<!tpu.dma_semaphore, #tpu.memory_space<semaphore_mem>>) attributes {dimension_semantics = [#tpu.dimension_semantics<core_parallel>, #tpu.dimension_semantics<subcore_parallel>], iteration_bounds = array<i64: 2, 16>, scalar_prefetch = 0 : i64, scratch_operands = 12 : i64, tpu.core_type = #tpu.core_type<sc_vector_subcore>, window_params = [{transform_indices = #map}, {transform_indices = #map}, {transform_indices = #map}]} {
    %mul3A = arith.constant 2 : i32
    %mul3A_0 = arith.muli %arg1, %mul3A : i32
    %add3A = arith.addi %mul3A_0, %arg0 : i32
    %mul3A_1 = arith.constant 512 : i32
    %mul3A_2 = arith.muli %add3A, %mul3A_1 : i32
    %add3A_3 = arith.constant 0 : i32
    %add3A_4 = arith.addi %mul3A_2, %add3A_3 : i32
    %dma_start3A = arith.constant 0 : i32
    %dma_start3A_5 = tpu.memref_slice %arg2[%add3A_4, %dma_start3A] : memref<16384x200xi32, #tpu.memory_space<hbm>> -> memref<4x200xi32, #tpu.memory_space<hbm>>
    %dma_start3A_6 = arith.constant 0 : i32
    %dma_start3A_7 = tpu.memref_slice %arg2[%add3A_4, %dma_start3A_6] : memref<16384x200xi32, #tpu.memory_space<hbm>> -> memref<4x200xi32, #tpu.memory_space<hbm>>
    tpu.enqueue_dma source(%dma_start3A_7 : memref<4x200xi32, #tpu.memory_space<hbm>>) target(%arg5 : memref<4x200xi32, #tpu.memory_space<vmem>>) target_semaphore(%arg11 : memref<!tpu.dma_semaphore, #tpu.memory_space<semaphore_mem>>)
    %dma_wait3A = arith.constant 0 : i32
    %dma_wait3A_8 = arith.constant 0 : i32
    %dma_wait3A_9 = tpu.memref_slice %arg2[%dma_wait3A, %dma_wait3A_8] : memref<16384x200xi32, #tpu.memory_space<hbm>> -> memref<4x200xi32, #tpu.memory_space<hbm>>
    %dma_wait3A_10 = arith.constant 0 : i32
    %dma_wait3A_11 = arith.constant 0 : i32
    %dma_wait3A_12 = tpu.memref_slice %arg2[%dma_wait3A_10, %dma_wait3A_11] : memref<16384x200xi32, #tpu.memory_space<hbm>> -> memref<4x200xi32, #tpu.memory_space<hbm>>
    tpu.wait_dma2 semaphore(%arg11 : memref<!tpu.dma_semaphore, #tpu.memory_space<semaphore_mem>>) src(%dma_wait3A_12 : memref<4x200xi32, #tpu.memory_space<hbm>>) dst(%arg5 : memref<4x200xi32, #tpu.memory_space<vmem>>)
    %dma_start3A_13 = arith.constant 0 : i32
    %dma_start3A_14 = arith.constant 0 : i32
    %dma_start3A_15 = arith.constant 0 : i32
    %dma_start3A_16 = tpu.memref_slice %arg7[%dma_start3A_14, %dma_start3A_15] : memref<800x64xf32, #tpu.memory_space<vmem>> -> memref<104x64xf32, #tpu.memory_space<vmem>>
    %dma_start3A_17 = arith.constant 0 : i32
    %dma_start3A_18 = tpu.memref_slice %arg5[%dma_start3A_13, %dma_start3A_17] : memref<4x200xi32, #tpu.memory_space<vmem>> -> memref<1x104xi32, #tpu.memory_space<vmem>>
    %dma_start3A_19 = tpu.memref_squeeze %dma_start3A_18 : memref<1x104xi32, #tpu.memory_space<vmem>> -> memref<104xi32, #tpu.memory_space<vmem>>
    %dma_start3A_20 = arith.constant 0 : i32
    %dma_start3A_21 = arith.constant 0 : i32
    %dma_start3A_22 = tpu.memref_slice %arg3[%dma_start3A_20, %dma_start3A_21] : memref<1000000x64xf32, #tpu.memory_space<hbm>> -> memref<1000000x64xf32, #tpu.memory_space<hbm>>
    tpu.enqueue_indirect_dma source(%dma_start3A_22 : memref<1000000x64xf32, #tpu.memory_space<hbm>>) target(%dma_start3A_16 : memref<104x64xf32, #tpu.memory_space<vmem>>) offsets(%dma_start3A_19 : memref<104xi32, #tpu.memory_space<vmem>>) semaphore(%arg13 : memref<!tpu.dma_semaphore, #tpu.memory_space<semaphore_mem>>)
    %dma_start3A_23 = arith.constant 0 : i32
    %dma_start3A_24 = arith.constant 104 : i32
    %dma_start3A_25 = arith.constant 0 : i32
    %dma_start3A_26 = tpu.memref_slice %arg7[%dma_start3A_24, %dma_start3A_25] : memref<800x64xf32, #tpu.memory_space<vmem>> -> memref<96x64xf32, #tpu.memory_space<vmem>>
    %dma_start3A_27 = arith.constant 104 : i32
    %dma_start3A_28 = tpu.memref_slice %arg5[%dma_start3A_23, %dma_start3A_27] : memref<4x200xi32, #tpu.memory_space<vmem>> -> memref<1x96xi32, #tpu.memory_space<vmem>>
    %dma_start3A_29 = tpu.memref_squeeze %dma_start3A_28 : memref<1x96xi32, #tpu.memory_space<vmem>> -> memref<96xi32, #tpu.memory_space<vmem>>
    %dma_start3A_30 = arith.constant 0 : i32
    %dma_start3A_31 = arith.constant 0 : i32
    %dma_start3A_32 = tpu.memref_slice %arg3[%dma_start3A_30, %dma_start3A_31] : memref<1000000x64xf32, #tpu.memory_space<hbm>> -> memref<1000000x64xf32, #tpu.memory_space<hbm>>
    tpu.enqueue_indirect_dma source(%dma_start3A_32 : memref<1000000x64xf32, #tpu.memory_space<hbm>>) target(%dma_start3A_26 : memref<96x64xf32, #tpu.memory_space<vmem>>) offsets(%dma_start3A_29 : memref<96xi32, #tpu.memory_space<vmem>>) semaphore(%arg13 : memref<!tpu.dma_semaphore, #tpu.memory_space<semaphore_mem>>)
    %dma_start3A_33 = arith.constant 1 : i32
    %dma_start3A_34 = arith.constant 200 : i32
    %dma_start3A_35 = arith.constant 0 : i32
    %dma_start3A_36 = tpu.memref_slice %arg7[%dma_start3A_34, %dma_start3A_35] : memref<800x64xf32, #tpu.memory_space<vmem>> -> memref<104x64xf32, #tpu.memory_space<vmem>>
    %dma_start3A_37 = arith.constant 0 : i32
    %dma_start3A_38 = tpu.memref_slice %arg5[%dma_start3A_33, %dma_start3A_37] : memref<4x200xi32, #tpu.memory_space<vmem>> -> memref<1x104xi32, #tpu.memory_space<vmem>>
    %dma_start3A_39 = tpu.memref_squeeze %dma_start3A_38 : memref<1x104xi32, #tpu.memory_space<vmem>> -> memref<104xi32, #tpu.memory_space<vmem>>
    %dma_start3A_40 = arith.constant 0 : i32
    %dma_start3A_41 = arith.constant 0 : i32
    %dma_start3A_42 = tpu.memref_slice %arg3[%dma_start3A_40, %dma_start3A_41] : memref<1000000x64xf32, #tpu.memory_space<hbm>> -> memref<1000000x64xf32, #tpu.memory_space<hbm>>
    tpu.enqueue_indirect_dma source(%dma_start3A_42 : memref<1000000x64xf32, #tpu.memory_space<hbm>>) target(%dma_start3A_36 : memref<104x64xf32, #tpu.memory_space<vmem>>) offsets(%dma_start3A_39 : memref<104xi32, #tpu.memory_space<vmem>>) semaphore(%arg13 : memref<!tpu.dma_semaphore, #tpu.memory_space<semaphore_mem>>)
    %dma_start3A_43 = arith.constant 1 : i32
    %dma_start3A_44 = arith.constant 304 : i32
    %dma_start3A_45 = arith.constant 0 : i32
    %dma_start3A_46 = tpu.memref_slice %arg7[%dma_start3A_44, %dma_start3A_45] : memref<800x64xf32, #tpu.memory_space<vmem>> -> memref<96x64xf32, #tpu.memory_space<vmem>>
    %dma_start3A_47 = arith.constant 104 : i32
    %dma_start3A_48 = tpu.memref_slice %arg5[%dma_start3A_43, %dma_start3A_47] : memref<4x200xi32, #tpu.memory_space<vmem>> -> memref<1x96xi32, #tpu.memory_space<vmem>>
    %dma_start3A_49 = tpu.memref_squeeze %dma_start3A_48 : memref<1x96xi32, #tpu.memory_space<vmem>> -> memref<96xi32, #tpu.memory_space<vmem>>
    %dma_start3A_50 = arith.constant 0 : i32
    %dma_start3A_51 = arith.constant 0 : i32
    %dma_start3A_52 = tpu.memref_slice %arg3[%dma_start3A_50, %dma_start3A_51] : memref<1000000x64xf32, #tpu.memory_space<hbm>> -> memref<1000000x64xf32, #tpu.memory_space<hbm>>
    tpu.enqueue_indirect_dma source(%dma_start3A_52 : memref<1000000x64xf32, #tpu.memory_space<hbm>>) target(%dma_start3A_46 : memref<96x64xf32, #tpu.memory_space<vmem>>) offsets(%dma_start3A_49 : memref<96xi32, #tpu.memory_space<vmem>>) semaphore(%arg13 : memref<!tpu.dma_semaphore, #tpu.memory_space<semaphore_mem>>)
    %dma_start3A_53 = arith.constant 2 : i32
    %dma_start3A_54 = arith.constant 400 : i32
    %dma_start3A_55 = arith.constant 0 : i32
    %dma_start3A_56 = tpu.memref_slice %arg7[%dma_start3A_54, %dma_start3A_55] : memref<800x64xf32, #tpu.memory_space<vmem>> -> memref<104x64xf32, #tpu.memory_space<vmem>>
    %dma_start3A_57 = arith.constant 0 : i32
    %dma_start3A_58 = tpu.memref_slice %arg5[%dma_start3A_53, %dma_start3A_57] : memref<4x200xi32, #tpu.memory_space<vmem>> -> memref<1x104xi32, #tpu.memory_space<vmem>>
    %dma_start3A_59 = tpu.memref_squeeze %dma_start3A_58 : memref<1x104xi32, #tpu.memory_space<vmem>> -> memref<104xi32, #tpu.memory_space<vmem>>
    %dma_start3A_60 = arith.constant 0 : i32
    %dma_start3A_61 = arith.constant 0 : i32
    %dma_start3A_62 = tpu.memref_slice %arg3[%dma_start3A_60, %dma_start3A_61] : memref<1000000x64xf32, #tpu.memory_space<hbm>> -> memref<1000000x64xf32, #tpu.memory_space<hbm>>
    tpu.enqueue_indirect_dma source(%dma_start3A_62 : memref<1000000x64xf32, #tpu.memory_space<hbm>>) target(%dma_start3A_56 : memref<104x64xf32, #tpu.memory_space<vmem>>) offsets(%dma_start3A_59 : memref<104xi32, #tpu.memory_space<vmem>>) semaphore(%arg13 : memref<!tpu.dma_semaphore, #tpu.memory_space<semaphore_mem>>)
    %dma_start3A_63 = arith.constant 2 : i32
    %dma_start3A_64 = arith.constant 504 : i32
    %dma_start3A_65 = arith.constant 0 : i32
    %dma_start3A_66 = tpu.memref_slice %arg7[%dma_start3A_64, %dma_start3A_65] : memref<800x64xf32, #tpu.memory_space<vmem>> -> memref<96x64xf32, #tpu.memory_space<vmem>>
    %dma_start3A_67 = arith.constant 104 : i32
    %dma_start3A_68 = tpu.memref_slice %arg5[%dma_start3A_63, %dma_start3A_67] : memref<4x200xi32, #tpu.memory_space<vmem>> -> memref<1x96xi32, #tpu.memory_space<vmem>>
    %dma_start3A_69 = tpu.memref_squeeze %dma_start3A_68 : memref<1x96xi32, #tpu.memory_space<vmem>> -> memref<96xi32, #tpu.memory_space<vmem>>
    %dma_start3A_70 = arith.constant 0 : i32
    %dma_start3A_71 = arith.constant 0 : i32
    %dma_start3A_72 = tpu.memref_slice %arg3[%dma_start3A_70, %dma_start3A_71] : memref<1000000x64xf32, #tpu.memory_space<hbm>> -> memref<1000000x64xf32, #tpu.memory_space<hbm>>
    tpu.enqueue_indirect_dma source(%dma_start3A_72 : memref<1000000x64xf32, #tpu.memory_space<hbm>>) target(%dma_start3A_66 : memref<96x64xf32, #tpu.memory_space<vmem>>) offsets(%dma_start3A_69 : memref<96xi32, #tpu.memory_space<vmem>>) semaphore(%arg13 : memref<!tpu.dma_semaphore, #tpu.memory_space<semaphore_mem>>)
    %dma_start3A_73 = arith.constant 3 : i32
    %dma_start3A_74 = arith.constant 600 : i32
    %dma_start3A_75 = arith.constant 0 : i32
    %dma_start3A_76 = tpu.memref_slice %arg7[%dma_start3A_74, %dma_start3A_75] : memref<800x64xf32, #tpu.memory_space<vmem>> -> memref<104x64xf32, #tpu.memory_space<vmem>>
    %dma_start3A_77 = arith.constant 0 : i32
    %dma_start3A_78 = tpu.memref_slice %arg5[%dma_start3A_73, %dma_start3A_77] : memref<4x200xi32, #tpu.memory_space<vmem>> -> memref<1x104xi32, #tpu.memory_space<vmem>>
    %dma_start3A_79 = tpu.memref_squeeze %dma_start3A_78 : memref<1x104xi32, #tpu.memory_space<vmem>> -> memref<104xi32, #tpu.memory_space<vmem>>
    %dma_start3A_80 = arith.constant 0 : i32
    %dma_start3A_81 = arith.constant 0 : i32
    %dma_start3A_82 = tpu.memref_slice %arg3[%dma_start3A_80, %dma_start3A_81] : memref<1000000x64xf32, #tpu.memory_space<hbm>> -> memref<1000000x64xf32, #tpu.memory_space<hbm>>
    tpu.enqueue_indirect_dma source(%dma_start3A_82 : memref<1000000x64xf32, #tpu.memory_space<hbm>>) target(%dma_start3A_76 : memref<104x64xf32, #tpu.memory_space<vmem>>) offsets(%dma_start3A_79 : memref<104xi32, #tpu.memory_space<vmem>>) semaphore(%arg13 : memref<!tpu.dma_semaphore, #tpu.memory_space<semaphore_mem>>)
    %dma_start3A_83 = arith.constant 3 : i32
    %dma_start3A_84 = arith.constant 704 : i32
    %dma_start3A_85 = arith.constant 0 : i32
    %dma_start3A_86 = tpu.memref_slice %arg7[%dma_start3A_84, %dma_start3A_85] : memref<800x64xf32, #tpu.memory_space<vmem>> -> memref<96x64xf32, #tpu.memory_space<vmem>>
    %dma_start3A_87 = arith.constant 104 : i32
    %dma_start3A_88 = tpu.memref_slice %arg5[%dma_start3A_83, %dma_start3A_87] : memref<4x200xi32, #tpu.memory_space<vmem>> -> memref<1x96xi32, #tpu.memory_space<vmem>>
    %dma_start3A_89 = tpu.memref_squeeze %dma_start3A_88 : memref<1x96xi32, #tpu.memory_space<vmem>> -> memref<96xi32, #tpu.memory_space<vmem>>
    %dma_start3A_90 = arith.constant 0 : i32
    %dma_start3A_91 = arith.constant 0 : i32
    %dma_start3A_92 = tpu.memref_slice %arg3[%dma_start3A_90, %dma_start3A_91] : memref<1000000x64xf32, #tpu.memory_space<hbm>> -> memref<1000000x64xf32, #tpu.memory_space<hbm>>
    tpu.enqueue_indirect_dma source(%dma_start3A_92 : memref<1000000x64xf32, #tpu.memory_space<hbm>>) target(%dma_start3A_86 : memref<96x64xf32, #tpu.memory_space<vmem>>) offsets(%dma_start3A_89 : memref<96xi32, #tpu.memory_space<vmem>>) semaphore(%arg13 : memref<!tpu.dma_semaphore, #tpu.memory_space<semaphore_mem>>)
    %add3A_93 = arith.constant 4 : i32
    %add3A_94 = arith.addi %mul3A_2, %add3A_93 : i32
    %dma_start3A_95 = arith.constant 0 : i32
    %dma_start3A_96 = tpu.memref_slice %arg2[%add3A_94, %dma_start3A_95] : memref<16384x200xi32, #tpu.memory_space<hbm>> -> memref<4x200xi32, #tpu.memory_space<hbm>>
    %dma_start3A_97 = arith.constant 0 : i32
    %dma_start3A_98 = tpu.memref_slice %arg2[%add3A_94, %dma_start3A_97] : memref<16384x200xi32, #tpu.memory_space<hbm>> -> memref<4x200xi32, #tpu.memory_space<hbm>>
    tpu.enqueue_dma source(%dma_start3A_98 : memref<4x200xi32, #tpu.memory_space<hbm>>) target(%arg6 : memref<4x200xi32, #tpu.memory_space<vmem>>) target_semaphore(%arg12 : memref<!tpu.dma_semaphore, #tpu.memory_space<semaphore_mem>>)
    %scan3A = arith.constant 0 : i32
    %scan3A_99 = arith.constant 0 : i32
    %scan3A_100 = arith.constant 64 : i32
    %scan3A_101 = arith.addi %scan3A_99, %scan3A_100 : i32
    %scan3A_102 = arith.constant 1 : i32
    %scan3A_103 = scf.for %scan3A_117 = %scan3A_99 to %scan3A_101 step %scan3A_102 iter_args(%scan3A_118 = %scan3A) -> (i32)  : i32 {
      %mul3A_119 = arith.constant 2 : i32
      %mul3A_120 = arith.muli %mul3A_119, %scan3A_117 : i32
      %add3A_121 = arith.constant 1 : i32
      %add3A_122 = arith.addi %mul3A_120, %add3A_121 : i32
      %dma_wait3A_123 = arith.constant 0 : i32
      %dma_wait3A_124 = arith.constant 0 : i32
      %dma_wait3A_125 = tpu.memref_slice %arg2[%dma_wait3A_123, %dma_wait3A_124] : memref<16384x200xi32, #tpu.memory_space<hbm>> -> memref<4x200xi32, #tpu.memory_space<hbm>>
      %dma_wait3A_126 = arith.constant 0 : i32
      %dma_wait3A_127 = arith.constant 0 : i32
      %dma_wait3A_128 = tpu.memref_slice %arg2[%dma_wait3A_126, %dma_wait3A_127] : memref<16384x200xi32, #tpu.memory_space<hbm>> -> memref<4x200xi32, #tpu.memory_space<hbm>>
      tpu.wait_dma2 semaphore(%arg12 : memref<!tpu.dma_semaphore, #tpu.memory_space<semaphore_mem>>) src(%dma_wait3A_128 : memref<4x200xi32, #tpu.memory_space<hbm>>) dst(%arg6 : memref<4x200xi32, #tpu.memory_space<vmem>>)
      %dma_start3A_129 = arith.constant 0 : i32
      %dma_start3A_130 = arith.constant 0 : i32
      %dma_start3A_131 = arith.constant 0 : i32
      %dma_start3A_132 = tpu.memref_slice %arg8[%dma_start3A_130, %dma_start3A_131] : memref<800x64xf32, #tpu.memory_space<vmem>> -> memref<104x64xf32, #tpu.memory_space<vmem>>
      %dma_start3A_133 = arith.constant 0 : i32
      %dma_start3A_134 = tpu.memref_slice %arg6[%dma_start3A_129, %dma_start3A_133] : memref<4x200xi32, #tpu.memory_space<vmem>> -> memref<1x104xi32, #tpu.memory_space<vmem>>
      %dma_start3A_135 = tpu.memref_squeeze %dma_start3A_134 : memref<1x104xi32, #tpu.memory_space<vmem>> -> memref<104xi32, #tpu.memory_space<vmem>>
      %dma_start3A_136 = arith.constant 0 : i32
      %dma_start3A_137 = arith.constant 0 : i32
      %dma_start3A_138 = tpu.memref_slice %arg3[%dma_start3A_136, %dma_start3A_137] : memref<1000000x64xf32, #tpu.memory_space<hbm>> -> memref<1000000x64xf32, #tpu.memory_space<hbm>>
      tpu.enqueue_indirect_dma source(%dma_start3A_138 : memref<1000000x64xf32, #tpu.memory_space<hbm>>) target(%dma_start3A_132 : memref<104x64xf32, #tpu.memory_space<vmem>>) offsets(%dma_start3A_135 : memref<104xi32, #tpu.memory_space<vmem>>) semaphore(%arg14 : memref<!tpu.dma_semaphore, #tpu.memory_space<semaphore_mem>>)
      %dma_start3A_139 = arith.constant 0 : i32
      %dma_start3A_140 = arith.constant 104 : i32
      %dma_start3A_141 = arith.constant 0 : i32
      %dma_start3A_142 = tpu.memref_slice %arg8[%dma_start3A_140, %dma_start3A_141] : memref<800x64xf32, #tpu.memory_space<vmem>> -> memref<96x64xf32, #tpu.memory_space<vmem>>
      %dma_start3A_143 = arith.constant 104 : i32
      %dma_start3A_144 = tpu.memref_slice %arg6[%dma_start3A_139, %dma_start3A_143] : memref<4x200xi32, #tpu.memory_space<vmem>> -> memref<1x96xi32, #tpu.memory_space<vmem>>
      %dma_start3A_145 = tpu.memref_squeeze %dma_start3A_144 : memref<1x96xi32, #tpu.memory_space<vmem>> -> memref<96xi32, #tpu.memory_space<vmem>>
      %dma_start3A_146 = arith.constant 0 : i32
      %dma_start3A_147 = arith.constant 0 : i32
      %dma_start3A_148 = tpu.memref_slice %arg3[%dma_start3A_146, %dma_start3A_147] : memref<1000000x64xf32, #tpu.memory_space<hbm>> -> memref<1000000x64xf32, #tpu.memory_space<hbm>>
      tpu.enqueue_indirect_dma source(%dma_start3A_148 : memref<1000000x64xf32, #tpu.memory_space<hbm>>) target(%dma_start3A_142 : memref<96x64xf32, #tpu.memory_space<vmem>>) offsets(%dma_start3A_145 : memref<96xi32, #tpu.memory_space<vmem>>) semaphore(%arg14 : memref<!tpu.dma_semaphore, #tpu.memory_space<semaphore_mem>>)
      %dma_start3A_149 = arith.constant 1 : i32
      %dma_start3A_150 = arith.constant 200 : i32
      %dma_start3A_151 = arith.constant 0 : i32
      %dma_start3A_152 = tpu.memref_slice %arg8[%dma_start3A_150, %dma_start3A_151] : memref<800x64xf32, #tpu.memory_space<vmem>> -> memref<104x64xf32, #tpu.memory_space<vmem>>
      %dma_start3A_153 = arith.constant 0 : i32
      %dma_start3A_154 = tpu.memref_slice %arg6[%dma_start3A_149, %dma_start3A_153] : memref<4x200xi32, #tpu.memory_space<vmem>> -> memref<1x104xi32, #tpu.memory_space<vmem>>
      %dma_start3A_155 = tpu.memref_squeeze %dma_start3A_154 : memref<1x104xi32, #tpu.memory_space<vmem>> -> memref<104xi32, #tpu.memory_space<vmem>>
      %dma_start3A_156 = arith.constant 0 : i32
      %dma_start3A_157 = arith.constant 0 : i32
      %dma_start3A_158 = tpu.memref_slice %arg3[%dma_start3A_156, %dma_start3A_157] : memref<1000000x64xf32, #tpu.memory_space<hbm>> -> memref<1000000x64xf32, #tpu.memory_space<hbm>>
      tpu.enqueue_indirect_dma source(%dma_start3A_158 : memref<1000000x64xf32, #tpu.memory_space<hbm>>) target(%dma_start3A_152 : memref<104x64xf32, #tpu.memory_space<vmem>>) offsets(%dma_start3A_155 : memref<104xi32, #tpu.memory_space<vmem>>) semaphore(%arg14 : memref<!tpu.dma_semaphore, #tpu.memory_space<semaphore_mem>>)
      %dma_start3A_159 = arith.constant 1 : i32
      %dma_start3A_160 = arith.constant 304 : i32
      %dma_start3A_161 = arith.constant 0 : i32
      %dma_start3A_162 = tpu.memref_slice %arg8[%dma_start3A_160, %dma_start3A_161] : memref<800x64xf32, #tpu.memory_space<vmem>> -> memref<96x64xf32, #tpu.memory_space<vmem>>
      %dma_start3A_163 = arith.constant 104 : i32
      %dma_start3A_164 = tpu.memref_slice %arg6[%dma_start3A_159, %dma_start3A_163] : memref<4x200xi32, #tpu.memory_space<vmem>> -> memref<1x96xi32, #tpu.memory_space<vmem>>
      %dma_start3A_165 = tpu.memref_squeeze %dma_start3A_164 : memref<1x96xi32, #tpu.memory_space<vmem>> -> memref<96xi32, #tpu.memory_space<vmem>>
      %dma_start3A_166 = arith.constant 0 : i32
      %dma_start3A_167 = arith.constant 0 : i32
      %dma_start3A_168 = tpu.memref_slice %arg3[%dma_start3A_166, %dma_start3A_167] : memref<1000000x64xf32, #tpu.memory_space<hbm>> -> memref<1000000x64xf32, #tpu.memory_space<hbm>>
      tpu.enqueue_indirect_dma source(%dma_start3A_168 : memref<1000000x64xf32, #tpu.memory_space<hbm>>) target(%dma_start3A_162 : memref<96x64xf32, #tpu.memory_space<vmem>>) offsets(%dma_start3A_165 : memref<96xi32, #tpu.memory_space<vmem>>) semaphore(%arg14 : memref<!tpu.dma_semaphore, #tpu.memory_space<semaphore_mem>>)
      %dma_start3A_169 = arith.constant 2 : i32
      %dma_start3A_170 = arith.constant 400 : i32
      %dma_start3A_171 = arith.constant 0 : i32
      %dma_start3A_172 = tpu.memref_slice %arg8[%dma_start3A_170, %dma_start3A_171] : memref<800x64xf32, #tpu.memory_space<vmem>> -> memref<104x64xf32, #tpu.memory_space<vmem>>
      %dma_start3A_173 = arith.constant 0 : i32
      %dma_start3A_174 = tpu.memref_slice %arg6[%dma_start3A_169, %dma_start3A_173] : memref<4x200xi32, #tpu.memory_space<vmem>> -> memref<1x104xi32, #tpu.memory_space<vmem>>
      %dma_start3A_175 = tpu.memref_squeeze %dma_start3A_174 : memref<1x104xi32, #tpu.memory_space<vmem>> -> memref<104xi32, #tpu.memory_space<vmem>>
      %dma_start3A_176 = arith.constant 0 : i32
      %dma_start3A_177 = arith.constant 0 : i32
      %dma_start3A_178 = tpu.memref_slice %arg3[%dma_start3A_176, %dma_start3A_177] : memref<1000000x64xf32, #tpu.memory_space<hbm>> -> memref<1000000x64xf32, #tpu.memory_space<hbm>>
      tpu.enqueue_indirect_dma source(%dma_start3A_178 : memref<1000000x64xf32, #tpu.memory_space<hbm>>) target(%dma_start3A_172 : memref<104x64xf32, #tpu.memory_space<vmem>>) offsets(%dma_start3A_175 : memref<104xi32, #tpu.memory_space<vmem>>) semaphore(%arg14 : memref<!tpu.dma_semaphore, #tpu.memory_space<semaphore_mem>>)
      %dma_start3A_179 = arith.constant 2 : i32
      %dma_start3A_180 = arith.constant 504 : i32
      %dma_start3A_181 = arith.constant 0 : i32
      %dma_start3A_182 = tpu.memref_slice %arg8[%dma_start3A_180, %dma_start3A_181] : memref<800x64xf32, #tpu.memory_space<vmem>> -> memref<96x64xf32, #tpu.memory_space<vmem>>
      %dma_start3A_183 = arith.constant 104 : i32
      %dma_start3A_184 = tpu.memref_slice %arg6[%dma_start3A_179, %dma_start3A_183] : memref<4x200xi32, #tpu.memory_space<vmem>> -> memref<1x96xi32, #tpu.memory_space<vmem>>
      %dma_start3A_185 = tpu.memref_squeeze %dma_start3A_184 : memref<1x96xi32, #tpu.memory_space<vmem>> -> memref<96xi32, #tpu.memory_space<vmem>>
      %dma_start3A_186 = arith.constant 0 : i32
      %dma_start3A_187 = arith.constant 0 : i32
      %dma_start3A_188 = tpu.memref_slice %arg3[%dma_start3A_186, %dma_start3A_187] : memref<1000000x64xf32, #tpu.memory_space<hbm>> -> memref<1000000x64xf32, #tpu.memory_space<hbm>>
      tpu.enqueue_indirect_dma source(%dma_start3A_188 : memref<1000000x64xf32, #tpu.memory_space<hbm>>) target(%dma_start3A_182 : memref<96x64xf32, #tpu.memory_space<vmem>>) offsets(%dma_start3A_185 : memref<96xi32, #tpu.memory_space<vmem>>) semaphore(%arg14 : memref<!tpu.dma_semaphore, #tpu.memory_space<semaphore_mem>>)
      %dma_start3A_189 = arith.constant 3 : i32
      %dma_start3A_190 = arith.constant 600 : i32
      %dma_start3A_191 = arith.constant 0 : i32
      %dma_start3A_192 = tpu.memref_slice %arg8[%dma_start3A_190, %dma_start3A_191] : memref<800x64xf32, #tpu.memory_space<vmem>> -> memref<104x64xf32, #tpu.memory_space<vmem>>
      %dma_start3A_193 = arith.constant 0 : i32
      %dma_start3A_194 = tpu.memref_slice %arg6[%dma_start3A_189, %dma_start3A_193] : memref<4x200xi32, #tpu.memory_space<vmem>> -> memref<1x104xi32, #tpu.memory_space<vmem>>
      %dma_start3A_195 = tpu.memref_squeeze %dma_start3A_194 : memref<1x104xi32, #tpu.memory_space<vmem>> -> memref<104xi32, #tpu.memory_space<vmem>>
      %dma_start3A_196 = arith.constant 0 : i32
      %dma_start3A_197 = arith.constant 0 : i32
      %dma_start3A_198 = tpu.memref_slice %arg3[%dma_start3A_196, %dma_start3A_197] : memref<1000000x64xf32, #tpu.memory_space<hbm>> -> memref<1000000x64xf32, #tpu.memory_space<hbm>>
      tpu.enqueue_indirect_dma source(%dma_start3A_198 : memref<1000000x64xf32, #tpu.memory_space<hbm>>) target(%dma_start3A_192 : memref<104x64xf32, #tpu.memory_space<vmem>>) offsets(%dma_start3A_195 : memref<104xi32, #tpu.memory_space<vmem>>) semaphore(%arg14 : memref<!tpu.dma_semaphore, #tpu.memory_space<semaphore_mem>>)
      %dma_start3A_199 = arith.constant 3 : i32
      %dma_start3A_200 = arith.constant 704 : i32
      %dma_start3A_201 = arith.constant 0 : i32
      %dma_start3A_202 = tpu.memref_slice %arg8[%dma_start3A_200, %dma_start3A_201] : memref<800x64xf32, #tpu.memory_space<vmem>> -> memref<96x64xf32, #tpu.memory_space<vmem>>
      %dma_start3A_203 = arith.constant 104 : i32
      %dma_start3A_204 = tpu.memref_slice %arg6[%dma_start3A_199, %dma_start3A_203] : memref<4x200xi32, #tpu.memory_space<vmem>> -> memref<1x96xi32, #tpu.memory_space<vmem>>
      %dma_start3A_205 = tpu.memref_squeeze %dma_start3A_204 : memref<1x96xi32, #tpu.memory_space<vmem>> -> memref<96xi32, #tpu.memory_space<vmem>>
      %dma_start3A_206 = arith.constant 0 : i32
      %dma_start3A_207 = arith.constant 0 : i32
      %dma_start3A_208 = tpu.memref_slice %arg3[%dma_start3A_206, %dma_start3A_207] : memref<1000000x64xf32, #tpu.memory_space<hbm>> -> memref<1000000x64xf32, #tpu.memory_space<hbm>>
      tpu.enqueue_indirect_dma source(%dma_start3A_208 : memref<1000000x64xf32, #tpu.memory_space<hbm>>) target(%dma_start3A_202 : memref<96x64xf32, #tpu.memory_space<vmem>>) offsets(%dma_start3A_205 : memref<96xi32, #tpu.memory_space<vmem>>) semaphore(%arg14 : memref<!tpu.dma_semaphore, #tpu.memory_space<semaphore_mem>>)
      %dma_wait3A_209 = arith.constant 0 : i32
      %dma_wait3A_210 = arith.constant 0 : i32
      %dma_wait3A_211 = tpu.memref_slice %arg3[%dma_wait3A_209, %dma_wait3A_210] : memref<1000000x64xf32, #tpu.memory_space<hbm>> -> memref<800x64xf32, #tpu.memory_space<hbm>>
      %dma_wait3A_212 = arith.constant 0 : i32
      %dma_wait3A_213 = arith.constant 0 : i32
      %dma_wait3A_214 = tpu.memref_slice %arg3[%dma_wait3A_212, %dma_wait3A_213] : memref<1000000x64xf32, #tpu.memory_space<hbm>> -> memref<800x64xf32, #tpu.memory_space<hbm>>
      tpu.wait_dma2 semaphore(%arg13 : memref<!tpu.dma_semaphore, #tpu.memory_space<semaphore_mem>>) src(%dma_wait3A_214 : memref<800x64xf32, #tpu.memory_space<hbm>>) dst(%arg7 : memref<800x64xf32, #tpu.memory_space<vmem>>)
      %iota3A = tpu.iota {dimensions = array<i32: 0>} : vector<16xi32>
      %broadcast_in_dim3A = arith.constant 0 : i32
      %broadcast_in_dim3A_215 = vector.broadcast %broadcast_in_dim3A : i32 to vector<16xi32>
      %get3A = arith.constant 0 : i32
      %get3A_216 = arith.index_cast %get3A : i32 to index
      %get3A_217 = arith.constant 0 : index
      %get3A_218 = tpu.vector_load %arg5[%get3A_216, %get3A_217] {strides = array<i32>} : memref<4x200xi32, #tpu.memory_space<vmem>>, vector<16xi32>,
      %ne3A = arith.constant 0 : i32
      %ne3A_219 = vector.broadcast %ne3A : i32 to vector<16xi32>
      %ne3A_220 = arith.cmpi ne, %get3A_218, %ne3A_219 : vector<16xi32>
      %all_reduce_population_count3A = tpu.all_reduce %ne3A_220 {dim = 0 : i64, kind = #tpu.reduction_kind<sum>} : vector<16xi1> -> vector<16xi32>
      %add3A_221 = arith.addi %broadcast_in_dim3A_215, %all_reduce_population_count3A : vector<16xi32>
      %get3A_222 = arith.constant 0 : i32
      %get3A_223 = arith.index_cast %get3A_222 : i32 to index
      %get3A_224 = arith.constant 16 : index
      %get3A_225 = tpu.vector_load %arg5[%get3A_223, %get3A_224] {strides = array<i32>} : memref<4x200xi32, #tpu.memory_space<vmem>>, vector<16xi32>,
      %ne3A_226 = arith.constant 0 : i32
      %ne3A_227 = vector.broadcast %ne3A_226 : i32 to vector<16xi32>
      %ne3A_228 = arith.cmpi ne, %get3A_225, %ne3A_227 : vector<16xi32>
      %all_reduce_population_count3A_229 = tpu.all_reduce %ne3A_228 {dim = 0 : i64, kind = #tpu.reduction_kind<sum>} : vector<16xi1> -> vector<16xi32>
      %add3A_230 = arith.addi %add3A_221, %all_reduce_population_count3A_229 : vector<16xi32>
      %get3A_231 = arith.constant 0 : i32
      %get3A_232 = arith.index_cast %get3A_231 : i32 to index
      %get3A_233 = arith.constant 32 : index
      %get3A_234 = tpu.vector_load %arg5[%get3A_232, %get3A_233] {strides = array<i32>} : memref<4x200xi32, #tpu.memory_space<vmem>>, vector<16xi32>,
      %ne3A_235 = arith.constant 0 : i32
      %ne3A_236 = vector.broadcast %ne3A_235 : i32 to vector<16xi32>
      %ne3A_237 = arith.cmpi ne, %get3A_234, %ne3A_236 : vector<16xi32>
      %all_reduce_population_count3A_238 = tpu.all_reduce %ne3A_237 {dim = 0 : i64, kind = #tpu.reduction_kind<sum>} : vector<16xi1> -> vector<16xi32>
      %add3A_239 = arith.addi %add3A_230, %all_reduce_population_count3A_238 : vector<16xi32>
      %get3A_240 = arith.constant 0 : i32
      %get3A_241 = arith.index_cast %get3A_240 : i32 to index
      %get3A_242 = arith.constant 48 : index
      %get3A_243 = tpu.vector_load %arg5[%get3A_241, %get3A_242] {strides = array<i32>} : memref<4x200xi32, #tpu.memory_space<vmem>>, vector<16xi32>,
      %ne3A_244 = arith.constant 0 : i32
      %ne3A_245 = vector.broadcast %ne3A_244 : i32 to vector<16xi32>
      %ne3A_246 = arith.cmpi ne, %get3A_243, %ne3A_245 : vector<16xi32>
      %all_reduce_population_count3A_247 = tpu.all_reduce %ne3A_246 {dim = 0 : i64, kind = #tpu.reduction_kind<sum>} : vector<16xi1> -> vector<16xi32>
      %add3A_248 = arith.addi %add3A_239, %all_reduce_population_count3A_247 : vector<16xi32>
      %get3A_249 = arith.constant 0 : i32
      %get3A_250 = arith.index_cast %get3A_249 : i32 to index
      %get3A_251 = arith.constant 64 : index
      %get3A_252 = tpu.vector_load %arg5[%get3A_250, %get3A_251] {strides = array<i32>} : memref<4x200xi32, #tpu.memory_space<vmem>>, vector<16xi32>,
      %ne3A_253 = arith.constant 0 : i32
      %ne3A_254 = vector.broadcast %ne3A_253 : i32 to vector<16xi32>
      %ne3A_255 = arith.cmpi ne, %get3A_252, %ne3A_254 : vector<16xi32>
      %all_reduce_population_count3A_256 = tpu.all_reduce %ne3A_255 {dim = 0 : i64, kind = #tpu.reduction_kind<sum>} : vector<16xi1> -> vector<16xi32>
      %add3A_257 = arith.addi %add3A_248, %all_reduce_population_count3A_256 : vector<16xi32>
      %get3A_258 = arith.constant 0 : i32
      %get3A_259 = arith.index_cast %get3A_258 : i32 to index
      %get3A_260 = arith.constant 80 : index
      %get3A_261 = tpu.vector_load %arg5[%get3A_259, %get3A_260] {strides = array<i32>} : memref<4x200xi32, #tpu.memory_space<vmem>>, vector<16xi32>,
      %ne3A_262 = arith.constant 0 : i32
      %ne3A_263 = vector.broadcast %ne3A_262 : i32 to vector<16xi32>
      %ne3A_264 = arith.cmpi ne, %get3A_261, %ne3A_263 : vector<16xi32>
      %all_reduce_population_count3A_265 = tpu.all_reduce %ne3A_264 {dim = 0 : i64, kind = #tpu.reduction_kind<sum>} : vector<16xi1> -> vector<16xi32>
      %add3A_266 = arith.addi %add3A_257, %all_reduce_population_count3A_265 : vector<16xi32>
      %get3A_267 = arith.constant 0 : i32
      %get3A_268 = arith.index_cast %get3A_267 : i32 to index
      %get3A_269 = arith.constant 96 : index
      %get3A_270 = tpu.vector_load %arg5[%get3A_268, %get3A_269] {strides = array<i32>} : memref<4x200xi32, #tpu.memory_space<vmem>>, vector<16xi32>,
      %ne3A_271 = arith.constant 0 : i32
      %ne3A_272 = vector.broadcast %ne3A_271 : i32 to vector<16xi32>
      %ne3A_273 = arith.cmpi ne, %get3A_270, %ne3A_272 : vector<16xi32>
      %all_reduce_population_count3A_274 = tpu.all_reduce %ne3A_273 {dim = 0 : i64, kind = #tpu.reduction_kind<sum>} : vector<16xi1> -> vector<16xi32>
      %add3A_275 = arith.addi %add3A_266, %all_reduce_population_count3A_274 : vector<16xi32>
      %get3A_276 = arith.constant 0 : i32
      %get3A_277 = arith.index_cast %get3A_276 : i32 to index
      %get3A_278 = arith.constant 112 : index
      %get3A_279 = tpu.vector_load %arg5[%get3A_277, %get3A_278] {strides = array<i32>} : memref<4x200xi32, #tpu.memory_space<vmem>>, vector<16xi32>,
      %ne3A_280 = arith.constant 0 : i32
      %ne3A_281 = vector.broadcast %ne3A_280 : i32 to vector<16xi32>
      %ne3A_282 = arith.cmpi ne, %get3A_279, %ne3A_281 : vector<16xi32>
      %all_reduce_population_count3A_283 = tpu.all_reduce %ne3A_282 {dim = 0 : i64, kind = #tpu.reduction_kind<sum>} : vector<16xi1> -> vector<16xi32>
      %add3A_284 = arith.addi %add3A_275, %all_reduce_population_count3A_283 : vector<16xi32>
      %get3A_285 = arith.constant 0 : i32
      %get3A_286 = arith.index_cast %get3A_285 : i32 to index
      %get3A_287 = arith.constant 128 : index
      %get3A_288 = tpu.vector_load %arg5[%get3A_286, %get3A_287] {strides = array<i32>} : memref<4x200xi32, #tpu.memory_space<vmem>>, vector<16xi32>,
      %ne3A_289 = arith.constant 0 : i32
      %ne3A_290 = vector.broadcast %ne3A_289 : i32 to vector<16xi32>
      %ne3A_291 = arith.cmpi ne, %get3A_288, %ne3A_290 : vector<16xi32>
      %all_reduce_population_count3A_292 = tpu.all_reduce %ne3A_291 {dim = 0 : i64, kind = #tpu.reduction_kind<sum>} : vector<16xi1> -> vector<16xi32>
      %add3A_293 = arith.addi %add3A_284, %all_reduce_population_count3A_292 : vector<16xi32>
      %get3A_294 = arith.constant 0 : i32
      %get3A_295 = arith.index_cast %get3A_294 : i32 to index
      %get3A_296 = arith.constant 144 : index
      %get3A_297 = tpu.vector_load %arg5[%get3A_295, %get3A_296] {strides = array<i32>} : memref<4x200xi32, #tpu.memory_space<vmem>>, vector<16xi32>,
      %ne3A_298 = arith.constant 0 : i32
      %ne3A_299 = vector.broadcast %ne3A_298 : i32 to vector<16xi32>
      %ne3A_300 = arith.cmpi ne, %get3A_297, %ne3A_299 : vector<16xi32>
      %all_reduce_population_count3A_301 = tpu.all_reduce %ne3A_300 {dim = 0 : i64, kind = #tpu.reduction_kind<sum>} : vector<16xi1> -> vector<16xi32>
      %add3A_302 = arith.addi %add3A_293, %all_reduce_population_count3A_301 : vector<16xi32>
      %get3A_303 = arith.constant 0 : i32
      %get3A_304 = arith.index_cast %get3A_303 : i32 to index
      %get3A_305 = arith.constant 160 : index
      %get3A_306 = tpu.vector_load %arg5[%get3A_304, %get3A_305] {strides = array<i32>} : memref<4x200xi32, #tpu.memory_space<vmem>>, vector<16xi32>,
      %ne3A_307 = arith.constant 0 : i32
      %ne3A_308 = vector.broadcast %ne3A_307 : i32 to vector<16xi32>
      %ne3A_309 = arith.cmpi ne, %get3A_306, %ne3A_308 : vector<16xi32>
      %all_reduce_population_count3A_310 = tpu.all_reduce %ne3A_309 {dim = 0 : i64, kind = #tpu.reduction_kind<sum>} : vector<16xi1> -> vector<16xi32>
      %add3A_311 = arith.addi %add3A_302, %all_reduce_population_count3A_310 : vector<16xi32>
      %get3A_312 = arith.constant 0 : i32
      %get3A_313 = arith.index_cast %get3A_312 : i32 to index
      %get3A_314 = arith.constant 176 : index
      %get3A_315 = tpu.vector_load %arg5[%get3A_313, %get3A_314] {strides = array<i32>} : memref<4x200xi32, #tpu.memory_space<vmem>>, vector<16xi32>,
      %ne3A_316 = arith.constant 0 : i32
      %ne3A_317 = vector.broadcast %ne3A_316 : i32 to vector<16xi32>
      %ne3A_318 = arith.cmpi ne, %get3A_315, %ne3A_317 : vector<16xi32>
      %all_reduce_population_count3A_319 = tpu.all_reduce %ne3A_318 {dim = 0 : i64, kind = #tpu.reduction_kind<sum>} : vector<16xi1> -> vector<16xi32>
      %add3A_320 = arith.addi %add3A_311, %all_reduce_population_count3A_319 : vector<16xi32>
      %get3A_321 = arith.constant 0 : i32
      %get3A_322 = arith.index_cast %get3A_321 : i32 to index
      %get3A_323 = arith.constant 184 : index
      %get3A_324 = tpu.vector_load %arg5[%get3A_322, %get3A_323] {strides = array<i32>} : memref<4x200xi32, #tpu.memory_space<vmem>>, vector<16xi32>,
      %ne3A_325 = arith.constant 0 : i32
      %ne3A_326 = vector.broadcast %ne3A_325 : i32 to vector<16xi32>
      %ne3A_327 = arith.cmpi ne, %get3A_324, %ne3A_326 : vector<16xi32>
      %ge3A = arith.constant 8 : i32
      %ge3A_328 = vector.broadcast %ge3A : i32 to vector<16xi32>
      %ge3A_329 = arith.cmpi sge, %iota3A, %ge3A_328 : vector<16xi32>
      %and3A = arith.andi %ne3A_327, %ge3A_329 : vector<16xi1>
      %all_reduce_population_count3A_330 = tpu.all_reduce %and3A {dim = 0 : i64, kind = #tpu.reduction_kind<sum>} : vector<16xi1> -> vector<16xi32>
      %add3A_331 = arith.addi %add3A_320, %all_reduce_population_count3A_330 : vector<16xi32>
      %convert_element_type3A = arith.sitofp %add3A_331 : vector<16xi32> to vector<16xf32>
      %div3A = arith.constant 1.000000e+00 : f32
      %div3A_332 = vector.broadcast %div3A : f32 to vector<16xf32>
      %div3A_333 = arith.divf %div3A_332, %convert_element_type3A : vector<16xf32>
      %broadcast_in_dim3A_334 = arith.constant 0 : i32
      %broadcast_in_dim3A_335 = vector.broadcast %broadcast_in_dim3A_334 : i32 to vector<16xi32>
      %get3A_336 = arith.constant 1 : i32
      %get3A_337 = arith.index_cast %get3A_336 : i32 to index
      %get3A_338 = arith.constant 0 : index
      %get3A_339 = tpu.vector_load %arg5[%get3A_337, %get3A_338] {strides = array<i32>} : memref<4x200xi32, #tpu.memory_space<vmem>>, vector<16xi32>,
      %ne3A_340 = arith.constant 0 : i32
      %ne3A_341 = vector.broadcast %ne3A_340 : i32 to vector<16xi32>
      %ne3A_342 = arith.cmpi ne, %get3A_339, %ne3A_341 : vector<16xi32>
      %all_reduce_population_count3A_343 = tpu.all_reduce %ne3A_342 {dim = 0 : i64, kind = #tpu.reduction_kind<sum>} : vector<16xi1> -> vector<16xi32>
      %add3A_344 = arith.addi %broadcast_in_dim3A_335, %all_reduce_population_count3A_343 : vector<16xi32>
      %get3A_345 = arith.constant 1 : i32
      %get3A_346 = arith.index_cast %get3A_345 : i32 to index
      %get3A_347 = arith.constant 16 : index
      %get3A_348 = tpu.vector_load %arg5[%get3A_346, %get3A_347] {strides = array<i32>} : memref<4x200xi32, #tpu.memory_space<vmem>>, vector<16xi32>,
      %ne3A_349 = arith.constant 0 : i32
      %ne3A_350 = vector.broadcast %ne3A_349 : i32 to vector<16xi32>
      %ne3A_351 = arith.cmpi ne, %get3A_348, %ne3A_350 : vector<16xi32>
      %all_reduce_population_count3A_352 = tpu.all_reduce %ne3A_351 {dim = 0 : i64, kind = #tpu.reduction_kind<sum>} : vector<16xi1> -> vector<16xi32>
      %add3A_353 = arith.addi %add3A_344, %all_reduce_population_count3A_352 : vector<16xi32>
      %get3A_354 = arith.constant 1 : i32
      %get3A_355 = arith.index_cast %get3A_354 : i32 to index
      %get3A_356 = arith.constant 32 : index
      %get3A_357 = tpu.vector_load %arg5[%get3A_355, %get3A_356] {strides = array<i32>} : memref<4x200xi32, #tpu.memory_space<vmem>>, vector<16xi32>,
      %ne3A_358 = arith.constant 0 : i32
      %ne3A_359 = vector.broadcast %ne3A_358 : i32 to vector<16xi32>
      %ne3A_360 = arith.cmpi ne, %get3A_357, %ne3A_359 : vector<16xi32>
      %all_reduce_population_count3A_361 = tpu.all_reduce %ne3A_360 {dim = 0 : i64, kind = #tpu.reduction_kind<sum>} : vector<16xi1> -> vector<16xi32>
      %add3A_362 = arith.addi %add3A_353, %all_reduce_population_count3A_361 : vector<16xi32>
      %get3A_363 = arith.constant 1 : i32
      %get3A_364 = arith.index_cast %get3A_363 : i32 to index
      %get3A_365 = arith.constant 48 : index
      %get3A_366 = tpu.vector_load %arg5[%get3A_364, %get3A_365] {strides = array<i32>} : memref<4x200xi32, #tpu.memory_space<vmem>>, vector<16xi32>,
      %ne3A_367 = arith.constant 0 : i32
      %ne3A_368 = vector.broadcast %ne3A_367 : i32 to vector<16xi32>
      %ne3A_369 = arith.cmpi ne, %get3A_366, %ne3A_368 : vector<16xi32>
      %all_reduce_population_count3A_370 = tpu.all_reduce %ne3A_369 {dim = 0 : i64, kind = #tpu.reduction_kind<sum>} : vector<16xi1> -> vector<16xi32>
      %add3A_371 = arith.addi %add3A_362, %all_reduce_population_count3A_370 : vector<16xi32>
      %get3A_372 = arith.constant 1 : i32
      %get3A_373 = arith.index_cast %get3A_372 : i32 to index
      %get3A_374 = arith.constant 64 : index
      %get3A_375 = tpu.vector_load %arg5[%get3A_373, %get3A_374] {strides = array<i32>} : memref<4x200xi32, #tpu.memory_space<vmem>>, vector<16xi32>,
      %ne3A_376 = arith.constant 0 : i32
      %ne3A_377 = vector.broadcast %ne3A_376 : i32 to vector<16xi32>
      %ne3A_378 = arith.cmpi ne, %get3A_375, %ne3A_377 : vector<16xi32>
      %all_reduce_population_count3A_379 = tpu.all_reduce %ne3A_378 {dim = 0 : i64, kind = #tpu.reduction_kind<sum>} : vector<16xi1> -> vector<16xi32>
      %add3A_380 = arith.addi %add3A_371, %all_reduce_population_count3A_379 : vector<16xi32>
      %get3A_381 = arith.constant 1 : i32
      %get3A_382 = arith.index_cast %get3A_381 : i32 to index
      %get3A_383 = arith.constant 80 : index
      %get3A_384 = tpu.vector_load %arg5[%get3A_382, %get3A_383] {strides = array<i32>} : memref<4x200xi32, #tpu.memory_space<vmem>>, vector<16xi32>,
      %ne3A_385 = arith.constant 0 : i32
      %ne3A_386 = vector.broadcast %ne3A_385 : i32 to vector<16xi32>
      %ne3A_387 = arith.cmpi ne, %get3A_384, %ne3A_386 : vector<16xi32>
      %all_reduce_population_count3A_388 = tpu.all_reduce %ne3A_387 {dim = 0 : i64, kind = #tpu.reduction_kind<sum>} : vector<16xi1> -> vector<16xi32>
      %add3A_389 = arith.addi %add3A_380, %all_reduce_population_count3A_388 : vector<16xi32>
      %get3A_390 = arith.constant 1 : i32
      %get3A_391 = arith.index_cast %get3A_390 : i32 to index
      %get3A_392 = arith.constant 96 : index
      %get3A_393 = tpu.vector_load %arg5[%get3A_391, %get3A_392] {strides = array<i32>} : memref<4x200xi32, #tpu.memory_space<vmem>>, vector<16xi32>,
      %ne3A_394 = arith.constant 0 : i32
      %ne3A_395 = vector.broadcast %ne3A_394 : i32 to vector<16xi32>
      %ne3A_396 = arith.cmpi ne, %get3A_393, %ne3A_395 : vector<16xi32>
      %all_reduce_population_count3A_397 = tpu.all_reduce %ne3A_396 {dim = 0 : i64, kind = #tpu.reduction_kind<sum>} : vector<16xi1> -> vector<16xi32>
      %add3A_398 = arith.addi %add3A_389, %all_reduce_population_count3A_397 : vector<16xi32>
      %get3A_399 = arith.constant 1 : i32
      %get3A_400 = arith.index_cast %get3A_399 : i32 to index
      %get3A_401 = arith.constant 112 : index
      %get3A_402 = tpu.vector_load %arg5[%get3A_400, %get3A_401] {strides = array<i32>} : memref<4x200xi32, #tpu.memory_space<vmem>>, vector<16xi32>,
      %ne3A_403 = arith.constant 0 : i32
      %ne3A_404 = vector.broadcast %ne3A_403 : i32 to vector<16xi32>
      %ne3A_405 = arith.cmpi ne, %get3A_402, %ne3A_404 : vector<16xi32>
      %all_reduce_population_count3A_406 = tpu.all_reduce %ne3A_405 {dim = 0 : i64, kind = #tpu.reduction_kind<sum>} : vector<16xi1> -> vector<16xi32>
      %add3A_407 = arith.addi %add3A_398, %all_reduce_population_count3A_406 : vector<16xi32>
      %get3A_408 = arith.constant 1 : i32
      %get3A_409 = arith.index_cast %get3A_408 : i32 to index
      %get3A_410 = arith.constant 128 : index
      %get3A_411 = tpu.vector_load %arg5[%get3A_409, %get3A_410] {strides = array<i32>} : memref<4x200xi32, #tpu.memory_space<vmem>>, vector<16xi32>,
      %ne3A_412 = arith.constant 0 : i32
      %ne3A_413 = vector.broadcast %ne3A_412 : i32 to vector<16xi32>
      %ne3A_414 = arith.cmpi ne, %get3A_411, %ne3A_413 : vector<16xi32>
      %all_reduce_population_count3A_415 = tpu.all_reduce %ne3A_414 {dim = 0 : i64, kind = #tpu.reduction_kind<sum>} : vector<16xi1> -> vector<16xi32>
      %add3A_416 = arith.addi %add3A_407, %all_reduce_population_count3A_415 : vector<16xi32>
      %get3A_417 = arith.constant 1 : i32
      %get3A_418 = arith.index_cast %get3A_417 : i32 to index
      %get3A_419 = arith.constant 144 : index
      %get3A_420 = tpu.vector_load %arg5[%get3A_418, %get3A_419] {strides = array<i32>} : memref<4x200xi32, #tpu.memory_space<vmem>>, vector<16xi32>,
      %ne3A_421 = arith.constant 0 : i32
      %ne3A_422 = vector.broadcast %ne3A_421 : i32 to vector<16xi32>
      %ne3A_423 = arith.cmpi ne, %get3A_420, %ne3A_422 : vector<16xi32>
      %all_reduce_population_count3A_424 = tpu.all_reduce %ne3A_423 {dim = 0 : i64, kind = #tpu.reduction_kind<sum>} : vector<16xi1> -> vector<16xi32>
      %add3A_425 = arith.addi %add3A_416, %all_reduce_population_count3A_424 : vector<16xi32>
      %get3A_426 = arith.constant 1 : i32
      %get3A_427 = arith.index_cast %get3A_426 : i32 to index
      %get3A_428 = arith.constant 160 : index
      %get3A_429 = tpu.vector_load %arg5[%get3A_427, %get3A_428] {strides = array<i32>} : memref<4x200xi32, #tpu.memory_space<vmem>>, vector<16xi32>,
      %ne3A_430 = arith.constant 0 : i32
      %ne3A_431 = vector.broadcast %ne3A_430 : i32 to vector<16xi32>
      %ne3A_432 = arith.cmpi ne, %get3A_429, %ne3A_431 : vector<16xi32>
      %all_reduce_population_count3A_433 = tpu.all_reduce %ne3A_432 {dim = 0 : i64, kind = #tpu.reduction_kind<sum>} : vector<16xi1> -> vector<16xi32>
      %add3A_434 = arith.addi %add3A_425, %all_reduce_population_count3A_433 : vector<16xi32>
      %get3A_435 = arith.constant 1 : i32
      %get3A_436 = arith.index_cast %get3A_435 : i32 to index
      %get3A_437 = arith.constant 176 : index
      %get3A_438 = tpu.vector_load %arg5[%get3A_436, %get3A_437] {strides = array<i32>} : memref<4x200xi32, #tpu.memory_space<vmem>>, vector<16xi32>,
      %ne3A_439 = arith.constant 0 : i32
      %ne3A_440 = vector.broadcast %ne3A_439 : i32 to vector<16xi32>
      %ne3A_441 = arith.cmpi ne, %get3A_438, %ne3A_440 : vector<16xi32>
      %all_reduce_population_count3A_442 = tpu.all_reduce %ne3A_441 {dim = 0 : i64, kind = #tpu.reduction_kind<sum>} : vector<16xi1> -> vector<16xi32>
      %add3A_443 = arith.addi %add3A_434, %all_reduce_population_count3A_442 : vector<16xi32>
      %get3A_444 = arith.constant 1 : i32
      %get3A_445 = arith.index_cast %get3A_444 : i32 to index
      %get3A_446 = arith.constant 184 : index
      %get3A_447 = tpu.vector_load %arg5[%get3A_445, %get3A_446] {strides = array<i32>} : memref<4x200xi32, #tpu.memory_space<vmem>>, vector<16xi32>,
      %ne3A_448 = arith.constant 0 : i32
      %ne3A_449 = vector.broadcast %ne3A_448 : i32 to vector<16xi32>
      %ne3A_450 = arith.cmpi ne, %get3A_447, %ne3A_449 : vector<16xi32>
      %ge3A_451 = arith.constant 8 : i32
      %ge3A_452 = vector.broadcast %ge3A_451 : i32 to vector<16xi32>
      %ge3A_453 = arith.cmpi sge, %iota3A, %ge3A_452 : vector<16xi32>
      %and3A_454 = arith.andi %ne3A_450, %ge3A_453 : vector<16xi1>
      %all_reduce_population_count3A_455 = tpu.all_reduce %and3A_454 {dim = 0 : i64, kind = #tpu.reduction_kind<sum>} : vector<16xi1> -> vector<16xi32>
      %add3A_456 = arith.addi %add3A_443, %all_reduce_population_count3A_455 : vector<16xi32>
      %convert_element_type3A_457 = arith.sitofp %add3A_456 : vector<16xi32> to vector<16xf32>
      %div3A_458 = arith.constant 1.000000e+00 : f32
      %div3A_459 = vector.broadcast %div3A_458 : f32 to vector<16xf32>
      %div3A_460 = arith.divf %div3A_459, %convert_element_type3A_457 : vector<16xf32>
      %broadcast_in_dim3A_461 = arith.constant 0 : i32
      %broadcast_in_dim3A_462 = vector.broadcast %broadcast_in_dim3A_461 : i32 to vector<16xi32>
      %get3A_463 = arith.constant 2 : i32
      %get3A_464 = arith.index_cast %get3A_463 : i32 to index
      %get3A_465 = arith.constant 0 : index
      %get3A_466 = tpu.vector_load %arg5[%get3A_464, %get3A_465] {strides = array<i32>} : memref<4x200xi32, #tpu.memory_space<vmem>>, vector<16xi32>,
      %ne3A_467 = arith.constant 0 : i32
      %ne3A_468 = vector.broadcast %ne3A_467 : i32 to vector<16xi32>
      %ne3A_469 = arith.cmpi ne, %get3A_466, %ne3A_468 : vector<16xi32>
      %all_reduce_population_count3A_470 = tpu.all_reduce %ne3A_469 {dim = 0 : i64, kind = #tpu.reduction_kind<sum>} : vector<16xi1> -> vector<16xi32>
      %add3A_471 = arith.addi %broadcast_in_dim3A_462, %all_reduce_population_count3A_470 : vector<16xi32>
      %get3A_472 = arith.constant 2 : i32
      %get3A_473 = arith.index_cast %get3A_472 : i32 to index
      %get3A_474 = arith.constant 16 : index
      %get3A_475 = tpu.vector_load %arg5[%get3A_473, %get3A_474] {strides = array<i32>} : memref<4x200xi32, #tpu.memory_space<vmem>>, vector<16xi32>,
      %ne3A_476 = arith.constant 0 : i32
      %ne3A_477 = vector.broadcast %ne3A_476 : i32 to vector<16xi32>
      %ne3A_478 = arith.cmpi ne, %get3A_475, %ne3A_477 : vector<16xi32>
      %all_reduce_population_count3A_479 = tpu.all_reduce %ne3A_478 {dim = 0 : i64, kind = #tpu.reduction_kind<sum>} : vector<16xi1> -> vector<16xi32>
      %add3A_480 = arith.addi %add3A_471, %all_reduce_population_count3A_479 : vector<16xi32>
      %get3A_481 = arith.constant 2 : i32
      %get3A_482 = arith.index_cast %get3A_481 : i32 to index
      %get3A_483 = arith.constant 32 : index
      %get3A_484 = tpu.vector_load %arg5[%get3A_482, %get3A_483] {strides = array<i32>} : memref<4x200xi32, #tpu.memory_space<vmem>>, vector<16xi32>,
      %ne3A_485 = arith.constant 0 : i32
      %ne3A_486 = vector.broadcast %ne3A_485 : i32 to vector<16xi32>
      %ne3A_487 = arith.cmpi ne, %get3A_484, %ne3A_486 : vector<16xi32>
      %all_reduce_population_count3A_488 = tpu.all_reduce %ne3A_487 {dim = 0 : i64, kind = #tpu.reduction_kind<sum>} : vector<16xi1> -> vector<16xi32>
      %add3A_489 = arith.addi %add3A_480, %all_reduce_population_count3A_488 : vector<16xi32>
      %get3A_490 = arith.constant 2 : i32
      %get3A_491 = arith.index_cast %get3A_490 : i32 to index
      %get3A_492 = arith.constant 48 : index
      %get3A_493 = tpu.vector_load %arg5[%get3A_491, %get3A_492] {strides = array<i32>} : memref<4x200xi32, #tpu.memory_space<vmem>>, vector<16xi32>,
      %ne3A_494 = arith.constant 0 : i32
      %ne3A_495 = vector.broadcast %ne3A_494 : i32 to vector<16xi32>
      %ne3A_496 = arith.cmpi ne, %get3A_493, %ne3A_495 : vector<16xi32>
      %all_reduce_population_count3A_497 = tpu.all_reduce %ne3A_496 {dim = 0 : i64, kind = #tpu.reduction_kind<sum>} : vector<16xi1> -> vector<16xi32>
      %add3A_498 = arith.addi %add3A_489, %all_reduce_population_count3A_497 : vector<16xi32>
      %get3A_499 = arith.constant 2 : i32
      %get3A_500 = arith.index_cast %get3A_499 : i32 to index
      %get3A_501 = arith.constant 64 : index
      %get3A_502 = tpu.vector_load %arg5[%get3A_500, %get3A_501] {strides = array<i32>} : memref<4x200xi32, #tpu.memory_space<vmem>>, vector<16xi32>,
      %ne3A_503 = arith.constant 0 : i32
      %ne3A_504 = vector.broadcast %ne3A_503 : i32 to vector<16xi32>
      %ne3A_505 = arith.cmpi ne, %get3A_502, %ne3A_504 : vector<16xi32>
      %all_reduce_population_count3A_506 = tpu.all_reduce %ne3A_505 {dim = 0 : i64, kind = #tpu.reduction_kind<sum>} : vector<16xi1> -> vector<16xi32>
      %add3A_507 = arith.addi %add3A_498, %all_reduce_population_count3A_506 : vector<16xi32>
      %get3A_508 = arith.constant 2 : i32
      %get3A_509 = arith.index_cast %get3A_508 : i32 to index
      %get3A_510 = arith.constant 80 : index
      %get3A_511 = tpu.vector_load %arg5[%get3A_509, %get3A_510] {strides = array<i32>} : memref<4x200xi32, #tpu.memory_space<vmem>>, vector<16xi32>,
      %ne3A_512 = arith.constant 0 : i32
      %ne3A_513 = vector.broadcast %ne3A_512 : i32 to vector<16xi32>
      %ne3A_514 = arith.cmpi ne, %get3A_511, %ne3A_513 : vector<16xi32>
      %all_reduce_population_count3A_515 = tpu.all_reduce %ne3A_514 {dim = 0 : i64, kind = #tpu.reduction_kind<sum>} : vector<16xi1> -> vector<16xi32>
      %add3A_516 = arith.addi %add3A_507, %all_reduce_population_count3A_515 : vector<16xi32>
      %get3A_517 = arith.constant 2 : i32
      %get3A_518 = arith.index_cast %get3A_517 : i32 to index
      %get3A_519 = arith.constant 96 : index
      %get3A_520 = tpu.vector_load %arg5[%get3A_518, %get3A_519] {strides = array<i32>} : memref<4x200xi32, #tpu.memory_space<vmem>>, vector<16xi32>,
      %ne3A_521 = arith.constant 0 : i32
      %ne3A_522 = vector.broadcast %ne3A_521 : i32 to vector<16xi32>
      %ne3A_523 = arith.cmpi ne, %get3A_520, %ne3A_522 : vector<16xi32>
      %all_reduce_population_count3A_524 = tpu.all_reduce %ne3A_523 {dim = 0 : i64, kind = #tpu.reduction_kind<sum>} : vector<16xi1> -> vector<16xi32>
      %add3A_525 = arith.addi %add3A_516, %all_reduce_population_count3A_524 : vector<16xi32>
      %get3A_526 = arith.constant 2 : i32
      %get3A_527 = arith.index_cast %get3A_526 : i32 to index
      %get3A_528 = arith.constant 112 : index
      %get3A_529 = tpu.vector_load %arg5[%get3A_527, %get3A_528] {strides = array<i32>} : memref<4x200xi32, #tpu.memory_space<vmem>>, vector<16xi32>,
      %ne3A_530 = arith.constant 0 : i32
      %ne3A_531 = vector.broadcast %ne3A_530 : i32 to vector<16xi32>
      %ne3A_532 = arith.cmpi ne, %get3A_529, %ne3A_531 : vector<16xi32>
      %all_reduce_population_count3A_533 = tpu.all_reduce %ne3A_532 {dim = 0 : i64, kind = #tpu.reduction_kind<sum>} : vector<16xi1> -> vector<16xi32>
      %add3A_534 = arith.addi %add3A_525, %all_reduce_population_count3A_533 : vector<16xi32>
      %get3A_535 = arith.constant 2 : i32
      %get3A_536 = arith.index_cast %get3A_535 : i32 to index
      %get3A_537 = arith.constant 128 : index
      %get3A_538 = tpu.vector_load %arg5[%get3A_536, %get3A_537] {strides = array<i32>} : memref<4x200xi32, #tpu.memory_space<vmem>>, vector<16xi32>,
      %ne3A_539 = arith.constant 0 : i32
      %ne3A_540 = vector.broadcast %ne3A_539 : i32 to vector<16xi32>
      %ne3A_541 = arith.cmpi ne, %get3A_538, %ne3A_540 : vector<16xi32>
      %all_reduce_population_count3A_542 = tpu.all_reduce %ne3A_541 {dim = 0 : i64, kind = #tpu.reduction_kind<sum>} : vector<16xi1> -> vector<16xi32>
      %add3A_543 = arith.addi %add3A_534, %all_reduce_population_count3A_542 : vector<16xi32>
      %get3A_544 = arith.constant 2 : i32
      %get3A_545 = arith.index_cast %get3A_544 : i32 to index
      %get3A_546 = arith.constant 144 : index
      %get3A_547 = tpu.vector_load %arg5[%get3A_545, %get3A_546] {strides = array<i32>} : memref<4x200xi32, #tpu.memory_space<vmem>>, vector<16xi32>,
      %ne3A_548 = arith.constant 0 : i32
      %ne3A_549 = vector.broadcast %ne3A_548 : i32 to vector<16xi32>
      %ne3A_550 = arith.cmpi ne, %get3A_547, %ne3A_549 : vector<16xi32>
      %all_reduce_population_count3A_551 = tpu.all_reduce %ne3A_550 {dim = 0 : i64, kind = #tpu.reduction_kind<sum>} : vector<16xi1> -> vector<16xi32>
      %add3A_552 = arith.addi %add3A_543, %all_reduce_population_count3A_551 : vector<16xi32>
      %get3A_553 = arith.constant 2 : i32
      %get3A_554 = arith.index_cast %get3A_553 : i32 to index
      %get3A_555 = arith.constant 160 : index
      %get3A_556 = tpu.vector_load %arg5[%get3A_554, %get3A_555] {strides = array<i32>} : memref<4x200xi32, #tpu.memory_space<vmem>>, vector<16xi32>,
      %ne3A_557 = arith.constant 0 : i32
      %ne3A_558 = vector.broadcast %ne3A_557 : i32 to vector<16xi32>
      %ne3A_559 = arith.cmpi ne, %get3A_556, %ne3A_558 : vector<16xi32>
      %all_reduce_population_count3A_560 = tpu.all_reduce %ne3A_559 {dim = 0 : i64, kind = #tpu.reduction_kind<sum>} : vector<16xi1> -> vector<16xi32>
      %add3A_561 = arith.addi %add3A_552, %all_reduce_population_count3A_560 : vector<16xi32>
      %get3A_562 = arith.constant 2 : i32
      %get3A_563 = arith.index_cast %get3A_562 : i32 to index
      %get3A_564 = arith.constant 176 : index
      %get3A_565 = tpu.vector_load %arg5[%get3A_563, %get3A_564] {strides = array<i32>} : memref<4x200xi32, #tpu.memory_space<vmem>>, vector<16xi32>,
      %ne3A_566 = arith.constant 0 : i32
      %ne3A_567 = vector.broadcast %ne3A_566 : i32 to vector<16xi32>
      %ne3A_568 = arith.cmpi ne, %get3A_565, %ne3A_567 : vector<16xi32>
      %all_reduce_population_count3A_569 = tpu.all_reduce %ne3A_568 {dim = 0 : i64, kind = #tpu.reduction_kind<sum>} : vector<16xi1> -> vector<16xi32>
      %add3A_570 = arith.addi %add3A_561, %all_reduce_population_count3A_569 : vector<16xi32>
      %get3A_571 = arith.constant 2 : i32
      %get3A_572 = arith.index_cast %get3A_571 : i32 to index
      %get3A_573 = arith.constant 184 : index
      %get3A_574 = tpu.vector_load %arg5[%get3A_572, %get3A_573] {strides = array<i32>} : memref<4x200xi32, #tpu.memory_space<vmem>>, vector<16xi32>,
      %ne3A_575 = arith.constant 0 : i32
      %ne3A_576 = vector.broadcast %ne3A_575 : i32 to vector<16xi32>
      %ne3A_577 = arith.cmpi ne, %get3A_574, %ne3A_576 : vector<16xi32>
      %ge3A_578 = arith.constant 8 : i32
      %ge3A_579 = vector.broadcast %ge3A_578 : i32 to vector<16xi32>
      %ge3A_580 = arith.cmpi sge, %iota3A, %ge3A_579 : vector<16xi32>
      %and3A_581 = arith.andi %ne3A_577, %ge3A_580 : vector<16xi1>
      %all_reduce_population_count3A_582 = tpu.all_reduce %and3A_581 {dim = 0 : i64, kind = #tpu.reduction_kind<sum>} : vector<16xi1> -> vector<16xi32>
      %add3A_583 = arith.addi %add3A_570, %all_reduce_population_count3A_582 : vector<16xi32>
      %convert_element_type3A_584 = arith.sitofp %add3A_583 : vector<16xi32> to vector<16xf32>
      %div3A_585 = arith.constant 1.000000e+00 : f32
      %div3A_586 = vector.broadcast %div3A_585 : f32 to vector<16xf32>
      %div3A_587 = arith.divf %div3A_586, %convert_element_type3A_584 : vector<16xf32>
      %broadcast_in_dim3A_588 = arith.constant 0 : i32
      %broadcast_in_dim3A_589 = vector.broadcast %broadcast_in_dim3A_588 : i32 to vector<16xi32>
      %get3A_590 = arith.constant 3 : i32
      %get3A_591 = arith.index_cast %get3A_590 : i32 to index
      %get3A_592 = arith.constant 0 : index
      %get3A_593 = tpu.vector_load %arg5[%get3A_591, %get3A_592] {strides = array<i32>} : memref<4x200xi32, #tpu.memory_space<vmem>>, vector<16xi32>,
      %ne3A_594 = arith.constant 0 : i32
      %ne3A_595 = vector.broadcast %ne3A_594 : i32 to vector<16xi32>
      %ne3A_596 = arith.cmpi ne, %get3A_593, %ne3A_595 : vector<16xi32>
      %all_reduce_population_count3A_597 = tpu.all_reduce %ne3A_596 {dim = 0 : i64, kind = #tpu.reduction_kind<sum>} : vector<16xi1> -> vector<16xi32>
      %add3A_598 = arith.addi %broadcast_in_dim3A_589, %all_reduce_population_count3A_597 : vector<16xi32>
      %get3A_599 = arith.constant 3 : i32
      %get3A_600 = arith.index_cast %get3A_599 : i32 to index
      %get3A_601 = arith.constant 16 : index
      %get3A_602 = tpu.vector_load %arg5[%get3A_600, %get3A_601] {strides = array<i32>} : memref<4x200xi32, #tpu.memory_space<vmem>>, vector<16xi32>,
      %ne3A_603 = arith.constant 0 : i32
      %ne3A_604 = vector.broadcast %ne3A_603 : i32 to vector<16xi32>
      %ne3A_605 = arith.cmpi ne, %get3A_602, %ne3A_604 : vector<16xi32>
      %all_reduce_population_count3A_606 = tpu.all_reduce %ne3A_605 {dim = 0 : i64, kind = #tpu.reduction_kind<sum>} : vector<16xi1> -> vector<16xi32>
      %add3A_607 = arith.addi %add3A_598, %all_reduce_population_count3A_606 : vector<16xi32>
      %get3A_608 = arith.constant 3 : i32
      %get3A_609 = arith.index_cast %get3A_608 : i32 to index
      %get3A_610 = arith.constant 32 : index
      %get3A_611 = tpu.vector_load %arg5[%get3A_609, %get3A_610] {strides = array<i32>} : memref<4x200xi32, #tpu.memory_space<vmem>>, vector<16xi32>,
      %ne3A_612 = arith.constant 0 : i32
      %ne3A_613 = vector.broadcast %ne3A_612 : i32 to vector<16xi32>
      %ne3A_614 = arith.cmpi ne, %get3A_611, %ne3A_613 : vector<16xi32>
      %all_reduce_population_count3A_615 = tpu.all_reduce %ne3A_614 {dim = 0 : i64, kind = #tpu.reduction_kind<sum>} : vector<16xi1> -> vector<16xi32>
      %add3A_616 = arith.addi %add3A_607, %all_reduce_population_count3A_615 : vector<16xi32>
      %get3A_617 = arith.constant 3 : i32
      %get3A_618 = arith.index_cast %get3A_617 : i32 to index
      %get3A_619 = arith.constant 48 : index
      %get3A_620 = tpu.vector_load %arg5[%get3A_618, %get3A_619] {strides = array<i32>} : memref<4x200xi32, #tpu.memory_space<vmem>>, vector<16xi32>,
      %ne3A_621 = arith.constant 0 : i32
      %ne3A_622 = vector.broadcast %ne3A_621 : i32 to vector<16xi32>
      %ne3A_623 = arith.cmpi ne, %get3A_620, %ne3A_622 : vector<16xi32>
      %all_reduce_population_count3A_624 = tpu.all_reduce %ne3A_623 {dim = 0 : i64, kind = #tpu.reduction_kind<sum>} : vector<16xi1> -> vector<16xi32>
      %add3A_625 = arith.addi %add3A_616, %all_reduce_population_count3A_624 : vector<16xi32>
      %get3A_626 = arith.constant 3 : i32
      %get3A_627 = arith.index_cast %get3A_626 : i32 to index
      %get3A_628 = arith.constant 64 : index
      %get3A_629 = tpu.vector_load %arg5[%get3A_627, %get3A_628] {strides = array<i32>} : memref<4x200xi32, #tpu.memory_space<vmem>>, vector<16xi32>,
      %ne3A_630 = arith.constant 0 : i32
      %ne3A_631 = vector.broadcast %ne3A_630 : i32 to vector<16xi32>
      %ne3A_632 = arith.cmpi ne, %get3A_629, %ne3A_631 : vector<16xi32>
      %all_reduce_population_count3A_633 = tpu.all_reduce %ne3A_632 {dim = 0 : i64, kind = #tpu.reduction_kind<sum>} : vector<16xi1> -> vector<16xi32>
      %add3A_634 = arith.addi %add3A_625, %all_reduce_population_count3A_633 : vector<16xi32>
      %get3A_635 = arith.constant 3 : i32
      %get3A_636 = arith.index_cast %get3A_635 : i32 to index
      %get3A_637 = arith.constant 80 : index
      %get3A_638 = tpu.vector_load %arg5[%get3A_636, %get3A_637] {strides = array<i32>} : memref<4x200xi32, #tpu.memory_space<vmem>>, vector<16xi32>,
      %ne3A_639 = arith.constant 0 : i32
      %ne3A_640 = vector.broadcast %ne3A_639 : i32 to vector<16xi32>
      %ne3A_641 = arith.cmpi ne, %get3A_638, %ne3A_640 : vector<16xi32>
      %all_reduce_population_count3A_642 = tpu.all_reduce %ne3A_641 {dim = 0 : i64, kind = #tpu.reduction_kind<sum>} : vector<16xi1> -> vector<16xi32>
      %add3A_643 = arith.addi %add3A_634, %all_reduce_population_count3A_642 : vector<16xi32>
      %get3A_644 = arith.constant 3 : i32
      %get3A_645 = arith.index_cast %get3A_644 : i32 to index
      %get3A_646 = arith.constant 96 : index
      %get3A_647 = tpu.vector_load %arg5[%get3A_645, %get3A_646] {strides = array<i32>} : memref<4x200xi32, #tpu.memory_space<vmem>>, vector<16xi32>,
      %ne3A_648 = arith.constant 0 : i32
      %ne3A_649 = vector.broadcast %ne3A_648 : i32 to vector<16xi32>
      %ne3A_650 = arith.cmpi ne, %get3A_647, %ne3A_649 : vector<16xi32>
      %all_reduce_population_count3A_651 = tpu.all_reduce %ne3A_650 {dim = 0 : i64, kind = #tpu.reduction_kind<sum>} : vector<16xi1> -> vector<16xi32>
      %add3A_652 = arith.addi %add3A_643, %all_reduce_population_count3A_651 : vector<16xi32>
      %get3A_653 = arith.constant 3 : i32
      %get3A_654 = arith.index_cast %get3A_653 : i32 to index
      %get3A_655 = arith.constant 112 : index
      %get3A_656 = tpu.vector_load %arg5[%get3A_654, %get3A_655] {strides = array<i32>} : memref<4x200xi32, #tpu.memory_space<vmem>>, vector<16xi32>,
      %ne3A_657 = arith.constant 0 : i32
      %ne3A_658 = vector.broadcast %ne3A_657 : i32 to vector<16xi32>
      %ne3A_659 = arith.cmpi ne, %get3A_656, %ne3A_658 : vector<16xi32>
      %all_reduce_population_count3A_660 = tpu.all_reduce %ne3A_659 {dim = 0 : i64, kind = #tpu.reduction_kind<sum>} : vector<16xi1> -> vector<16xi32>
      %add3A_661 = arith.addi %add3A_652, %all_reduce_population_count3A_660 : vector<16xi32>
      %get3A_662 = arith.constant 3 : i32
      %get3A_663 = arith.index_cast %get3A_662 : i32 to index
      %get3A_664 = arith.constant 128 : index
      %get3A_665 = tpu.vector_load %arg5[%get3A_663, %get3A_664] {strides = array<i32>} : memref<4x200xi32, #tpu.memory_space<vmem>>, vector<16xi32>,
      %ne3A_666 = arith.constant 0 : i32
      %ne3A_667 = vector.broadcast %ne3A_666 : i32 to vector<16xi32>
      %ne3A_668 = arith.cmpi ne, %get3A_665, %ne3A_667 : vector<16xi32>
      %all_reduce_population_count3A_669 = tpu.all_reduce %ne3A_668 {dim = 0 : i64, kind = #tpu.reduction_kind<sum>} : vector<16xi1> -> vector<16xi32>
      %add3A_670 = arith.addi %add3A_661, %all_reduce_population_count3A_669 : vector<16xi32>
      %get3A_671 = arith.constant 3 : i32
      %get3A_672 = arith.index_cast %get3A_671 : i32 to index
      %get3A_673 = arith.constant 144 : index
      %get3A_674 = tpu.vector_load %arg5[%get3A_672, %get3A_673] {strides = array<i32>} : memref<4x200xi32, #tpu.memory_space<vmem>>, vector<16xi32>,
      %ne3A_675 = arith.constant 0 : i32
      %ne3A_676 = vector.broadcast %ne3A_675 : i32 to vector<16xi32>
      %ne3A_677 = arith.cmpi ne, %get3A_674, %ne3A_676 : vector<16xi32>
      %all_reduce_population_count3A_678 = tpu.all_reduce %ne3A_677 {dim = 0 : i64, kind = #tpu.reduction_kind<sum>} : vector<16xi1> -> vector<16xi32>
      %add3A_679 = arith.addi %add3A_670, %all_reduce_population_count3A_678 : vector<16xi32>
      %get3A_680 = arith.constant 3 : i32
      %get3A_681 = arith.index_cast %get3A_680 : i32 to index
      %get3A_682 = arith.constant 160 : index
      %get3A_683 = tpu.vector_load %arg5[%get3A_681, %get3A_682] {strides = array<i32>} : memref<4x200xi32, #tpu.memory_space<vmem>>, vector<16xi32>,
      %ne3A_684 = arith.constant 0 : i32
      %ne3A_685 = vector.broadcast %ne3A_684 : i32 to vector<16xi32>
      %ne3A_686 = arith.cmpi ne, %get3A_683, %ne3A_685 : vector<16xi32>
      %all_reduce_population_count3A_687 = tpu.all_reduce %ne3A_686 {dim = 0 : i64, kind = #tpu.reduction_kind<sum>} : vector<16xi1> -> vector<16xi32>
      %add3A_688 = arith.addi %add3A_679, %all_reduce_population_count3A_687 : vector<16xi32>
      %get3A_689 = arith.constant 3 : i32
      %get3A_690 = arith.index_cast %get3A_689 : i32 to index
      %get3A_691 = arith.constant 176 : index
      %get3A_692 = tpu.vector_load %arg5[%get3A_690, %get3A_691] {strides = array<i32>} : memref<4x200xi32, #tpu.memory_space<vmem>>, vector<16xi32>,
      %ne3A_693 = arith.constant 0 : i32
      %ne3A_694 = vector.broadcast %ne3A_693 : i32 to vector<16xi32>
      %ne3A_695 = arith.cmpi ne, %get3A_692, %ne3A_694 : vector<16xi32>
      %all_reduce_population_count3A_696 = tpu.all_reduce %ne3A_695 {dim = 0 : i64, kind = #tpu.reduction_kind<sum>} : vector<16xi1> -> vector<16xi32>
      %add3A_697 = arith.addi %add3A_688, %all_reduce_population_count3A_696 : vector<16xi32>
      %get3A_698 = arith.constant 3 : i32
      %get3A_699 = arith.index_cast %get3A_698 : i32 to index
      %get3A_700 = arith.constant 184 : index
      %get3A_701 = tpu.vector_load %arg5[%get3A_699, %get3A_700] {strides = array<i32>} : memref<4x200xi32, #tpu.memory_space<vmem>>, vector<16xi32>,
      %ne3A_702 = arith.constant 0 : i32
      %ne3A_703 = vector.broadcast %ne3A_702 : i32 to vector<16xi32>
      %ne3A_704 = arith.cmpi ne, %get3A_701, %ne3A_703 : vector<16xi32>
      %ge3A_705 = arith.constant 8 : i32
      %ge3A_706 = vector.broadcast %ge3A_705 : i32 to vector<16xi32>
      %ge3A_707 = arith.cmpi sge, %iota3A, %ge3A_706 : vector<16xi32>
      %and3A_708 = arith.andi %ne3A_704, %ge3A_707 : vector<16xi1>
      %all_reduce_population_count3A_709 = tpu.all_reduce %and3A_708 {dim = 0 : i64, kind = #tpu.reduction_kind<sum>} : vector<16xi1> -> vector<16xi32>
      %add3A_710 = arith.addi %add3A_697, %all_reduce_population_count3A_709 : vector<16xi32>
      %convert_element_type3A_711 = arith.sitofp %add3A_710 : vector<16xi32> to vector<16xf32>
      %div3A_712 = arith.constant 1.000000e+00 : f32
      %div3A_713 = vector.broadcast %div3A_712 : f32 to vector<16xf32>
      %div3A_714 = arith.divf %div3A_713, %convert_element_type3A_711 : vector<16xf32>
      %add3A_715 = arith.constant 2 : i32
      %add3A_716 = arith.addi %mul3A_120, %add3A_715 : i32
      %lt3A = arith.constant 128 : i32
      %lt3A_717 = arith.cmpi slt, %add3A_716, %lt3A : i32
      %convert_element_type3A_718 = arith.extui %lt3A_717 : i1 to i32
      %cond3A = arith.constant 0 : i32
      %cond3A_719 = arith.cmpi ne, %convert_element_type3A_718, %cond3A : i32
      scf.if %cond3A_719 {
        %add3A_1580 = arith.constant 2 : i32
        %add3A_1581 = arith.addi %mul3A_120, %add3A_1580 : i32
        %mul3A_1582 = arith.constant 4 : i32
        %mul3A_1583 = arith.muli %add3A_1581, %mul3A_1582 : i32
        %add3A_1584 = arith.addi %mul3A_2, %mul3A_1583 : i32
        %dma_start3A_1585 = arith.constant 0 : i32
        %dma_start3A_1586 = tpu.memref_slice %arg2[%add3A_1584, %dma_start3A_1585] : memref<16384x200xi32, #tpu.memory_space<hbm>> -> memref<4x200xi32, #tpu.memory_space<hbm>>
        %dma_start3A_1587 = arith.constant 0 : i32
        %dma_start3A_1588 = tpu.memref_slice %arg2[%add3A_1584, %dma_start3A_1587] : memref<16384x200xi32, #tpu.memory_space<hbm>> -> memref<4x200xi32, #tpu.memory_space<hbm>>
        tpu.enqueue_dma source(%dma_start3A_1588 : memref<4x200xi32, #tpu.memory_space<hbm>>) target(%arg5 : memref<4x200xi32, #tpu.memory_space<vmem>>) target_semaphore(%arg11 : memref<!tpu.dma_semaphore, #tpu.memory_space<semaphore_mem>>)
      } else {
      }
      %ge3A_720 = arith.constant 2 : i32
      %ge3A_721 = arith.cmpi sge, %mul3A_120, %ge3A_720 : i32
      %convert_element_type3A_722 = arith.extui %ge3A_721 : i1 to i32
      %cond3A_723 = arith.constant 0 : i32
      %cond3A_724 = arith.cmpi ne, %convert_element_type3A_722, %cond3A_723 : i32
      scf.if %cond3A_724 {
        %dma_wait3A_1580 = arith.constant 0 : i32
        %dma_wait3A_1581 = arith.constant 0 : i32
        %dma_wait3A_1582 = tpu.memref_slice %arg4[%dma_wait3A_1580, %dma_wait3A_1581] : memref<16384x64xf32, #tpu.memory_space<hbm>> -> memref<4x64xf32, #tpu.memory_space<hbm>>
        %dma_wait3A_1583 = arith.constant 0 : i32
        %dma_wait3A_1584 = arith.constant 0 : i32
        %dma_wait3A_1585 = tpu.memref_slice %arg4[%dma_wait3A_1583, %dma_wait3A_1584] : memref<16384x64xf32, #tpu.memory_space<hbm>> -> memref<4x64xf32, #tpu.memory_space<hbm>>
        tpu.wait_dma2 semaphore(%arg15 : memref<!tpu.dma_semaphore, #tpu.memory_space<semaphore_mem>>) src(%arg9 : memref<4x64xf32, #tpu.memory_space<vmem>>) dst(%dma_wait3A_1585 : memref<4x64xf32, #tpu.memory_space<hbm>>)
      } else {
      }
      %broadcast_in_dim3A_725 = arith.constant 0.000000e+00 : f32
      %broadcast_in_dim3A_726 = vector.broadcast %broadcast_in_dim3A_725 : f32 to vector<16xf32>
      %scan3A_727 = arith.constant 0 : i32
      %scan3A_728 = arith.constant 20 : i32
      %scan3A_729 = arith.addi %scan3A_727, %scan3A_728 : i32
      %scan3A_730 = arith.constant 1 : i32
      %scan3A_731:4 = scf.for %scan3A_1580 = %scan3A_727 to %scan3A_729 step %scan3A_730 iter_args(%scan3A_1581 = %broadcast_in_dim3A_726, %scan3A_1582 = %broadcast_in_dim3A_726, %scan3A_1583 = %broadcast_in_dim3A_726, %scan3A_1584 = %broadcast_in_dim3A_726) -> (vector<16xf32>, vector<16xf32>, vector<16xf32>, vector<16xf32>)  : i32 {
        %mul3A_1585 = arith.constant 10 : i32
        %mul3A_1586 = arith.muli %scan3A_1580, %mul3A_1585 : i32
        %add3A_1587 = arith.constant 0 : i32
        %add3A_1588 = arith.addi %add3A_1587, %mul3A_1586 : i32
        %add3A_1589 = arith.constant 0 : i32
        %add3A_1590 = arith.addi %add3A_1588, %add3A_1589 : i32
        %get3A_1591 = arith.index_cast %add3A_1590 : i32 to index
        %get3A_1592 = arith.constant 0 : index
        %get3A_1593 = tpu.vector_load %arg7[%get3A_1591, %get3A_1592] {strides = array<i32>} : memref<800x64xf32, #tpu.memory_space<vmem>>, vector<16xf32>,
        %add3A_1594 = arith.addf %scan3A_1581, %get3A_1593 : vector<16xf32>
        %get3A_1595 = arith.index_cast %add3A_1590 : i32 to index
        %get3A_1596 = arith.constant 16 : index
        %get3A_1597 = tpu.vector_load %arg7[%get3A_1595, %get3A_1596] {strides = array<i32>} : memref<800x64xf32, #tpu.memory_space<vmem>>, vector<16xf32>,
        %add3A_1598 = arith.addf %scan3A_1582, %get3A_1597 : vector<16xf32>
        %get3A_1599 = arith.index_cast %add3A_1590 : i32 to index
        %get3A_1600 = arith.constant 32 : index
        %get3A_1601 = tpu.vector_load %arg7[%get3A_1599, %get3A_1600] {strides = array<i32>} : memref<800x64xf32, #tpu.memory_space<vmem>>, vector<16xf32>,
        %add3A_1602 = arith.addf %scan3A_1583, %get3A_1601 : vector<16xf32>
        %get3A_1603 = arith.index_cast %add3A_1590 : i32 to index
        %get3A_1604 = arith.constant 48 : index
        %get3A_1605 = tpu.vector_load %arg7[%get3A_1603, %get3A_1604] {strides = array<i32>} : memref<800x64xf32, #tpu.memory_space<vmem>>, vector<16xf32>,
        %add3A_1606 = arith.addf %scan3A_1584, %get3A_1605 : vector<16xf32>
        %mul3A_1607 = arith.constant 10 : i32
        %mul3A_1608 = arith.muli %scan3A_1580, %mul3A_1607 : i32
        %add3A_1609 = arith.constant 0 : i32
        %add3A_1610 = arith.addi %add3A_1609, %mul3A_1608 : i32
        %add3A_1611 = arith.constant 1 : i32
        %add3A_1612 = arith.addi %add3A_1610, %add3A_1611 : i32
        %get3A_1613 = arith.index_cast %add3A_1612 : i32 to index
        %get3A_1614 = arith.constant 0 : index
        %get3A_1615 = tpu.vector_load %arg7[%get3A_1613, %get3A_1614] {strides = array<i32>} : memref<800x64xf32, #tpu.memory_space<vmem>>, vector<16xf32>,
        %add3A_1616 = arith.addf %add3A_1594, %get3A_1615 : vector<16xf32>
        %get3A_1617 = arith.index_cast %add3A_1612 : i32 to index
        %get3A_1618 = arith.constant 16 : index
        %get3A_1619 = tpu.vector_load %arg7[%get3A_1617, %get3A_1618] {strides = array<i32>} : memref<800x64xf32, #tpu.memory_space<vmem>>, vector<16xf32>,
        %add3A_1620 = arith.addf %add3A_1598, %get3A_1619 : vector<16xf32>
        %get3A_1621 = arith.index_cast %add3A_1612 : i32 to index
        %get3A_1622 = arith.constant 32 : index
        %get3A_1623 = tpu.vector_load %arg7[%get3A_1621, %get3A_1622] {strides = array<i32>} : memref<800x64xf32, #tpu.memory_space<vmem>>, vector<16xf32>,
        %add3A_1624 = arith.addf %add3A_1602, %get3A_1623 : vector<16xf32>
        %get3A_1625 = arith.index_cast %add3A_1612 : i32 to index
        %get3A_1626 = arith.constant 48 : index
        %get3A_1627 = tpu.vector_load %arg7[%get3A_1625, %get3A_1626] {strides = array<i32>} : memref<800x64xf32, #tpu.memory_space<vmem>>, vector<16xf32>,
        %add3A_1628 = arith.addf %add3A_1606, %get3A_1627 : vector<16xf32>
        %mul3A_1629 = arith.constant 10 : i32
        %mul3A_1630 = arith.muli %scan3A_1580, %mul3A_1629 : i32
        %add3A_1631 = arith.constant 0 : i32
        %add3A_1632 = arith.addi %add3A_1631, %mul3A_1630 : i32
        %add3A_1633 = arith.constant 2 : i32
        %add3A_1634 = arith.addi %add3A_1632, %add3A_1633 : i32
        %get3A_1635 = arith.index_cast %add3A_1634 : i32 to index
        %get3A_1636 = arith.constant 0 : index
        %get3A_1637 = tpu.vector_load %arg7[%get3A_1635, %get3A_1636] {strides = array<i32>} : memref<800x64xf32, #tpu.memory_space<vmem>>, vector<16xf32>,
        %add3A_1638 = arith.addf %add3A_1616, %get3A_1637 : vector<16xf32>
        %get3A_1639 = arith.index_cast %add3A_1634 : i32 to index
        %get3A_1640 = arith.constant 16 : index
        %get3A_1641 = tpu.vector_load %arg7[%get3A_1639, %get3A_1640] {strides = array<i32>} : memref<800x64xf32, #tpu.memory_space<vmem>>, vector<16xf32>,
        %add3A_1642 = arith.addf %add3A_1620, %get3A_1641 : vector<16xf32>
        %get3A_1643 = arith.index_cast %add3A_1634 : i32 to index
        %get3A_1644 = arith.constant 32 : index
        %get3A_1645 = tpu.vector_load %arg7[%get3A_1643, %get3A_1644] {strides = array<i32>} : memref<800x64xf32, #tpu.memory_space<vmem>>, vector<16xf32>,
        %add3A_1646 = arith.addf %add3A_1624, %get3A_1645 : vector<16xf32>
        %get3A_1647 = arith.index_cast %add3A_1634 : i32 to index
        %get3A_1648 = arith.constant 48 : index
        %get3A_1649 = tpu.vector_load %arg7[%get3A_1647, %get3A_1648] {strides = array<i32>} : memref<800x64xf32, #tpu.memory_space<vmem>>, vector<16xf32>,
        %add3A_1650 = arith.addf %add3A_1628, %get3A_1649 : vector<16xf32>
        %mul3A_1651 = arith.constant 10 : i32
        %mul3A_1652 = arith.muli %scan3A_1580, %mul3A_1651 : i32
        %add3A_1653 = arith.constant 0 : i32
        %add3A_1654 = arith.addi %add3A_1653, %mul3A_1652 : i32
        %add3A_1655 = arith.constant 3 : i32
        %add3A_1656 = arith.addi %add3A_1654, %add3A_1655 : i32
        %get3A_1657 = arith.index_cast %add3A_1656 : i32 to index
        %get3A_1658 = arith.constant 0 : index
        %get3A_1659 = tpu.vector_load %arg7[%get3A_1657, %get3A_1658] {strides = array<i32>} : memref<800x64xf32, #tpu.memory_space<vmem>>, vector<16xf32>,
        %add3A_1660 = arith.addf %add3A_1638, %get3A_1659 : vector<16xf32>
        %get3A_1661 = arith.index_cast %add3A_1656 : i32 to index
        %get3A_1662 = arith.constant 16 : index
        %get3A_1663 = tpu.vector_load %arg7[%get3A_1661, %get3A_1662] {strides = array<i32>} : memref<800x64xf32, #tpu.memory_space<vmem>>, vector<16xf32>,
        %add3A_1664 = arith.addf %add3A_1642, %get3A_1663 : vector<16xf32>
        %get3A_1665 = arith.index_cast %add3A_1656 : i32 to index
        %get3A_1666 = arith.constant 32 : index
        %get3A_1667 = tpu.vector_load %arg7[%get3A_1665, %get3A_1666] {strides = array<i32>} : memref<800x64xf32, #tpu.memory_space<vmem>>, vector<16xf32>,
        %add3A_1668 = arith.addf %add3A_1646, %get3A_1667 : vector<16xf32>
        %get3A_1669 = arith.index_cast %add3A_1656 : i32 to index
        %get3A_1670 = arith.constant 48 : index
        %get3A_1671 = tpu.vector_load %arg7[%get3A_1669, %get3A_1670] {strides = array<i32>} : memref<800x64xf32, #tpu.memory_space<vmem>>, vector<16xf32>,
        %add3A_1672 = arith.addf %add3A_1650, %get3A_1671 : vector<16xf32>
        %mul3A_1673 = arith.constant 10 : i32
        %mul3A_1674 = arith.muli %scan3A_1580, %mul3A_1673 : i32
        %add3A_1675 = arith.constant 0 : i32
        %add3A_1676 = arith.addi %add3A_1675, %mul3A_1674 : i32
        %add3A_1677 = arith.constant 4 : i32
        %add3A_1678 = arith.addi %add3A_1676, %add3A_1677 : i32
        %get3A_1679 = arith.index_cast %add3A_1678 : i32 to index
        %get3A_1680 = arith.constant 0 : index
        %get3A_1681 = tpu.vector_load %arg7[%get3A_1679, %get3A_1680] {strides = array<i32>} : memref<800x64xf32, #tpu.memory_space<vmem>>, vector<16xf32>,
        %add3A_1682 = arith.addf %add3A_1660, %get3A_1681 : vector<16xf32>
        %get3A_1683 = arith.index_cast %add3A_1678 : i32 to index
        %get3A_1684 = arith.constant 16 : index
        %get3A_1685 = tpu.vector_load %arg7[%get3A_1683, %get3A_1684] {strides = array<i32>} : memref<800x64xf32, #tpu.memory_space<vmem>>, vector<16xf32>,
        %add3A_1686 = arith.addf %add3A_1664, %get3A_1685 : vector<16xf32>
        %get3A_1687 = arith.index_cast %add3A_1678 : i32 to index
        %get3A_1688 = arith.constant 32 : index
        %get3A_1689 = tpu.vector_load %arg7[%get3A_1687, %get3A_1688] {strides = array<i32>} : memref<800x64xf32, #tpu.memory_space<vmem>>, vector<16xf32>,
        %add3A_1690 = arith.addf %add3A_1668, %get3A_1689 : vector<16xf32>
        %get3A_1691 = arith.index_cast %add3A_1678 : i32 to index
        %get3A_1692 = arith.constant 48 : index
        %get3A_1693 = tpu.vector_load %arg7[%get3A_1691, %get3A_1692] {strides = array<i32>} : memref<800x64xf32, #tpu.memory_space<vmem>>, vector<16xf32>,
        %add3A_1694 = arith.addf %add3A_1672, %get3A_1693 : vector<16xf32>
        %mul3A_1695 = arith.constant 10 : i32
        %mul3A_1696 = arith.muli %scan3A_1580, %mul3A_1695 : i32
        %add3A_1697 = arith.constant 0 : i32
        %add3A_1698 = arith.addi %add3A_1697, %mul3A_1696 : i32
        %add3A_1699 = arith.constant 5 : i32
        %add3A_1700 = arith.addi %add3A_1698, %add3A_1699 : i32
        %get3A_1701 = arith.index_cast %add3A_1700 : i32 to index
        %get3A_1702 = arith.constant 0 : index
        %get3A_1703 = tpu.vector_load %arg7[%get3A_1701, %get3A_1702] {strides = array<i32>} : memref<800x64xf32, #tpu.memory_space<vmem>>, vector<16xf32>,
        %add3A_1704 = arith.addf %add3A_1682, %get3A_1703 : vector<16xf32>
        %get3A_1705 = arith.index_cast %add3A_1700 : i32 to index
        %get3A_1706 = arith.constant 16 : index
        %get3A_1707 = tpu.vector_load %arg7[%get3A_1705, %get3A_1706] {strides = array<i32>} : memref<800x64xf32, #tpu.memory_space<vmem>>, vector<16xf32>,
        %add3A_1708 = arith.addf %add3A_1686, %get3A_1707 : vector<16xf32>
        %get3A_1709 = arith.index_cast %add3A_1700 : i32 to index
        %get3A_1710 = arith.constant 32 : index
        %get3A_1711 = tpu.vector_load %arg7[%get3A_1709, %get3A_1710] {strides = array<i32>} : memref<800x64xf32, #tpu.memory_space<vmem>>, vector<16xf32>,
        %add3A_1712 = arith.addf %add3A_1690, %get3A_1711 : vector<16xf32>
        %get3A_1713 = arith.index_cast %add3A_1700 : i32 to index
        %get3A_1714 = arith.constant 48 : index
        %get3A_1715 = tpu.vector_load %arg7[%get3A_1713, %get3A_1714] {strides = array<i32>} : memref<800x64xf32, #tpu.memory_space<vmem>>, vector<16xf32>,
        %add3A_1716 = arith.addf %add3A_1694, %get3A_1715 : vector<16xf32>
        %mul3A_1717 = arith.constant 10 : i32
        %mul3A_1718 = arith.muli %scan3A_1580, %mul3A_1717 : i32
        %add3A_1719 = arith.constant 0 : i32
        %add3A_1720 = arith.addi %add3A_1719, %mul3A_1718 : i32
        %add3A_1721 = arith.constant 6 : i32
        %add3A_1722 = arith.addi %add3A_1720, %add3A_1721 : i32
        %get3A_1723 = arith.index_cast %add3A_1722 : i32 to index
        %get3A_1724 = arith.constant 0 : index
        %get3A_1725 = tpu.vector_load %arg7[%get3A_1723, %get3A_1724] {strides = array<i32>} : memref<800x64xf32, #tpu.memory_space<vmem>>, vector<16xf32>,
        %add3A_1726 = arith.addf %add3A_1704, %get3A_1725 : vector<16xf32>
        %get3A_1727 = arith.index_cast %add3A_1722 : i32 to index
        %get3A_1728 = arith.constant 16 : index
        %get3A_1729 = tpu.vector_load %arg7[%get3A_1727, %get3A_1728] {strides = array<i32>} : memref<800x64xf32, #tpu.memory_space<vmem>>, vector<16xf32>,
        %add3A_1730 = arith.addf %add3A_1708, %get3A_1729 : vector<16xf32>
        %get3A_1731 = arith.index_cast %add3A_1722 : i32 to index
        %get3A_1732 = arith.constant 32 : index
        %get3A_1733 = tpu.vector_load %arg7[%get3A_1731, %get3A_1732] {strides = array<i32>} : memref<800x64xf32, #tpu.memory_space<vmem>>, vector<16xf32>,
        %add3A_1734 = arith.addf %add3A_1712, %get3A_1733 : vector<16xf32>
        %get3A_1735 = arith.index_cast %add3A_1722 : i32 to index
        %get3A_1736 = arith.constant 48 : index
        %get3A_1737 = tpu.vector_load %arg7[%get3A_1735, %get3A_1736] {strides = array<i32>} : memref<800x64xf32, #tpu.memory_space<vmem>>, vector<16xf32>,
        %add3A_1738 = arith.addf %add3A_1716, %get3A_1737 : vector<16xf32>
        %mul3A_1739 = arith.constant 10 : i32
        %mul3A_1740 = arith.muli %scan3A_1580, %mul3A_1739 : i32
        %add3A_1741 = arith.constant 0 : i32
        %add3A_1742 = arith.addi %add3A_1741, %mul3A_1740 : i32
        %add3A_1743 = arith.constant 7 : i32
        %add3A_1744 = arith.addi %add3A_1742, %add3A_1743 : i32
        %get3A_1745 = arith.index_cast %add3A_1744 : i32 to index
        %get3A_1746 = arith.constant 0 : index
        %get3A_1747 = tpu.vector_load %arg7[%get3A_1745, %get3A_1746] {strides = array<i32>} : memref<800x64xf32, #tpu.memory_space<vmem>>, vector<16xf32>,
        %add3A_1748 = arith.addf %add3A_1726, %get3A_1747 : vector<16xf32>
        %get3A_1749 = arith.index_cast %add3A_1744 : i32 to index
        %get3A_1750 = arith.constant 16 : index
        %get3A_1751 = tpu.vector_load %arg7[%get3A_1749, %get3A_1750] {strides = array<i32>} : memref<800x64xf32, #tpu.memory_space<vmem>>, vector<16xf32>,
        %add3A_1752 = arith.addf %add3A_1730, %get3A_1751 : vector<16xf32>
        %get3A_1753 = arith.index_cast %add3A_1744 : i32 to index
        %get3A_1754 = arith.constant 32 : index
        %get3A_1755 = tpu.vector_load %arg7[%get3A_1753, %get3A_1754] {strides = array<i32>} : memref<800x64xf32, #tpu.memory_space<vmem>>, vector<16xf32>,
        %add3A_1756 = arith.addf %add3A_1734, %get3A_1755 : vector<16xf32>
        %get3A_1757 = arith.index_cast %add3A_1744 : i32 to index
        %get3A_1758 = arith.constant 48 : index
        %get3A_1759 = tpu.vector_load %arg7[%get3A_1757, %get3A_1758] {strides = array<i32>} : memref<800x64xf32, #tpu.memory_space<vmem>>, vector<16xf32>,
        %add3A_1760 = arith.addf %add3A_1738, %get3A_1759 : vector<16xf32>
        %mul3A_1761 = arith.constant 10 : i32
        %mul3A_1762 = arith.muli %scan3A_1580, %mul3A_1761 : i32
        %add3A_1763 = arith.constant 0 : i32
        %add3A_1764 = arith.addi %add3A_1763, %mul3A_1762 : i32
        %add3A_1765 = arith.constant 8 : i32
        %add3A_1766 = arith.addi %add3A_1764, %add3A_1765 : i32
        %get3A_1767 = arith.index_cast %add3A_1766 : i32 to index
        %get3A_1768 = arith.constant 0 : index
        %get3A_1769 = tpu.vector_load %arg7[%get3A_1767, %get3A_1768] {strides = array<i32>} : memref<800x64xf32, #tpu.memory_space<vmem>>, vector<16xf32>,
        %add3A_1770 = arith.addf %add3A_1748, %get3A_1769 : vector<16xf32>
        %get3A_1771 = arith.index_cast %add3A_1766 : i32 to index
        %get3A_1772 = arith.constant 16 : index
        %get3A_1773 = tpu.vector_load %arg7[%get3A_1771, %get3A_1772] {strides = array<i32>} : memref<800x64xf32, #tpu.memory_space<vmem>>, vector<16xf32>,
        %add3A_1774 = arith.addf %add3A_1752, %get3A_1773 : vector<16xf32>
        %get3A_1775 = arith.index_cast %add3A_1766 : i32 to index
        %get3A_1776 = arith.constant 32 : index
        %get3A_1777 = tpu.vector_load %arg7[%get3A_1775, %get3A_1776] {strides = array<i32>} : memref<800x64xf32, #tpu.memory_space<vmem>>, vector<16xf32>,
        %add3A_1778 = arith.addf %add3A_1756, %get3A_1777 : vector<16xf32>
        %get3A_1779 = arith.index_cast %add3A_1766 : i32 to index
        %get3A_1780 = arith.constant 48 : index
        %get3A_1781 = tpu.vector_load %arg7[%get3A_1779, %get3A_1780] {strides = array<i32>} : memref<800x64xf32, #tpu.memory_space<vmem>>, vector<16xf32>,
        %add3A_1782 = arith.addf %add3A_1760, %get3A_1781 : vector<16xf32>
        %mul3A_1783 = arith.constant 10 : i32
        %mul3A_1784 = arith.muli %scan3A_1580, %mul3A_1783 : i32
        %add3A_1785 = arith.constant 0 : i32
        %add3A_1786 = arith.addi %add3A_1785, %mul3A_1784 : i32
        %add3A_1787 = arith.constant 9 : i32
        %add3A_1788 = arith.addi %add3A_1786, %add3A_1787 : i32
        %get3A_1789 = arith.index_cast %add3A_1788 : i32 to index
        %get3A_1790 = arith.constant 0 : index
        %get3A_1791 = tpu.vector_load %arg7[%get3A_1789, %get3A_1790] {strides = array<i32>} : memref<800x64xf32, #tpu.memory_space<vmem>>, vector<16xf32>,
        %add3A_1792 = arith.addf %add3A_1770, %get3A_1791 : vector<16xf32>
        %get3A_1793 = arith.index_cast %add3A_1788 : i32 to index
        %get3A_1794 = arith.constant 16 : index
        %get3A_1795 = tpu.vector_load %arg7[%get3A_1793, %get3A_1794] {strides = array<i32>} : memref<800x64xf32, #tpu.memory_space<vmem>>, vector<16xf32>,
        %add3A_1796 = arith.addf %add3A_1774, %get3A_1795 : vector<16xf32>
        %get3A_1797 = arith.index_cast %add3A_1788 : i32 to index
        %get3A_1798 = arith.constant 32 : index
        %get3A_1799 = tpu.vector_load %arg7[%get3A_1797, %get3A_1798] {strides = array<i32>} : memref<800x64xf32, #tpu.memory_space<vmem>>, vector<16xf32>,
        %add3A_1800 = arith.addf %add3A_1778, %get3A_1799 : vector<16xf32>
        %get3A_1801 = arith.index_cast %add3A_1788 : i32 to index
        %get3A_1802 = arith.constant 48 : index
        %get3A_1803 = tpu.vector_load %arg7[%get3A_1801, %get3A_1802] {strides = array<i32>} : memref<800x64xf32, #tpu.memory_space<vmem>>, vector<16xf32>,
        %add3A_1804 = arith.addf %add3A_1782, %get3A_1803 : vector<16xf32>
        scf.yield %add3A_1792, %add3A_1796, %add3A_1800, %add3A_1804 : vector<16xf32>, vector<16xf32>, vector<16xf32>, vector<16xf32>
      }
      %scan3A_732 = arith.constant 20 : i32
      %mul3A_733 = arith.mulf %scan3A_731#0, %div3A_333 : vector<16xf32>
      %max3A = arith.constant 0.000000e+00 : f32
      %max3A_734 = vector.broadcast %max3A : f32 to vector<16xf32>
      %max3A_735 = arith.maximumf %mul3A_733, %max3A_734 : vector<16xf32>
      %swap3A = arith.constant 0 : i32
      %swap3A_736 = arith.index_cast %swap3A : i32 to index
      %swap3A_737 = arith.constant 0 : index
      %swap3A_738 = tpu.vector_load %arg9[%swap3A_736, %swap3A_737] {strides = array<i32>} : memref<4x64xf32, #tpu.memory_space<vmem>>, vector<16xf32>,
      tpu.vector_store %arg9[%swap3A_736, %swap3A_737], %max3A_735 {strides = array<i32>} : memref<4x64xf32, #tpu.memory_space<vmem>>, vector<16xf32>,
      %mul3A_739 = arith.mulf %scan3A_731#1, %div3A_333 : vector<16xf32>
      %max3A_740 = arith.constant 0.000000e+00 : f32
      %max3A_741 = vector.broadcast %max3A_740 : f32 to vector<16xf32>
      %max3A_742 = arith.maximumf %mul3A_739, %max3A_741 : vector<16xf32>
      %swap3A_743 = arith.constant 0 : i32
      %swap3A_744 = arith.index_cast %swap3A_743 : i32 to index
      %swap3A_745 = arith.constant 16 : index
      %swap3A_746 = tpu.vector_load %arg9[%swap3A_744, %swap3A_745] {strides = array<i32>} : memref<4x64xf32, #tpu.memory_space<vmem>>, vector<16xf32>,
      tpu.vector_store %arg9[%swap3A_744, %swap3A_745], %max3A_742 {strides = array<i32>} : memref<4x64xf32, #tpu.memory_space<vmem>>, vector<16xf32>,
      %mul3A_747 = arith.mulf %scan3A_731#2, %div3A_333 : vector<16xf32>
      %max3A_748 = arith.constant 0.000000e+00 : f32
      %max3A_749 = vector.broadcast %max3A_748 : f32 to vector<16xf32>
      %max3A_750 = arith.maximumf %mul3A_747, %max3A_749 : vector<16xf32>
      %swap3A_751 = arith.constant 0 : i32
      %swap3A_752 = arith.index_cast %swap3A_751 : i32 to index
      %swap3A_753 = arith.constant 32 : index
      %swap3A_754 = tpu.vector_load %arg9[%swap3A_752, %swap3A_753] {strides = array<i32>} : memref<4x64xf32, #tpu.memory_space<vmem>>, vector<16xf32>,
      tpu.vector_store %arg9[%swap3A_752, %swap3A_753], %max3A_750 {strides = array<i32>} : memref<4x64xf32, #tpu.memory_space<vmem>>, vector<16xf32>,
      %mul3A_755 = arith.mulf %scan3A_731#3, %div3A_333 : vector<16xf32>
      %max3A_756 = arith.constant 0.000000e+00 : f32
      %max3A_757 = vector.broadcast %max3A_756 : f32 to vector<16xf32>
      %max3A_758 = arith.maximumf %mul3A_755, %max3A_757 : vector<16xf32>
      %swap3A_759 = arith.constant 0 : i32
      %swap3A_760 = arith.index_cast %swap3A_759 : i32 to index
      %swap3A_761 = arith.constant 48 : index
      %swap3A_762 = tpu.vector_load %arg9[%swap3A_760, %swap3A_761] {strides = array<i32>} : memref<4x64xf32, #tpu.memory_space<vmem>>, vector<16xf32>,
      tpu.vector_store %arg9[%swap3A_760, %swap3A_761], %max3A_758 {strides = array<i32>} : memref<4x64xf32, #tpu.memory_space<vmem>>, vector<16xf32>,
      %scan3A_763 = arith.constant 0 : i32
      %scan3A_764 = arith.constant 20 : i32
      %scan3A_765 = arith.addi %scan3A_763, %scan3A_764 : i32
      %scan3A_766 = arith.constant 1 : i32
      %scan3A_767:4 = scf.for %scan3A_1580 = %scan3A_763 to %scan3A_765 step %scan3A_766 iter_args(%scan3A_1581 = %broadcast_in_dim3A_726, %scan3A_1582 = %broadcast_in_dim3A_726, %scan3A_1583 = %broadcast_in_dim3A_726, %scan3A_1584 = %broadcast_in_dim3A_726) -> (vector<16xf32>, vector<16xf32>, vector<16xf32>, vector<16xf32>)  : i32 {
        %mul3A_1585 = arith.constant 10 : i32
        %mul3A_1586 = arith.muli %scan3A_1580, %mul3A_1585 : i32
        %add3A_1587 = arith.constant 200 : i32
        %add3A_1588 = arith.addi %add3A_1587, %mul3A_1586 : i32
        %add3A_1589 = arith.constant 0 : i32
        %add3A_1590 = arith.addi %add3A_1588, %add3A_1589 : i32
        %get3A_1591 = arith.index_cast %add3A_1590 : i32 to index
        %get3A_1592 = arith.constant 0 : index
        %get3A_1593 = tpu.vector_load %arg7[%get3A_1591, %get3A_1592] {strides = array<i32>} : memref<800x64xf32, #tpu.memory_space<vmem>>, vector<16xf32>,
        %add3A_1594 = arith.addf %scan3A_1581, %get3A_1593 : vector<16xf32>
        %get3A_1595 = arith.index_cast %add3A_1590 : i32 to index
        %get3A_1596 = arith.constant 16 : index
        %get3A_1597 = tpu.vector_load %arg7[%get3A_1595, %get3A_1596] {strides = array<i32>} : memref<800x64xf32, #tpu.memory_space<vmem>>, vector<16xf32>,
        %add3A_1598 = arith.addf %scan3A_1582, %get3A_1597 : vector<16xf32>
        %get3A_1599 = arith.index_cast %add3A_1590 : i32 to index
        %get3A_1600 = arith.constant 32 : index
        %get3A_1601 = tpu.vector_load %arg7[%get3A_1599, %get3A_1600] {strides = array<i32>} : memref<800x64xf32, #tpu.memory_space<vmem>>, vector<16xf32>,
        %add3A_1602 = arith.addf %scan3A_1583, %get3A_1601 : vector<16xf32>
        %get3A_1603 = arith.index_cast %add3A_1590 : i32 to index
        %get3A_1604 = arith.constant 48 : index
        %get3A_1605 = tpu.vector_load %arg7[%get3A_1603, %get3A_1604] {strides = array<i32>} : memref<800x64xf32, #tpu.memory_space<vmem>>, vector<16xf32>,
        %add3A_1606 = arith.addf %scan3A_1584, %get3A_1605 : vector<16xf32>
        %mul3A_1607 = arith.constant 10 : i32
        %mul3A_1608 = arith.muli %scan3A_1580, %mul3A_1607 : i32
        %add3A_1609 = arith.constant 200 : i32
        %add3A_1610 = arith.addi %add3A_1609, %mul3A_1608 : i32
        %add3A_1611 = arith.constant 1 : i32
        %add3A_1612 = arith.addi %add3A_1610, %add3A_1611 : i32
        %get3A_1613 = arith.index_cast %add3A_1612 : i32 to index
        %get3A_1614 = arith.constant 0 : index
        %get3A_1615 = tpu.vector_load %arg7[%get3A_1613, %get3A_1614] {strides = array<i32>} : memref<800x64xf32, #tpu.memory_space<vmem>>, vector<16xf32>,
        %add3A_1616 = arith.addf %add3A_1594, %get3A_1615 : vector<16xf32>
        %get3A_1617 = arith.index_cast %add3A_1612 : i32 to index
        %get3A_1618 = arith.constant 16 : index
        %get3A_1619 = tpu.vector_load %arg7[%get3A_1617, %get3A_1618] {strides = array<i32>} : memref<800x64xf32, #tpu.memory_space<vmem>>, vector<16xf32>,
        %add3A_1620 = arith.addf %add3A_1598, %get3A_1619 : vector<16xf32>
        %get3A_1621 = arith.index_cast %add3A_1612 : i32 to index
        %get3A_1622 = arith.constant 32 : index
        %get3A_1623 = tpu.vector_load %arg7[%get3A_1621, %get3A_1622] {strides = array<i32>} : memref<800x64xf32, #tpu.memory_space<vmem>>, vector<16xf32>,
        %add3A_1624 = arith.addf %add3A_1602, %get3A_1623 : vector<16xf32>
        %get3A_1625 = arith.index_cast %add3A_1612 : i32 to index
        %get3A_1626 = arith.constant 48 : index
        %get3A_1627 = tpu.vector_load %arg7[%get3A_1625, %get3A_1626] {strides = array<i32>} : memref<800x64xf32, #tpu.memory_space<vmem>>, vector<16xf32>,
        %add3A_1628 = arith.addf %add3A_1606, %get3A_1627 : vector<16xf32>
        %mul3A_1629 = arith.constant 10 : i32
        %mul3A_1630 = arith.muli %scan3A_1580, %mul3A_1629 : i32
        %add3A_1631 = arith.constant 200 : i32
        %add3A_1632 = arith.addi %add3A_1631, %mul3A_1630 : i32
        %add3A_1633 = arith.constant 2 : i32
        %add3A_1634 = arith.addi %add3A_1632, %add3A_1633 : i32
        %get3A_1635 = arith.index_cast %add3A_1634 : i32 to index
        %get3A_1636 = arith.constant 0 : index
        %get3A_1637 = tpu.vector_load %arg7[%get3A_1635, %get3A_1636] {strides = array<i32>} : memref<800x64xf32, #tpu.memory_space<vmem>>, vector<16xf32>,
        %add3A_1638 = arith.addf %add3A_1616, %get3A_1637 : vector<16xf32>
        %get3A_1639 = arith.index_cast %add3A_1634 : i32 to index
        %get3A_1640 = arith.constant 16 : index
        %get3A_1641 = tpu.vector_load %arg7[%get3A_1639, %get3A_1640] {strides = array<i32>} : memref<800x64xf32, #tpu.memory_space<vmem>>, vector<16xf32>,
        %add3A_1642 = arith.addf %add3A_1620, %get3A_1641 : vector<16xf32>
        %get3A_1643 = arith.index_cast %add3A_1634 : i32 to index
        %get3A_1644 = arith.constant 32 : index
        %get3A_1645 = tpu.vector_load %arg7[%get3A_1643, %get3A_1644] {strides = array<i32>} : memref<800x64xf32, #tpu.memory_space<vmem>>, vector<16xf32>,
        %add3A_1646 = arith.addf %add3A_1624, %get3A_1645 : vector<16xf32>
        %get3A_1647 = arith.index_cast %add3A_1634 : i32 to index
        %get3A_1648 = arith.constant 48 : index
        %get3A_1649 = tpu.vector_load %arg7[%get3A_1647, %get3A_1648] {strides = array<i32>} : memref<800x64xf32, #tpu.memory_space<vmem>>, vector<16xf32>,
        %add3A_1650 = arith.addf %add3A_1628, %get3A_1649 : vector<16xf32>
        %mul3A_1651 = arith.constant 10 : i32
        %mul3A_1652 = arith.muli %scan3A_1580, %mul3A_1651 : i32
        %add3A_1653 = arith.constant 200 : i32
        %add3A_1654 = arith.addi %add3A_1653, %mul3A_1652 : i32
        %add3A_1655 = arith.constant 3 : i32
        %add3A_1656 = arith.addi %add3A_1654, %add3A_1655 : i32
        %get3A_1657 = arith.index_cast %add3A_1656 : i32 to index
        %get3A_1658 = arith.constant 0 : index
        %get3A_1659 = tpu.vector_load %arg7[%get3A_1657, %get3A_1658] {strides = array<i32>} : memref<800x64xf32, #tpu.memory_space<vmem>>, vector<16xf32>,
        %add3A_1660 = arith.addf %add3A_1638, %get3A_1659 : vector<16xf32>
        %get3A_1661 = arith.index_cast %add3A_1656 : i32 to index
        %get3A_1662 = arith.constant 16 : index
        %get3A_1663 = tpu.vector_load %arg7[%get3A_1661, %get3A_1662] {strides = array<i32>} : memref<800x64xf32, #tpu.memory_space<vmem>>, vector<16xf32>,
        %add3A_1664 = arith.addf %add3A_1642, %get3A_1663 : vector<16xf32>
        %get3A_1665 = arith.index_cast %add3A_1656 : i32 to index
        %get3A_1666 = arith.constant 32 : index
        %get3A_1667 = tpu.vector_load %arg7[%get3A_1665, %get3A_1666] {strides = array<i32>} : memref<800x64xf32, #tpu.memory_space<vmem>>, vector<16xf32>,
        %add3A_1668 = arith.addf %add3A_1646, %get3A_1667 : vector<16xf32>
        %get3A_1669 = arith.index_cast %add3A_1656 : i32 to index
        %get3A_1670 = arith.constant 48 : index
        %get3A_1671 = tpu.vector_load %arg7[%get3A_1669, %get3A_1670] {strides = array<i32>} : memref<800x64xf32, #tpu.memory_space<vmem>>, vector<16xf32>,
        %add3A_1672 = arith.addf %add3A_1650, %get3A_1671 : vector<16xf32>
        %mul3A_1673 = arith.constant 10 : i32
        %mul3A_1674 = arith.muli %scan3A_1580, %mul3A_1673 : i32
        %add3A_1675 = arith.constant 200 : i32
        %add3A_1676 = arith.addi %add3A_1675, %mul3A_1674 : i32
        %add3A_1677 = arith.constant 4 : i32
        %add3A_1678 = arith.addi %add3A_1676, %add3A_1677 : i32
        %get3A_1679 = arith.index_cast %add3A_1678 : i32 to index
        %get3A_1680 = arith.constant 0 : index
        %get3A_1681 = tpu.vector_load %arg7[%get3A_1679, %get3A_1680] {strides = array<i32>} : memref<800x64xf32, #tpu.memory_space<vmem>>, vector<16xf32>,
        %add3A_1682 = arith.addf %add3A_1660, %get3A_1681 : vector<16xf32>
        %get3A_1683 = arith.index_cast %add3A_1678 : i32 to index
        %get3A_1684 = arith.constant 16 : index
        %get3A_1685 = tpu.vector_load %arg7[%get3A_1683, %get3A_1684] {strides = array<i32>} : memref<800x64xf32, #tpu.memory_space<vmem>>, vector<16xf32>,
        %add3A_1686 = arith.addf %add3A_1664, %get3A_1685 : vector<16xf32>
        %get3A_1687 = arith.index_cast %add3A_1678 : i32 to index
        %get3A_1688 = arith.constant 32 : index
        %get3A_1689 = tpu.vector_load %arg7[%get3A_1687, %get3A_1688] {strides = array<i32>} : memref<800x64xf32, #tpu.memory_space<vmem>>, vector<16xf32>,
        %add3A_1690 = arith.addf %add3A_1668, %get3A_1689 : vector<16xf32>
        %get3A_1691 = arith.index_cast %add3A_1678 : i32 to index
        %get3A_1692 = arith.constant 48 : index
        %get3A_1693 = tpu.vector_load %arg7[%get3A_1691, %get3A_1692] {strides = array<i32>} : memref<800x64xf32, #tpu.memory_space<vmem>>, vector<16xf32>,
        %add3A_1694 = arith.addf %add3A_1672, %get3A_1693 : vector<16xf32>
        %mul3A_1695 = arith.constant 10 : i32
        %mul3A_1696 = arith.muli %scan3A_1580, %mul3A_1695 : i32
        %add3A_1697 = arith.constant 200 : i32
        %add3A_1698 = arith.addi %add3A_1697, %mul3A_1696 : i32
        %add3A_1699 = arith.constant 5 : i32
        %add3A_1700 = arith.addi %add3A_1698, %add3A_1699 : i32
        %get3A_1701 = arith.index_cast %add3A_1700 : i32 to index
        %get3A_1702 = arith.constant 0 : index
        %get3A_1703 = tpu.vector_load %arg7[%get3A_1701, %get3A_1702] {strides = array<i32>} : memref<800x64xf32, #tpu.memory_space<vmem>>, vector<16xf32>,
        %add3A_1704 = arith.addf %add3A_1682, %get3A_1703 : vector<16xf32>
        %get3A_1705 = arith.index_cast %add3A_1700 : i32 to index
        %get3A_1706 = arith.constant 16 : index
        %get3A_1707 = tpu.vector_load %arg7[%get3A_1705, %get3A_1706] {strides = array<i32>} : memref<800x64xf32, #tpu.memory_space<vmem>>, vector<16xf32>,
        %add3A_1708 = arith.addf %add3A_1686, %get3A_1707 : vector<16xf32>
        %get3A_1709 = arith.index_cast %add3A_1700 : i32 to index
        %get3A_1710 = arith.constant 32 : index
        %get3A_1711 = tpu.vector_load %arg7[%get3A_1709, %get3A_1710] {strides = array<i32>} : memref<800x64xf32, #tpu.memory_space<vmem>>, vector<16xf32>,
        %add3A_1712 = arith.addf %add3A_1690, %get3A_1711 : vector<16xf32>
        %get3A_1713 = arith.index_cast %add3A_1700 : i32 to index
        %get3A_1714 = arith.constant 48 : index
        %get3A_1715 = tpu.vector_load %arg7[%get3A_1713, %get3A_1714] {strides = array<i32>} : memref<800x64xf32, #tpu.memory_space<vmem>>, vector<16xf32>,
        %add3A_1716 = arith.addf %add3A_1694, %get3A_1715 : vector<16xf32>
        %mul3A_1717 = arith.constant 10 : i32
        %mul3A_1718 = arith.muli %scan3A_1580, %mul3A_1717 : i32
        %add3A_1719 = arith.constant 200 : i32
        %add3A_1720 = arith.addi %add3A_1719, %mul3A_1718 : i32
        %add3A_1721 = arith.constant 6 : i32
        %add3A_1722 = arith.addi %add3A_1720, %add3A_1721 : i32
        %get3A_1723 = arith.index_cast %add3A_1722 : i32 to index
        %get3A_1724 = arith.constant 0 : index
        %get3A_1725 = tpu.vector_load %arg7[%get3A_1723, %get3A_1724] {strides = array<i32>} : memref<800x64xf32, #tpu.memory_space<vmem>>, vector<16xf32>,
        %add3A_1726 = arith.addf %add3A_1704, %get3A_1725 : vector<16xf32>
        %get3A_1727 = arith.index_cast %add3A_1722 : i32 to index
        %get3A_1728 = arith.constant 16 : index
        %get3A_1729 = tpu.vector_load %arg7[%get3A_1727, %get3A_1728] {strides = array<i32>} : memref<800x64xf32, #tpu.memory_space<vmem>>, vector<16xf32>,
        %add3A_1730 = arith.addf %add3A_1708, %get3A_1729 : vector<16xf32>
        %get3A_1731 = arith.index_cast %add3A_1722 : i32 to index
        %get3A_1732 = arith.constant 32 : index
        %get3A_1733 = tpu.vector_load %arg7[%get3A_1731, %get3A_1732] {strides = array<i32>} : memref<800x64xf32, #tpu.memory_space<vmem>>, vector<16xf32>,
        %add3A_1734 = arith.addf %add3A_1712, %get3A_1733 : vector<16xf32>
        %get3A_1735 = arith.index_cast %add3A_1722 : i32 to index
        %get3A_1736 = arith.constant 48 : index
        %get3A_1737 = tpu.vector_load %arg7[%get3A_1735, %get3A_1736] {strides = array<i32>} : memref<800x64xf32, #tpu.memory_space<vmem>>, vector<16xf32>,
        %add3A_1738 = arith.addf %add3A_1716, %get3A_1737 : vector<16xf32>
        %mul3A_1739 = arith.constant 10 : i32
        %mul3A_1740 = arith.muli %scan3A_1580, %mul3A_1739 : i32
        %add3A_1741 = arith.constant 200 : i32
        %add3A_1742 = arith.addi %add3A_1741, %mul3A_1740 : i32
        %add3A_1743 = arith.constant 7 : i32
        %add3A_1744 = arith.addi %add3A_1742, %add3A_1743 : i32
        %get3A_1745 = arith.index_cast %add3A_1744 : i32 to index
        %get3A_1746 = arith.constant 0 : index
        %get3A_1747 = tpu.vector_load %arg7[%get3A_1745, %get3A_1746] {strides = array<i32>} : memref<800x64xf32, #tpu.memory_space<vmem>>, vector<16xf32>,
        %add3A_1748 = arith.addf %add3A_1726, %get3A_1747 : vector<16xf32>
        %get3A_1749 = arith.index_cast %add3A_1744 : i32 to index
        %get3A_1750 = arith.constant 16 : index
        %get3A_1751 = tpu.vector_load %arg7[%get3A_1749, %get3A_1750] {strides = array<i32>} : memref<800x64xf32, #tpu.memory_space<vmem>>, vector<16xf32>,
        %add3A_1752 = arith.addf %add3A_1730, %get3A_1751 : vector<16xf32>
        %get3A_1753 = arith.index_cast %add3A_1744 : i32 to index
        %get3A_1754 = arith.constant 32 : index
        %get3A_1755 = tpu.vector_load %arg7[%get3A_1753, %get3A_1754] {strides = array<i32>} : memref<800x64xf32, #tpu.memory_space<vmem>>, vector<16xf32>,
        %add3A_1756 = arith.addf %add3A_1734, %get3A_1755 : vector<16xf32>
        %get3A_1757 = arith.index_cast %add3A_1744 : i32 to index
        %get3A_1758 = arith.constant 48 : index
        %get3A_1759 = tpu.vector_load %arg7[%get3A_1757, %get3A_1758] {strides = array<i32>} : memref<800x64xf32, #tpu.memory_space<vmem>>, vector<16xf32>,
        %add3A_1760 = arith.addf %add3A_1738, %get3A_1759 : vector<16xf32>
        %mul3A_1761 = arith.constant 10 : i32
        %mul3A_1762 = arith.muli %scan3A_1580, %mul3A_1761 : i32
        %add3A_1763 = arith.constant 200 : i32
        %add3A_1764 = arith.addi %add3A_1763, %mul3A_1762 : i32
        %add3A_1765 = arith.constant 8 : i32
        %add3A_1766 = arith.addi %add3A_1764, %add3A_1765 : i32
        %get3A_1767 = arith.index_cast %add3A_1766 : i32 to index
        %get3A_1768 = arith.constant 0 : index
        %get3A_1769 = tpu.vector_load %arg7[%get3A_1767, %get3A_1768] {strides = array<i32>} : memref<800x64xf32, #tpu.memory_space<vmem>>, vector<16xf32>,
        %add3A_1770 = arith.addf %add3A_1748, %get3A_1769 : vector<16xf32>
        %get3A_1771 = arith.index_cast %add3A_1766 : i32 to index
        %get3A_1772 = arith.constant 16 : index
        %get3A_1773 = tpu.vector_load %arg7[%get3A_1771, %get3A_1772] {strides = array<i32>} : memref<800x64xf32, #tpu.memory_space<vmem>>, vector<16xf32>,
        %add3A_1774 = arith.addf %add3A_1752, %get3A_1773 : vector<16xf32>
        %get3A_1775 = arith.index_cast %add3A_1766 : i32 to index
        %get3A_1776 = arith.constant 32 : index
        %get3A_1777 = tpu.vector_load %arg7[%get3A_1775, %get3A_1776] {strides = array<i32>} : memref<800x64xf32, #tpu.memory_space<vmem>>, vector<16xf32>,
        %add3A_1778 = arith.addf %add3A_1756, %get3A_1777 : vector<16xf32>
        %get3A_1779 = arith.index_cast %add3A_1766 : i32 to index
        %get3A_1780 = arith.constant 48 : index
        %get3A_1781 = tpu.vector_load %arg7[%get3A_1779, %get3A_1780] {strides = array<i32>} : memref<800x64xf32, #tpu.memory_space<vmem>>, vector<16xf32>,
        %add3A_1782 = arith.addf %add3A_1760, %get3A_1781 : vector<16xf32>
        %mul3A_1783 = arith.constant 10 : i32
        %mul3A_1784 = arith.muli %scan3A_1580, %mul3A_1783 : i32
        %add3A_1785 = arith.constant 200 : i32
        %add3A_1786 = arith.addi %add3A_1785, %mul3A_1784 : i32
        %add3A_1787 = arith.constant 9 : i32
        %add3A_1788 = arith.addi %add3A_1786, %add3A_1787 : i32
        %get3A_1789 = arith.index_cast %add3A_1788 : i32 to index
        %get3A_1790 = arith.constant 0 : index
        %get3A_1791 = tpu.vector_load %arg7[%get3A_1789, %get3A_1790] {strides = array<i32>} : memref<800x64xf32, #tpu.memory_space<vmem>>, vector<16xf32>,
        %add3A_1792 = arith.addf %add3A_1770, %get3A_1791 : vector<16xf32>
        %get3A_1793 = arith.index_cast %add3A_1788 : i32 to index
        %get3A_1794 = arith.constant 16 : index
        %get3A_1795 = tpu.vector_load %arg7[%get3A_1793, %get3A_1794] {strides = array<i32>} : memref<800x64xf32, #tpu.memory_space<vmem>>, vector<16xf32>,
        %add3A_1796 = arith.addf %add3A_1774, %get3A_1795 : vector<16xf32>
        %get3A_1797 = arith.index_cast %add3A_1788 : i32 to index
        %get3A_1798 = arith.constant 32 : index
        %get3A_1799 = tpu.vector_load %arg7[%get3A_1797, %get3A_1798] {strides = array<i32>} : memref<800x64xf32, #tpu.memory_space<vmem>>, vector<16xf32>,
        %add3A_1800 = arith.addf %add3A_1778, %get3A_1799 : vector<16xf32>
        %get3A_1801 = arith.index_cast %add3A_1788 : i32 to index
        %get3A_1802 = arith.constant 48 : index
        %get3A_1803 = tpu.vector_load %arg7[%get3A_1801, %get3A_1802] {strides = array<i32>} : memref<800x64xf32, #tpu.memory_space<vmem>>, vector<16xf32>,
        %add3A_1804 = arith.addf %add3A_1782, %get3A_1803 : vector<16xf32>
        scf.yield %add3A_1792, %add3A_1796, %add3A_1800, %add3A_1804 : vector<16xf32>, vector<16xf32>, vector<16xf32>, vector<16xf32>
      }
      %scan3A_768 = arith.constant 20 : i32
      %mul3A_769 = arith.mulf %scan3A_767#0, %div3A_460 : vector<16xf32>
      %max3A_770 = arith.constant 0.000000e+00 : f32
      %max3A_771 = vector.broadcast %max3A_770 : f32 to vector<16xf32>
      %max3A_772 = arith.maximumf %mul3A_769, %max3A_771 : vector<16xf32>
      %swap3A_773 = arith.constant 1 : i32
      %swap3A_774 = arith.index_cast %swap3A_773 : i32 to index
      %swap3A_775 = arith.constant 0 : index
      %swap3A_776 = tpu.vector_load %arg9[%swap3A_774, %swap3A_775] {strides = array<i32>} : memref<4x64xf32, #tpu.memory_space<vmem>>, vector<16xf32>,
      tpu.vector_store %arg9[%swap3A_774, %swap3A_775], %max3A_772 {strides = array<i32>} : memref<4x64xf32, #tpu.memory_space<vmem>>, vector<16xf32>,
      %mul3A_777 = arith.mulf %scan3A_767#1, %div3A_460 : vector<16xf32>
      %max3A_778 = arith.constant 0.000000e+00 : f32
      %max3A_779 = vector.broadcast %max3A_778 : f32 to vector<16xf32>
      %max3A_780 = arith.maximumf %mul3A_777, %max3A_779 : vector<16xf32>
      %swap3A_781 = arith.constant 1 : i32
      %swap3A_782 = arith.index_cast %swap3A_781 : i32 to index
      %swap3A_783 = arith.constant 16 : index
      %swap3A_784 = tpu.vector_load %arg9[%swap3A_782, %swap3A_783] {strides = array<i32>} : memref<4x64xf32, #tpu.memory_space<vmem>>, vector<16xf32>,
      tpu.vector_store %arg9[%swap3A_782, %swap3A_783], %max3A_780 {strides = array<i32>} : memref<4x64xf32, #tpu.memory_space<vmem>>, vector<16xf32>,
      %mul3A_785 = arith.mulf %scan3A_767#2, %div3A_460 : vector<16xf32>
      %max3A_786 = arith.constant 0.000000e+00 : f32
      %max3A_787 = vector.broadcast %max3A_786 : f32 to vector<16xf32>
      %max3A_788 = arith.maximumf %mul3A_785, %max3A_787 : vector<16xf32>
      %swap3A_789 = arith.constant 1 : i32
      %swap3A_790 = arith.index_cast %swap3A_789 : i32 to index
      %swap3A_791 = arith.constant 32 : index
      %swap3A_792 = tpu.vector_load %arg9[%swap3A_790, %swap3A_791] {strides = array<i32>} : memref<4x64xf32, #tpu.memory_space<vmem>>, vector<16xf32>,
      tpu.vector_store %arg9[%swap3A_790, %swap3A_791], %max3A_788 {strides = array<i32>} : memref<4x64xf32, #tpu.memory_space<vmem>>, vector<16xf32>,
      %mul3A_793 = arith.mulf %scan3A_767#3, %div3A_460 : vector<16xf32>
      %max3A_794 = arith.constant 0.000000e+00 : f32
      %max3A_795 = vector.broadcast %max3A_794 : f32 to vector<16xf32>
      %max3A_796 = arith.maximumf %mul3A_793, %max3A_795 : vector<16xf32>
      %swap3A_797 = arith.constant 1 : i32
      %swap3A_798 = arith.index_cast %swap3A_797 : i32 to index
      %swap3A_799 = arith.constant 48 : index
      %swap3A_800 = tpu.vector_load %arg9[%swap3A_798, %swap3A_799] {strides = array<i32>} : memref<4x64xf32, #tpu.memory_space<vmem>>, vector<16xf32>,
      tpu.vector_store %arg9[%swap3A_798, %swap3A_799], %max3A_796 {strides = array<i32>} : memref<4x64xf32, #tpu.memory_space<vmem>>, vector<16xf32>,
      %scan3A_801 = arith.constant 0 : i32
      %scan3A_802 = arith.constant 20 : i32
      %scan3A_803 = arith.addi %scan3A_801, %scan3A_802 : i32
      %scan3A_804 = arith.constant 1 : i32
      %scan3A_805:4 = scf.for %scan3A_1580 = %scan3A_801 to %scan3A_803 step %scan3A_804 iter_args(%scan3A_1581 = %broadcast_in_dim3A_726, %scan3A_1582 = %broadcast_in_dim3A_726, %scan3A_1583 = %broadcast_in_dim3A_726, %scan3A_1584 = %broadcast_in_dim3A_726) -> (vector<16xf32>, vector<16xf32>, vector<16xf32>, vector<16xf32>)  : i32 {
        %mul3A_1585 = arith.constant 10 : i32
        %mul3A_1586 = arith.muli %scan3A_1580, %mul3A_1585 : i32
        %add3A_1587 = arith.constant 400 : i32
        %add3A_1588 = arith.addi %add3A_1587, %mul3A_1586 : i32
        %add3A_1589 = arith.constant 0 : i32
        %add3A_1590 = arith.addi %add3A_1588, %add3A_1589 : i32
        %get3A_1591 = arith.index_cast %add3A_1590 : i32 to index
        %get3A_1592 = arith.constant 0 : index
        %get3A_1593 = tpu.vector_load %arg7[%get3A_1591, %get3A_1592] {strides = array<i32>} : memref<800x64xf32, #tpu.memory_space<vmem>>, vector<16xf32>,
        %add3A_1594 = arith.addf %scan3A_1581, %get3A_1593 : vector<16xf32>
        %get3A_1595 = arith.index_cast %add3A_1590 : i32 to index
        %get3A_1596 = arith.constant 16 : index
        %get3A_1597 = tpu.vector_load %arg7[%get3A_1595, %get3A_1596] {strides = array<i32>} : memref<800x64xf32, #tpu.memory_space<vmem>>, vector<16xf32>,
        %add3A_1598 = arith.addf %scan3A_1582, %get3A_1597 : vector<16xf32>
        %get3A_1599 = arith.index_cast %add3A_1590 : i32 to index
        %get3A_1600 = arith.constant 32 : index
        %get3A_1601 = tpu.vector_load %arg7[%get3A_1599, %get3A_1600] {strides = array<i32>} : memref<800x64xf32, #tpu.memory_space<vmem>>, vector<16xf32>,
        %add3A_1602 = arith.addf %scan3A_1583, %get3A_1601 : vector<16xf32>
        %get3A_1603 = arith.index_cast %add3A_1590 : i32 to index
        %get3A_1604 = arith.constant 48 : index
        %get3A_1605 = tpu.vector_load %arg7[%get3A_1603, %get3A_1604] {strides = array<i32>} : memref<800x64xf32, #tpu.memory_space<vmem>>, vector<16xf32>,
        %add3A_1606 = arith.addf %scan3A_1584, %get3A_1605 : vector<16xf32>
        %mul3A_1607 = arith.constant 10 : i32
        %mul3A_1608 = arith.muli %scan3A_1580, %mul3A_1607 : i32
        %add3A_1609 = arith.constant 400 : i32
        %add3A_1610 = arith.addi %add3A_1609, %mul3A_1608 : i32
        %add3A_1611 = arith.constant 1 : i32
        %add3A_1612 = arith.addi %add3A_1610, %add3A_1611 : i32
        %get3A_1613 = arith.index_cast %add3A_1612 : i32 to index
        %get3A_1614 = arith.constant 0 : index
        %get3A_1615 = tpu.vector_load %arg7[%get3A_1613, %get3A_1614] {strides = array<i32>} : memref<800x64xf32, #tpu.memory_space<vmem>>, vector<16xf32>,
        %add3A_1616 = arith.addf %add3A_1594, %get3A_1615 : vector<16xf32>
        %get3A_1617 = arith.index_cast %add3A_1612 : i32 to index
        %get3A_1618 = arith.constant 16 : index
        %get3A_1619 = tpu.vector_load %arg7[%get3A_1617, %get3A_1618] {strides = array<i32>} : memref<800x64xf32, #tpu.memory_space<vmem>>, vector<16xf32>,
        %add3A_1620 = arith.addf %add3A_1598, %get3A_1619 : vector<16xf32>
        %get3A_1621 = arith.index_cast %add3A_1612 : i32 to index
        %get3A_1622 = arith.constant 32 : index
        %get3A_1623 = tpu.vector_load %arg7[%get3A_1621, %get3A_1622] {strides = array<i32>} : memref<800x64xf32, #tpu.memory_space<vmem>>, vector<16xf32>,
        %add3A_1624 = arith.addf %add3A_1602, %get3A_1623 : vector<16xf32>
        %get3A_1625 = arith.index_cast %add3A_1612 : i32 to index
        %get3A_1626 = arith.constant 48 : index
        %get3A_1627 = tpu.vector_load %arg7[%get3A_1625, %get3A_1626] {strides = array<i32>} : memref<800x64xf32, #tpu.memory_space<vmem>>, vector<16xf32>,
        %add3A_1628 = arith.addf %add3A_1606, %get3A_1627 : vector<16xf32>
        %mul3A_1629 = arith.constant 10 : i32
        %mul3A_1630 = arith.muli %scan3A_1580, %mul3A_1629 : i32
        %add3A_1631 = arith.constant 400 : i32
        %add3A_1632 = arith.addi %add3A_1631, %mul3A_1630 : i32
        %add3A_1633 = arith.constant 2 : i32
        %add3A_1634 = arith.addi %add3A_1632, %add3A_1633 : i32
        %get3A_1635 = arith.index_cast %add3A_1634 : i32 to index
        %get3A_1636 = arith.constant 0 : index
        %get3A_1637 = tpu.vector_load %arg7[%get3A_1635, %get3A_1636] {strides = array<i32>} : memref<800x64xf32, #tpu.memory_space<vmem>>, vector<16xf32>,
        %add3A_1638 = arith.addf %add3A_1616, %get3A_1637 : vector<16xf32>
        %get3A_1639 = arith.index_cast %add3A_1634 : i32 to index
        %get3A_1640 = arith.constant 16 : index
        %get3A_1641 = tpu.vector_load %arg7[%get3A_1639, %get3A_1640] {strides = array<i32>} : memref<800x64xf32, #tpu.memory_space<vmem>>, vector<16xf32>,
        %add3A_1642 = arith.addf %add3A_1620, %get3A_1641 : vector<16xf32>
        %get3A_1643 = arith.index_cast %add3A_1634 : i32 to index
        %get3A_1644 = arith.constant 32 : index
        %get3A_1645 = tpu.vector_load %arg7[%get3A_1643, %get3A_1644] {strides = array<i32>} : memref<800x64xf32, #tpu.memory_space<vmem>>, vector<16xf32>,
        %add3A_1646 = arith.addf %add3A_1624, %get3A_1645 : vector<16xf32>
        %get3A_1647 = arith.index_cast %add3A_1634 : i32 to index
        %get3A_1648 = arith.constant 48 : index
        %get3A_1649 = tpu.vector_load %arg7[%get3A_1647, %get3A_1648] {strides = array<i32>} : memref<800x64xf32, #tpu.memory_space<vmem>>, vector<16xf32>,
        %add3A_1650 = arith.addf %add3A_1628, %get3A_1649 : vector<16xf32>
        %mul3A_1651 = arith.constant 10 : i32
        %mul3A_1652 = arith.muli %scan3A_1580, %mul3A_1651 : i32
        %add3A_1653 = arith.constant 400 : i32
        %add3A_1654 = arith.addi %add3A_1653, %mul3A_1652 : i32
        %add3A_1655 = arith.constant 3 : i32
        %add3A_1656 = arith.addi %add3A_1654, %add3A_1655 : i32
        %get3A_1657 = arith.index_cast %add3A_1656 : i32 to index
        %get3A_1658 = arith.constant 0 : index
        %get3A_1659 = tpu.vector_load %arg7[%get3A_1657, %get3A_1658] {strides = array<i32>} : memref<800x64xf32, #tpu.memory_space<vmem>>, vector<16xf32>,
        %add3A_1660 = arith.addf %add3A_1638, %get3A_1659 : vector<16xf32>
        %get3A_1661 = arith.index_cast %add3A_1656 : i32 to index
        %get3A_1662 = arith.constant 16 : index
        %get3A_1663 = tpu.vector_load %arg7[%get3A_1661, %get3A_1662] {strides = array<i32>} : memref<800x64xf32, #tpu.memory_space<vmem>>, vector<16xf32>,
        %add3A_1664 = arith.addf %add3A_1642, %get3A_1663 : vector<16xf32>
        %get3A_1665 = arith.index_cast %add3A_1656 : i32 to index
        %get3A_1666 = arith.constant 32 : index
        %get3A_1667 = tpu.vector_load %arg7[%get3A_1665, %get3A_1666] {strides = array<i32>} : memref<800x64xf32, #tpu.memory_space<vmem>>, vector<16xf32>,
        %add3A_1668 = arith.addf %add3A_1646, %get3A_1667 : vector<16xf32>
        %get3A_1669 = arith.index_cast %add3A_1656 : i32 to index
        %get3A_1670 = arith.constant 48 : index
        %get3A_1671 = tpu.vector_load %arg7[%get3A_1669, %get3A_1670] {strides = array<i32>} : memref<800x64xf32, #tpu.memory_space<vmem>>, vector<16xf32>,
        %add3A_1672 = arith.addf %add3A_1650, %get3A_1671 : vector<16xf32>
        %mul3A_1673 = arith.constant 10 : i32
        %mul3A_1674 = arith.muli %scan3A_1580, %mul3A_1673 : i32
        %add3A_1675 = arith.constant 400 : i32
        %add3A_1676 = arith.addi %add3A_1675, %mul3A_1674 : i32
        %add3A_1677 = arith.constant 4 : i32
        %add3A_1678 = arith.addi %add3A_1676, %add3A_1677 : i32
        %get3A_1679 = arith.index_cast %add3A_1678 : i32 to index
        %get3A_1680 = arith.constant 0 : index
        %get3A_1681 = tpu.vector_load %arg7[%get3A_1679, %get3A_1680] {strides = array<i32>} : memref<800x64xf32, #tpu.memory_space<vmem>>, vector<16xf32>,
        %add3A_1682 = arith.addf %add3A_1660, %get3A_1681 : vector<16xf32>
        %get3A_1683 = arith.index_cast %add3A_1678 : i32 to index
        %get3A_1684 = arith.constant 16 : index
        %get3A_1685 = tpu.vector_load %arg7[%get3A_1683, %get3A_1684] {strides = array<i32>} : memref<800x64xf32, #tpu.memory_space<vmem>>, vector<16xf32>,
        %add3A_1686 = arith.addf %add3A_1664, %get3A_1685 : vector<16xf32>
        %get3A_1687 = arith.index_cast %add3A_1678 : i32 to index
        %get3A_1688 = arith.constant 32 : index
        %get3A_1689 = tpu.vector_load %arg7[%get3A_1687, %get3A_1688] {strides = array<i32>} : memref<800x64xf32, #tpu.memory_space<vmem>>, vector<16xf32>,
        %add3A_1690 = arith.addf %add3A_1668, %get3A_1689 : vector<16xf32>
        %get3A_1691 = arith.index_cast %add3A_1678 : i32 to index
        %get3A_1692 = arith.constant 48 : index
        %get3A_1693 = tpu.vector_load %arg7[%get3A_1691, %get3A_1692] {strides = array<i32>} : memref<800x64xf32, #tpu.memory_space<vmem>>, vector<16xf32>,
        %add3A_1694 = arith.addf %add3A_1672, %get3A_1693 : vector<16xf32>
        %mul3A_1695 = arith.constant 10 : i32
        %mul3A_1696 = arith.muli %scan3A_1580, %mul3A_1695 : i32
        %add3A_1697 = arith.constant 400 : i32
        %add3A_1698 = arith.addi %add3A_1697, %mul3A_1696 : i32
        %add3A_1699 = arith.constant 5 : i32
        %add3A_1700 = arith.addi %add3A_1698, %add3A_1699 : i32
        %get3A_1701 = arith.index_cast %add3A_1700 : i32 to index
        %get3A_1702 = arith.constant 0 : index
        %get3A_1703 = tpu.vector_load %arg7[%get3A_1701, %get3A_1702] {strides = array<i32>} : memref<800x64xf32, #tpu.memory_space<vmem>>, vector<16xf32>,
        %add3A_1704 = arith.addf %add3A_1682, %get3A_1703 : vector<16xf32>
        %get3A_1705 = arith.index_cast %add3A_1700 : i32 to index
        %get3A_1706 = arith.constant 16 : index
        %get3A_1707 = tpu.vector_load %arg7[%get3A_1705, %get3A_1706] {strides = array<i32>} : memref<800x64xf32, #tpu.memory_space<vmem>>, vector<16xf32>,
        %add3A_1708 = arith.addf %add3A_1686, %get3A_1707 : vector<16xf32>
        %get3A_1709 = arith.index_cast %add3A_1700 : i32 to index
        %get3A_1710 = arith.constant 32 : index
        %get3A_1711 = tpu.vector_load %arg7[%get3A_1709, %get3A_1710] {strides = array<i32>} : memref<800x64xf32, #tpu.memory_space<vmem>>, vector<16xf32>,
        %add3A_1712 = arith.addf %add3A_1690, %get3A_1711 : vector<16xf32>
        %get3A_1713 = arith.index_cast %add3A_1700 : i32 to index
        %get3A_1714 = arith.constant 48 : index
        %get3A_1715 = tpu.vector_load %arg7[%get3A_1713, %get3A_1714] {strides = array<i32>} : memref<800x64xf32, #tpu.memory_space<vmem>>, vector<16xf32>,
        %add3A_1716 = arith.addf %add3A_1694, %get3A_1715 : vector<16xf32>
        %mul3A_1717 = arith.constant 10 : i32
        %mul3A_1718 = arith.muli %scan3A_1580, %mul3A_1717 : i32
        %add3A_1719 = arith.constant 400 : i32
        %add3A_1720 = arith.addi %add3A_1719, %mul3A_1718 : i32
        %add3A_1721 = arith.constant 6 : i32
        %add3A_1722 = arith.addi %add3A_1720, %add3A_1721 : i32
        %get3A_1723 = arith.index_cast %add3A_1722 : i32 to index
        %get3A_1724 = arith.constant 0 : index
        %get3A_1725 = tpu.vector_load %arg7[%get3A_1723, %get3A_1724] {strides = array<i32>} : memref<800x64xf32, #tpu.memory_space<vmem>>, vector<16xf32>,
        %add3A_1726 = arith.addf %add3A_1704, %get3A_1725 : vector<16xf32>
        %get3A_1727 = arith.index_cast %add3A_1722 : i32 to index
        %get3A_1728 = arith.constant 16 : index
        %get3A_1729 = tpu.vector_load %arg7[%get3A_1727, %get3A_1728] {strides = array<i32>} : memref<800x64xf32, #tpu.memory_space<vmem>>, vector<16xf32>,
        %add3A_1730 = arith.addf %add3A_1708, %get3A_1729 : vector<16xf32>
        %get3A_1731 = arith.index_cast %add3A_1722 : i32 to index
        %get3A_1732 = arith.constant 32 : index
        %get3A_1733 = tpu.vector_load %arg7[%get3A_1731, %get3A_1732] {strides = array<i32>} : memref<800x64xf32, #tpu.memory_space<vmem>>, vector<16xf32>,
        %add3A_1734 = arith.addf %add3A_1712, %get3A_1733 : vector<16xf32>
        %get3A_1735 = arith.index_cast %add3A_1722 : i32 to index
        %get3A_1736 = arith.constant 48 : index
        %get3A_1737 = tpu.vector_load %arg7[%get3A_1735, %get3A_1736] {strides = array<i32>} : memref<800x64xf32, #tpu.memory_space<vmem>>, vector<16xf32>,
        %add3A_1738 = arith.addf %add3A_1716, %get3A_1737 : vector<16xf32>
        %mul3A_1739 = arith.constant 10 : i32
        %mul3A_1740 = arith.muli %scan3A_1580, %mul3A_1739 : i32
        %add3A_1741 = arith.constant 400 : i32
        %add3A_1742 = arith.addi %add3A_1741, %mul3A_1740 : i32
        %add3A_1743 = arith.constant 7 : i32
        %add3A_1744 = arith.addi %add3A_1742, %add3A_1743 : i32
        %get3A_1745 = arith.index_cast %add3A_1744 : i32 to index
        %get3A_1746 = arith.constant 0 : index
        %get3A_1747 = tpu.vector_load %arg7[%get3A_1745, %get3A_1746] {strides = array<i32>} : memref<800x64xf32, #tpu.memory_space<vmem>>, vector<16xf32>,
        %add3A_1748 = arith.addf %add3A_1726, %get3A_1747 : vector<16xf32>
        %get3A_1749 = arith.index_cast %add3A_1744 : i32 to index
        %get3A_1750 = arith.constant 16 : index
        %get3A_1751 = tpu.vector_load %arg7[%get3A_1749, %get3A_1750] {strides = array<i32>} : memref<800x64xf32, #tpu.memory_space<vmem>>, vector<16xf32>,
        %add3A_1752 = arith.addf %add3A_1730, %get3A_1751 : vector<16xf32>
        %get3A_1753 = arith.index_cast %add3A_1744 : i32 to index
        %get3A_1754 = arith.constant 32 : index
        %get3A_1755 = tpu.vector_load %arg7[%get3A_1753, %get3A_1754] {strides = array<i32>} : memref<800x64xf32, #tpu.memory_space<vmem>>, vector<16xf32>,
        %add3A_1756 = arith.addf %add3A_1734, %get3A_1755 : vector<16xf32>
        %get3A_1757 = arith.index_cast %add3A_1744 : i32 to index
        %get3A_1758 = arith.constant 48 : index
        %get3A_1759 = tpu.vector_load %arg7[%get3A_1757, %get3A_1758] {strides = array<i32>} : memref<800x64xf32, #tpu.memory_space<vmem>>, vector<16xf32>,
        %add3A_1760 = arith.addf %add3A_1738, %get3A_1759 : vector<16xf32>
        %mul3A_1761 = arith.constant 10 : i32
        %mul3A_1762 = arith.muli %scan3A_1580, %mul3A_1761 : i32
        %add3A_1763 = arith.constant 400 : i32
        %add3A_1764 = arith.addi %add3A_1763, %mul3A_1762 : i32
        %add3A_1765 = arith.constant 8 : i32
        %add3A_1766 = arith.addi %add3A_1764, %add3A_1765 : i32
        %get3A_1767 = arith.index_cast %add3A_1766 : i32 to index
        %get3A_1768 = arith.constant 0 : index
        %get3A_1769 = tpu.vector_load %arg7[%get3A_1767, %get3A_1768] {strides = array<i32>} : memref<800x64xf32, #tpu.memory_space<vmem>>, vector<16xf32>,
        %add3A_1770 = arith.addf %add3A_1748, %get3A_1769 : vector<16xf32>
        %get3A_1771 = arith.index_cast %add3A_1766 : i32 to index
        %get3A_1772 = arith.constant 16 : index
        %get3A_1773 = tpu.vector_load %arg7[%get3A_1771, %get3A_1772] {strides = array<i32>} : memref<800x64xf32, #tpu.memory_space<vmem>>, vector<16xf32>,
        %add3A_1774 = arith.addf %add3A_1752, %get3A_1773 : vector<16xf32>
        %get3A_1775 = arith.index_cast %add3A_1766 : i32 to index
        %get3A_1776 = arith.constant 32 : index
        %get3A_1777 = tpu.vector_load %arg7[%get3A_1775, %get3A_1776] {strides = array<i32>} : memref<800x64xf32, #tpu.memory_space<vmem>>, vector<16xf32>,
        %add3A_1778 = arith.addf %add3A_1756, %get3A_1777 : vector<16xf32>
        %get3A_1779 = arith.index_cast %add3A_1766 : i32 to index
        %get3A_1780 = arith.constant 48 : index
        %get3A_1781 = tpu.vector_load %arg7[%get3A_1779, %get3A_1780] {strides = array<i32>} : memref<800x64xf32, #tpu.memory_space<vmem>>, vector<16xf32>,
        %add3A_1782 = arith.addf %add3A_1760, %get3A_1781 : vector<16xf32>
        %mul3A_1783 = arith.constant 10 : i32
        %mul3A_1784 = arith.muli %scan3A_1580, %mul3A_1783 : i32
        %add3A_1785 = arith.constant 400 : i32
        %add3A_1786 = arith.addi %add3A_1785, %mul3A_1784 : i32
        %add3A_1787 = arith.constant 9 : i32
        %add3A_1788 = arith.addi %add3A_1786, %add3A_1787 : i32
        %get3A_1789 = arith.index_cast %add3A_1788 : i32 to index
        %get3A_1790 = arith.constant 0 : index
        %get3A_1791 = tpu.vector_load %arg7[%get3A_1789, %get3A_1790] {strides = array<i32>} : memref<800x64xf32, #tpu.memory_space<vmem>>, vector<16xf32>,
        %add3A_1792 = arith.addf %add3A_1770, %get3A_1791 : vector<16xf32>
        %get3A_1793 = arith.index_cast %add3A_1788 : i32 to index
        %get3A_1794 = arith.constant 16 : index
        %get3A_1795 = tpu.vector_load %arg7[%get3A_1793, %get3A_1794] {strides = array<i32>} : memref<800x64xf32, #tpu.memory_space<vmem>>, vector<16xf32>,
        %add3A_1796 = arith.addf %add3A_1774, %get3A_1795 : vector<16xf32>
        %get3A_1797 = arith.index_cast %add3A_1788 : i32 to index
        %get3A_1798 = arith.constant 32 : index
        %get3A_1799 = tpu.vector_load %arg7[%get3A_1797, %get3A_1798] {strides = array<i32>} : memref<800x64xf32, #tpu.memory_space<vmem>>, vector<16xf32>,
        %add3A_1800 = arith.addf %add3A_1778, %get3A_1799 : vector<16xf32>
        %get3A_1801 = arith.index_cast %add3A_1788 : i32 to index
        %get3A_1802 = arith.constant 48 : index
        %get3A_1803 = tpu.vector_load %arg7[%get3A_1801, %get3A_1802] {strides = array<i32>} : memref<800x64xf32, #tpu.memory_space<vmem>>, vector<16xf32>,
        %add3A_1804 = arith.addf %add3A_1782, %get3A_1803 : vector<16xf32>
        scf.yield %add3A_1792, %add3A_1796, %add3A_1800, %add3A_1804 : vector<16xf32>, vector<16xf32>, vector<16xf32>, vector<16xf32>
      }
      %scan3A_806 = arith.constant 20 : i32
      %mul3A_807 = arith.mulf %scan3A_805#0, %div3A_587 : vector<16xf32>
      %max3A_808 = arith.constant 0.000000e+00 : f32
      %max3A_809 = vector.broadcast %max3A_808 : f32 to vector<16xf32>
      %max3A_810 = arith.maximumf %mul3A_807, %max3A_809 : vector<16xf32>
      %swap3A_811 = arith.constant 2 : i32
      %swap3A_812 = arith.index_cast %swap3A_811 : i32 to index
      %swap3A_813 = arith.constant 0 : index
      %swap3A_814 = tpu.vector_load %arg9[%swap3A_812, %swap3A_813] {strides = array<i32>} : memref<4x64xf32, #tpu.memory_space<vmem>>, vector<16xf32>,
      tpu.vector_store %arg9[%swap3A_812, %swap3A_813], %max3A_810 {strides = array<i32>} : memref<4x64xf32, #tpu.memory_space<vmem>>, vector<16xf32>,
      %mul3A_815 = arith.mulf %scan3A_805#1, %div3A_587 : vector<16xf32>
      %max3A_816 = arith.constant 0.000000e+00 : f32
      %max3A_817 = vector.broadcast %max3A_816 : f32 to vector<16xf32>
      %max3A_818 = arith.maximumf %mul3A_815, %max3A_817 : vector<16xf32>
      %swap3A_819 = arith.constant 2 : i32
      %swap3A_820 = arith.index_cast %swap3A_819 : i32 to index
      %swap3A_821 = arith.constant 16 : index
      %swap3A_822 = tpu.vector_load %arg9[%swap3A_820, %swap3A_821] {strides = array<i32>} : memref<4x64xf32, #tpu.memory_space<vmem>>, vector<16xf32>,
      tpu.vector_store %arg9[%swap3A_820, %swap3A_821], %max3A_818 {strides = array<i32>} : memref<4x64xf32, #tpu.memory_space<vmem>>, vector<16xf32>,
      %mul3A_823 = arith.mulf %scan3A_805#2, %div3A_587 : vector<16xf32>
      %max3A_824 = arith.constant 0.000000e+00 : f32
      %max3A_825 = vector.broadcast %max3A_824 : f32 to vector<16xf32>
      %max3A_826 = arith.maximumf %mul3A_823, %max3A_825 : vector<16xf32>
      %swap3A_827 = arith.constant 2 : i32
      %swap3A_828 = arith.index_cast %swap3A_827 : i32 to index
      %swap3A_829 = arith.constant 32 : index
      %swap3A_830 = tpu.vector_load %arg9[%swap3A_828, %swap3A_829] {strides = array<i32>} : memref<4x64xf32, #tpu.memory_space<vmem>>, vector<16xf32>,
      tpu.vector_store %arg9[%swap3A_828, %swap3A_829], %max3A_826 {strides = array<i32>} : memref<4x64xf32, #tpu.memory_space<vmem>>, vector<16xf32>,
      %mul3A_831 = arith.mulf %scan3A_805#3, %div3A_587 : vector<16xf32>
      %max3A_832 = arith.constant 0.000000e+00 : f32
      %max3A_833 = vector.broadcast %max3A_832 : f32 to vector<16xf32>
      %max3A_834 = arith.maximumf %mul3A_831, %max3A_833 : vector<16xf32>
      %swap3A_835 = arith.constant 2 : i32
      %swap3A_836 = arith.index_cast %swap3A_835 : i32 to index
      %swap3A_837 = arith.constant 48 : index
      %swap3A_838 = tpu.vector_load %arg9[%swap3A_836, %swap3A_837] {strides = array<i32>} : memref<4x64xf32, #tpu.memory_space<vmem>>, vector<16xf32>,
      tpu.vector_store %arg9[%swap3A_836, %swap3A_837], %max3A_834 {strides = array<i32>} : memref<4x64xf32, #tpu.memory_space<vmem>>, vector<16xf32>,
      %scan3A_839 = arith.constant 0 : i32
      %scan3A_840 = arith.constant 20 : i32
      %scan3A_841 = arith.addi %scan3A_839, %scan3A_840 : i32
      %scan3A_842 = arith.constant 1 : i32
      %scan3A_843:4 = scf.for %scan3A_1580 = %scan3A_839 to %scan3A_841 step %scan3A_842 iter_args(%scan3A_1581 = %broadcast_in_dim3A_726, %scan3A_1582 = %broadcast_in_dim3A_726, %scan3A_1583 = %broadcast_in_dim3A_726, %scan3A_1584 = %broadcast_in_dim3A_726) -> (vector<16xf32>, vector<16xf32>, vector<16xf32>, vector<16xf32>)  : i32 {
        %mul3A_1585 = arith.constant 10 : i32
        %mul3A_1586 = arith.muli %scan3A_1580, %mul3A_1585 : i32
        %add3A_1587 = arith.constant 600 : i32
        %add3A_1588 = arith.addi %add3A_1587, %mul3A_1586 : i32
        %add3A_1589 = arith.constant 0 : i32
        %add3A_1590 = arith.addi %add3A_1588, %add3A_1589 : i32
        %get3A_1591 = arith.index_cast %add3A_1590 : i32 to index
        %get3A_1592 = arith.constant 0 : index
        %get3A_1593 = tpu.vector_load %arg7[%get3A_1591, %get3A_1592] {strides = array<i32>} : memref<800x64xf32, #tpu.memory_space<vmem>>, vector<16xf32>,
        %add3A_1594 = arith.addf %scan3A_1581, %get3A_1593 : vector<16xf32>
        %get3A_1595 = arith.index_cast %add3A_1590 : i32 to index
        %get3A_1596 = arith.constant 16 : index
        %get3A_1597 = tpu.vector_load %arg7[%get3A_1595, %get3A_1596] {strides = array<i32>} : memref<800x64xf32, #tpu.memory_space<vmem>>, vector<16xf32>,
        %add3A_1598 = arith.addf %scan3A_1582, %get3A_1597 : vector<16xf32>
        %get3A_1599 = arith.index_cast %add3A_1590 : i32 to index
        %get3A_1600 = arith.constant 32 : index
        %get3A_1601 = tpu.vector_load %arg7[%get3A_1599, %get3A_1600] {strides = array<i32>} : memref<800x64xf32, #tpu.memory_space<vmem>>, vector<16xf32>,
        %add3A_1602 = arith.addf %scan3A_1583, %get3A_1601 : vector<16xf32>
        %get3A_1603 = arith.index_cast %add3A_1590 : i32 to index
        %get3A_1604 = arith.constant 48 : index
        %get3A_1605 = tpu.vector_load %arg7[%get3A_1603, %get3A_1604] {strides = array<i32>} : memref<800x64xf32, #tpu.memory_space<vmem>>, vector<16xf32>,
        %add3A_1606 = arith.addf %scan3A_1584, %get3A_1605 : vector<16xf32>
        %mul3A_1607 = arith.constant 10 : i32
        %mul3A_1608 = arith.muli %scan3A_1580, %mul3A_1607 : i32
        %add3A_1609 = arith.constant 600 : i32
        %add3A_1610 = arith.addi %add3A_1609, %mul3A_1608 : i32
        %add3A_1611 = arith.constant 1 : i32
        %add3A_1612 = arith.addi %add3A_1610, %add3A_1611 : i32
        %get3A_1613 = arith.index_cast %add3A_1612 : i32 to index
        %get3A_1614 = arith.constant 0 : index
        %get3A_1615 = tpu.vector_load %arg7[%get3A_1613, %get3A_1614] {strides = array<i32>} : memref<800x64xf32, #tpu.memory_space<vmem>>, vector<16xf32>,
        %add3A_1616 = arith.addf %add3A_1594, %get3A_1615 : vector<16xf32>
        %get3A_1617 = arith.index_cast %add3A_1612 : i32 to index
        %get3A_1618 = arith.constant 16 : index
        %get3A_1619 = tpu.vector_load %arg7[%get3A_1617, %get3A_1618] {strides = array<i32>} : memref<800x64xf32, #tpu.memory_space<vmem>>, vector<16xf32>,
        %add3A_1620 = arith.addf %add3A_1598, %get3A_1619 : vector<16xf32>
        %get3A_1621 = arith.index_cast %add3A_1612 : i32 to index
        %get3A_1622 = arith.constant 32 : index
        %get3A_1623 = tpu.vector_load %arg7[%get3A_1621, %get3A_1622] {strides = array<i32>} : memref<800x64xf32, #tpu.memory_space<vmem>>, vector<16xf32>,
        %add3A_1624 = arith.addf %add3A_1602, %get3A_1623 : vector<16xf32>
        %get3A_1625 = arith.index_cast %add3A_1612 : i32 to index
        %get3A_1626 = arith.constant 48 : index
        %get3A_1627 = tpu.vector_load %arg7[%get3A_1625, %get3A_1626] {strides = array<i32>} : memref<800x64xf32, #tpu.memory_space<vmem>>, vector<16xf32>,
        %add3A_1628 = arith.addf %add3A_1606, %get3A_1627 : vector<16xf32>
        %mul3A_1629 = arith.constant 10 : i32
        %mul3A_1630 = arith.muli %scan3A_1580, %mul3A_1629 : i32
        %add3A_1631 = arith.constant 600 : i32
        %add3A_1632 = arith.addi %add3A_1631, %mul3A_1630 : i32
        %add3A_1633 = arith.constant 2 : i32
        %add3A_1634 = arith.addi %add3A_1632, %add3A_1633 : i32
        %get3A_1635 = arith.index_cast %add3A_1634 : i32 to index
        %get3A_1636 = arith.constant 0 : index
        %get3A_1637 = tpu.vector_load %arg7[%get3A_1635, %get3A_1636] {strides = array<i32>} : memref<800x64xf32, #tpu.memory_space<vmem>>, vector<16xf32>,
        %add3A_1638 = arith.addf %add3A_1616, %get3A_1637 : vector<16xf32>
        %get3A_1639 = arith.index_cast %add3A_1634 : i32 to index
        %get3A_1640 = arith.constant 16 : index
        %get3A_1641 = tpu.vector_load %arg7[%get3A_1639, %get3A_1640] {strides = array<i32>} : memref<800x64xf32, #tpu.memory_space<vmem>>, vector<16xf32>,
        %add3A_1642 = arith.addf %add3A_1620, %get3A_1641 : vector<16xf32>
        %get3A_1643 = arith.index_cast %add3A_1634 : i32 to index
        %get3A_1644 = arith.constant 32 : index
        %get3A_1645 = tpu.vector_load %arg7[%get3A_1643, %get3A_1644] {strides = array<i32>} : memref<800x64xf32, #tpu.memory_space<vmem>>, vector<16xf32>,
        %add3A_1646 = arith.addf %add3A_1624, %get3A_1645 : vector<16xf32>
        %get3A_1647 = arith.index_cast %add3A_1634 : i32 to index
        %get3A_1648 = arith.constant 48 : index
        %get3A_1649 = tpu.vector_load %arg7[%get3A_1647, %get3A_1648] {strides = array<i32>} : memref<800x64xf32, #tpu.memory_space<vmem>>, vector<16xf32>,
        %add3A_1650 = arith.addf %add3A_1628, %get3A_1649 : vector<16xf32>
        %mul3A_1651 = arith.constant 10 : i32
        %mul3A_1652 = arith.muli %scan3A_1580, %mul3A_1651 : i32
        %add3A_1653 = arith.constant 600 : i32
        %add3A_1654 = arith.addi %add3A_1653, %mul3A_1652 : i32
        %add3A_1655 = arith.constant 3 : i32
        %add3A_1656 = arith.addi %add3A_1654, %add3A_1655 : i32
        %get3A_1657 = arith.index_cast %add3A_1656 : i32 to index
        %get3A_1658 = arith.constant 0 : index
        %get3A_1659 = tpu.vector_load %arg7[%get3A_1657, %get3A_1658] {strides = array<i32>} : memref<800x64xf32, #tpu.memory_space<vmem>>, vector<16xf32>,
        %add3A_1660 = arith.addf %add3A_1638, %get3A_1659 : vector<16xf32>
        %get3A_1661 = arith.index_cast %add3A_1656 : i32 to index
        %get3A_1662 = arith.constant 16 : index
        %get3A_1663 = tpu.vector_load %arg7[%get3A_1661, %get3A_1662] {strides = array<i32>} : memref<800x64xf32, #tpu.memory_space<vmem>>, vector<16xf32>,
        %add3A_1664 = arith.addf %add3A_1642, %get3A_1663 : vector<16xf32>
        %get3A_1665 = arith.index_cast %add3A_1656 : i32 to index
        %get3A_1666 = arith.constant 32 : index
        %get3A_1667 = tpu.vector_load %arg7[%get3A_1665, %get3A_1666] {strides = array<i32>} : memref<800x64xf32, #tpu.memory_space<vmem>>, vector<16xf32>,
        %add3A_1668 = arith.addf %add3A_1646, %get3A_1667 : vector<16xf32>
        %get3A_1669 = arith.index_cast %add3A_1656 : i32 to index
        %get3A_1670 = arith.constant 48 : index
        %get3A_1671 = tpu.vector_load %arg7[%get3A_1669, %get3A_1670] {strides = array<i32>} : memref<800x64xf32, #tpu.memory_space<vmem>>, vector<16xf32>,
        %add3A_1672 = arith.addf %add3A_1650, %get3A_1671 : vector<16xf32>
        %mul3A_1673 = arith.constant 10 : i32
        %mul3A_1674 = arith.muli %scan3A_1580, %mul3A_1673 : i32
        %add3A_1675 = arith.constant 600 : i32
        %add3A_1676 = arith.addi %add3A_1675, %mul3A_1674 : i32
        %add3A_1677 = arith.constant 4 : i32
        %add3A_1678 = arith.addi %add3A_1676, %add3A_1677 : i32
        %get3A_1679 = arith.index_cast %add3A_1678 : i32 to index
        %get3A_1680 = arith.constant 0 : index
        %get3A_1681 = tpu.vector_load %arg7[%get3A_1679, %get3A_1680] {strides = array<i32>} : memref<800x64xf32, #tpu.memory_space<vmem>>, vector<16xf32>,
        %add3A_1682 = arith.addf %add3A_1660, %get3A_1681 : vector<16xf32>
        %get3A_1683 = arith.index_cast %add3A_1678 : i32 to index
        %get3A_1684 = arith.constant 16 : index
        %get3A_1685 = tpu.vector_load %arg7[%get3A_1683, %get3A_1684] {strides = array<i32>} : memref<800x64xf32, #tpu.memory_space<vmem>>, vector<16xf32>,
        %add3A_1686 = arith.addf %add3A_1664, %get3A_1685 : vector<16xf32>
        %get3A_1687 = arith.index_cast %add3A_1678 : i32 to index
        %get3A_1688 = arith.constant 32 : index
        %get3A_1689 = tpu.vector_load %arg7[%get3A_1687, %get3A_1688] {strides = array<i32>} : memref<800x64xf32, #tpu.memory_space<vmem>>, vector<16xf32>,
        %add3A_1690 = arith.addf %add3A_1668, %get3A_1689 : vector<16xf32>
        %get3A_1691 = arith.index_cast %add3A_1678 : i32 to index
        %get3A_1692 = arith.constant 48 : index
        %get3A_1693 = tpu.vector_load %arg7[%get3A_1691, %get3A_1692] {strides = array<i32>} : memref<800x64xf32, #tpu.memory_space<vmem>>, vector<16xf32>,
        %add3A_1694 = arith.addf %add3A_1672, %get3A_1693 : vector<16xf32>
        %mul3A_1695 = arith.constant 10 : i32
        %mul3A_1696 = arith.muli %scan3A_1580, %mul3A_1695 : i32
        %add3A_1697 = arith.constant 600 : i32
        %add3A_1698 = arith.addi %add3A_1697, %mul3A_1696 : i32
        %add3A_1699 = arith.constant 5 : i32
        %add3A_1700 = arith.addi %add3A_1698, %add3A_1699 : i32
        %get3A_1701 = arith.index_cast %add3A_1700 : i32 to index
        %get3A_1702 = arith.constant 0 : index
        %get3A_1703 = tpu.vector_load %arg7[%get3A_1701, %get3A_1702] {strides = array<i32>} : memref<800x64xf32, #tpu.memory_space<vmem>>, vector<16xf32>,
        %add3A_1704 = arith.addf %add3A_1682, %get3A_1703 : vector<16xf32>
        %get3A_1705 = arith.index_cast %add3A_1700 : i32 to index
        %get3A_1706 = arith.constant 16 : index
        %get3A_1707 = tpu.vector_load %arg7[%get3A_1705, %get3A_1706] {strides = array<i32>} : memref<800x64xf32, #tpu.memory_space<vmem>>, vector<16xf32>,
        %add3A_1708 = arith.addf %add3A_1686, %get3A_1707 : vector<16xf32>
        %get3A_1709 = arith.index_cast %add3A_1700 : i32 to index
        %get3A_1710 = arith.constant 32 : index
        %get3A_1711 = tpu.vector_load %arg7[%get3A_1709, %get3A_1710] {strides = array<i32>} : memref<800x64xf32, #tpu.memory_space<vmem>>, vector<16xf32>,
        %add3A_1712 = arith.addf %add3A_1690, %get3A_1711 : vector<16xf32>
        %get3A_1713 = arith.index_cast %add3A_1700 : i32 to index
        %get3A_1714 = arith.constant 48 : index
        %get3A_1715 = tpu.vector_load %arg7[%get3A_1713, %get3A_1714] {strides = array<i32>} : memref<800x64xf32, #tpu.memory_space<vmem>>, vector<16xf32>,
        %add3A_1716 = arith.addf %add3A_1694, %get3A_1715 : vector<16xf32>
        %mul3A_1717 = arith.constant 10 : i32
        %mul3A_1718 = arith.muli %scan3A_1580, %mul3A_1717 : i32
        %add3A_1719 = arith.constant 600 : i32
        %add3A_1720 = arith.addi %add3A_1719, %mul3A_1718 : i32
        %add3A_1721 = arith.constant 6 : i32
        %add3A_1722 = arith.addi %add3A_1720, %add3A_1721 : i32
        %get3A_1723 = arith.index_cast %add3A_1722 : i32 to index
        %get3A_1724 = arith.constant 0 : index
        %get3A_1725 = tpu.vector_load %arg7[%get3A_1723, %get3A_1724] {strides = array<i32>} : memref<800x64xf32, #tpu.memory_space<vmem>>, vector<16xf32>,
        %add3A_1726 = arith.addf %add3A_1704, %get3A_1725 : vector<16xf32>
        %get3A_1727 = arith.index_cast %add3A_1722 : i32 to index
        %get3A_1728 = arith.constant 16 : index
        %get3A_1729 = tpu.vector_load %arg7[%get3A_1727, %get3A_1728] {strides = array<i32>} : memref<800x64xf32, #tpu.memory_space<vmem>>, vector<16xf32>,
        %add3A_1730 = arith.addf %add3A_1708, %get3A_1729 : vector<16xf32>
        %get3A_1731 = arith.index_cast %add3A_1722 : i32 to index
        %get3A_1732 = arith.constant 32 : index
        %get3A_1733 = tpu.vector_load %arg7[%get3A_1731, %get3A_1732] {strides = array<i32>} : memref<800x64xf32, #tpu.memory_space<vmem>>, vector<16xf32>,
        %add3A_1734 = arith.addf %add3A_1712, %get3A_1733 : vector<16xf32>
        %get3A_1735 = arith.index_cast %add3A_1722 : i32 to index
        %get3A_1736 = arith.constant 48 : index
        %get3A_1737 = tpu.vector_load %arg7[%get3A_1735, %get3A_1736] {strides = array<i32>} : memref<800x64xf32, #tpu.memory_space<vmem>>, vector<16xf32>,
        %add3A_1738 = arith.addf %add3A_1716, %get3A_1737 : vector<16xf32>
        %mul3A_1739 = arith.constant 10 : i32
        %mul3A_1740 = arith.muli %scan3A_1580, %mul3A_1739 : i32
        %add3A_1741 = arith.constant 600 : i32
        %add3A_1742 = arith.addi %add3A_1741, %mul3A_1740 : i32
        %add3A_1743 = arith.constant 7 : i32
        %add3A_1744 = arith.addi %add3A_1742, %add3A_1743 : i32
        %get3A_1745 = arith.index_cast %add3A_1744 : i32 to index
        %get3A_1746 = arith.constant 0 : index
        %get3A_1747 = tpu.vector_load %arg7[%get3A_1745, %get3A_1746] {strides = array<i32>} : memref<800x64xf32, #tpu.memory_space<vmem>>, vector<16xf32>,
        %add3A_1748 = arith.addf %add3A_1726, %get3A_1747 : vector<16xf32>
        %get3A_1749 = arith.index_cast %add3A_1744 : i32 to index
        %get3A_1750 = arith.constant 16 : index
        %get3A_1751 = tpu.vector_load %arg7[%get3A_1749, %get3A_1750] {strides = array<i32>} : memref<800x64xf32, #tpu.memory_space<vmem>>, vector<16xf32>,
        %add3A_1752 = arith.addf %add3A_1730, %get3A_1751 : vector<16xf32>
        %get3A_1753 = arith.index_cast %add3A_1744 : i32 to index
        %get3A_1754 = arith.constant 32 : index
        %get3A_1755 = tpu.vector_load %arg7[%get3A_1753, %get3A_1754] {strides = array<i32>} : memref<800x64xf32, #tpu.memory_space<vmem>>, vector<16xf32>,
        %add3A_1756 = arith.addf %add3A_1734, %get3A_1755 : vector<16xf32>
        %get3A_1757 = arith.index_cast %add3A_1744 : i32 to index
        %get3A_1758 = arith.constant 48 : index
        %get3A_1759 = tpu.vector_load %arg7[%get3A_1757, %get3A_1758] {strides = array<i32>} : memref<800x64xf32, #tpu.memory_space<vmem>>, vector<16xf32>,
        %add3A_1760 = arith.addf %add3A_1738, %get3A_1759 : vector<16xf32>
        %mul3A_1761 = arith.constant 10 : i32
        %mul3A_1762 = arith.muli %scan3A_1580, %mul3A_1761 : i32
        %add3A_1763 = arith.constant 600 : i32
        %add3A_1764 = arith.addi %add3A_1763, %mul3A_1762 : i32
        %add3A_1765 = arith.constant 8 : i32
        %add3A_1766 = arith.addi %add3A_1764, %add3A_1765 : i32
        %get3A_1767 = arith.index_cast %add3A_1766 : i32 to index
        %get3A_1768 = arith.constant 0 : index
        %get3A_1769 = tpu.vector_load %arg7[%get3A_1767, %get3A_1768] {strides = array<i32>} : memref<800x64xf32, #tpu.memory_space<vmem>>, vector<16xf32>,
        %add3A_1770 = arith.addf %add3A_1748, %get3A_1769 : vector<16xf32>
        %get3A_1771 = arith.index_cast %add3A_1766 : i32 to index
        %get3A_1772 = arith.constant 16 : index
        %get3A_1773 = tpu.vector_load %arg7[%get3A_1771, %get3A_1772] {strides = array<i32>} : memref<800x64xf32, #tpu.memory_space<vmem>>, vector<16xf32>,
        %add3A_1774 = arith.addf %add3A_1752, %get3A_1773 : vector<16xf32>
        %get3A_1775 = arith.index_cast %add3A_1766 : i32 to index
        %get3A_1776 = arith.constant 32 : index
        %get3A_1777 = tpu.vector_load %arg7[%get3A_1775, %get3A_1776] {strides = array<i32>} : memref<800x64xf32, #tpu.memory_space<vmem>>, vector<16xf32>,
        %add3A_1778 = arith.addf %add3A_1756, %get3A_1777 : vector<16xf32>
        %get3A_1779 = arith.index_cast %add3A_1766 : i32 to index
        %get3A_1780 = arith.constant 48 : index
        %get3A_1781 = tpu.vector_load %arg7[%get3A_1779, %get3A_1780] {strides = array<i32>} : memref<800x64xf32, #tpu.memory_space<vmem>>, vector<16xf32>,
        %add3A_1782 = arith.addf %add3A_1760, %get3A_1781 : vector<16xf32>
        %mul3A_1783 = arith.constant 10 : i32
        %mul3A_1784 = arith.muli %scan3A_1580, %mul3A_1783 : i32
        %add3A_1785 = arith.constant 600 : i32
        %add3A_1786 = arith.addi %add3A_1785, %mul3A_1784 : i32
        %add3A_1787 = arith.constant 9 : i32
        %add3A_1788 = arith.addi %add3A_1786, %add3A_1787 : i32
        %get3A_1789 = arith.index_cast %add3A_1788 : i32 to index
        %get3A_1790 = arith.constant 0 : index
        %get3A_1791 = tpu.vector_load %arg7[%get3A_1789, %get3A_1790] {strides = array<i32>} : memref<800x64xf32, #tpu.memory_space<vmem>>, vector<16xf32>,
        %add3A_1792 = arith.addf %add3A_1770, %get3A_1791 : vector<16xf32>
        %get3A_1793 = arith.index_cast %add3A_1788 : i32 to index
        %get3A_1794 = arith.constant 16 : index
        %get3A_1795 = tpu.vector_load %arg7[%get3A_1793, %get3A_1794] {strides = array<i32>} : memref<800x64xf32, #tpu.memory_space<vmem>>, vector<16xf32>,
        %add3A_1796 = arith.addf %add3A_1774, %get3A_1795 : vector<16xf32>
        %get3A_1797 = arith.index_cast %add3A_1788 : i32 to index
        %get3A_1798 = arith.constant 32 : index
        %get3A_1799 = tpu.vector_load %arg7[%get3A_1797, %get3A_1798] {strides = array<i32>} : memref<800x64xf32, #tpu.memory_space<vmem>>, vector<16xf32>,
        %add3A_1800 = arith.addf %add3A_1778, %get3A_1799 : vector<16xf32>
        %get3A_1801 = arith.index_cast %add3A_1788 : i32 to index
        %get3A_1802 = arith.constant 48 : index
        %get3A_1803 = tpu.vector_load %arg7[%get3A_1801, %get3A_1802] {strides = array<i32>} : memref<800x64xf32, #tpu.memory_space<vmem>>, vector<16xf32>,
        %add3A_1804 = arith.addf %add3A_1782, %get3A_1803 : vector<16xf32>
        scf.yield %add3A_1792, %add3A_1796, %add3A_1800, %add3A_1804 : vector<16xf32>, vector<16xf32>, vector<16xf32>, vector<16xf32>
      }
      %scan3A_844 = arith.constant 20 : i32
      %mul3A_845 = arith.mulf %scan3A_843#0, %div3A_714 : vector<16xf32>
      %max3A_846 = arith.constant 0.000000e+00 : f32
      %max3A_847 = vector.broadcast %max3A_846 : f32 to vector<16xf32>
      %max3A_848 = arith.maximumf %mul3A_845, %max3A_847 : vector<16xf32>
      %swap3A_849 = arith.constant 3 : i32
      %swap3A_850 = arith.index_cast %swap3A_849 : i32 to index
      %swap3A_851 = arith.constant 0 : index
      %swap3A_852 = tpu.vector_load %arg9[%swap3A_850, %swap3A_851] {strides = array<i32>} : memref<4x64xf32, #tpu.memory_space<vmem>>, vector<16xf32>,
      tpu.vector_store %arg9[%swap3A_850, %swap3A_851], %max3A_848 {strides = array<i32>} : memref<4x64xf32, #tpu.memory_space<vmem>>, vector<16xf32>,
      %mul3A_853 = arith.mulf %scan3A_843#1, %div3A_714 : vector<16xf32>
      %max3A_854 = arith.constant 0.000000e+00 : f32
      %max3A_855 = vector.broadcast %max3A_854 : f32 to vector<16xf32>
      %max3A_856 = arith.maximumf %mul3A_853, %max3A_855 : vector<16xf32>
      %swap3A_857 = arith.constant 3 : i32
      %swap3A_858 = arith.index_cast %swap3A_857 : i32 to index
      %swap3A_859 = arith.constant 16 : index
      %swap3A_860 = tpu.vector_load %arg9[%swap3A_858, %swap3A_859] {strides = array<i32>} : memref<4x64xf32, #tpu.memory_space<vmem>>, vector<16xf32>,
      tpu.vector_store %arg9[%swap3A_858, %swap3A_859], %max3A_856 {strides = array<i32>} : memref<4x64xf32, #tpu.memory_space<vmem>>, vector<16xf32>,
      %mul3A_861 = arith.mulf %scan3A_843#2, %div3A_714 : vector<16xf32>
      %max3A_862 = arith.constant 0.000000e+00 : f32
      %max3A_863 = vector.broadcast %max3A_862 : f32 to vector<16xf32>
      %max3A_864 = arith.maximumf %mul3A_861, %max3A_863 : vector<16xf32>
      %swap3A_865 = arith.constant 3 : i32
      %swap3A_866 = arith.index_cast %swap3A_865 : i32 to index
      %swap3A_867 = arith.constant 32 : index
      %swap3A_868 = tpu.vector_load %arg9[%swap3A_866, %swap3A_867] {strides = array<i32>} : memref<4x64xf32, #tpu.memory_space<vmem>>, vector<16xf32>,
      tpu.vector_store %arg9[%swap3A_866, %swap3A_867], %max3A_864 {strides = array<i32>} : memref<4x64xf32, #tpu.memory_space<vmem>>, vector<16xf32>,
      %mul3A_869 = arith.mulf %scan3A_843#3, %div3A_714 : vector<16xf32>
      %max3A_870 = arith.constant 0.000000e+00 : f32
      %max3A_871 = vector.broadcast %max3A_870 : f32 to vector<16xf32>
      %max3A_872 = arith.maximumf %mul3A_869, %max3A_871 : vector<16xf32>
      %swap3A_873 = arith.constant 3 : i32
      %swap3A_874 = arith.index_cast %swap3A_873 : i32 to index
      %swap3A_875 = arith.constant 48 : index
      %swap3A_876 = tpu.vector_load %arg9[%swap3A_874, %swap3A_875] {strides = array<i32>} : memref<4x64xf32, #tpu.memory_space<vmem>>, vector<16xf32>,
      tpu.vector_store %arg9[%swap3A_874, %swap3A_875], %max3A_872 {strides = array<i32>} : memref<4x64xf32, #tpu.memory_space<vmem>>, vector<16xf32>,
      %mul3A_877 = arith.constant 4 : i32
      %mul3A_878 = arith.muli %mul3A_120, %mul3A_877 : i32
      %add3A_879 = arith.addi %mul3A_2, %mul3A_878 : i32
      %dma_start3A_880 = arith.constant 0 : i32
      %dma_start3A_881 = tpu.memref_slice %arg4[%add3A_879, %dma_start3A_880] : memref<16384x64xf32, #tpu.memory_space<hbm>> -> memref<4x64xf32, #tpu.memory_space<hbm>>
      %dma_start3A_882 = arith.constant 0 : i32
      %dma_start3A_883 = tpu.memref_slice %arg4[%add3A_879, %dma_start3A_882] : memref<16384x64xf32, #tpu.memory_space<hbm>> -> memref<4x64xf32, #tpu.memory_space<hbm>>
      tpu.enqueue_dma source(%arg9 : memref<4x64xf32, #tpu.memory_space<vmem>>) target(%dma_start3A_883 : memref<4x64xf32, #tpu.memory_space<hbm>>) target_semaphore(%arg15 : memref<!tpu.dma_semaphore, #tpu.memory_space<semaphore_mem>>)
      %add3A_884 = arith.constant 2 : i32
      %add3A_885 = arith.addi %mul3A_120, %add3A_884 : i32
      %lt3A_886 = arith.constant 128 : i32
      %lt3A_887 = arith.cmpi slt, %add3A_885, %lt3A_886 : i32
      %convert_element_type3A_888 = arith.extui %lt3A_887 : i1 to i32
      %cond3A_889 = arith.constant 0 : i32
      %cond3A_890 = arith.cmpi ne, %convert_element_type3A_888, %cond3A_889 : i32
      scf.if %cond3A_890 {
        %dma_wait3A_1580 = arith.constant 0 : i32
        %dma_wait3A_1581 = arith.constant 0 : i32
        %dma_wait3A_1582 = tpu.memref_slice %arg2[%dma_wait3A_1580, %dma_wait3A_1581] : memref<16384x200xi32, #tpu.memory_space<hbm>> -> memref<4x200xi32, #tpu.memory_space<hbm>>
        %dma_wait3A_1583 = arith.constant 0 : i32
        %dma_wait3A_1584 = arith.constant 0 : i32
        %dma_wait3A_1585 = tpu.memref_slice %arg2[%dma_wait3A_1583, %dma_wait3A_1584] : memref<16384x200xi32, #tpu.memory_space<hbm>> -> memref<4x200xi32, #tpu.memory_space<hbm>>
        tpu.wait_dma2 semaphore(%arg11 : memref<!tpu.dma_semaphore, #tpu.memory_space<semaphore_mem>>) src(%dma_wait3A_1585 : memref<4x200xi32, #tpu.memory_space<hbm>>) dst(%arg5 : memref<4x200xi32, #tpu.memory_space<vmem>>)
        %dma_start3A_1586 = arith.constant 0 : i32
        %dma_start3A_1587 = arith.constant 0 : i32
        %dma_start3A_1588 = arith.constant 0 : i32
        %dma_start3A_1589 = tpu.memref_slice %arg7[%dma_start3A_1587, %dma_start3A_1588] : memref<800x64xf32, #tpu.memory_space<vmem>> -> memref<104x64xf32, #tpu.memory_space<vmem>>
        %dma_start3A_1590 = arith.constant 0 : i32
        %dma_start3A_1591 = tpu.memref_slice %arg5[%dma_start3A_1586, %dma_start3A_1590] : memref<4x200xi32, #tpu.memory_space<vmem>> -> memref<1x104xi32, #tpu.memory_space<vmem>>
        %dma_start3A_1592 = tpu.memref_squeeze %dma_start3A_1591 : memref<1x104xi32, #tpu.memory_space<vmem>> -> memref<104xi32, #tpu.memory_space<vmem>>
        %dma_start3A_1593 = arith.constant 0 : i32
        %dma_start3A_1594 = arith.constant 0 : i32
        %dma_start3A_1595 = tpu.memref_slice %arg3[%dma_start3A_1593, %dma_start3A_1594] : memref<1000000x64xf32, #tpu.memory_space<hbm>> -> memref<1000000x64xf32, #tpu.memory_space<hbm>>
        tpu.enqueue_indirect_dma source(%dma_start3A_1595 : memref<1000000x64xf32, #tpu.memory_space<hbm>>) target(%dma_start3A_1589 : memref<104x64xf32, #tpu.memory_space<vmem>>) offsets(%dma_start3A_1592 : memref<104xi32, #tpu.memory_space<vmem>>) semaphore(%arg13 : memref<!tpu.dma_semaphore, #tpu.memory_space<semaphore_mem>>)
        %dma_start3A_1596 = arith.constant 0 : i32
        %dma_start3A_1597 = arith.constant 104 : i32
        %dma_start3A_1598 = arith.constant 0 : i32
        %dma_start3A_1599 = tpu.memref_slice %arg7[%dma_start3A_1597, %dma_start3A_1598] : memref<800x64xf32, #tpu.memory_space<vmem>> -> memref<96x64xf32, #tpu.memory_space<vmem>>
        %dma_start3A_1600 = arith.constant 104 : i32
        %dma_start3A_1601 = tpu.memref_slice %arg5[%dma_start3A_1596, %dma_start3A_1600] : memref<4x200xi32, #tpu.memory_space<vmem>> -> memref<1x96xi32, #tpu.memory_space<vmem>>
        %dma_start3A_1602 = tpu.memref_squeeze %dma_start3A_1601 : memref<1x96xi32, #tpu.memory_space<vmem>> -> memref<96xi32, #tpu.memory_space<vmem>>
        %dma_start3A_1603 = arith.constant 0 : i32
        %dma_start3A_1604 = arith.constant 0 : i32
        %dma_start3A_1605 = tpu.memref_slice %arg3[%dma_start3A_1603, %dma_start3A_1604] : memref<1000000x64xf32, #tpu.memory_space<hbm>> -> memref<1000000x64xf32, #tpu.memory_space<hbm>>
        tpu.enqueue_indirect_dma source(%dma_start3A_1605 : memref<1000000x64xf32, #tpu.memory_space<hbm>>) target(%dma_start3A_1599 : memref<96x64xf32, #tpu.memory_space<vmem>>) offsets(%dma_start3A_1602 : memref<96xi32, #tpu.memory_space<vmem>>) semaphore(%arg13 : memref<!tpu.dma_semaphore, #tpu.memory_space<semaphore_mem>>)
        %dma_start3A_1606 = arith.constant 1 : i32
        %dma_start3A_1607 = arith.constant 200 : i32
        %dma_start3A_1608 = arith.constant 0 : i32
        %dma_start3A_1609 = tpu.memref_slice %arg7[%dma_start3A_1607, %dma_start3A_1608] : memref<800x64xf32, #tpu.memory_space<vmem>> -> memref<104x64xf32, #tpu.memory_space<vmem>>
        %dma_start3A_1610 = arith.constant 0 : i32
        %dma_start3A_1611 = tpu.memref_slice %arg5[%dma_start3A_1606, %dma_start3A_1610] : memref<4x200xi32, #tpu.memory_space<vmem>> -> memref<1x104xi32, #tpu.memory_space<vmem>>
        %dma_start3A_1612 = tpu.memref_squeeze %dma_start3A_1611 : memref<1x104xi32, #tpu.memory_space<vmem>> -> memref<104xi32, #tpu.memory_space<vmem>>
        %dma_start3A_1613 = arith.constant 0 : i32
        %dma_start3A_1614 = arith.constant 0 : i32
        %dma_start3A_1615 = tpu.memref_slice %arg3[%dma_start3A_1613, %dma_start3A_1614] : memref<1000000x64xf32, #tpu.memory_space<hbm>> -> memref<1000000x64xf32, #tpu.memory_space<hbm>>
        tpu.enqueue_indirect_dma source(%dma_start3A_1615 : memref<1000000x64xf32, #tpu.memory_space<hbm>>) target(%dma_start3A_1609 : memref<104x64xf32, #tpu.memory_space<vmem>>) offsets(%dma_start3A_1612 : memref<104xi32, #tpu.memory_space<vmem>>) semaphore(%arg13 : memref<!tpu.dma_semaphore, #tpu.memory_space<semaphore_mem>>)
        %dma_start3A_1616 = arith.constant 1 : i32
        %dma_start3A_1617 = arith.constant 304 : i32
        %dma_start3A_1618 = arith.constant 0 : i32
        %dma_start3A_1619 = tpu.memref_slice %arg7[%dma_start3A_1617, %dma_start3A_1618] : memref<800x64xf32, #tpu.memory_space<vmem>> -> memref<96x64xf32, #tpu.memory_space<vmem>>
        %dma_start3A_1620 = arith.constant 104 : i32
        %dma_start3A_1621 = tpu.memref_slice %arg5[%dma_start3A_1616, %dma_start3A_1620] : memref<4x200xi32, #tpu.memory_space<vmem>> -> memref<1x96xi32, #tpu.memory_space<vmem>>
        %dma_start3A_1622 = tpu.memref_squeeze %dma_start3A_1621 : memref<1x96xi32, #tpu.memory_space<vmem>> -> memref<96xi32, #tpu.memory_space<vmem>>
        %dma_start3A_1623 = arith.constant 0 : i32
        %dma_start3A_1624 = arith.constant 0 : i32
        %dma_start3A_1625 = tpu.memref_slice %arg3[%dma_start3A_1623, %dma_start3A_1624] : memref<1000000x64xf32, #tpu.memory_space<hbm>> -> memref<1000000x64xf32, #tpu.memory_space<hbm>>
        tpu.enqueue_indirect_dma source(%dma_start3A_1625 : memref<1000000x64xf32, #tpu.memory_space<hbm>>) target(%dma_start3A_1619 : memref<96x64xf32, #tpu.memory_space<vmem>>) offsets(%dma_start3A_1622 : memref<96xi32, #tpu.memory_space<vmem>>) semaphore(%arg13 : memref<!tpu.dma_semaphore, #tpu.memory_space<semaphore_mem>>)
        %dma_start3A_1626 = arith.constant 2 : i32
        %dma_start3A_1627 = arith.constant 400 : i32
        %dma_start3A_1628 = arith.constant 0 : i32
        %dma_start3A_1629 = tpu.memref_slice %arg7[%dma_start3A_1627, %dma_start3A_1628] : memref<800x64xf32, #tpu.memory_space<vmem>> -> memref<104x64xf32, #tpu.memory_space<vmem>>
        %dma_start3A_1630 = arith.constant 0 : i32
        %dma_start3A_1631 = tpu.memref_slice %arg5[%dma_start3A_1626, %dma_start3A_1630] : memref<4x200xi32, #tpu.memory_space<vmem>> -> memref<1x104xi32, #tpu.memory_space<vmem>>
        %dma_start3A_1632 = tpu.memref_squeeze %dma_start3A_1631 : memref<1x104xi32, #tpu.memory_space<vmem>> -> memref<104xi32, #tpu.memory_space<vmem>>
        %dma_start3A_1633 = arith.constant 0 : i32
        %dma_start3A_1634 = arith.constant 0 : i32
        %dma_start3A_1635 = tpu.memref_slice %arg3[%dma_start3A_1633, %dma_start3A_1634] : memref<1000000x64xf32, #tpu.memory_space<hbm>> -> memref<1000000x64xf32, #tpu.memory_space<hbm>>
        tpu.enqueue_indirect_dma source(%dma_start3A_1635 : memref<1000000x64xf32, #tpu.memory_space<hbm>>) target(%dma_start3A_1629 : memref<104x64xf32, #tpu.memory_space<vmem>>) offsets(%dma_start3A_1632 : memref<104xi32, #tpu.memory_space<vmem>>) semaphore(%arg13 : memref<!tpu.dma_semaphore, #tpu.memory_space<semaphore_mem>>)
        %dma_start3A_1636 = arith.constant 2 : i32
        %dma_start3A_1637 = arith.constant 504 : i32
        %dma_start3A_1638 = arith.constant 0 : i32
        %dma_start3A_1639 = tpu.memref_slice %arg7[%dma_start3A_1637, %dma_start3A_1638] : memref<800x64xf32, #tpu.memory_space<vmem>> -> memref<96x64xf32, #tpu.memory_space<vmem>>
        %dma_start3A_1640 = arith.constant 104 : i32
        %dma_start3A_1641 = tpu.memref_slice %arg5[%dma_start3A_1636, %dma_start3A_1640] : memref<4x200xi32, #tpu.memory_space<vmem>> -> memref<1x96xi32, #tpu.memory_space<vmem>>
        %dma_start3A_1642 = tpu.memref_squeeze %dma_start3A_1641 : memref<1x96xi32, #tpu.memory_space<vmem>> -> memref<96xi32, #tpu.memory_space<vmem>>
        %dma_start3A_1643 = arith.constant 0 : i32
        %dma_start3A_1644 = arith.constant 0 : i32
        %dma_start3A_1645 = tpu.memref_slice %arg3[%dma_start3A_1643, %dma_start3A_1644] : memref<1000000x64xf32, #tpu.memory_space<hbm>> -> memref<1000000x64xf32, #tpu.memory_space<hbm>>
        tpu.enqueue_indirect_dma source(%dma_start3A_1645 : memref<1000000x64xf32, #tpu.memory_space<hbm>>) target(%dma_start3A_1639 : memref<96x64xf32, #tpu.memory_space<vmem>>) offsets(%dma_start3A_1642 : memref<96xi32, #tpu.memory_space<vmem>>) semaphore(%arg13 : memref<!tpu.dma_semaphore, #tpu.memory_space<semaphore_mem>>)
        %dma_start3A_1646 = arith.constant 3 : i32
        %dma_start3A_1647 = arith.constant 600 : i32
        %dma_start3A_1648 = arith.constant 0 : i32
        %dma_start3A_1649 = tpu.memref_slice %arg7[%dma_start3A_1647, %dma_start3A_1648] : memref<800x64xf32, #tpu.memory_space<vmem>> -> memref<104x64xf32, #tpu.memory_space<vmem>>
        %dma_start3A_1650 = arith.constant 0 : i32
        %dma_start3A_1651 = tpu.memref_slice %arg5[%dma_start3A_1646, %dma_start3A_1650] : memref<4x200xi32, #tpu.memory_space<vmem>> -> memref<1x104xi32, #tpu.memory_space<vmem>>
        %dma_start3A_1652 = tpu.memref_squeeze %dma_start3A_1651 : memref<1x104xi32, #tpu.memory_space<vmem>> -> memref<104xi32, #tpu.memory_space<vmem>>
        %dma_start3A_1653 = arith.constant 0 : i32
        %dma_start3A_1654 = arith.constant 0 : i32
        %dma_start3A_1655 = tpu.memref_slice %arg3[%dma_start3A_1653, %dma_start3A_1654] : memref<1000000x64xf32, #tpu.memory_space<hbm>> -> memref<1000000x64xf32, #tpu.memory_space<hbm>>
        tpu.enqueue_indirect_dma source(%dma_start3A_1655 : memref<1000000x64xf32, #tpu.memory_space<hbm>>) target(%dma_start3A_1649 : memref<104x64xf32, #tpu.memory_space<vmem>>) offsets(%dma_start3A_1652 : memref<104xi32, #tpu.memory_space<vmem>>) semaphore(%arg13 : memref<!tpu.dma_semaphore, #tpu.memory_space<semaphore_mem>>)
        %dma_start3A_1656 = arith.constant 3 : i32
        %dma_start3A_1657 = arith.constant 704 : i32
        %dma_start3A_1658 = arith.constant 0 : i32
        %dma_start3A_1659 = tpu.memref_slice %arg7[%dma_start3A_1657, %dma_start3A_1658] : memref<800x64xf32, #tpu.memory_space<vmem>> -> memref<96x64xf32, #tpu.memory_space<vmem>>
        %dma_start3A_1660 = arith.constant 104 : i32
        %dma_start3A_1661 = tpu.memref_slice %arg5[%dma_start3A_1656, %dma_start3A_1660] : memref<4x200xi32, #tpu.memory_space<vmem>> -> memref<1x96xi32, #tpu.memory_space<vmem>>
        %dma_start3A_1662 = tpu.memref_squeeze %dma_start3A_1661 : memref<1x96xi32, #tpu.memory_space<vmem>> -> memref<96xi32, #tpu.memory_space<vmem>>
        %dma_start3A_1663 = arith.constant 0 : i32
        %dma_start3A_1664 = arith.constant 0 : i32
        %dma_start3A_1665 = tpu.memref_slice %arg3[%dma_start3A_1663, %dma_start3A_1664] : memref<1000000x64xf32, #tpu.memory_space<hbm>> -> memref<1000000x64xf32, #tpu.memory_space<hbm>>
        tpu.enqueue_indirect_dma source(%dma_start3A_1665 : memref<1000000x64xf32, #tpu.memory_space<hbm>>) target(%dma_start3A_1659 : memref<96x64xf32, #tpu.memory_space<vmem>>) offsets(%dma_start3A_1662 : memref<96xi32, #tpu.memory_space<vmem>>) semaphore(%arg13 : memref<!tpu.dma_semaphore, #tpu.memory_space<semaphore_mem>>)
      } else {
      }
      %dma_wait3A_891 = arith.constant 0 : i32
      %dma_wait3A_892 = arith.constant 0 : i32
      %dma_wait3A_893 = tpu.memref_slice %arg3[%dma_wait3A_891, %dma_wait3A_892] : memref<1000000x64xf32, #tpu.memory_space<hbm>> -> memref<800x64xf32, #tpu.memory_space<hbm>>
      %dma_wait3A_894 = arith.constant 0 : i32
      %dma_wait3A_895 = arith.constant 0 : i32
      %dma_wait3A_896 = tpu.memref_slice %arg3[%dma_wait3A_894, %dma_wait3A_895] : memref<1000000x64xf32, #tpu.memory_space<hbm>> -> memref<800x64xf32, #tpu.memory_space<hbm>>
      tpu.wait_dma2 semaphore(%arg14 : memref<!tpu.dma_semaphore, #tpu.memory_space<semaphore_mem>>) src(%dma_wait3A_896 : memref<800x64xf32, #tpu.memory_space<hbm>>) dst(%arg8 : memref<800x64xf32, #tpu.memory_space<vmem>>)
      %iota3A_897 = tpu.iota {dimensions = array<i32: 0>} : vector<16xi32>
      %broadcast_in_dim3A_898 = arith.constant 0 : i32
      %broadcast_in_dim3A_899 = vector.broadcast %broadcast_in_dim3A_898 : i32 to vector<16xi32>
      %get3A_900 = arith.constant 0 : i32
      %get3A_901 = arith.index_cast %get3A_900 : i32 to index
      %get3A_902 = arith.constant 0 : index
      %get3A_903 = tpu.vector_load %arg6[%get3A_901, %get3A_902] {strides = array<i32>} : memref<4x200xi32, #tpu.memory_space<vmem>>, vector<16xi32>,
      %ne3A_904 = arith.constant 0 : i32
      %ne3A_905 = vector.broadcast %ne3A_904 : i32 to vector<16xi32>
      %ne3A_906 = arith.cmpi ne, %get3A_903, %ne3A_905 : vector<16xi32>
      %all_reduce_population_count3A_907 = tpu.all_reduce %ne3A_906 {dim = 0 : i64, kind = #tpu.reduction_kind<sum>} : vector<16xi1> -> vector<16xi32>
      %add3A_908 = arith.addi %broadcast_in_dim3A_899, %all_reduce_population_count3A_907 : vector<16xi32>
      %get3A_909 = arith.constant 0 : i32
      %get3A_910 = arith.index_cast %get3A_909 : i32 to index
      %get3A_911 = arith.constant 16 : index
      %get3A_912 = tpu.vector_load %arg6[%get3A_910, %get3A_911] {strides = array<i32>} : memref<4x200xi32, #tpu.memory_space<vmem>>, vector<16xi32>,
      %ne3A_913 = arith.constant 0 : i32
      %ne3A_914 = vector.broadcast %ne3A_913 : i32 to vector<16xi32>
      %ne3A_915 = arith.cmpi ne, %get3A_912, %ne3A_914 : vector<16xi32>
      %all_reduce_population_count3A_916 = tpu.all_reduce %ne3A_915 {dim = 0 : i64, kind = #tpu.reduction_kind<sum>} : vector<16xi1> -> vector<16xi32>
      %add3A_917 = arith.addi %add3A_908, %all_reduce_population_count3A_916 : vector<16xi32>
      %get3A_918 = arith.constant 0 : i32
      %get3A_919 = arith.index_cast %get3A_918 : i32 to index
      %get3A_920 = arith.constant 32 : index
      %get3A_921 = tpu.vector_load %arg6[%get3A_919, %get3A_920] {strides = array<i32>} : memref<4x200xi32, #tpu.memory_space<vmem>>, vector<16xi32>,
      %ne3A_922 = arith.constant 0 : i32
      %ne3A_923 = vector.broadcast %ne3A_922 : i32 to vector<16xi32>
      %ne3A_924 = arith.cmpi ne, %get3A_921, %ne3A_923 : vector<16xi32>
      %all_reduce_population_count3A_925 = tpu.all_reduce %ne3A_924 {dim = 0 : i64, kind = #tpu.reduction_kind<sum>} : vector<16xi1> -> vector<16xi32>
      %add3A_926 = arith.addi %add3A_917, %all_reduce_population_count3A_925 : vector<16xi32>
      %get3A_927 = arith.constant 0 : i32
      %get3A_928 = arith.index_cast %get3A_927 : i32 to index
      %get3A_929 = arith.constant 48 : index
      %get3A_930 = tpu.vector_load %arg6[%get3A_928, %get3A_929] {strides = array<i32>} : memref<4x200xi32, #tpu.memory_space<vmem>>, vector<16xi32>,
      %ne3A_931 = arith.constant 0 : i32
      %ne3A_932 = vector.broadcast %ne3A_931 : i32 to vector<16xi32>
      %ne3A_933 = arith.cmpi ne, %get3A_930, %ne3A_932 : vector<16xi32>
      %all_reduce_population_count3A_934 = tpu.all_reduce %ne3A_933 {dim = 0 : i64, kind = #tpu.reduction_kind<sum>} : vector<16xi1> -> vector<16xi32>
      %add3A_935 = arith.addi %add3A_926, %all_reduce_population_count3A_934 : vector<16xi32>
      %get3A_936 = arith.constant 0 : i32
      %get3A_937 = arith.index_cast %get3A_936 : i32 to index
      %get3A_938 = arith.constant 64 : index
      %get3A_939 = tpu.vector_load %arg6[%get3A_937, %get3A_938] {strides = array<i32>} : memref<4x200xi32, #tpu.memory_space<vmem>>, vector<16xi32>,
      %ne3A_940 = arith.constant 0 : i32
      %ne3A_941 = vector.broadcast %ne3A_940 : i32 to vector<16xi32>
      %ne3A_942 = arith.cmpi ne, %get3A_939, %ne3A_941 : vector<16xi32>
      %all_reduce_population_count3A_943 = tpu.all_reduce %ne3A_942 {dim = 0 : i64, kind = #tpu.reduction_kind<sum>} : vector<16xi1> -> vector<16xi32>
      %add3A_944 = arith.addi %add3A_935, %all_reduce_population_count3A_943 : vector<16xi32>
      %get3A_945 = arith.constant 0 : i32
      %get3A_946 = arith.index_cast %get3A_945 : i32 to index
      %get3A_947 = arith.constant 80 : index
      %get3A_948 = tpu.vector_load %arg6[%get3A_946, %get3A_947] {strides = array<i32>} : memref<4x200xi32, #tpu.memory_space<vmem>>, vector<16xi32>,
      %ne3A_949 = arith.constant 0 : i32
      %ne3A_950 = vector.broadcast %ne3A_949 : i32 to vector<16xi32>
      %ne3A_951 = arith.cmpi ne, %get3A_948, %ne3A_950 : vector<16xi32>
      %all_reduce_population_count3A_952 = tpu.all_reduce %ne3A_951 {dim = 0 : i64, kind = #tpu.reduction_kind<sum>} : vector<16xi1> -> vector<16xi32>
      %add3A_953 = arith.addi %add3A_944, %all_reduce_population_count3A_952 : vector<16xi32>
      %get3A_954 = arith.constant 0 : i32
      %get3A_955 = arith.index_cast %get3A_954 : i32 to index
      %get3A_956 = arith.constant 96 : index
      %get3A_957 = tpu.vector_load %arg6[%get3A_955, %get3A_956] {strides = array<i32>} : memref<4x200xi32, #tpu.memory_space<vmem>>, vector<16xi32>,
      %ne3A_958 = arith.constant 0 : i32
      %ne3A_959 = vector.broadcast %ne3A_958 : i32 to vector<16xi32>
      %ne3A_960 = arith.cmpi ne, %get3A_957, %ne3A_959 : vector<16xi32>
      %all_reduce_population_count3A_961 = tpu.all_reduce %ne3A_960 {dim = 0 : i64, kind = #tpu.reduction_kind<sum>} : vector<16xi1> -> vector<16xi32>
      %add3A_962 = arith.addi %add3A_953, %all_reduce_population_count3A_961 : vector<16xi32>
      %get3A_963 = arith.constant 0 : i32
      %get3A_964 = arith.index_cast %get3A_963 : i32 to index
      %get3A_965 = arith.constant 112 : index
      %get3A_966 = tpu.vector_load %arg6[%get3A_964, %get3A_965] {strides = array<i32>} : memref<4x200xi32, #tpu.memory_space<vmem>>, vector<16xi32>,
      %ne3A_967 = arith.constant 0 : i32
      %ne3A_968 = vector.broadcast %ne3A_967 : i32 to vector<16xi32>
      %ne3A_969 = arith.cmpi ne, %get3A_966, %ne3A_968 : vector<16xi32>
      %all_reduce_population_count3A_970 = tpu.all_reduce %ne3A_969 {dim = 0 : i64, kind = #tpu.reduction_kind<sum>} : vector<16xi1> -> vector<16xi32>
      %add3A_971 = arith.addi %add3A_962, %all_reduce_population_count3A_970 : vector<16xi32>
      %get3A_972 = arith.constant 0 : i32
      %get3A_973 = arith.index_cast %get3A_972 : i32 to index
      %get3A_974 = arith.constant 128 : index
      %get3A_975 = tpu.vector_load %arg6[%get3A_973, %get3A_974] {strides = array<i32>} : memref<4x200xi32, #tpu.memory_space<vmem>>, vector<16xi32>,
      %ne3A_976 = arith.constant 0 : i32
      %ne3A_977 = vector.broadcast %ne3A_976 : i32 to vector<16xi32>
      %ne3A_978 = arith.cmpi ne, %get3A_975, %ne3A_977 : vector<16xi32>
      %all_reduce_population_count3A_979 = tpu.all_reduce %ne3A_978 {dim = 0 : i64, kind = #tpu.reduction_kind<sum>} : vector<16xi1> -> vector<16xi32>
      %add3A_980 = arith.addi %add3A_971, %all_reduce_population_count3A_979 : vector<16xi32>
      %get3A_981 = arith.constant 0 : i32
      %get3A_982 = arith.index_cast %get3A_981 : i32 to index
      %get3A_983 = arith.constant 144 : index
      %get3A_984 = tpu.vector_load %arg6[%get3A_982, %get3A_983] {strides = array<i32>} : memref<4x200xi32, #tpu.memory_space<vmem>>, vector<16xi32>,
      %ne3A_985 = arith.constant 0 : i32
      %ne3A_986 = vector.broadcast %ne3A_985 : i32 to vector<16xi32>
      %ne3A_987 = arith.cmpi ne, %get3A_984, %ne3A_986 : vector<16xi32>
      %all_reduce_population_count3A_988 = tpu.all_reduce %ne3A_987 {dim = 0 : i64, kind = #tpu.reduction_kind<sum>} : vector<16xi1> -> vector<16xi32>
      %add3A_989 = arith.addi %add3A_980, %all_reduce_population_count3A_988 : vector<16xi32>
      %get3A_990 = arith.constant 0 : i32
      %get3A_991 = arith.index_cast %get3A_990 : i32 to index
      %get3A_992 = arith.constant 160 : index
      %get3A_993 = tpu.vector_load %arg6[%get3A_991, %get3A_992] {strides = array<i32>} : memref<4x200xi32, #tpu.memory_space<vmem>>, vector<16xi32>,
      %ne3A_994 = arith.constant 0 : i32
      %ne3A_995 = vector.broadcast %ne3A_994 : i32 to vector<16xi32>
      %ne3A_996 = arith.cmpi ne, %get3A_993, %ne3A_995 : vector<16xi32>
      %all_reduce_population_count3A_997 = tpu.all_reduce %ne3A_996 {dim = 0 : i64, kind = #tpu.reduction_kind<sum>} : vector<16xi1> -> vector<16xi32>
      %add3A_998 = arith.addi %add3A_989, %all_reduce_population_count3A_997 : vector<16xi32>
      %get3A_999 = arith.constant 0 : i32
      %get3A_1000 = arith.index_cast %get3A_999 : i32 to index
      %get3A_1001 = arith.constant 176 : index
      %get3A_1002 = tpu.vector_load %arg6[%get3A_1000, %get3A_1001] {strides = array<i32>} : memref<4x200xi32, #tpu.memory_space<vmem>>, vector<16xi32>,
      %ne3A_1003 = arith.constant 0 : i32
      %ne3A_1004 = vector.broadcast %ne3A_1003 : i32 to vector<16xi32>
      %ne3A_1005 = arith.cmpi ne, %get3A_1002, %ne3A_1004 : vector<16xi32>
      %all_reduce_population_count3A_1006 = tpu.all_reduce %ne3A_1005 {dim = 0 : i64, kind = #tpu.reduction_kind<sum>} : vector<16xi1> -> vector<16xi32>
      %add3A_1007 = arith.addi %add3A_998, %all_reduce_population_count3A_1006 : vector<16xi32>
      %get3A_1008 = arith.constant 0 : i32
      %get3A_1009 = arith.index_cast %get3A_1008 : i32 to index
      %get3A_1010 = arith.constant 184 : index
      %get3A_1011 = tpu.vector_load %arg6[%get3A_1009, %get3A_1010] {strides = array<i32>} : memref<4x200xi32, #tpu.memory_space<vmem>>, vector<16xi32>,
      %ne3A_1012 = arith.constant 0 : i32
      %ne3A_1013 = vector.broadcast %ne3A_1012 : i32 to vector<16xi32>
      %ne3A_1014 = arith.cmpi ne, %get3A_1011, %ne3A_1013 : vector<16xi32>
      %ge3A_1015 = arith.constant 8 : i32
      %ge3A_1016 = vector.broadcast %ge3A_1015 : i32 to vector<16xi32>
      %ge3A_1017 = arith.cmpi sge, %iota3A_897, %ge3A_1016 : vector<16xi32>
      %and3A_1018 = arith.andi %ne3A_1014, %ge3A_1017 : vector<16xi1>
      %all_reduce_population_count3A_1019 = tpu.all_reduce %and3A_1018 {dim = 0 : i64, kind = #tpu.reduction_kind<sum>} : vector<16xi1> -> vector<16xi32>
      %add3A_1020 = arith.addi %add3A_1007, %all_reduce_population_count3A_1019 : vector<16xi32>
      %convert_element_type3A_1021 = arith.sitofp %add3A_1020 : vector<16xi32> to vector<16xf32>
      %div3A_1022 = arith.constant 1.000000e+00 : f32
      %div3A_1023 = vector.broadcast %div3A_1022 : f32 to vector<16xf32>
      %div3A_1024 = arith.divf %div3A_1023, %convert_element_type3A_1021 : vector<16xf32>
      %broadcast_in_dim3A_1025 = arith.constant 0 : i32
      %broadcast_in_dim3A_1026 = vector.broadcast %broadcast_in_dim3A_1025 : i32 to vector<16xi32>
      %get3A_1027 = arith.constant 1 : i32
      %get3A_1028 = arith.index_cast %get3A_1027 : i32 to index
      %get3A_1029 = arith.constant 0 : index
      %get3A_1030 = tpu.vector_load %arg6[%get3A_1028, %get3A_1029] {strides = array<i32>} : memref<4x200xi32, #tpu.memory_space<vmem>>, vector<16xi32>,
      %ne3A_1031 = arith.constant 0 : i32
      %ne3A_1032 = vector.broadcast %ne3A_1031 : i32 to vector<16xi32>
      %ne3A_1033 = arith.cmpi ne, %get3A_1030, %ne3A_1032 : vector<16xi32>
      %all_reduce_population_count3A_1034 = tpu.all_reduce %ne3A_1033 {dim = 0 : i64, kind = #tpu.reduction_kind<sum>} : vector<16xi1> -> vector<16xi32>
      %add3A_1035 = arith.addi %broadcast_in_dim3A_1026, %all_reduce_population_count3A_1034 : vector<16xi32>
      %get3A_1036 = arith.constant 1 : i32
      %get3A_1037 = arith.index_cast %get3A_1036 : i32 to index
      %get3A_1038 = arith.constant 16 : index
      %get3A_1039 = tpu.vector_load %arg6[%get3A_1037, %get3A_1038] {strides = array<i32>} : memref<4x200xi32, #tpu.memory_space<vmem>>, vector<16xi32>,
      %ne3A_1040 = arith.constant 0 : i32
      %ne3A_1041 = vector.broadcast %ne3A_1040 : i32 to vector<16xi32>
      %ne3A_1042 = arith.cmpi ne, %get3A_1039, %ne3A_1041 : vector<16xi32>
      %all_reduce_population_count3A_1043 = tpu.all_reduce %ne3A_1042 {dim = 0 : i64, kind = #tpu.reduction_kind<sum>} : vector<16xi1> -> vector<16xi32>
      %add3A_1044 = arith.addi %add3A_1035, %all_reduce_population_count3A_1043 : vector<16xi32>
      %get3A_1045 = arith.constant 1 : i32
      %get3A_1046 = arith.index_cast %get3A_1045 : i32 to index
      %get3A_1047 = arith.constant 32 : index
      %get3A_1048 = tpu.vector_load %arg6[%get3A_1046, %get3A_1047] {strides = array<i32>} : memref<4x200xi32, #tpu.memory_space<vmem>>, vector<16xi32>,
      %ne3A_1049 = arith.constant 0 : i32
      %ne3A_1050 = vector.broadcast %ne3A_1049 : i32 to vector<16xi32>
      %ne3A_1051 = arith.cmpi ne, %get3A_1048, %ne3A_1050 : vector<16xi32>
      %all_reduce_population_count3A_1052 = tpu.all_reduce %ne3A_1051 {dim = 0 : i64, kind = #tpu.reduction_kind<sum>} : vector<16xi1> -> vector<16xi32>
      %add3A_1053 = arith.addi %add3A_1044, %all_reduce_population_count3A_1052 : vector<16xi32>
      %get3A_1054 = arith.constant 1 : i32
      %get3A_1055 = arith.index_cast %get3A_1054 : i32 to index
      %get3A_1056 = arith.constant 48 : index
      %get3A_1057 = tpu.vector_load %arg6[%get3A_1055, %get3A_1056] {strides = array<i32>} : memref<4x200xi32, #tpu.memory_space<vmem>>, vector<16xi32>,
      %ne3A_1058 = arith.constant 0 : i32
      %ne3A_1059 = vector.broadcast %ne3A_1058 : i32 to vector<16xi32>
      %ne3A_1060 = arith.cmpi ne, %get3A_1057, %ne3A_1059 : vector<16xi32>
      %all_reduce_population_count3A_1061 = tpu.all_reduce %ne3A_1060 {dim = 0 : i64, kind = #tpu.reduction_kind<sum>} : vector<16xi1> -> vector<16xi32>
      %add3A_1062 = arith.addi %add3A_1053, %all_reduce_population_count3A_1061 : vector<16xi32>
      %get3A_1063 = arith.constant 1 : i32
      %get3A_1064 = arith.index_cast %get3A_1063 : i32 to index
      %get3A_1065 = arith.constant 64 : index
      %get3A_1066 = tpu.vector_load %arg6[%get3A_1064, %get3A_1065] {strides = array<i32>} : memref<4x200xi32, #tpu.memory_space<vmem>>, vector<16xi32>,
      %ne3A_1067 = arith.constant 0 : i32
      %ne3A_1068 = vector.broadcast %ne3A_1067 : i32 to vector<16xi32>
      %ne3A_1069 = arith.cmpi ne, %get3A_1066, %ne3A_1068 : vector<16xi32>
      %all_reduce_population_count3A_1070 = tpu.all_reduce %ne3A_1069 {dim = 0 : i64, kind = #tpu.reduction_kind<sum>} : vector<16xi1> -> vector<16xi32>
      %add3A_1071 = arith.addi %add3A_1062, %all_reduce_population_count3A_1070 : vector<16xi32>
      %get3A_1072 = arith.constant 1 : i32
      %get3A_1073 = arith.index_cast %get3A_1072 : i32 to index
      %get3A_1074 = arith.constant 80 : index
      %get3A_1075 = tpu.vector_load %arg6[%get3A_1073, %get3A_1074] {strides = array<i32>} : memref<4x200xi32, #tpu.memory_space<vmem>>, vector<16xi32>,
      %ne3A_1076 = arith.constant 0 : i32
      %ne3A_1077 = vector.broadcast %ne3A_1076 : i32 to vector<16xi32>
      %ne3A_1078 = arith.cmpi ne, %get3A_1075, %ne3A_1077 : vector<16xi32>
      %all_reduce_population_count3A_1079 = tpu.all_reduce %ne3A_1078 {dim = 0 : i64, kind = #tpu.reduction_kind<sum>} : vector<16xi1> -> vector<16xi32>
      %add3A_1080 = arith.addi %add3A_1071, %all_reduce_population_count3A_1079 : vector<16xi32>
      %get3A_1081 = arith.constant 1 : i32
      %get3A_1082 = arith.index_cast %get3A_1081 : i32 to index
      %get3A_1083 = arith.constant 96 : index
      %get3A_1084 = tpu.vector_load %arg6[%get3A_1082, %get3A_1083] {strides = array<i32>} : memref<4x200xi32, #tpu.memory_space<vmem>>, vector<16xi32>,
      %ne3A_1085 = arith.constant 0 : i32
      %ne3A_1086 = vector.broadcast %ne3A_1085 : i32 to vector<16xi32>
      %ne3A_1087 = arith.cmpi ne, %get3A_1084, %ne3A_1086 : vector<16xi32>
      %all_reduce_population_count3A_1088 = tpu.all_reduce %ne3A_1087 {dim = 0 : i64, kind = #tpu.reduction_kind<sum>} : vector<16xi1> -> vector<16xi32>
      %add3A_1089 = arith.addi %add3A_1080, %all_reduce_population_count3A_1088 : vector<16xi32>
      %get3A_1090 = arith.constant 1 : i32
      %get3A_1091 = arith.index_cast %get3A_1090 : i32 to index
      %get3A_1092 = arith.constant 112 : index
      %get3A_1093 = tpu.vector_load %arg6[%get3A_1091, %get3A_1092] {strides = array<i32>} : memref<4x200xi32, #tpu.memory_space<vmem>>, vector<16xi32>,
      %ne3A_1094 = arith.constant 0 : i32
      %ne3A_1095 = vector.broadcast %ne3A_1094 : i32 to vector<16xi32>
      %ne3A_1096 = arith.cmpi ne, %get3A_1093, %ne3A_1095 : vector<16xi32>
      %all_reduce_population_count3A_1097 = tpu.all_reduce %ne3A_1096 {dim = 0 : i64, kind = #tpu.reduction_kind<sum>} : vector<16xi1> -> vector<16xi32>
      %add3A_1098 = arith.addi %add3A_1089, %all_reduce_population_count3A_1097 : vector<16xi32>
      %get3A_1099 = arith.constant 1 : i32
      %get3A_1100 = arith.index_cast %get3A_1099 : i32 to index
      %get3A_1101 = arith.constant 128 : index
      %get3A_1102 = tpu.vector_load %arg6[%get3A_1100, %get3A_1101] {strides = array<i32>} : memref<4x200xi32, #tpu.memory_space<vmem>>, vector<16xi32>,
      %ne3A_1103 = arith.constant 0 : i32
      %ne3A_1104 = vector.broadcast %ne3A_1103 : i32 to vector<16xi32>
      %ne3A_1105 = arith.cmpi ne, %get3A_1102, %ne3A_1104 : vector<16xi32>
      %all_reduce_population_count3A_1106 = tpu.all_reduce %ne3A_1105 {dim = 0 : i64, kind = #tpu.reduction_kind<sum>} : vector<16xi1> -> vector<16xi32>
      %add3A_1107 = arith.addi %add3A_1098, %all_reduce_population_count3A_1106 : vector<16xi32>
      %get3A_1108 = arith.constant 1 : i32
      %get3A_1109 = arith.index_cast %get3A_1108 : i32 to index
      %get3A_1110 = arith.constant 144 : index
      %get3A_1111 = tpu.vector_load %arg6[%get3A_1109, %get3A_1110] {strides = array<i32>} : memref<4x200xi32, #tpu.memory_space<vmem>>, vector<16xi32>,
      %ne3A_1112 = arith.constant 0 : i32
      %ne3A_1113 = vector.broadcast %ne3A_1112 : i32 to vector<16xi32>
      %ne3A_1114 = arith.cmpi ne, %get3A_1111, %ne3A_1113 : vector<16xi32>
      %all_reduce_population_count3A_1115 = tpu.all_reduce %ne3A_1114 {dim = 0 : i64, kind = #tpu.reduction_kind<sum>} : vector<16xi1> -> vector<16xi32>
      %add3A_1116 = arith.addi %add3A_1107, %all_reduce_population_count3A_1115 : vector<16xi32>
      %get3A_1117 = arith.constant 1 : i32
      %get3A_1118 = arith.index_cast %get3A_1117 : i32 to index
      %get3A_1119 = arith.constant 160 : index
      %get3A_1120 = tpu.vector_load %arg6[%get3A_1118, %get3A_1119] {strides = array<i32>} : memref<4x200xi32, #tpu.memory_space<vmem>>, vector<16xi32>,
      %ne3A_1121 = arith.constant 0 : i32
      %ne3A_1122 = vector.broadcast %ne3A_1121 : i32 to vector<16xi32>
      %ne3A_1123 = arith.cmpi ne, %get3A_1120, %ne3A_1122 : vector<16xi32>
      %all_reduce_population_count3A_1124 = tpu.all_reduce %ne3A_1123 {dim = 0 : i64, kind = #tpu.reduction_kind<sum>} : vector<16xi1> -> vector<16xi32>
      %add3A_1125 = arith.addi %add3A_1116, %all_reduce_population_count3A_1124 : vector<16xi32>
      %get3A_1126 = arith.constant 1 : i32
      %get3A_1127 = arith.index_cast %get3A_1126 : i32 to index
      %get3A_1128 = arith.constant 176 : index
      %get3A_1129 = tpu.vector_load %arg6[%get3A_1127, %get3A_1128] {strides = array<i32>} : memref<4x200xi32, #tpu.memory_space<vmem>>, vector<16xi32>,
      %ne3A_1130 = arith.constant 0 : i32
      %ne3A_1131 = vector.broadcast %ne3A_1130 : i32 to vector<16xi32>
      %ne3A_1132 = arith.cmpi ne, %get3A_1129, %ne3A_1131 : vector<16xi32>
      %all_reduce_population_count3A_1133 = tpu.all_reduce %ne3A_1132 {dim = 0 : i64, kind = #tpu.reduction_kind<sum>} : vector<16xi1> -> vector<16xi32>
      %add3A_1134 = arith.addi %add3A_1125, %all_reduce_population_count3A_1133 : vector<16xi32>
      %get3A_1135 = arith.constant 1 : i32
      %get3A_1136 = arith.index_cast %get3A_1135 : i32 to index
      %get3A_1137 = arith.constant 184 : index
      %get3A_1138 = tpu.vector_load %arg6[%get3A_1136, %get3A_1137] {strides = array<i32>} : memref<4x200xi32, #tpu.memory_space<vmem>>, vector<16xi32>,
      %ne3A_1139 = arith.constant 0 : i32
      %ne3A_1140 = vector.broadcast %ne3A_1139 : i32 to vector<16xi32>
      %ne3A_1141 = arith.cmpi ne, %get3A_1138, %ne3A_1140 : vector<16xi32>
      %ge3A_1142 = arith.constant 8 : i32
      %ge3A_1143 = vector.broadcast %ge3A_1142 : i32 to vector<16xi32>
      %ge3A_1144 = arith.cmpi sge, %iota3A_897, %ge3A_1143 : vector<16xi32>
      %and3A_1145 = arith.andi %ne3A_1141, %ge3A_1144 : vector<16xi1>
      %all_reduce_population_count3A_1146 = tpu.all_reduce %and3A_1145 {dim = 0 : i64, kind = #tpu.reduction_kind<sum>} : vector<16xi1> -> vector<16xi32>
      %add3A_1147 = arith.addi %add3A_1134, %all_reduce_population_count3A_1146 : vector<16xi32>
      %convert_element_type3A_1148 = arith.sitofp %add3A_1147 : vector<16xi32> to vector<16xf32>
      %div3A_1149 = arith.constant 1.000000e+00 : f32
      %div3A_1150 = vector.broadcast %div3A_1149 : f32 to vector<16xf32>
      %div3A_1151 = arith.divf %div3A_1150, %convert_element_type3A_1148 : vector<16xf32>
      %broadcast_in_dim3A_1152 = arith.constant 0 : i32
      %broadcast_in_dim3A_1153 = vector.broadcast %broadcast_in_dim3A_1152 : i32 to vector<16xi32>
      %get3A_1154 = arith.constant 2 : i32
      %get3A_1155 = arith.index_cast %get3A_1154 : i32 to index
      %get3A_1156 = arith.constant 0 : index
      %get3A_1157 = tpu.vector_load %arg6[%get3A_1155, %get3A_1156] {strides = array<i32>} : memref<4x200xi32, #tpu.memory_space<vmem>>, vector<16xi32>,
      %ne3A_1158 = arith.constant 0 : i32
      %ne3A_1159 = vector.broadcast %ne3A_1158 : i32 to vector<16xi32>
      %ne3A_1160 = arith.cmpi ne, %get3A_1157, %ne3A_1159 : vector<16xi32>
      %all_reduce_population_count3A_1161 = tpu.all_reduce %ne3A_1160 {dim = 0 : i64, kind = #tpu.reduction_kind<sum>} : vector<16xi1> -> vector<16xi32>
      %add3A_1162 = arith.addi %broadcast_in_dim3A_1153, %all_reduce_population_count3A_1161 : vector<16xi32>
      %get3A_1163 = arith.constant 2 : i32
      %get3A_1164 = arith.index_cast %get3A_1163 : i32 to index
      %get3A_1165 = arith.constant 16 : index
      %get3A_1166 = tpu.vector_load %arg6[%get3A_1164, %get3A_1165] {strides = array<i32>} : memref<4x200xi32, #tpu.memory_space<vmem>>, vector<16xi32>,
      %ne3A_1167 = arith.constant 0 : i32
      %ne3A_1168 = vector.broadcast %ne3A_1167 : i32 to vector<16xi32>
      %ne3A_1169 = arith.cmpi ne, %get3A_1166, %ne3A_1168 : vector<16xi32>
      %all_reduce_population_count3A_1170 = tpu.all_reduce %ne3A_1169 {dim = 0 : i64, kind = #tpu.reduction_kind<sum>} : vector<16xi1> -> vector<16xi32>
      %add3A_1171 = arith.addi %add3A_1162, %all_reduce_population_count3A_1170 : vector<16xi32>
      %get3A_1172 = arith.constant 2 : i32
      %get3A_1173 = arith.index_cast %get3A_1172 : i32 to index
      %get3A_1174 = arith.constant 32 : index
      %get3A_1175 = tpu.vector_load %arg6[%get3A_1173, %get3A_1174] {strides = array<i32>} : memref<4x200xi32, #tpu.memory_space<vmem>>, vector<16xi32>,
      %ne3A_1176 = arith.constant 0 : i32
      %ne3A_1177 = vector.broadcast %ne3A_1176 : i32 to vector<16xi32>
      %ne3A_1178 = arith.cmpi ne, %get3A_1175, %ne3A_1177 : vector<16xi32>
      %all_reduce_population_count3A_1179 = tpu.all_reduce %ne3A_1178 {dim = 0 : i64, kind = #tpu.reduction_kind<sum>} : vector<16xi1> -> vector<16xi32>
      %add3A_1180 = arith.addi %add3A_1171, %all_reduce_population_count3A_1179 : vector<16xi32>
      %get3A_1181 = arith.constant 2 : i32
      %get3A_1182 = arith.index_cast %get3A_1181 : i32 to index
      %get3A_1183 = arith.constant 48 : index
      %get3A_1184 = tpu.vector_load %arg6[%get3A_1182, %get3A_1183] {strides = array<i32>} : memref<4x200xi32, #tpu.memory_space<vmem>>, vector<16xi32>,
      %ne3A_1185 = arith.constant 0 : i32
      %ne3A_1186 = vector.broadcast %ne3A_1185 : i32 to vector<16xi32>
      %ne3A_1187 = arith.cmpi ne, %get3A_1184, %ne3A_1186 : vector<16xi32>
      %all_reduce_population_count3A_1188 = tpu.all_reduce %ne3A_1187 {dim = 0 : i64, kind = #tpu.reduction_kind<sum>} : vector<16xi1> -> vector<16xi32>
      %add3A_1189 = arith.addi %add3A_1180, %all_reduce_population_count3A_1188 : vector<16xi32>
      %get3A_1190 = arith.constant 2 : i32
      %get3A_1191 = arith.index_cast %get3A_1190 : i32 to index
      %get3A_1192 = arith.constant 64 : index
      %get3A_1193 = tpu.vector_load %arg6[%get3A_1191, %get3A_1192] {strides = array<i32>} : memref<4x200xi32, #tpu.memory_space<vmem>>, vector<16xi32>,
      %ne3A_1194 = arith.constant 0 : i32
      %ne3A_1195 = vector.broadcast %ne3A_1194 : i32 to vector<16xi32>
      %ne3A_1196 = arith.cmpi ne, %get3A_1193, %ne3A_1195 : vector<16xi32>
      %all_reduce_population_count3A_1197 = tpu.all_reduce %ne3A_1196 {dim = 0 : i64, kind = #tpu.reduction_kind<sum>} : vector<16xi1> -> vector<16xi32>
      %add3A_1198 = arith.addi %add3A_1189, %all_reduce_population_count3A_1197 : vector<16xi32>
      %get3A_1199 = arith.constant 2 : i32
      %get3A_1200 = arith.index_cast %get3A_1199 : i32 to index
      %get3A_1201 = arith.constant 80 : index
      %get3A_1202 = tpu.vector_load %arg6[%get3A_1200, %get3A_1201] {strides = array<i32>} : memref<4x200xi32, #tpu.memory_space<vmem>>, vector<16xi32>,
      %ne3A_1203 = arith.constant 0 : i32
      %ne3A_1204 = vector.broadcast %ne3A_1203 : i32 to vector<16xi32>
      %ne3A_1205 = arith.cmpi ne, %get3A_1202, %ne3A_1204 : vector<16xi32>
      %all_reduce_population_count3A_1206 = tpu.all_reduce %ne3A_1205 {dim = 0 : i64, kind = #tpu.reduction_kind<sum>} : vector<16xi1> -> vector<16xi32>
      %add3A_1207 = arith.addi %add3A_1198, %all_reduce_population_count3A_1206 : vector<16xi32>
      %get3A_1208 = arith.constant 2 : i32
      %get3A_1209 = arith.index_cast %get3A_1208 : i32 to index
      %get3A_1210 = arith.constant 96 : index
      %get3A_1211 = tpu.vector_load %arg6[%get3A_1209, %get3A_1210] {strides = array<i32>} : memref<4x200xi32, #tpu.memory_space<vmem>>, vector<16xi32>,
      %ne3A_1212 = arith.constant 0 : i32
      %ne3A_1213 = vector.broadcast %ne3A_1212 : i32 to vector<16xi32>
      %ne3A_1214 = arith.cmpi ne, %get3A_1211, %ne3A_1213 : vector<16xi32>
      %all_reduce_population_count3A_1215 = tpu.all_reduce %ne3A_1214 {dim = 0 : i64, kind = #tpu.reduction_kind<sum>} : vector<16xi1> -> vector<16xi32>
      %add3A_1216 = arith.addi %add3A_1207, %all_reduce_population_count3A_1215 : vector<16xi32>
      %get3A_1217 = arith.constant 2 : i32
      %get3A_1218 = arith.index_cast %get3A_1217 : i32 to index
      %get3A_1219 = arith.constant 112 : index
      %get3A_1220 = tpu.vector_load %arg6[%get3A_1218, %get3A_1219] {strides = array<i32>} : memref<4x200xi32, #tpu.memory_space<vmem>>, vector<16xi32>,
      %ne3A_1221 = arith.constant 0 : i32
      %ne3A_1222 = vector.broadcast %ne3A_1221 : i32 to vector<16xi32>
      %ne3A_1223 = arith.cmpi ne, %get3A_1220, %ne3A_1222 : vector<16xi32>
      %all_reduce_population_count3A_1224 = tpu.all_reduce %ne3A_1223 {dim = 0 : i64, kind = #tpu.reduction_kind<sum>} : vector<16xi1> -> vector<16xi32>
      %add3A_1225 = arith.addi %add3A_1216, %all_reduce_population_count3A_1224 : vector<16xi32>
      %get3A_1226 = arith.constant 2 : i32
      %get3A_1227 = arith.index_cast %get3A_1226 : i32 to index
      %get3A_1228 = arith.constant 128 : index
      %get3A_1229 = tpu.vector_load %arg6[%get3A_1227, %get3A_1228] {strides = array<i32>} : memref<4x200xi32, #tpu.memory_space<vmem>>, vector<16xi32>,
      %ne3A_1230 = arith.constant 0 : i32
      %ne3A_1231 = vector.broadcast %ne3A_1230 : i32 to vector<16xi32>
      %ne3A_1232 = arith.cmpi ne, %get3A_1229, %ne3A_1231 : vector<16xi32>
      %all_reduce_population_count3A_1233 = tpu.all_reduce %ne3A_1232 {dim = 0 : i64, kind = #tpu.reduction_kind<sum>} : vector<16xi1> -> vector<16xi32>
      %add3A_1234 = arith.addi %add3A_1225, %all_reduce_population_count3A_1233 : vector<16xi32>
      %get3A_1235 = arith.constant 2 : i32
      %get3A_1236 = arith.index_cast %get3A_1235 : i32 to index
      %get3A_1237 = arith.constant 144 : index
      %get3A_1238 = tpu.vector_load %arg6[%get3A_1236, %get3A_1237] {strides = array<i32>} : memref<4x200xi32, #tpu.memory_space<vmem>>, vector<16xi32>,
      %ne3A_1239 = arith.constant 0 : i32
      %ne3A_1240 = vector.broadcast %ne3A_1239 : i32 to vector<16xi32>
      %ne3A_1241 = arith.cmpi ne, %get3A_1238, %ne3A_1240 : vector<16xi32>
      %all_reduce_population_count3A_1242 = tpu.all_reduce %ne3A_1241 {dim = 0 : i64, kind = #tpu.reduction_kind<sum>} : vector<16xi1> -> vector<16xi32>
      %add3A_1243 = arith.addi %add3A_1234, %all_reduce_population_count3A_1242 : vector<16xi32>
      %get3A_1244 = arith.constant 2 : i32
      %get3A_1245 = arith.index_cast %get3A_1244 : i32 to index
      %get3A_1246 = arith.constant 160 : index
      %get3A_1247 = tpu.vector_load %arg6[%get3A_1245, %get3A_1246] {strides = array<i32>} : memref<4x200xi32, #tpu.memory_space<vmem>>, vector<16xi32>,
      %ne3A_1248 = arith.constant 0 : i32
      %ne3A_1249 = vector.broadcast %ne3A_1248 : i32 to vector<16xi32>
      %ne3A_1250 = arith.cmpi ne, %get3A_1247, %ne3A_1249 : vector<16xi32>
      %all_reduce_population_count3A_1251 = tpu.all_reduce %ne3A_1250 {dim = 0 : i64, kind = #tpu.reduction_kind<sum>} : vector<16xi1> -> vector<16xi32>
      %add3A_1252 = arith.addi %add3A_1243, %all_reduce_population_count3A_1251 : vector<16xi32>
      %get3A_1253 = arith.constant 2 : i32
      %get3A_1254 = arith.index_cast %get3A_1253 : i32 to index
      %get3A_1255 = arith.constant 176 : index
      %get3A_1256 = tpu.vector_load %arg6[%get3A_1254, %get3A_1255] {strides = array<i32>} : memref<4x200xi32, #tpu.memory_space<vmem>>, vector<16xi32>,
      %ne3A_1257 = arith.constant 0 : i32
      %ne3A_1258 = vector.broadcast %ne3A_1257 : i32 to vector<16xi32>
      %ne3A_1259 = arith.cmpi ne, %get3A_1256, %ne3A_1258 : vector<16xi32>
      %all_reduce_population_count3A_1260 = tpu.all_reduce %ne3A_1259 {dim = 0 : i64, kind = #tpu.reduction_kind<sum>} : vector<16xi1> -> vector<16xi32>
      %add3A_1261 = arith.addi %add3A_1252, %all_reduce_population_count3A_1260 : vector<16xi32>
      %get3A_1262 = arith.constant 2 : i32
      %get3A_1263 = arith.index_cast %get3A_1262 : i32 to index
      %get3A_1264 = arith.constant 184 : index
      %get3A_1265 = tpu.vector_load %arg6[%get3A_1263, %get3A_1264] {strides = array<i32>} : memref<4x200xi32, #tpu.memory_space<vmem>>, vector<16xi32>,
      %ne3A_1266 = arith.constant 0 : i32
      %ne3A_1267 = vector.broadcast %ne3A_1266 : i32 to vector<16xi32>
      %ne3A_1268 = arith.cmpi ne, %get3A_1265, %ne3A_1267 : vector<16xi32>
      %ge3A_1269 = arith.constant 8 : i32
      %ge3A_1270 = vector.broadcast %ge3A_1269 : i32 to vector<16xi32>
      %ge3A_1271 = arith.cmpi sge, %iota3A_897, %ge3A_1270 : vector<16xi32>
      %and3A_1272 = arith.andi %ne3A_1268, %ge3A_1271 : vector<16xi1>
      %all_reduce_population_count3A_1273 = tpu.all_reduce %and3A_1272 {dim = 0 : i64, kind = #tpu.reduction_kind<sum>} : vector<16xi1> -> vector<16xi32>
      %add3A_1274 = arith.addi %add3A_1261, %all_reduce_population_count3A_1273 : vector<16xi32>
      %convert_element_type3A_1275 = arith.sitofp %add3A_1274 : vector<16xi32> to vector<16xf32>
      %div3A_1276 = arith.constant 1.000000e+00 : f32
      %div3A_1277 = vector.broadcast %div3A_1276 : f32 to vector<16xf32>
      %div3A_1278 = arith.divf %div3A_1277, %convert_element_type3A_1275 : vector<16xf32>
      %broadcast_in_dim3A_1279 = arith.constant 0 : i32
      %broadcast_in_dim3A_1280 = vector.broadcast %broadcast_in_dim3A_1279 : i32 to vector<16xi32>
      %get3A_1281 = arith.constant 3 : i32
      %get3A_1282 = arith.index_cast %get3A_1281 : i32 to index
      %get3A_1283 = arith.constant 0 : index
      %get3A_1284 = tpu.vector_load %arg6[%get3A_1282, %get3A_1283] {strides = array<i32>} : memref<4x200xi32, #tpu.memory_space<vmem>>, vector<16xi32>,
      %ne3A_1285 = arith.constant 0 : i32
      %ne3A_1286 = vector.broadcast %ne3A_1285 : i32 to vector<16xi32>
      %ne3A_1287 = arith.cmpi ne, %get3A_1284, %ne3A_1286 : vector<16xi32>
      %all_reduce_population_count3A_1288 = tpu.all_reduce %ne3A_1287 {dim = 0 : i64, kind = #tpu.reduction_kind<sum>} : vector<16xi1> -> vector<16xi32>
      %add3A_1289 = arith.addi %broadcast_in_dim3A_1280, %all_reduce_population_count3A_1288 : vector<16xi32>
      %get3A_1290 = arith.constant 3 : i32
      %get3A_1291 = arith.index_cast %get3A_1290 : i32 to index
      %get3A_1292 = arith.constant 16 : index
      %get3A_1293 = tpu.vector_load %arg6[%get3A_1291, %get3A_1292] {strides = array<i32>} : memref<4x200xi32, #tpu.memory_space<vmem>>, vector<16xi32>,
      %ne3A_1294 = arith.constant 0 : i32
      %ne3A_1295 = vector.broadcast %ne3A_1294 : i32 to vector<16xi32>
      %ne3A_1296 = arith.cmpi ne, %get3A_1293, %ne3A_1295 : vector<16xi32>
      %all_reduce_population_count3A_1297 = tpu.all_reduce %ne3A_1296 {dim = 0 : i64, kind = #tpu.reduction_kind<sum>} : vector<16xi1> -> vector<16xi32>
      %add3A_1298 = arith.addi %add3A_1289, %all_reduce_population_count3A_1297 : vector<16xi32>
      %get3A_1299 = arith.constant 3 : i32
      %get3A_1300 = arith.index_cast %get3A_1299 : i32 to index
      %get3A_1301 = arith.constant 32 : index
      %get3A_1302 = tpu.vector_load %arg6[%get3A_1300, %get3A_1301] {strides = array<i32>} : memref<4x200xi32, #tpu.memory_space<vmem>>, vector<16xi32>,
      %ne3A_1303 = arith.constant 0 : i32
      %ne3A_1304 = vector.broadcast %ne3A_1303 : i32 to vector<16xi32>
      %ne3A_1305 = arith.cmpi ne, %get3A_1302, %ne3A_1304 : vector<16xi32>
      %all_reduce_population_count3A_1306 = tpu.all_reduce %ne3A_1305 {dim = 0 : i64, kind = #tpu.reduction_kind<sum>} : vector<16xi1> -> vector<16xi32>
      %add3A_1307 = arith.addi %add3A_1298, %all_reduce_population_count3A_1306 : vector<16xi32>
      %get3A_1308 = arith.constant 3 : i32
      %get3A_1309 = arith.index_cast %get3A_1308 : i32 to index
      %get3A_1310 = arith.constant 48 : index
      %get3A_1311 = tpu.vector_load %arg6[%get3A_1309, %get3A_1310] {strides = array<i32>} : memref<4x200xi32, #tpu.memory_space<vmem>>, vector<16xi32>,
      %ne3A_1312 = arith.constant 0 : i32
      %ne3A_1313 = vector.broadcast %ne3A_1312 : i32 to vector<16xi32>
      %ne3A_1314 = arith.cmpi ne, %get3A_1311, %ne3A_1313 : vector<16xi32>
      %all_reduce_population_count3A_1315 = tpu.all_reduce %ne3A_1314 {dim = 0 : i64, kind = #tpu.reduction_kind<sum>} : vector<16xi1> -> vector<16xi32>
      %add3A_1316 = arith.addi %add3A_1307, %all_reduce_population_count3A_1315 : vector<16xi32>
      %get3A_1317 = arith.constant 3 : i32
      %get3A_1318 = arith.index_cast %get3A_1317 : i32 to index
      %get3A_1319 = arith.constant 64 : index
      %get3A_1320 = tpu.vector_load %arg6[%get3A_1318, %get3A_1319] {strides = array<i32>} : memref<4x200xi32, #tpu.memory_space<vmem>>, vector<16xi32>,
      %ne3A_1321 = arith.constant 0 : i32
      %ne3A_1322 = vector.broadcast %ne3A_1321 : i32 to vector<16xi32>
      %ne3A_1323 = arith.cmpi ne, %get3A_1320, %ne3A_1322 : vector<16xi32>
      %all_reduce_population_count3A_1324 = tpu.all_reduce %ne3A_1323 {dim = 0 : i64, kind = #tpu.reduction_kind<sum>} : vector<16xi1> -> vector<16xi32>
      %add3A_1325 = arith.addi %add3A_1316, %all_reduce_population_count3A_1324 : vector<16xi32>
      %get3A_1326 = arith.constant 3 : i32
      %get3A_1327 = arith.index_cast %get3A_1326 : i32 to index
      %get3A_1328 = arith.constant 80 : index
      %get3A_1329 = tpu.vector_load %arg6[%get3A_1327, %get3A_1328] {strides = array<i32>} : memref<4x200xi32, #tpu.memory_space<vmem>>, vector<16xi32>,
      %ne3A_1330 = arith.constant 0 : i32
      %ne3A_1331 = vector.broadcast %ne3A_1330 : i32 to vector<16xi32>
      %ne3A_1332 = arith.cmpi ne, %get3A_1329, %ne3A_1331 : vector<16xi32>
      %all_reduce_population_count3A_1333 = tpu.all_reduce %ne3A_1332 {dim = 0 : i64, kind = #tpu.reduction_kind<sum>} : vector<16xi1> -> vector<16xi32>
      %add3A_1334 = arith.addi %add3A_1325, %all_reduce_population_count3A_1333 : vector<16xi32>
      %get3A_1335 = arith.constant 3 : i32
      %get3A_1336 = arith.index_cast %get3A_1335 : i32 to index
      %get3A_1337 = arith.constant 96 : index
      %get3A_1338 = tpu.vector_load %arg6[%get3A_1336, %get3A_1337] {strides = array<i32>} : memref<4x200xi32, #tpu.memory_space<vmem>>, vector<16xi32>,
      %ne3A_1339 = arith.constant 0 : i32
      %ne3A_1340 = vector.broadcast %ne3A_1339 : i32 to vector<16xi32>
      %ne3A_1341 = arith.cmpi ne, %get3A_1338, %ne3A_1340 : vector<16xi32>
      %all_reduce_population_count3A_1342 = tpu.all_reduce %ne3A_1341 {dim = 0 : i64, kind = #tpu.reduction_kind<sum>} : vector<16xi1> -> vector<16xi32>
      %add3A_1343 = arith.addi %add3A_1334, %all_reduce_population_count3A_1342 : vector<16xi32>
      %get3A_1344 = arith.constant 3 : i32
      %get3A_1345 = arith.index_cast %get3A_1344 : i32 to index
      %get3A_1346 = arith.constant 112 : index
      %get3A_1347 = tpu.vector_load %arg6[%get3A_1345, %get3A_1346] {strides = array<i32>} : memref<4x200xi32, #tpu.memory_space<vmem>>, vector<16xi32>,
      %ne3A_1348 = arith.constant 0 : i32
      %ne3A_1349 = vector.broadcast %ne3A_1348 : i32 to vector<16xi32>
      %ne3A_1350 = arith.cmpi ne, %get3A_1347, %ne3A_1349 : vector<16xi32>
      %all_reduce_population_count3A_1351 = tpu.all_reduce %ne3A_1350 {dim = 0 : i64, kind = #tpu.reduction_kind<sum>} : vector<16xi1> -> vector<16xi32>
      %add3A_1352 = arith.addi %add3A_1343, %all_reduce_population_count3A_1351 : vector<16xi32>
      %get3A_1353 = arith.constant 3 : i32
      %get3A_1354 = arith.index_cast %get3A_1353 : i32 to index
      %get3A_1355 = arith.constant 128 : index
      %get3A_1356 = tpu.vector_load %arg6[%get3A_1354, %get3A_1355] {strides = array<i32>} : memref<4x200xi32, #tpu.memory_space<vmem>>, vector<16xi32>,
      %ne3A_1357 = arith.constant 0 : i32
      %ne3A_1358 = vector.broadcast %ne3A_1357 : i32 to vector<16xi32>
      %ne3A_1359 = arith.cmpi ne, %get3A_1356, %ne3A_1358 : vector<16xi32>
      %all_reduce_population_count3A_1360 = tpu.all_reduce %ne3A_1359 {dim = 0 : i64, kind = #tpu.reduction_kind<sum>} : vector<16xi1> -> vector<16xi32>
      %add3A_1361 = arith.addi %add3A_1352, %all_reduce_population_count3A_1360 : vector<16xi32>
      %get3A_1362 = arith.constant 3 : i32
      %get3A_1363 = arith.index_cast %get3A_1362 : i32 to index
      %get3A_1364 = arith.constant 144 : index
      %get3A_1365 = tpu.vector_load %arg6[%get3A_1363, %get3A_1364] {strides = array<i32>} : memref<4x200xi32, #tpu.memory_space<vmem>>, vector<16xi32>,
      %ne3A_1366 = arith.constant 0 : i32
      %ne3A_1367 = vector.broadcast %ne3A_1366 : i32 to vector<16xi32>
      %ne3A_1368 = arith.cmpi ne, %get3A_1365, %ne3A_1367 : vector<16xi32>
      %all_reduce_population_count3A_1369 = tpu.all_reduce %ne3A_1368 {dim = 0 : i64, kind = #tpu.reduction_kind<sum>} : vector<16xi1> -> vector<16xi32>
      %add3A_1370 = arith.addi %add3A_1361, %all_reduce_population_count3A_1369 : vector<16xi32>
      %get3A_1371 = arith.constant 3 : i32
      %get3A_1372 = arith.index_cast %get3A_1371 : i32 to index
      %get3A_1373 = arith.constant 160 : index
      %get3A_1374 = tpu.vector_load %arg6[%get3A_1372, %get3A_1373] {strides = array<i32>} : memref<4x200xi32, #tpu.memory_space<vmem>>, vector<16xi32>,
      %ne3A_1375 = arith.constant 0 : i32
      %ne3A_1376 = vector.broadcast %ne3A_1375 : i32 to vector<16xi32>
      %ne3A_1377 = arith.cmpi ne, %get3A_1374, %ne3A_1376 : vector<16xi32>
      %all_reduce_population_count3A_1378 = tpu.all_reduce %ne3A_1377 {dim = 0 : i64, kind = #tpu.reduction_kind<sum>} : vector<16xi1> -> vector<16xi32>
      %add3A_1379 = arith.addi %add3A_1370, %all_reduce_population_count3A_1378 : vector<16xi32>
      %get3A_1380 = arith.constant 3 : i32
      %get3A_1381 = arith.index_cast %get3A_1380 : i32 to index
      %get3A_1382 = arith.constant 176 : index
      %get3A_1383 = tpu.vector_load %arg6[%get3A_1381, %get3A_1382] {strides = array<i32>} : memref<4x200xi32, #tpu.memory_space<vmem>>, vector<16xi32>,
      %ne3A_1384 = arith.constant 0 : i32
      %ne3A_1385 = vector.broadcast %ne3A_1384 : i32 to vector<16xi32>
      %ne3A_1386 = arith.cmpi ne, %get3A_1383, %ne3A_1385 : vector<16xi32>
      %all_reduce_population_count3A_1387 = tpu.all_reduce %ne3A_1386 {dim = 0 : i64, kind = #tpu.reduction_kind<sum>} : vector<16xi1> -> vector<16xi32>
      %add3A_1388 = arith.addi %add3A_1379, %all_reduce_population_count3A_1387 : vector<16xi32>
      %get3A_1389 = arith.constant 3 : i32
      %get3A_1390 = arith.index_cast %get3A_1389 : i32 to index
      %get3A_1391 = arith.constant 184 : index
      %get3A_1392 = tpu.vector_load %arg6[%get3A_1390, %get3A_1391] {strides = array<i32>} : memref<4x200xi32, #tpu.memory_space<vmem>>, vector<16xi32>,
      %ne3A_1393 = arith.constant 0 : i32
      %ne3A_1394 = vector.broadcast %ne3A_1393 : i32 to vector<16xi32>
      %ne3A_1395 = arith.cmpi ne, %get3A_1392, %ne3A_1394 : vector<16xi32>
      %ge3A_1396 = arith.constant 8 : i32
      %ge3A_1397 = vector.broadcast %ge3A_1396 : i32 to vector<16xi32>
      %ge3A_1398 = arith.cmpi sge, %iota3A_897, %ge3A_1397 : vector<16xi32>
      %and3A_1399 = arith.andi %ne3A_1395, %ge3A_1398 : vector<16xi1>
      %all_reduce_population_count3A_1400 = tpu.all_reduce %and3A_1399 {dim = 0 : i64, kind = #tpu.reduction_kind<sum>} : vector<16xi1> -> vector<16xi32>
      %add3A_1401 = arith.addi %add3A_1388, %all_reduce_population_count3A_1400 : vector<16xi32>
      %convert_element_type3A_1402 = arith.sitofp %add3A_1401 : vector<16xi32> to vector<16xf32>
      %div3A_1403 = arith.constant 1.000000e+00 : f32
      %div3A_1404 = vector.broadcast %div3A_1403 : f32 to vector<16xf32>
      %div3A_1405 = arith.divf %div3A_1404, %convert_element_type3A_1402 : vector<16xf32>
      %add3A_1406 = arith.constant 2 : i32
      %add3A_1407 = arith.addi %add3A_122, %add3A_1406 : i32
      %lt3A_1408 = arith.constant 128 : i32
      %lt3A_1409 = arith.cmpi slt, %add3A_1407, %lt3A_1408 : i32
      %convert_element_type3A_1410 = arith.extui %lt3A_1409 : i1 to i32
      %cond3A_1411 = arith.constant 0 : i32
      %cond3A_1412 = arith.cmpi ne, %convert_element_type3A_1410, %cond3A_1411 : i32
      scf.if %cond3A_1412 {
        %add3A_1580 = arith.constant 2 : i32
        %add3A_1581 = arith.addi %add3A_122, %add3A_1580 : i32
        %mul3A_1582 = arith.constant 4 : i32
        %mul3A_1583 = arith.muli %add3A_1581, %mul3A_1582 : i32
        %add3A_1584 = arith.addi %mul3A_2, %mul3A_1583 : i32
        %dma_start3A_1585 = arith.constant 0 : i32
        %dma_start3A_1586 = tpu.memref_slice %arg2[%add3A_1584, %dma_start3A_1585] : memref<16384x200xi32, #tpu.memory_space<hbm>> -> memref<4x200xi32, #tpu.memory_space<hbm>>
        %dma_start3A_1587 = arith.constant 0 : i32
        %dma_start3A_1588 = tpu.memref_slice %arg2[%add3A_1584, %dma_start3A_1587] : memref<16384x200xi32, #tpu.memory_space<hbm>> -> memref<4x200xi32, #tpu.memory_space<hbm>>
        tpu.enqueue_dma source(%dma_start3A_1588 : memref<4x200xi32, #tpu.memory_space<hbm>>) target(%arg6 : memref<4x200xi32, #tpu.memory_space<vmem>>) target_semaphore(%arg12 : memref<!tpu.dma_semaphore, #tpu.memory_space<semaphore_mem>>)
      } else {
      }
      %ge3A_1413 = arith.constant 2 : i32
      %ge3A_1414 = arith.cmpi sge, %add3A_122, %ge3A_1413 : i32
      %convert_element_type3A_1415 = arith.extui %ge3A_1414 : i1 to i32
      %cond3A_1416 = arith.constant 0 : i32
      %cond3A_1417 = arith.cmpi ne, %convert_element_type3A_1415, %cond3A_1416 : i32
      scf.if %cond3A_1417 {
        %dma_wait3A_1580 = arith.constant 0 : i32
        %dma_wait3A_1581 = arith.constant 0 : i32
        %dma_wait3A_1582 = tpu.memref_slice %arg4[%dma_wait3A_1580, %dma_wait3A_1581] : memref<16384x64xf32, #tpu.memory_space<hbm>> -> memref<4x64xf32, #tpu.memory_space<hbm>>
        %dma_wait3A_1583 = arith.constant 0 : i32
        %dma_wait3A_1584 = arith.constant 0 : i32
        %dma_wait3A_1585 = tpu.memref_slice %arg4[%dma_wait3A_1583, %dma_wait3A_1584] : memref<16384x64xf32, #tpu.memory_space<hbm>> -> memref<4x64xf32, #tpu.memory_space<hbm>>
        tpu.wait_dma2 semaphore(%arg16 : memref<!tpu.dma_semaphore, #tpu.memory_space<semaphore_mem>>) src(%arg10 : memref<4x64xf32, #tpu.memory_space<vmem>>) dst(%dma_wait3A_1585 : memref<4x64xf32, #tpu.memory_space<hbm>>)
      } else {
      }
      %broadcast_in_dim3A_1418 = arith.constant 0.000000e+00 : f32
      %broadcast_in_dim3A_1419 = vector.broadcast %broadcast_in_dim3A_1418 : f32 to vector<16xf32>
      %scan3A_1420 = arith.constant 0 : i32
      %scan3A_1421 = arith.constant 20 : i32
      %scan3A_1422 = arith.addi %scan3A_1420, %scan3A_1421 : i32
      %scan3A_1423 = arith.constant 1 : i32
      %scan3A_1424:4 = scf.for %scan3A_1580 = %scan3A_1420 to %scan3A_1422 step %scan3A_1423 iter_args(%scan3A_1581 = %broadcast_in_dim3A_1419, %scan3A_1582 = %broadcast_in_dim3A_1419, %scan3A_1583 = %broadcast_in_dim3A_1419, %scan3A_1584 = %broadcast_in_dim3A_1419) -> (vector<16xf32>, vector<16xf32>, vector<16xf32>, vector<16xf32>)  : i32 {
        %mul3A_1585 = arith.constant 10 : i32
        %mul3A_1586 = arith.muli %scan3A_1580, %mul3A_1585 : i32
        %add3A_1587 = arith.constant 0 : i32
        %add3A_1588 = arith.addi %add3A_1587, %mul3A_1586 : i32
        %add3A_1589 = arith.constant 0 : i32
        %add3A_1590 = arith.addi %add3A_1588, %add3A_1589 : i32
        %get3A_1591 = arith.index_cast %add3A_1590 : i32 to index
        %get3A_1592 = arith.constant 0 : index
        %get3A_1593 = tpu.vector_load %arg8[%get3A_1591, %get3A_1592] {strides = array<i32>} : memref<800x64xf32, #tpu.memory_space<vmem>>, vector<16xf32>,
        %add3A_1594 = arith.addf %scan3A_1581, %get3A_1593 : vector<16xf32>
        %get3A_1595 = arith.index_cast %add3A_1590 : i32 to index
        %get3A_1596 = arith.constant 16 : index
        %get3A_1597 = tpu.vector_load %arg8[%get3A_1595, %get3A_1596] {strides = array<i32>} : memref<800x64xf32, #tpu.memory_space<vmem>>, vector<16xf32>,
        %add3A_1598 = arith.addf %scan3A_1582, %get3A_1597 : vector<16xf32>
        %get3A_1599 = arith.index_cast %add3A_1590 : i32 to index
        %get3A_1600 = arith.constant 32 : index
        %get3A_1601 = tpu.vector_load %arg8[%get3A_1599, %get3A_1600] {strides = array<i32>} : memref<800x64xf32, #tpu.memory_space<vmem>>, vector<16xf32>,
        %add3A_1602 = arith.addf %scan3A_1583, %get3A_1601 : vector<16xf32>
        %get3A_1603 = arith.index_cast %add3A_1590 : i32 to index
        %get3A_1604 = arith.constant 48 : index
        %get3A_1605 = tpu.vector_load %arg8[%get3A_1603, %get3A_1604] {strides = array<i32>} : memref<800x64xf32, #tpu.memory_space<vmem>>, vector<16xf32>,
        %add3A_1606 = arith.addf %scan3A_1584, %get3A_1605 : vector<16xf32>
        %mul3A_1607 = arith.constant 10 : i32
        %mul3A_1608 = arith.muli %scan3A_1580, %mul3A_1607 : i32
        %add3A_1609 = arith.constant 0 : i32
        %add3A_1610 = arith.addi %add3A_1609, %mul3A_1608 : i32
        %add3A_1611 = arith.constant 1 : i32
        %add3A_1612 = arith.addi %add3A_1610, %add3A_1611 : i32
        %get3A_1613 = arith.index_cast %add3A_1612 : i32 to index
        %get3A_1614 = arith.constant 0 : index
        %get3A_1615 = tpu.vector_load %arg8[%get3A_1613, %get3A_1614] {strides = array<i32>} : memref<800x64xf32, #tpu.memory_space<vmem>>, vector<16xf32>,
        %add3A_1616 = arith.addf %add3A_1594, %get3A_1615 : vector<16xf32>
        %get3A_1617 = arith.index_cast %add3A_1612 : i32 to index
        %get3A_1618 = arith.constant 16 : index
        %get3A_1619 = tpu.vector_load %arg8[%get3A_1617, %get3A_1618] {strides = array<i32>} : memref<800x64xf32, #tpu.memory_space<vmem>>, vector<16xf32>,
        %add3A_1620 = arith.addf %add3A_1598, %get3A_1619 : vector<16xf32>
        %get3A_1621 = arith.index_cast %add3A_1612 : i32 to index
        %get3A_1622 = arith.constant 32 : index
        %get3A_1623 = tpu.vector_load %arg8[%get3A_1621, %get3A_1622] {strides = array<i32>} : memref<800x64xf32, #tpu.memory_space<vmem>>, vector<16xf32>,
        %add3A_1624 = arith.addf %add3A_1602, %get3A_1623 : vector<16xf32>
        %get3A_1625 = arith.index_cast %add3A_1612 : i32 to index
        %get3A_1626 = arith.constant 48 : index
        %get3A_1627 = tpu.vector_load %arg8[%get3A_1625, %get3A_1626] {strides = array<i32>} : memref<800x64xf32, #tpu.memory_space<vmem>>, vector<16xf32>,
        %add3A_1628 = arith.addf %add3A_1606, %get3A_1627 : vector<16xf32>
        %mul3A_1629 = arith.constant 10 : i32
        %mul3A_1630 = arith.muli %scan3A_1580, %mul3A_1629 : i32
        %add3A_1631 = arith.constant 0 : i32
        %add3A_1632 = arith.addi %add3A_1631, %mul3A_1630 : i32
        %add3A_1633 = arith.constant 2 : i32
        %add3A_1634 = arith.addi %add3A_1632, %add3A_1633 : i32
        %get3A_1635 = arith.index_cast %add3A_1634 : i32 to index
        %get3A_1636 = arith.constant 0 : index
        %get3A_1637 = tpu.vector_load %arg8[%get3A_1635, %get3A_1636] {strides = array<i32>} : memref<800x64xf32, #tpu.memory_space<vmem>>, vector<16xf32>,
        %add3A_1638 = arith.addf %add3A_1616, %get3A_1637 : vector<16xf32>
        %get3A_1639 = arith.index_cast %add3A_1634 : i32 to index
        %get3A_1640 = arith.constant 16 : index
        %get3A_1641 = tpu.vector_load %arg8[%get3A_1639, %get3A_1640] {strides = array<i32>} : memref<800x64xf32, #tpu.memory_space<vmem>>, vector<16xf32>,
        %add3A_1642 = arith.addf %add3A_1620, %get3A_1641 : vector<16xf32>
        %get3A_1643 = arith.index_cast %add3A_1634 : i32 to index
        %get3A_1644 = arith.constant 32 : index
        %get3A_1645 = tpu.vector_load %arg8[%get3A_1643, %get3A_1644] {strides = array<i32>} : memref<800x64xf32, #tpu.memory_space<vmem>>, vector<16xf32>,
        %add3A_1646 = arith.addf %add3A_1624, %get3A_1645 : vector<16xf32>
        %get3A_1647 = arith.index_cast %add3A_1634 : i32 to index
        %get3A_1648 = arith.constant 48 : index
        %get3A_1649 = tpu.vector_load %arg8[%get3A_1647, %get3A_1648] {strides = array<i32>} : memref<800x64xf32, #tpu.memory_space<vmem>>, vector<16xf32>,
        %add3A_1650 = arith.addf %add3A_1628, %get3A_1649 : vector<16xf32>
        %mul3A_1651 = arith.constant 10 : i32
        %mul3A_1652 = arith.muli %scan3A_1580, %mul3A_1651 : i32
        %add3A_1653 = arith.constant 0 : i32
        %add3A_1654 = arith.addi %add3A_1653, %mul3A_1652 : i32
        %add3A_1655 = arith.constant 3 : i32
        %add3A_1656 = arith.addi %add3A_1654, %add3A_1655 : i32
        %get3A_1657 = arith.index_cast %add3A_1656 : i32 to index
        %get3A_1658 = arith.constant 0 : index
        %get3A_1659 = tpu.vector_load %arg8[%get3A_1657, %get3A_1658] {strides = array<i32>} : memref<800x64xf32, #tpu.memory_space<vmem>>, vector<16xf32>,
        %add3A_1660 = arith.addf %add3A_1638, %get3A_1659 : vector<16xf32>
        %get3A_1661 = arith.index_cast %add3A_1656 : i32 to index
        %get3A_1662 = arith.constant 16 : index
        %get3A_1663 = tpu.vector_load %arg8[%get3A_1661, %get3A_1662] {strides = array<i32>} : memref<800x64xf32, #tpu.memory_space<vmem>>, vector<16xf32>,
        %add3A_1664 = arith.addf %add3A_1642, %get3A_1663 : vector<16xf32>
        %get3A_1665 = arith.index_cast %add3A_1656 : i32 to index
        %get3A_1666 = arith.constant 32 : index
        %get3A_1667 = tpu.vector_load %arg8[%get3A_1665, %get3A_1666] {strides = array<i32>} : memref<800x64xf32, #tpu.memory_space<vmem>>, vector<16xf32>,
        %add3A_1668 = arith.addf %add3A_1646, %get3A_1667 : vector<16xf32>
        %get3A_1669 = arith.index_cast %add3A_1656 : i32 to index
        %get3A_1670 = arith.constant 48 : index
        %get3A_1671 = tpu.vector_load %arg8[%get3A_1669, %get3A_1670] {strides = array<i32>} : memref<800x64xf32, #tpu.memory_space<vmem>>, vector<16xf32>,
        %add3A_1672 = arith.addf %add3A_1650, %get3A_1671 : vector<16xf32>
        %mul3A_1673 = arith.constant 10 : i32
        %mul3A_1674 = arith.muli %scan3A_1580, %mul3A_1673 : i32
        %add3A_1675 = arith.constant 0 : i32
        %add3A_1676 = arith.addi %add3A_1675, %mul3A_1674 : i32
        %add3A_1677 = arith.constant 4 : i32
        %add3A_1678 = arith.addi %add3A_1676, %add3A_1677 : i32
        %get3A_1679 = arith.index_cast %add3A_1678 : i32 to index
        %get3A_1680 = arith.constant 0 : index
        %get3A_1681 = tpu.vector_load %arg8[%get3A_1679, %get3A_1680] {strides = array<i32>} : memref<800x64xf32, #tpu.memory_space<vmem>>, vector<16xf32>,
        %add3A_1682 = arith.addf %add3A_1660, %get3A_1681 : vector<16xf32>
        %get3A_1683 = arith.index_cast %add3A_1678 : i32 to index
        %get3A_1684 = arith.constant 16 : index
        %get3A_1685 = tpu.vector_load %arg8[%get3A_1683, %get3A_1684] {strides = array<i32>} : memref<800x64xf32, #tpu.memory_space<vmem>>, vector<16xf32>,
        %add3A_1686 = arith.addf %add3A_1664, %get3A_1685 : vector<16xf32>
        %get3A_1687 = arith.index_cast %add3A_1678 : i32 to index
        %get3A_1688 = arith.constant 32 : index
        %get3A_1689 = tpu.vector_load %arg8[%get3A_1687, %get3A_1688] {strides = array<i32>} : memref<800x64xf32, #tpu.memory_space<vmem>>, vector<16xf32>,
        %add3A_1690 = arith.addf %add3A_1668, %get3A_1689 : vector<16xf32>
        %get3A_1691 = arith.index_cast %add3A_1678 : i32 to index
        %get3A_1692 = arith.constant 48 : index
        %get3A_1693 = tpu.vector_load %arg8[%get3A_1691, %get3A_1692] {strides = array<i32>} : memref<800x64xf32, #tpu.memory_space<vmem>>, vector<16xf32>,
        %add3A_1694 = arith.addf %add3A_1672, %get3A_1693 : vector<16xf32>
        %mul3A_1695 = arith.constant 10 : i32
        %mul3A_1696 = arith.muli %scan3A_1580, %mul3A_1695 : i32
        %add3A_1697 = arith.constant 0 : i32
        %add3A_1698 = arith.addi %add3A_1697, %mul3A_1696 : i32
        %add3A_1699 = arith.constant 5 : i32
        %add3A_1700 = arith.addi %add3A_1698, %add3A_1699 : i32
        %get3A_1701 = arith.index_cast %add3A_1700 : i32 to index
        %get3A_1702 = arith.constant 0 : index
        %get3A_1703 = tpu.vector_load %arg8[%get3A_1701, %get3A_1702] {strides = array<i32>} : memref<800x64xf32, #tpu.memory_space<vmem>>, vector<16xf32>,
        %add3A_1704 = arith.addf %add3A_1682, %get3A_1703 : vector<16xf32>
        %get3A_1705 = arith.index_cast %add3A_1700 : i32 to index
        %get3A_1706 = arith.constant 16 : index
        %get3A_1707 = tpu.vector_load %arg8[%get3A_1705, %get3A_1706] {strides = array<i32>} : memref<800x64xf32, #tpu.memory_space<vmem>>, vector<16xf32>,
        %add3A_1708 = arith.addf %add3A_1686, %get3A_1707 : vector<16xf32>
        %get3A_1709 = arith.index_cast %add3A_1700 : i32 to index
        %get3A_1710 = arith.constant 32 : index
        %get3A_1711 = tpu.vector_load %arg8[%get3A_1709, %get3A_1710] {strides = array<i32>} : memref<800x64xf32, #tpu.memory_space<vmem>>, vector<16xf32>,
        %add3A_1712 = arith.addf %add3A_1690, %get3A_1711 : vector<16xf32>
        %get3A_1713 = arith.index_cast %add3A_1700 : i32 to index
        %get3A_1714 = arith.constant 48 : index
        %get3A_1715 = tpu.vector_load %arg8[%get3A_1713, %get3A_1714] {strides = array<i32>} : memref<800x64xf32, #tpu.memory_space<vmem>>, vector<16xf32>,
        %add3A_1716 = arith.addf %add3A_1694, %get3A_1715 : vector<16xf32>
        %mul3A_1717 = arith.constant 10 : i32
        %mul3A_1718 = arith.muli %scan3A_1580, %mul3A_1717 : i32
        %add3A_1719 = arith.constant 0 : i32
        %add3A_1720 = arith.addi %add3A_1719, %mul3A_1718 : i32
        %add3A_1721 = arith.constant 6 : i32
        %add3A_1722 = arith.addi %add3A_1720, %add3A_1721 : i32
        %get3A_1723 = arith.index_cast %add3A_1722 : i32 to index
        %get3A_1724 = arith.constant 0 : index
        %get3A_1725 = tpu.vector_load %arg8[%get3A_1723, %get3A_1724] {strides = array<i32>} : memref<800x64xf32, #tpu.memory_space<vmem>>, vector<16xf32>,
        %add3A_1726 = arith.addf %add3A_1704, %get3A_1725 : vector<16xf32>
        %get3A_1727 = arith.index_cast %add3A_1722 : i32 to index
        %get3A_1728 = arith.constant 16 : index
        %get3A_1729 = tpu.vector_load %arg8[%get3A_1727, %get3A_1728] {strides = array<i32>} : memref<800x64xf32, #tpu.memory_space<vmem>>, vector<16xf32>,
        %add3A_1730 = arith.addf %add3A_1708, %get3A_1729 : vector<16xf32>
        %get3A_1731 = arith.index_cast %add3A_1722 : i32 to index
        %get3A_1732 = arith.constant 32 : index
        %get3A_1733 = tpu.vector_load %arg8[%get3A_1731, %get3A_1732] {strides = array<i32>} : memref<800x64xf32, #tpu.memory_space<vmem>>, vector<16xf32>,
        %add3A_1734 = arith.addf %add3A_1712, %get3A_1733 : vector<16xf32>
        %get3A_1735 = arith.index_cast %add3A_1722 : i32 to index
        %get3A_1736 = arith.constant 48 : index
        %get3A_1737 = tpu.vector_load %arg8[%get3A_1735, %get3A_1736] {strides = array<i32>} : memref<800x64xf32, #tpu.memory_space<vmem>>, vector<16xf32>,
        %add3A_1738 = arith.addf %add3A_1716, %get3A_1737 : vector<16xf32>
        %mul3A_1739 = arith.constant 10 : i32
        %mul3A_1740 = arith.muli %scan3A_1580, %mul3A_1739 : i32
        %add3A_1741 = arith.constant 0 : i32
        %add3A_1742 = arith.addi %add3A_1741, %mul3A_1740 : i32
        %add3A_1743 = arith.constant 7 : i32
        %add3A_1744 = arith.addi %add3A_1742, %add3A_1743 : i32
        %get3A_1745 = arith.index_cast %add3A_1744 : i32 to index
        %get3A_1746 = arith.constant 0 : index
        %get3A_1747 = tpu.vector_load %arg8[%get3A_1745, %get3A_1746] {strides = array<i32>} : memref<800x64xf32, #tpu.memory_space<vmem>>, vector<16xf32>,
        %add3A_1748 = arith.addf %add3A_1726, %get3A_1747 : vector<16xf32>
        %get3A_1749 = arith.index_cast %add3A_1744 : i32 to index
        %get3A_1750 = arith.constant 16 : index
        %get3A_1751 = tpu.vector_load %arg8[%get3A_1749, %get3A_1750] {strides = array<i32>} : memref<800x64xf32, #tpu.memory_space<vmem>>, vector<16xf32>,
        %add3A_1752 = arith.addf %add3A_1730, %get3A_1751 : vector<16xf32>
        %get3A_1753 = arith.index_cast %add3A_1744 : i32 to index
        %get3A_1754 = arith.constant 32 : index
        %get3A_1755 = tpu.vector_load %arg8[%get3A_1753, %get3A_1754] {strides = array<i32>} : memref<800x64xf32, #tpu.memory_space<vmem>>, vector<16xf32>,
        %add3A_1756 = arith.addf %add3A_1734, %get3A_1755 : vector<16xf32>
        %get3A_1757 = arith.index_cast %add3A_1744 : i32 to index
        %get3A_1758 = arith.constant 48 : index
        %get3A_1759 = tpu.vector_load %arg8[%get3A_1757, %get3A_1758] {strides = array<i32>} : memref<800x64xf32, #tpu.memory_space<vmem>>, vector<16xf32>,
        %add3A_1760 = arith.addf %add3A_1738, %get3A_1759 : vector<16xf32>
        %mul3A_1761 = arith.constant 10 : i32
        %mul3A_1762 = arith.muli %scan3A_1580, %mul3A_1761 : i32
        %add3A_1763 = arith.constant 0 : i32
        %add3A_1764 = arith.addi %add3A_1763, %mul3A_1762 : i32
        %add3A_1765 = arith.constant 8 : i32
        %add3A_1766 = arith.addi %add3A_1764, %add3A_1765 : i32
        %get3A_1767 = arith.index_cast %add3A_1766 : i32 to index
        %get3A_1768 = arith.constant 0 : index
        %get3A_1769 = tpu.vector_load %arg8[%get3A_1767, %get3A_1768] {strides = array<i32>} : memref<800x64xf32, #tpu.memory_space<vmem>>, vector<16xf32>,
        %add3A_1770 = arith.addf %add3A_1748, %get3A_1769 : vector<16xf32>
        %get3A_1771 = arith.index_cast %add3A_1766 : i32 to index
        %get3A_1772 = arith.constant 16 : index
        %get3A_1773 = tpu.vector_load %arg8[%get3A_1771, %get3A_1772] {strides = array<i32>} : memref<800x64xf32, #tpu.memory_space<vmem>>, vector<16xf32>,
        %add3A_1774 = arith.addf %add3A_1752, %get3A_1773 : vector<16xf32>
        %get3A_1775 = arith.index_cast %add3A_1766 : i32 to index
        %get3A_1776 = arith.constant 32 : index
        %get3A_1777 = tpu.vector_load %arg8[%get3A_1775, %get3A_1776] {strides = array<i32>} : memref<800x64xf32, #tpu.memory_space<vmem>>, vector<16xf32>,
        %add3A_1778 = arith.addf %add3A_1756, %get3A_1777 : vector<16xf32>
        %get3A_1779 = arith.index_cast %add3A_1766 : i32 to index
        %get3A_1780 = arith.constant 48 : index
        %get3A_1781 = tpu.vector_load %arg8[%get3A_1779, %get3A_1780] {strides = array<i32>} : memref<800x64xf32, #tpu.memory_space<vmem>>, vector<16xf32>,
        %add3A_1782 = arith.addf %add3A_1760, %get3A_1781 : vector<16xf32>
        %mul3A_1783 = arith.constant 10 : i32
        %mul3A_1784 = arith.muli %scan3A_1580, %mul3A_1783 : i32
        %add3A_1785 = arith.constant 0 : i32
        %add3A_1786 = arith.addi %add3A_1785, %mul3A_1784 : i32
        %add3A_1787 = arith.constant 9 : i32
        %add3A_1788 = arith.addi %add3A_1786, %add3A_1787 : i32
        %get3A_1789 = arith.index_cast %add3A_1788 : i32 to index
        %get3A_1790 = arith.constant 0 : index
        %get3A_1791 = tpu.vector_load %arg8[%get3A_1789, %get3A_1790] {strides = array<i32>} : memref<800x64xf32, #tpu.memory_space<vmem>>, vector<16xf32>,
        %add3A_1792 = arith.addf %add3A_1770, %get3A_1791 : vector<16xf32>
        %get3A_1793 = arith.index_cast %add3A_1788 : i32 to index
        %get3A_1794 = arith.constant 16 : index
        %get3A_1795 = tpu.vector_load %arg8[%get3A_1793, %get3A_1794] {strides = array<i32>} : memref<800x64xf32, #tpu.memory_space<vmem>>, vector<16xf32>,
        %add3A_1796 = arith.addf %add3A_1774, %get3A_1795 : vector<16xf32>
        %get3A_1797 = arith.index_cast %add3A_1788 : i32 to index
        %get3A_1798 = arith.constant 32 : index
        %get3A_1799 = tpu.vector_load %arg8[%get3A_1797, %get3A_1798] {strides = array<i32>} : memref<800x64xf32, #tpu.memory_space<vmem>>, vector<16xf32>,
        %add3A_1800 = arith.addf %add3A_1778, %get3A_1799 : vector<16xf32>
        %get3A_1801 = arith.index_cast %add3A_1788 : i32 to index
        %get3A_1802 = arith.constant 48 : index
        %get3A_1803 = tpu.vector_load %arg8[%get3A_1801, %get3A_1802] {strides = array<i32>} : memref<800x64xf32, #tpu.memory_space<vmem>>, vector<16xf32>,
        %add3A_1804 = arith.addf %add3A_1782, %get3A_1803 : vector<16xf32>
        scf.yield %add3A_1792, %add3A_1796, %add3A_1800, %add3A_1804 : vector<16xf32>, vector<16xf32>, vector<16xf32>, vector<16xf32>
      }
      %scan3A_1425 = arith.constant 20 : i32
      %mul3A_1426 = arith.mulf %scan3A_1424#0, %div3A_1024 : vector<16xf32>
      %max3A_1427 = arith.constant 0.000000e+00 : f32
      %max3A_1428 = vector.broadcast %max3A_1427 : f32 to vector<16xf32>
      %max3A_1429 = arith.maximumf %mul3A_1426, %max3A_1428 : vector<16xf32>
      %swap3A_1430 = arith.constant 0 : i32
      %swap3A_1431 = arith.index_cast %swap3A_1430 : i32 to index
      %swap3A_1432 = arith.constant 0 : index
      %swap3A_1433 = tpu.vector_load %arg10[%swap3A_1431, %swap3A_1432] {strides = array<i32>} : memref<4x64xf32, #tpu.memory_space<vmem>>, vector<16xf32>,
      tpu.vector_store %arg10[%swap3A_1431, %swap3A_1432], %max3A_1429 {strides = array<i32>} : memref<4x64xf32, #tpu.memory_space<vmem>>, vector<16xf32>,
      %mul3A_1434 = arith.mulf %scan3A_1424#1, %div3A_1024 : vector<16xf32>
      %max3A_1435 = arith.constant 0.000000e+00 : f32
      %max3A_1436 = vector.broadcast %max3A_1435 : f32 to vector<16xf32>
      %max3A_1437 = arith.maximumf %mul3A_1434, %max3A_1436 : vector<16xf32>
      %swap3A_1438 = arith.constant 0 : i32
      %swap3A_1439 = arith.index_cast %swap3A_1438 : i32 to index
      %swap3A_1440 = arith.constant 16 : index
      %swap3A_1441 = tpu.vector_load %arg10[%swap3A_1439, %swap3A_1440] {strides = array<i32>} : memref<4x64xf32, #tpu.memory_space<vmem>>, vector<16xf32>,
      tpu.vector_store %arg10[%swap3A_1439, %swap3A_1440], %max3A_1437 {strides = array<i32>} : memref<4x64xf32, #tpu.memory_space<vmem>>, vector<16xf32>,
      %mul3A_1442 = arith.mulf %scan3A_1424#2, %div3A_1024 : vector<16xf32>
      %max3A_1443 = arith.constant 0.000000e+00 : f32
      %max3A_1444 = vector.broadcast %max3A_1443 : f32 to vector<16xf32>
      %max3A_1445 = arith.maximumf %mul3A_1442, %max3A_1444 : vector<16xf32>
      %swap3A_1446 = arith.constant 0 : i32
      %swap3A_1447 = arith.index_cast %swap3A_1446 : i32 to index
      %swap3A_1448 = arith.constant 32 : index
      %swap3A_1449 = tpu.vector_load %arg10[%swap3A_1447, %swap3A_1448] {strides = array<i32>} : memref<4x64xf32, #tpu.memory_space<vmem>>, vector<16xf32>,
      tpu.vector_store %arg10[%swap3A_1447, %swap3A_1448], %max3A_1445 {strides = array<i32>} : memref<4x64xf32, #tpu.memory_space<vmem>>, vector<16xf32>,
      %mul3A_1450 = arith.mulf %scan3A_1424#3, %div3A_1024 : vector<16xf32>
      %max3A_1451 = arith.constant 0.000000e+00 : f32
      %max3A_1452 = vector.broadcast %max3A_1451 : f32 to vector<16xf32>
      %max3A_1453 = arith.maximumf %mul3A_1450, %max3A_1452 : vector<16xf32>
      %swap3A_1454 = arith.constant 0 : i32
      %swap3A_1455 = arith.index_cast %swap3A_1454 : i32 to index
      %swap3A_1456 = arith.constant 48 : index
      %swap3A_1457 = tpu.vector_load %arg10[%swap3A_1455, %swap3A_1456] {strides = array<i32>} : memref<4x64xf32, #tpu.memory_space<vmem>>, vector<16xf32>,
      tpu.vector_store %arg10[%swap3A_1455, %swap3A_1456], %max3A_1453 {strides = array<i32>} : memref<4x64xf32, #tpu.memory_space<vmem>>, vector<16xf32>,
      %scan3A_1458 = arith.constant 0 : i32
      %scan3A_1459 = arith.constant 20 : i32
      %scan3A_1460 = arith.addi %scan3A_1458, %scan3A_1459 : i32
      %scan3A_1461 = arith.constant 1 : i32
      %scan3A_1462:4 = scf.for %scan3A_1580 = %scan3A_1458 to %scan3A_1460 step %scan3A_1461 iter_args(%scan3A_1581 = %broadcast_in_dim3A_1419, %scan3A_1582 = %broadcast_in_dim3A_1419, %scan3A_1583 = %broadcast_in_dim3A_1419, %scan3A_1584 = %broadcast_in_dim3A_1419) -> (vector<16xf32>, vector<16xf32>, vector<16xf32>, vector<16xf32>)  : i32 {
        %mul3A_1585 = arith.constant 10 : i32
        %mul3A_1586 = arith.muli %scan3A_1580, %mul3A_1585 : i32
        %add3A_1587 = arith.constant 200 : i32
        %add3A_1588 = arith.addi %add3A_1587, %mul3A_1586 : i32
        %add3A_1589 = arith.constant 0 : i32
        %add3A_1590 = arith.addi %add3A_1588, %add3A_1589 : i32
        %get3A_1591 = arith.index_cast %add3A_1590 : i32 to index
        %get3A_1592 = arith.constant 0 : index
        %get3A_1593 = tpu.vector_load %arg8[%get3A_1591, %get3A_1592] {strides = array<i32>} : memref<800x64xf32, #tpu.memory_space<vmem>>, vector<16xf32>,
        %add3A_1594 = arith.addf %scan3A_1581, %get3A_1593 : vector<16xf32>
        %get3A_1595 = arith.index_cast %add3A_1590 : i32 to index
        %get3A_1596 = arith.constant 16 : index
        %get3A_1597 = tpu.vector_load %arg8[%get3A_1595, %get3A_1596] {strides = array<i32>} : memref<800x64xf32, #tpu.memory_space<vmem>>, vector<16xf32>,
        %add3A_1598 = arith.addf %scan3A_1582, %get3A_1597 : vector<16xf32>
        %get3A_1599 = arith.index_cast %add3A_1590 : i32 to index
        %get3A_1600 = arith.constant 32 : index
        %get3A_1601 = tpu.vector_load %arg8[%get3A_1599, %get3A_1600] {strides = array<i32>} : memref<800x64xf32, #tpu.memory_space<vmem>>, vector<16xf32>,
        %add3A_1602 = arith.addf %scan3A_1583, %get3A_1601 : vector<16xf32>
        %get3A_1603 = arith.index_cast %add3A_1590 : i32 to index
        %get3A_1604 = arith.constant 48 : index
        %get3A_1605 = tpu.vector_load %arg8[%get3A_1603, %get3A_1604] {strides = array<i32>} : memref<800x64xf32, #tpu.memory_space<vmem>>, vector<16xf32>,
        %add3A_1606 = arith.addf %scan3A_1584, %get3A_1605 : vector<16xf32>
        %mul3A_1607 = arith.constant 10 : i32
        %mul3A_1608 = arith.muli %scan3A_1580, %mul3A_1607 : i32
        %add3A_1609 = arith.constant 200 : i32
        %add3A_1610 = arith.addi %add3A_1609, %mul3A_1608 : i32
        %add3A_1611 = arith.constant 1 : i32
        %add3A_1612 = arith.addi %add3A_1610, %add3A_1611 : i32
        %get3A_1613 = arith.index_cast %add3A_1612 : i32 to index
        %get3A_1614 = arith.constant 0 : index
        %get3A_1615 = tpu.vector_load %arg8[%get3A_1613, %get3A_1614] {strides = array<i32>} : memref<800x64xf32, #tpu.memory_space<vmem>>, vector<16xf32>,
        %add3A_1616 = arith.addf %add3A_1594, %get3A_1615 : vector<16xf32>
        %get3A_1617 = arith.index_cast %add3A_1612 : i32 to index
        %get3A_1618 = arith.constant 16 : index
        %get3A_1619 = tpu.vector_load %arg8[%get3A_1617, %get3A_1618] {strides = array<i32>} : memref<800x64xf32, #tpu.memory_space<vmem>>, vector<16xf32>,
        %add3A_1620 = arith.addf %add3A_1598, %get3A_1619 : vector<16xf32>
        %get3A_1621 = arith.index_cast %add3A_1612 : i32 to index
        %get3A_1622 = arith.constant 32 : index
        %get3A_1623 = tpu.vector_load %arg8[%get3A_1621, %get3A_1622] {strides = array<i32>} : memref<800x64xf32, #tpu.memory_space<vmem>>, vector<16xf32>,
        %add3A_1624 = arith.addf %add3A_1602, %get3A_1623 : vector<16xf32>
        %get3A_1625 = arith.index_cast %add3A_1612 : i32 to index
        %get3A_1626 = arith.constant 48 : index
        %get3A_1627 = tpu.vector_load %arg8[%get3A_1625, %get3A_1626] {strides = array<i32>} : memref<800x64xf32, #tpu.memory_space<vmem>>, vector<16xf32>,
        %add3A_1628 = arith.addf %add3A_1606, %get3A_1627 : vector<16xf32>
        %mul3A_1629 = arith.constant 10 : i32
        %mul3A_1630 = arith.muli %scan3A_1580, %mul3A_1629 : i32
        %add3A_1631 = arith.constant 200 : i32
        %add3A_1632 = arith.addi %add3A_1631, %mul3A_1630 : i32
        %add3A_1633 = arith.constant 2 : i32
        %add3A_1634 = arith.addi %add3A_1632, %add3A_1633 : i32
        %get3A_1635 = arith.index_cast %add3A_1634 : i32 to index
        %get3A_1636 = arith.constant 0 : index
        %get3A_1637 = tpu.vector_load %arg8[%get3A_1635, %get3A_1636] {strides = array<i32>} : memref<800x64xf32, #tpu.memory_space<vmem>>, vector<16xf32>,
        %add3A_1638 = arith.addf %add3A_1616, %get3A_1637 : vector<16xf32>
        %get3A_1639 = arith.index_cast %add3A_1634 : i32 to index
        %get3A_1640 = arith.constant 16 : index
        %get3A_1641 = tpu.vector_load %arg8[%get3A_1639, %get3A_1640] {strides = array<i32>} : memref<800x64xf32, #tpu.memory_space<vmem>>, vector<16xf32>,
        %add3A_1642 = arith.addf %add3A_1620, %get3A_1641 : vector<16xf32>
        %get3A_1643 = arith.index_cast %add3A_1634 : i32 to index
        %get3A_1644 = arith.constant 32 : index
        %get3A_1645 = tpu.vector_load %arg8[%get3A_1643, %get3A_1644] {strides = array<i32>} : memref<800x64xf32, #tpu.memory_space<vmem>>, vector<16xf32>,
        %add3A_1646 = arith.addf %add3A_1624, %get3A_1645 : vector<16xf32>
        %get3A_1647 = arith.index_cast %add3A_1634 : i32 to index
        %get3A_1648 = arith.constant 48 : index
        %get3A_1649 = tpu.vector_load %arg8[%get3A_1647, %get3A_1648] {strides = array<i32>} : memref<800x64xf32, #tpu.memory_space<vmem>>, vector<16xf32>,
        %add3A_1650 = arith.addf %add3A_1628, %get3A_1649 : vector<16xf32>
        %mul3A_1651 = arith.constant 10 : i32
        %mul3A_1652 = arith.muli %scan3A_1580, %mul3A_1651 : i32
        %add3A_1653 = arith.constant 200 : i32
        %add3A_1654 = arith.addi %add3A_1653, %mul3A_1652 : i32
        %add3A_1655 = arith.constant 3 : i32
        %add3A_1656 = arith.addi %add3A_1654, %add3A_1655 : i32
        %get3A_1657 = arith.index_cast %add3A_1656 : i32 to index
        %get3A_1658 = arith.constant 0 : index
        %get3A_1659 = tpu.vector_load %arg8[%get3A_1657, %get3A_1658] {strides = array<i32>} : memref<800x64xf32, #tpu.memory_space<vmem>>, vector<16xf32>,
        %add3A_1660 = arith.addf %add3A_1638, %get3A_1659 : vector<16xf32>
        %get3A_1661 = arith.index_cast %add3A_1656 : i32 to index
        %get3A_1662 = arith.constant 16 : index
        %get3A_1663 = tpu.vector_load %arg8[%get3A_1661, %get3A_1662] {strides = array<i32>} : memref<800x64xf32, #tpu.memory_space<vmem>>, vector<16xf32>,
        %add3A_1664 = arith.addf %add3A_1642, %get3A_1663 : vector<16xf32>
        %get3A_1665 = arith.index_cast %add3A_1656 : i32 to index
        %get3A_1666 = arith.constant 32 : index
        %get3A_1667 = tpu.vector_load %arg8[%get3A_1665, %get3A_1666] {strides = array<i32>} : memref<800x64xf32, #tpu.memory_space<vmem>>, vector<16xf32>,
        %add3A_1668 = arith.addf %add3A_1646, %get3A_1667 : vector<16xf32>
        %get3A_1669 = arith.index_cast %add3A_1656 : i32 to index
        %get3A_1670 = arith.constant 48 : index
        %get3A_1671 = tpu.vector_load %arg8[%get3A_1669, %get3A_1670] {strides = array<i32>} : memref<800x64xf32, #tpu.memory_space<vmem>>, vector<16xf32>,
        %add3A_1672 = arith.addf %add3A_1650, %get3A_1671 : vector<16xf32>
        %mul3A_1673 = arith.constant 10 : i32
        %mul3A_1674 = arith.muli %scan3A_1580, %mul3A_1673 : i32
        %add3A_1675 = arith.constant 200 : i32
        %add3A_1676 = arith.addi %add3A_1675, %mul3A_1674 : i32
        %add3A_1677 = arith.constant 4 : i32
        %add3A_1678 = arith.addi %add3A_1676, %add3A_1677 : i32
        %get3A_1679 = arith.index_cast %add3A_1678 : i32 to index
        %get3A_1680 = arith.constant 0 : index
        %get3A_1681 = tpu.vector_load %arg8[%get3A_1679, %get3A_1680] {strides = array<i32>} : memref<800x64xf32, #tpu.memory_space<vmem>>, vector<16xf32>,
        %add3A_1682 = arith.addf %add3A_1660, %get3A_1681 : vector<16xf32>
        %get3A_1683 = arith.index_cast %add3A_1678 : i32 to index
        %get3A_1684 = arith.constant 16 : index
        %get3A_1685 = tpu.vector_load %arg8[%get3A_1683, %get3A_1684] {strides = array<i32>} : memref<800x64xf32, #tpu.memory_space<vmem>>, vector<16xf32>,
        %add3A_1686 = arith.addf %add3A_1664, %get3A_1685 : vector<16xf32>
        %get3A_1687 = arith.index_cast %add3A_1678 : i32 to index
        %get3A_1688 = arith.constant 32 : index
        %get3A_1689 = tpu.vector_load %arg8[%get3A_1687, %get3A_1688] {strides = array<i32>} : memref<800x64xf32, #tpu.memory_space<vmem>>, vector<16xf32>,
        %add3A_1690 = arith.addf %add3A_1668, %get3A_1689 : vector<16xf32>
        %get3A_1691 = arith.index_cast %add3A_1678 : i32 to index
        %get3A_1692 = arith.constant 48 : index
        %get3A_1693 = tpu.vector_load %arg8[%get3A_1691, %get3A_1692] {strides = array<i32>} : memref<800x64xf32, #tpu.memory_space<vmem>>, vector<16xf32>,
        %add3A_1694 = arith.addf %add3A_1672, %get3A_1693 : vector<16xf32>
        %mul3A_1695 = arith.constant 10 : i32
        %mul3A_1696 = arith.muli %scan3A_1580, %mul3A_1695 : i32
        %add3A_1697 = arith.constant 200 : i32
        %add3A_1698 = arith.addi %add3A_1697, %mul3A_1696 : i32
        %add3A_1699 = arith.constant 5 : i32
        %add3A_1700 = arith.addi %add3A_1698, %add3A_1699 : i32
        %get3A_1701 = arith.index_cast %add3A_1700 : i32 to index
        %get3A_1702 = arith.constant 0 : index
        %get3A_1703 = tpu.vector_load %arg8[%get3A_1701, %get3A_1702] {strides = array<i32>} : memref<800x64xf32, #tpu.memory_space<vmem>>, vector<16xf32>,
        %add3A_1704 = arith.addf %add3A_1682, %get3A_1703 : vector<16xf32>
        %get3A_1705 = arith.index_cast %add3A_1700 : i32 to index
        %get3A_1706 = arith.constant 16 : index
        %get3A_1707 = tpu.vector_load %arg8[%get3A_1705, %get3A_1706] {strides = array<i32>} : memref<800x64xf32, #tpu.memory_space<vmem>>, vector<16xf32>,
        %add3A_1708 = arith.addf %add3A_1686, %get3A_1707 : vector<16xf32>
        %get3A_1709 = arith.index_cast %add3A_1700 : i32 to index
        %get3A_1710 = arith.constant 32 : index
        %get3A_1711 = tpu.vector_load %arg8[%get3A_1709, %get3A_1710] {strides = array<i32>} : memref<800x64xf32, #tpu.memory_space<vmem>>, vector<16xf32>,
        %add3A_1712 = arith.addf %add3A_1690, %get3A_1711 : vector<16xf32>
        %get3A_1713 = arith.index_cast %add3A_1700 : i32 to index
        %get3A_1714 = arith.constant 48 : index
        %get3A_1715 = tpu.vector_load %arg8[%get3A_1713, %get3A_1714] {strides = array<i32>} : memref<800x64xf32, #tpu.memory_space<vmem>>, vector<16xf32>,
        %add3A_1716 = arith.addf %add3A_1694, %get3A_1715 : vector<16xf32>
        %mul3A_1717 = arith.constant 10 : i32
        %mul3A_1718 = arith.muli %scan3A_1580, %mul3A_1717 : i32
        %add3A_1719 = arith.constant 200 : i32
        %add3A_1720 = arith.addi %add3A_1719, %mul3A_1718 : i32
        %add3A_1721 = arith.constant 6 : i32
        %add3A_1722 = arith.addi %add3A_1720, %add3A_1721 : i32
        %get3A_1723 = arith.index_cast %add3A_1722 : i32 to index
        %get3A_1724 = arith.constant 0 : index
        %get3A_1725 = tpu.vector_load %arg8[%get3A_1723, %get3A_1724] {strides = array<i32>} : memref<800x64xf32, #tpu.memory_space<vmem>>, vector<16xf32>,
        %add3A_1726 = arith.addf %add3A_1704, %get3A_1725 : vector<16xf32>
        %get3A_1727 = arith.index_cast %add3A_1722 : i32 to index
        %get3A_1728 = arith.constant 16 : index
        %get3A_1729 = tpu.vector_load %arg8[%get3A_1727, %get3A_1728] {strides = array<i32>} : memref<800x64xf32, #tpu.memory_space<vmem>>, vector<16xf32>,
        %add3A_1730 = arith.addf %add3A_1708, %get3A_1729 : vector<16xf32>
        %get3A_1731 = arith.index_cast %add3A_1722 : i32 to index
        %get3A_1732 = arith.constant 32 : index
        %get3A_1733 = tpu.vector_load %arg8[%get3A_1731, %get3A_1732] {strides = array<i32>} : memref<800x64xf32, #tpu.memory_space<vmem>>, vector<16xf32>,
        %add3A_1734 = arith.addf %add3A_1712, %get3A_1733 : vector<16xf32>
        %get3A_1735 = arith.index_cast %add3A_1722 : i32 to index
        %get3A_1736 = arith.constant 48 : index
        %get3A_1737 = tpu.vector_load %arg8[%get3A_1735, %get3A_1736] {strides = array<i32>} : memref<800x64xf32, #tpu.memory_space<vmem>>, vector<16xf32>,
        %add3A_1738 = arith.addf %add3A_1716, %get3A_1737 : vector<16xf32>
        %mul3A_1739 = arith.constant 10 : i32
        %mul3A_1740 = arith.muli %scan3A_1580, %mul3A_1739 : i32
        %add3A_1741 = arith.constant 200 : i32
        %add3A_1742 = arith.addi %add3A_1741, %mul3A_1740 : i32
        %add3A_1743 = arith.constant 7 : i32
        %add3A_1744 = arith.addi %add3A_1742, %add3A_1743 : i32
        %get3A_1745 = arith.index_cast %add3A_1744 : i32 to index
        %get3A_1746 = arith.constant 0 : index
        %get3A_1747 = tpu.vector_load %arg8[%get3A_1745, %get3A_1746] {strides = array<i32>} : memref<800x64xf32, #tpu.memory_space<vmem>>, vector<16xf32>,
        %add3A_1748 = arith.addf %add3A_1726, %get3A_1747 : vector<16xf32>
        %get3A_1749 = arith.index_cast %add3A_1744 : i32 to index
        %get3A_1750 = arith.constant 16 : index
        %get3A_1751 = tpu.vector_load %arg8[%get3A_1749, %get3A_1750] {strides = array<i32>} : memref<800x64xf32, #tpu.memory_space<vmem>>, vector<16xf32>,
        %add3A_1752 = arith.addf %add3A_1730, %get3A_1751 : vector<16xf32>
        %get3A_1753 = arith.index_cast %add3A_1744 : i32 to index
        %get3A_1754 = arith.constant 32 : index
        %get3A_1755 = tpu.vector_load %arg8[%get3A_1753, %get3A_1754] {strides = array<i32>} : memref<800x64xf32, #tpu.memory_space<vmem>>, vector<16xf32>,
        %add3A_1756 = arith.addf %add3A_1734, %get3A_1755 : vector<16xf32>
        %get3A_1757 = arith.index_cast %add3A_1744 : i32 to index
        %get3A_1758 = arith.constant 48 : index
        %get3A_1759 = tpu.vector_load %arg8[%get3A_1757, %get3A_1758] {strides = array<i32>} : memref<800x64xf32, #tpu.memory_space<vmem>>, vector<16xf32>,
        %add3A_1760 = arith.addf %add3A_1738, %get3A_1759 : vector<16xf32>
        %mul3A_1761 = arith.constant 10 : i32
        %mul3A_1762 = arith.muli %scan3A_1580, %mul3A_1761 : i32
        %add3A_1763 = arith.constant 200 : i32
        %add3A_1764 = arith.addi %add3A_1763, %mul3A_1762 : i32
        %add3A_1765 = arith.constant 8 : i32
        %add3A_1766 = arith.addi %add3A_1764, %add3A_1765 : i32
        %get3A_1767 = arith.index_cast %add3A_1766 : i32 to index
        %get3A_1768 = arith.constant 0 : index
        %get3A_1769 = tpu.vector_load %arg8[%get3A_1767, %get3A_1768] {strides = array<i32>} : memref<800x64xf32, #tpu.memory_space<vmem>>, vector<16xf32>,
        %add3A_1770 = arith.addf %add3A_1748, %get3A_1769 : vector<16xf32>
        %get3A_1771 = arith.index_cast %add3A_1766 : i32 to index
        %get3A_1772 = arith.constant 16 : index
        %get3A_1773 = tpu.vector_load %arg8[%get3A_1771, %get3A_1772] {strides = array<i32>} : memref<800x64xf32, #tpu.memory_space<vmem>>, vector<16xf32>,
        %add3A_1774 = arith.addf %add3A_1752, %get3A_1773 : vector<16xf32>
        %get3A_1775 = arith.index_cast %add3A_1766 : i32 to index
        %get3A_1776 = arith.constant 32 : index
        %get3A_1777 = tpu.vector_load %arg8[%get3A_1775, %get3A_1776] {strides = array<i32>} : memref<800x64xf32, #tpu.memory_space<vmem>>, vector<16xf32>,
        %add3A_1778 = arith.addf %add3A_1756, %get3A_1777 : vector<16xf32>
        %get3A_1779 = arith.index_cast %add3A_1766 : i32 to index
        %get3A_1780 = arith.constant 48 : index
        %get3A_1781 = tpu.vector_load %arg8[%get3A_1779, %get3A_1780] {strides = array<i32>} : memref<800x64xf32, #tpu.memory_space<vmem>>, vector<16xf32>,
        %add3A_1782 = arith.addf %add3A_1760, %get3A_1781 : vector<16xf32>
        %mul3A_1783 = arith.constant 10 : i32
        %mul3A_1784 = arith.muli %scan3A_1580, %mul3A_1783 : i32
        %add3A_1785 = arith.constant 200 : i32
        %add3A_1786 = arith.addi %add3A_1785, %mul3A_1784 : i32
        %add3A_1787 = arith.constant 9 : i32
        %add3A_1788 = arith.addi %add3A_1786, %add3A_1787 : i32
        %get3A_1789 = arith.index_cast %add3A_1788 : i32 to index
        %get3A_1790 = arith.constant 0 : index
        %get3A_1791 = tpu.vector_load %arg8[%get3A_1789, %get3A_1790] {strides = array<i32>} : memref<800x64xf32, #tpu.memory_space<vmem>>, vector<16xf32>,
        %add3A_1792 = arith.addf %add3A_1770, %get3A_1791 : vector<16xf32>
        %get3A_1793 = arith.index_cast %add3A_1788 : i32 to index
        %get3A_1794 = arith.constant 16 : index
        %get3A_1795 = tpu.vector_load %arg8[%get3A_1793, %get3A_1794] {strides = array<i32>} : memref<800x64xf32, #tpu.memory_space<vmem>>, vector<16xf32>,
        %add3A_1796 = arith.addf %add3A_1774, %get3A_1795 : vector<16xf32>
        %get3A_1797 = arith.index_cast %add3A_1788 : i32 to index
        %get3A_1798 = arith.constant 32 : index
        %get3A_1799 = tpu.vector_load %arg8[%get3A_1797, %get3A_1798] {strides = array<i32>} : memref<800x64xf32, #tpu.memory_space<vmem>>, vector<16xf32>,
        %add3A_1800 = arith.addf %add3A_1778, %get3A_1799 : vector<16xf32>
        %get3A_1801 = arith.index_cast %add3A_1788 : i32 to index
        %get3A_1802 = arith.constant 48 : index
        %get3A_1803 = tpu.vector_load %arg8[%get3A_1801, %get3A_1802] {strides = array<i32>} : memref<800x64xf32, #tpu.memory_space<vmem>>, vector<16xf32>,
        %add3A_1804 = arith.addf %add3A_1782, %get3A_1803 : vector<16xf32>
        scf.yield %add3A_1792, %add3A_1796, %add3A_1800, %add3A_1804 : vector<16xf32>, vector<16xf32>, vector<16xf32>, vector<16xf32>
      }
      %scan3A_1463 = arith.constant 20 : i32
      %mul3A_1464 = arith.mulf %scan3A_1462#0, %div3A_1151 : vector<16xf32>
      %max3A_1465 = arith.constant 0.000000e+00 : f32
      %max3A_1466 = vector.broadcast %max3A_1465 : f32 to vector<16xf32>
      %max3A_1467 = arith.maximumf %mul3A_1464, %max3A_1466 : vector<16xf32>
      %swap3A_1468 = arith.constant 1 : i32
      %swap3A_1469 = arith.index_cast %swap3A_1468 : i32 to index
      %swap3A_1470 = arith.constant 0 : index
      %swap3A_1471 = tpu.vector_load %arg10[%swap3A_1469, %swap3A_1470] {strides = array<i32>} : memref<4x64xf32, #tpu.memory_space<vmem>>, vector<16xf32>,
      tpu.vector_store %arg10[%swap3A_1469, %swap3A_1470], %max3A_1467 {strides = array<i32>} : memref<4x64xf32, #tpu.memory_space<vmem>>, vector<16xf32>,
      %mul3A_1472 = arith.mulf %scan3A_1462#1, %div3A_1151 : vector<16xf32>
      %max3A_1473 = arith.constant 0.000000e+00 : f32
      %max3A_1474 = vector.broadcast %max3A_1473 : f32 to vector<16xf32>
      %max3A_1475 = arith.maximumf %mul3A_1472, %max3A_1474 : vector<16xf32>
      %swap3A_1476 = arith.constant 1 : i32
      %swap3A_1477 = arith.index_cast %swap3A_1476 : i32 to index
      %swap3A_1478 = arith.constant 16 : index
      %swap3A_1479 = tpu.vector_load %arg10[%swap3A_1477, %swap3A_1478] {strides = array<i32>} : memref<4x64xf32, #tpu.memory_space<vmem>>, vector<16xf32>,
      tpu.vector_store %arg10[%swap3A_1477, %swap3A_1478], %max3A_1475 {strides = array<i32>} : memref<4x64xf32, #tpu.memory_space<vmem>>, vector<16xf32>,
      %mul3A_1480 = arith.mulf %scan3A_1462#2, %div3A_1151 : vector<16xf32>
      %max3A_1481 = arith.constant 0.000000e+00 : f32
      %max3A_1482 = vector.broadcast %max3A_1481 : f32 to vector<16xf32>
      %max3A_1483 = arith.maximumf %mul3A_1480, %max3A_1482 : vector<16xf32>
      %swap3A_1484 = arith.constant 1 : i32
      %swap3A_1485 = arith.index_cast %swap3A_1484 : i32 to index
      %swap3A_1486 = arith.constant 32 : index
      %swap3A_1487 = tpu.vector_load %arg10[%swap3A_1485, %swap3A_1486] {strides = array<i32>} : memref<4x64xf32, #tpu.memory_space<vmem>>, vector<16xf32>,
      tpu.vector_store %arg10[%swap3A_1485, %swap3A_1486], %max3A_1483 {strides = array<i32>} : memref<4x64xf32, #tpu.memory_space<vmem>>, vector<16xf32>,
      %mul3A_1488 = arith.mulf %scan3A_1462#3, %div3A_1151 : vector<16xf32>
      %max3A_1489 = arith.constant 0.000000e+00 : f32
      %max3A_1490 = vector.broadcast %max3A_1489 : f32 to vector<16xf32>
      %max3A_1491 = arith.maximumf %mul3A_1488, %max3A_1490 : vector<16xf32>
      %swap3A_1492 = arith.constant 1 : i32
      %swap3A_1493 = arith.index_cast %swap3A_1492 : i32 to index
      %swap3A_1494 = arith.constant 48 : index
      %swap3A_1495 = tpu.vector_load %arg10[%swap3A_1493, %swap3A_1494] {strides = array<i32>} : memref<4x64xf32, #tpu.memory_space<vmem>>, vector<16xf32>,
      tpu.vector_store %arg10[%swap3A_1493, %swap3A_1494], %max3A_1491 {strides = array<i32>} : memref<4x64xf32, #tpu.memory_space<vmem>>, vector<16xf32>,
      %scan3A_1496 = arith.constant 0 : i32
      %scan3A_1497 = arith.constant 20 : i32
      %scan3A_1498 = arith.addi %scan3A_1496, %scan3A_1497 : i32
      %scan3A_1499 = arith.constant 1 : i32
      %scan3A_1500:4 = scf.for %scan3A_1580 = %scan3A_1496 to %scan3A_1498 step %scan3A_1499 iter_args(%scan3A_1581 = %broadcast_in_dim3A_1419, %scan3A_1582 = %broadcast_in_dim3A_1419, %scan3A_1583 = %broadcast_in_dim3A_1419, %scan3A_1584 = %broadcast_in_dim3A_1419) -> (vector<16xf32>, vector<16xf32>, vector<16xf32>, vector<16xf32>)  : i32 {
        %mul3A_1585 = arith.constant 10 : i32
        %mul3A_1586 = arith.muli %scan3A_1580, %mul3A_1585 : i32
        %add3A_1587 = arith.constant 400 : i32
        %add3A_1588 = arith.addi %add3A_1587, %mul3A_1586 : i32
        %add3A_1589 = arith.constant 0 : i32
        %add3A_1590 = arith.addi %add3A_1588, %add3A_1589 : i32
        %get3A_1591 = arith.index_cast %add3A_1590 : i32 to index
        %get3A_1592 = arith.constant 0 : index
        %get3A_1593 = tpu.vector_load %arg8[%get3A_1591, %get3A_1592] {strides = array<i32>} : memref<800x64xf32, #tpu.memory_space<vmem>>, vector<16xf32>,
        %add3A_1594 = arith.addf %scan3A_1581, %get3A_1593 : vector<16xf32>
        %get3A_1595 = arith.index_cast %add3A_1590 : i32 to index
        %get3A_1596 = arith.constant 16 : index
        %get3A_1597 = tpu.vector_load %arg8[%get3A_1595, %get3A_1596] {strides = array<i32>} : memref<800x64xf32, #tpu.memory_space<vmem>>, vector<16xf32>,
        %add3A_1598 = arith.addf %scan3A_1582, %get3A_1597 : vector<16xf32>
        %get3A_1599 = arith.index_cast %add3A_1590 : i32 to index
        %get3A_1600 = arith.constant 32 : index
        %get3A_1601 = tpu.vector_load %arg8[%get3A_1599, %get3A_1600] {strides = array<i32>} : memref<800x64xf32, #tpu.memory_space<vmem>>, vector<16xf32>,
        %add3A_1602 = arith.addf %scan3A_1583, %get3A_1601 : vector<16xf32>
        %get3A_1603 = arith.index_cast %add3A_1590 : i32 to index
        %get3A_1604 = arith.constant 48 : index
        %get3A_1605 = tpu.vector_load %arg8[%get3A_1603, %get3A_1604] {strides = array<i32>} : memref<800x64xf32, #tpu.memory_space<vmem>>, vector<16xf32>,
        %add3A_1606 = arith.addf %scan3A_1584, %get3A_1605 : vector<16xf32>
        %mul3A_1607 = arith.constant 10 : i32
        %mul3A_1608 = arith.muli %scan3A_1580, %mul3A_1607 : i32
        %add3A_1609 = arith.constant 400 : i32
        %add3A_1610 = arith.addi %add3A_1609, %mul3A_1608 : i32
        %add3A_1611 = arith.constant 1 : i32
        %add3A_1612 = arith.addi %add3A_1610, %add3A_1611 : i32
        %get3A_1613 = arith.index_cast %add3A_1612 : i32 to index
        %get3A_1614 = arith.constant 0 : index
        %get3A_1615 = tpu.vector_load %arg8[%get3A_1613, %get3A_1614] {strides = array<i32>} : memref<800x64xf32, #tpu.memory_space<vmem>>, vector<16xf32>,
        %add3A_1616 = arith.addf %add3A_1594, %get3A_1615 : vector<16xf32>
        %get3A_1617 = arith.index_cast %add3A_1612 : i32 to index
        %get3A_1618 = arith.constant 16 : index
        %get3A_1619 = tpu.vector_load %arg8[%get3A_1617, %get3A_1618] {strides = array<i32>} : memref<800x64xf32, #tpu.memory_space<vmem>>, vector<16xf32>,
        %add3A_1620 = arith.addf %add3A_1598, %get3A_1619 : vector<16xf32>
        %get3A_1621 = arith.index_cast %add3A_1612 : i32 to index
        %get3A_1622 = arith.constant 32 : index
        %get3A_1623 = tpu.vector_load %arg8[%get3A_1621, %get3A_1622] {strides = array<i32>} : memref<800x64xf32, #tpu.memory_space<vmem>>, vector<16xf32>,
        %add3A_1624 = arith.addf %add3A_1602, %get3A_1623 : vector<16xf32>
        %get3A_1625 = arith.index_cast %add3A_1612 : i32 to index
        %get3A_1626 = arith.constant 48 : index
        %get3A_1627 = tpu.vector_load %arg8[%get3A_1625, %get3A_1626] {strides = array<i32>} : memref<800x64xf32, #tpu.memory_space<vmem>>, vector<16xf32>,
        %add3A_1628 = arith.addf %add3A_1606, %get3A_1627 : vector<16xf32>
        %mul3A_1629 = arith.constant 10 : i32
        %mul3A_1630 = arith.muli %scan3A_1580, %mul3A_1629 : i32
        %add3A_1631 = arith.constant 400 : i32
        %add3A_1632 = arith.addi %add3A_1631, %mul3A_1630 : i32
        %add3A_1633 = arith.constant 2 : i32
        %add3A_1634 = arith.addi %add3A_1632, %add3A_1633 : i32
        %get3A_1635 = arith.index_cast %add3A_1634 : i32 to index
        %get3A_1636 = arith.constant 0 : index
        %get3A_1637 = tpu.vector_load %arg8[%get3A_1635, %get3A_1636] {strides = array<i32>} : memref<800x64xf32, #tpu.memory_space<vmem>>, vector<16xf32>,
        %add3A_1638 = arith.addf %add3A_1616, %get3A_1637 : vector<16xf32>
        %get3A_1639 = arith.index_cast %add3A_1634 : i32 to index
        %get3A_1640 = arith.constant 16 : index
        %get3A_1641 = tpu.vector_load %arg8[%get3A_1639, %get3A_1640] {strides = array<i32>} : memref<800x64xf32, #tpu.memory_space<vmem>>, vector<16xf32>,
        %add3A_1642 = arith.addf %add3A_1620, %get3A_1641 : vector<16xf32>
        %get3A_1643 = arith.index_cast %add3A_1634 : i32 to index
        %get3A_1644 = arith.constant 32 : index
        %get3A_1645 = tpu.vector_load %arg8[%get3A_1643, %get3A_1644] {strides = array<i32>} : memref<800x64xf32, #tpu.memory_space<vmem>>, vector<16xf32>,
        %add3A_1646 = arith.addf %add3A_1624, %get3A_1645 : vector<16xf32>
        %get3A_1647 = arith.index_cast %add3A_1634 : i32 to index
        %get3A_1648 = arith.constant 48 : index
        %get3A_1649 = tpu.vector_load %arg8[%get3A_1647, %get3A_1648] {strides = array<i32>} : memref<800x64xf32, #tpu.memory_space<vmem>>, vector<16xf32>,
        %add3A_1650 = arith.addf %add3A_1628, %get3A_1649 : vector<16xf32>
        %mul3A_1651 = arith.constant 10 : i32
        %mul3A_1652 = arith.muli %scan3A_1580, %mul3A_1651 : i32
        %add3A_1653 = arith.constant 400 : i32
        %add3A_1654 = arith.addi %add3A_1653, %mul3A_1652 : i32
        %add3A_1655 = arith.constant 3 : i32
        %add3A_1656 = arith.addi %add3A_1654, %add3A_1655 : i32
        %get3A_1657 = arith.index_cast %add3A_1656 : i32 to index
        %get3A_1658 = arith.constant 0 : index
        %get3A_1659 = tpu.vector_load %arg8[%get3A_1657, %get3A_1658] {strides = array<i32>} : memref<800x64xf32, #tpu.memory_space<vmem>>, vector<16xf32>,
        %add3A_1660 = arith.addf %add3A_1638, %get3A_1659 : vector<16xf32>
        %get3A_1661 = arith.index_cast %add3A_1656 : i32 to index
        %get3A_1662 = arith.constant 16 : index
        %get3A_1663 = tpu.vector_load %arg8[%get3A_1661, %get3A_1662] {strides = array<i32>} : memref<800x64xf32, #tpu.memory_space<vmem>>, vector<16xf32>,
        %add3A_1664 = arith.addf %add3A_1642, %get3A_1663 : vector<16xf32>
        %get3A_1665 = arith.index_cast %add3A_1656 : i32 to index
        %get3A_1666 = arith.constant 32 : index
        %get3A_1667 = tpu.vector_load %arg8[%get3A_1665, %get3A_1666] {strides = array<i32>} : memref<800x64xf32, #tpu.memory_space<vmem>>, vector<16xf32>,
        %add3A_1668 = arith.addf %add3A_1646, %get3A_1667 : vector<16xf32>
        %get3A_1669 = arith.index_cast %add3A_1656 : i32 to index
        %get3A_1670 = arith.constant 48 : index
        %get3A_1671 = tpu.vector_load %arg8[%get3A_1669, %get3A_1670] {strides = array<i32>} : memref<800x64xf32, #tpu.memory_space<vmem>>, vector<16xf32>,
        %add3A_1672 = arith.addf %add3A_1650, %get3A_1671 : vector<16xf32>
        %mul3A_1673 = arith.constant 10 : i32
        %mul3A_1674 = arith.muli %scan3A_1580, %mul3A_1673 : i32
        %add3A_1675 = arith.constant 400 : i32
        %add3A_1676 = arith.addi %add3A_1675, %mul3A_1674 : i32
        %add3A_1677 = arith.constant 4 : i32
        %add3A_1678 = arith.addi %add3A_1676, %add3A_1677 : i32
        %get3A_1679 = arith.index_cast %add3A_1678 : i32 to index
        %get3A_1680 = arith.constant 0 : index
        %get3A_1681 = tpu.vector_load %arg8[%get3A_1679, %get3A_1680] {strides = array<i32>} : memref<800x64xf32, #tpu.memory_space<vmem>>, vector<16xf32>,
        %add3A_1682 = arith.addf %add3A_1660, %get3A_1681 : vector<16xf32>
        %get3A_1683 = arith.index_cast %add3A_1678 : i32 to index
        %get3A_1684 = arith.constant 16 : index
        %get3A_1685 = tpu.vector_load %arg8[%get3A_1683, %get3A_1684] {strides = array<i32>} : memref<800x64xf32, #tpu.memory_space<vmem>>, vector<16xf32>,
        %add3A_1686 = arith.addf %add3A_1664, %get3A_1685 : vector<16xf32>
        %get3A_1687 = arith.index_cast %add3A_1678 : i32 to index
        %get3A_1688 = arith.constant 32 : index
        %get3A_1689 = tpu.vector_load %arg8[%get3A_1687, %get3A_1688] {strides = array<i32>} : memref<800x64xf32, #tpu.memory_space<vmem>>, vector<16xf32>,
        %add3A_1690 = arith.addf %add3A_1668, %get3A_1689 : vector<16xf32>
        %get3A_1691 = arith.index_cast %add3A_1678 : i32 to index
        %get3A_1692 = arith.constant 48 : index
        %get3A_1693 = tpu.vector_load %arg8[%get3A_1691, %get3A_1692] {strides = array<i32>} : memref<800x64xf32, #tpu.memory_space<vmem>>, vector<16xf32>,
        %add3A_1694 = arith.addf %add3A_1672, %get3A_1693 : vector<16xf32>
        %mul3A_1695 = arith.constant 10 : i32
        %mul3A_1696 = arith.muli %scan3A_1580, %mul3A_1695 : i32
        %add3A_1697 = arith.constant 400 : i32
        %add3A_1698 = arith.addi %add3A_1697, %mul3A_1696 : i32
        %add3A_1699 = arith.constant 5 : i32
        %add3A_1700 = arith.addi %add3A_1698, %add3A_1699 : i32
        %get3A_1701 = arith.index_cast %add3A_1700 : i32 to index
        %get3A_1702 = arith.constant 0 : index
        %get3A_1703 = tpu.vector_load %arg8[%get3A_1701, %get3A_1702] {strides = array<i32>} : memref<800x64xf32, #tpu.memory_space<vmem>>, vector<16xf32>,
        %add3A_1704 = arith.addf %add3A_1682, %get3A_1703 : vector<16xf32>
        %get3A_1705 = arith.index_cast %add3A_1700 : i32 to index
        %get3A_1706 = arith.constant 16 : index
        %get3A_1707 = tpu.vector_load %arg8[%get3A_1705, %get3A_1706] {strides = array<i32>} : memref<800x64xf32, #tpu.memory_space<vmem>>, vector<16xf32>,
        %add3A_1708 = arith.addf %add3A_1686, %get3A_1707 : vector<16xf32>
        %get3A_1709 = arith.index_cast %add3A_1700 : i32 to index
        %get3A_1710 = arith.constant 32 : index
        %get3A_1711 = tpu.vector_load %arg8[%get3A_1709, %get3A_1710] {strides = array<i32>} : memref<800x64xf32, #tpu.memory_space<vmem>>, vector<16xf32>,
        %add3A_1712 = arith.addf %add3A_1690, %get3A_1711 : vector<16xf32>
        %get3A_1713 = arith.index_cast %add3A_1700 : i32 to index
        %get3A_1714 = arith.constant 48 : index
        %get3A_1715 = tpu.vector_load %arg8[%get3A_1713, %get3A_1714] {strides = array<i32>} : memref<800x64xf32, #tpu.memory_space<vmem>>, vector<16xf32>,
        %add3A_1716 = arith.addf %add3A_1694, %get3A_1715 : vector<16xf32>
        %mul3A_1717 = arith.constant 10 : i32
        %mul3A_1718 = arith.muli %scan3A_1580, %mul3A_1717 : i32
        %add3A_1719 = arith.constant 400 : i32
        %add3A_1720 = arith.addi %add3A_1719, %mul3A_1718 : i32
        %add3A_1721 = arith.constant 6 : i32
        %add3A_1722 = arith.addi %add3A_1720, %add3A_1721 : i32
        %get3A_1723 = arith.index_cast %add3A_1722 : i32 to index
        %get3A_1724 = arith.constant 0 : index
        %get3A_1725 = tpu.vector_load %arg8[%get3A_1723, %get3A_1724] {strides = array<i32>} : memref<800x64xf32, #tpu.memory_space<vmem>>, vector<16xf32>,
        %add3A_1726 = arith.addf %add3A_1704, %get3A_1725 : vector<16xf32>
        %get3A_1727 = arith.index_cast %add3A_1722 : i32 to index
        %get3A_1728 = arith.constant 16 : index
        %get3A_1729 = tpu.vector_load %arg8[%get3A_1727, %get3A_1728] {strides = array<i32>} : memref<800x64xf32, #tpu.memory_space<vmem>>, vector<16xf32>,
        %add3A_1730 = arith.addf %add3A_1708, %get3A_1729 : vector<16xf32>
        %get3A_1731 = arith.index_cast %add3A_1722 : i32 to index
        %get3A_1732 = arith.constant 32 : index
        %get3A_1733 = tpu.vector_load %arg8[%get3A_1731, %get3A_1732] {strides = array<i32>} : memref<800x64xf32, #tpu.memory_space<vmem>>, vector<16xf32>,
        %add3A_1734 = arith.addf %add3A_1712, %get3A_1733 : vector<16xf32>
        %get3A_1735 = arith.index_cast %add3A_1722 : i32 to index
        %get3A_1736 = arith.constant 48 : index
        %get3A_1737 = tpu.vector_load %arg8[%get3A_1735, %get3A_1736] {strides = array<i32>} : memref<800x64xf32, #tpu.memory_space<vmem>>, vector<16xf32>,
        %add3A_1738 = arith.addf %add3A_1716, %get3A_1737 : vector<16xf32>
        %mul3A_1739 = arith.constant 10 : i32
        %mul3A_1740 = arith.muli %scan3A_1580, %mul3A_1739 : i32
        %add3A_1741 = arith.constant 400 : i32
        %add3A_1742 = arith.addi %add3A_1741, %mul3A_1740 : i32
        %add3A_1743 = arith.constant 7 : i32
        %add3A_1744 = arith.addi %add3A_1742, %add3A_1743 : i32
        %get3A_1745 = arith.index_cast %add3A_1744 : i32 to index
        %get3A_1746 = arith.constant 0 : index
        %get3A_1747 = tpu.vector_load %arg8[%get3A_1745, %get3A_1746] {strides = array<i32>} : memref<800x64xf32, #tpu.memory_space<vmem>>, vector<16xf32>,
        %add3A_1748 = arith.addf %add3A_1726, %get3A_1747 : vector<16xf32>
        %get3A_1749 = arith.index_cast %add3A_1744 : i32 to index
        %get3A_1750 = arith.constant 16 : index
        %get3A_1751 = tpu.vector_load %arg8[%get3A_1749, %get3A_1750] {strides = array<i32>} : memref<800x64xf32, #tpu.memory_space<vmem>>, vector<16xf32>,
        %add3A_1752 = arith.addf %add3A_1730, %get3A_1751 : vector<16xf32>
        %get3A_1753 = arith.index_cast %add3A_1744 : i32 to index
        %get3A_1754 = arith.constant 32 : index
        %get3A_1755 = tpu.vector_load %arg8[%get3A_1753, %get3A_1754] {strides = array<i32>} : memref<800x64xf32, #tpu.memory_space<vmem>>, vector<16xf32>,
        %add3A_1756 = arith.addf %add3A_1734, %get3A_1755 : vector<16xf32>
        %get3A_1757 = arith.index_cast %add3A_1744 : i32 to index
        %get3A_1758 = arith.constant 48 : index
        %get3A_1759 = tpu.vector_load %arg8[%get3A_1757, %get3A_1758] {strides = array<i32>} : memref<800x64xf32, #tpu.memory_space<vmem>>, vector<16xf32>,
        %add3A_1760 = arith.addf %add3A_1738, %get3A_1759 : vector<16xf32>
        %mul3A_1761 = arith.constant 10 : i32
        %mul3A_1762 = arith.muli %scan3A_1580, %mul3A_1761 : i32
        %add3A_1763 = arith.constant 400 : i32
        %add3A_1764 = arith.addi %add3A_1763, %mul3A_1762 : i32
        %add3A_1765 = arith.constant 8 : i32
        %add3A_1766 = arith.addi %add3A_1764, %add3A_1765 : i32
        %get3A_1767 = arith.index_cast %add3A_1766 : i32 to index
        %get3A_1768 = arith.constant 0 : index
        %get3A_1769 = tpu.vector_load %arg8[%get3A_1767, %get3A_1768] {strides = array<i32>} : memref<800x64xf32, #tpu.memory_space<vmem>>, vector<16xf32>,
        %add3A_1770 = arith.addf %add3A_1748, %get3A_1769 : vector<16xf32>
        %get3A_1771 = arith.index_cast %add3A_1766 : i32 to index
        %get3A_1772 = arith.constant 16 : index
        %get3A_1773 = tpu.vector_load %arg8[%get3A_1771, %get3A_1772] {strides = array<i32>} : memref<800x64xf32, #tpu.memory_space<vmem>>, vector<16xf32>,
        %add3A_1774 = arith.addf %add3A_1752, %get3A_1773 : vector<16xf32>
        %get3A_1775 = arith.index_cast %add3A_1766 : i32 to index
        %get3A_1776 = arith.constant 32 : index
        %get3A_1777 = tpu.vector_load %arg8[%get3A_1775, %get3A_1776] {strides = array<i32>} : memref<800x64xf32, #tpu.memory_space<vmem>>, vector<16xf32>,
        %add3A_1778 = arith.addf %add3A_1756, %get3A_1777 : vector<16xf32>
        %get3A_1779 = arith.index_cast %add3A_1766 : i32 to index
        %get3A_1780 = arith.constant 48 : index
        %get3A_1781 = tpu.vector_load %arg8[%get3A_1779, %get3A_1780] {strides = array<i32>} : memref<800x64xf32, #tpu.memory_space<vmem>>, vector<16xf32>,
        %add3A_1782 = arith.addf %add3A_1760, %get3A_1781 : vector<16xf32>
        %mul3A_1783 = arith.constant 10 : i32
        %mul3A_1784 = arith.muli %scan3A_1580, %mul3A_1783 : i32
        %add3A_1785 = arith.constant 400 : i32
        %add3A_1786 = arith.addi %add3A_1785, %mul3A_1784 : i32
        %add3A_1787 = arith.constant 9 : i32
        %add3A_1788 = arith.addi %add3A_1786, %add3A_1787 : i32
        %get3A_1789 = arith.index_cast %add3A_1788 : i32 to index
        %get3A_1790 = arith.constant 0 : index
        %get3A_1791 = tpu.vector_load %arg8[%get3A_1789, %get3A_1790] {strides = array<i32>} : memref<800x64xf32, #tpu.memory_space<vmem>>, vector<16xf32>,
        %add3A_1792 = arith.addf %add3A_1770, %get3A_1791 : vector<16xf32>
        %get3A_1793 = arith.index_cast %add3A_1788 : i32 to index
        %get3A_1794 = arith.constant 16 : index
        %get3A_1795 = tpu.vector_load %arg8[%get3A_1793, %get3A_1794] {strides = array<i32>} : memref<800x64xf32, #tpu.memory_space<vmem>>, vector<16xf32>,
        %add3A_1796 = arith.addf %add3A_1774, %get3A_1795 : vector<16xf32>
        %get3A_1797 = arith.index_cast %add3A_1788 : i32 to index
        %get3A_1798 = arith.constant 32 : index
        %get3A_1799 = tpu.vector_load %arg8[%get3A_1797, %get3A_1798] {strides = array<i32>} : memref<800x64xf32, #tpu.memory_space<vmem>>, vector<16xf32>,
        %add3A_1800 = arith.addf %add3A_1778, %get3A_1799 : vector<16xf32>
        %get3A_1801 = arith.index_cast %add3A_1788 : i32 to index
        %get3A_1802 = arith.constant 48 : index
        %get3A_1803 = tpu.vector_load %arg8[%get3A_1801, %get3A_1802] {strides = array<i32>} : memref<800x64xf32, #tpu.memory_space<vmem>>, vector<16xf32>,
        %add3A_1804 = arith.addf %add3A_1782, %get3A_1803 : vector<16xf32>
        scf.yield %add3A_1792, %add3A_1796, %add3A_1800, %add3A_1804 : vector<16xf32>, vector<16xf32>, vector<16xf32>, vector<16xf32>
      }
      %scan3A_1501 = arith.constant 20 : i32
      %mul3A_1502 = arith.mulf %scan3A_1500#0, %div3A_1278 : vector<16xf32>
      %max3A_1503 = arith.constant 0.000000e+00 : f32
      %max3A_1504 = vector.broadcast %max3A_1503 : f32 to vector<16xf32>
      %max3A_1505 = arith.maximumf %mul3A_1502, %max3A_1504 : vector<16xf32>
      %swap3A_1506 = arith.constant 2 : i32
      %swap3A_1507 = arith.index_cast %swap3A_1506 : i32 to index
      %swap3A_1508 = arith.constant 0 : index
      %swap3A_1509 = tpu.vector_load %arg10[%swap3A_1507, %swap3A_1508] {strides = array<i32>} : memref<4x64xf32, #tpu.memory_space<vmem>>, vector<16xf32>,
      tpu.vector_store %arg10[%swap3A_1507, %swap3A_1508], %max3A_1505 {strides = array<i32>} : memref<4x64xf32, #tpu.memory_space<vmem>>, vector<16xf32>,
      %mul3A_1510 = arith.mulf %scan3A_1500#1, %div3A_1278 : vector<16xf32>
      %max3A_1511 = arith.constant 0.000000e+00 : f32
      %max3A_1512 = vector.broadcast %max3A_1511 : f32 to vector<16xf32>
      %max3A_1513 = arith.maximumf %mul3A_1510, %max3A_1512 : vector<16xf32>
      %swap3A_1514 = arith.constant 2 : i32
      %swap3A_1515 = arith.index_cast %swap3A_1514 : i32 to index
      %swap3A_1516 = arith.constant 16 : index
      %swap3A_1517 = tpu.vector_load %arg10[%swap3A_1515, %swap3A_1516] {strides = array<i32>} : memref<4x64xf32, #tpu.memory_space<vmem>>, vector<16xf32>,
      tpu.vector_store %arg10[%swap3A_1515, %swap3A_1516], %max3A_1513 {strides = array<i32>} : memref<4x64xf32, #tpu.memory_space<vmem>>, vector<16xf32>,
      %mul3A_1518 = arith.mulf %scan3A_1500#2, %div3A_1278 : vector<16xf32>
      %max3A_1519 = arith.constant 0.000000e+00 : f32
      %max3A_1520 = vector.broadcast %max3A_1519 : f32 to vector<16xf32>
      %max3A_1521 = arith.maximumf %mul3A_1518, %max3A_1520 : vector<16xf32>
      %swap3A_1522 = arith.constant 2 : i32
      %swap3A_1523 = arith.index_cast %swap3A_1522 : i32 to index
      %swap3A_1524 = arith.constant 32 : index
      %swap3A_1525 = tpu.vector_load %arg10[%swap3A_1523, %swap3A_1524] {strides = array<i32>} : memref<4x64xf32, #tpu.memory_space<vmem>>, vector<16xf32>,
      tpu.vector_store %arg10[%swap3A_1523, %swap3A_1524], %max3A_1521 {strides = array<i32>} : memref<4x64xf32, #tpu.memory_space<vmem>>, vector<16xf32>,
      %mul3A_1526 = arith.mulf %scan3A_1500#3, %div3A_1278 : vector<16xf32>
      %max3A_1527 = arith.constant 0.000000e+00 : f32
      %max3A_1528 = vector.broadcast %max3A_1527 : f32 to vector<16xf32>
      %max3A_1529 = arith.maximumf %mul3A_1526, %max3A_1528 : vector<16xf32>
      %swap3A_1530 = arith.constant 2 : i32
      %swap3A_1531 = arith.index_cast %swap3A_1530 : i32 to index
      %swap3A_1532 = arith.constant 48 : index
      %swap3A_1533 = tpu.vector_load %arg10[%swap3A_1531, %swap3A_1532] {strides = array<i32>} : memref<4x64xf32, #tpu.memory_space<vmem>>, vector<16xf32>,
      tpu.vector_store %arg10[%swap3A_1531, %swap3A_1532], %max3A_1529 {strides = array<i32>} : memref<4x64xf32, #tpu.memory_space<vmem>>, vector<16xf32>,
      %scan3A_1534 = arith.constant 0 : i32
      %scan3A_1535 = arith.constant 20 : i32
      %scan3A_1536 = arith.addi %scan3A_1534, %scan3A_1535 : i32
      %scan3A_1537 = arith.constant 1 : i32
      %scan3A_1538:4 = scf.for %scan3A_1580 = %scan3A_1534 to %scan3A_1536 step %scan3A_1537 iter_args(%scan3A_1581 = %broadcast_in_dim3A_1419, %scan3A_1582 = %broadcast_in_dim3A_1419, %scan3A_1583 = %broadcast_in_dim3A_1419, %scan3A_1584 = %broadcast_in_dim3A_1419) -> (vector<16xf32>, vector<16xf32>, vector<16xf32>, vector<16xf32>)  : i32 {
        %mul3A_1585 = arith.constant 10 : i32
        %mul3A_1586 = arith.muli %scan3A_1580, %mul3A_1585 : i32
        %add3A_1587 = arith.constant 600 : i32
        %add3A_1588 = arith.addi %add3A_1587, %mul3A_1586 : i32
        %add3A_1589 = arith.constant 0 : i32
        %add3A_1590 = arith.addi %add3A_1588, %add3A_1589 : i32
        %get3A_1591 = arith.index_cast %add3A_1590 : i32 to index
        %get3A_1592 = arith.constant 0 : index
        %get3A_1593 = tpu.vector_load %arg8[%get3A_1591, %get3A_1592] {strides = array<i32>} : memref<800x64xf32, #tpu.memory_space<vmem>>, vector<16xf32>,
        %add3A_1594 = arith.addf %scan3A_1581, %get3A_1593 : vector<16xf32>
        %get3A_1595 = arith.index_cast %add3A_1590 : i32 to index
        %get3A_1596 = arith.constant 16 : index
        %get3A_1597 = tpu.vector_load %arg8[%get3A_1595, %get3A_1596] {strides = array<i32>} : memref<800x64xf32, #tpu.memory_space<vmem>>, vector<16xf32>,
        %add3A_1598 = arith.addf %scan3A_1582, %get3A_1597 : vector<16xf32>
        %get3A_1599 = arith.index_cast %add3A_1590 : i32 to index
        %get3A_1600 = arith.constant 32 : index
        %get3A_1601 = tpu.vector_load %arg8[%get3A_1599, %get3A_1600] {strides = array<i32>} : memref<800x64xf32, #tpu.memory_space<vmem>>, vector<16xf32>,
        %add3A_1602 = arith.addf %scan3A_1583, %get3A_1601 : vector<16xf32>
        %get3A_1603 = arith.index_cast %add3A_1590 : i32 to index
        %get3A_1604 = arith.constant 48 : index
        %get3A_1605 = tpu.vector_load %arg8[%get3A_1603, %get3A_1604] {strides = array<i32>} : memref<800x64xf32, #tpu.memory_space<vmem>>, vector<16xf32>,
        %add3A_1606 = arith.addf %scan3A_1584, %get3A_1605 : vector<16xf32>
        %mul3A_1607 = arith.constant 10 : i32
        %mul3A_1608 = arith.muli %scan3A_1580, %mul3A_1607 : i32
        %add3A_1609 = arith.constant 600 : i32
        %add3A_1610 = arith.addi %add3A_1609, %mul3A_1608 : i32
        %add3A_1611 = arith.constant 1 : i32
        %add3A_1612 = arith.addi %add3A_1610, %add3A_1611 : i32
        %get3A_1613 = arith.index_cast %add3A_1612 : i32 to index
        %get3A_1614 = arith.constant 0 : index
        %get3A_1615 = tpu.vector_load %arg8[%get3A_1613, %get3A_1614] {strides = array<i32>} : memref<800x64xf32, #tpu.memory_space<vmem>>, vector<16xf32>,
        %add3A_1616 = arith.addf %add3A_1594, %get3A_1615 : vector<16xf32>
        %get3A_1617 = arith.index_cast %add3A_1612 : i32 to index
        %get3A_1618 = arith.constant 16 : index
        %get3A_1619 = tpu.vector_load %arg8[%get3A_1617, %get3A_1618] {strides = array<i32>} : memref<800x64xf32, #tpu.memory_space<vmem>>, vector<16xf32>,
        %add3A_1620 = arith.addf %add3A_1598, %get3A_1619 : vector<16xf32>
        %get3A_1621 = arith.index_cast %add3A_1612 : i32 to index
        %get3A_1622 = arith.constant 32 : index
        %get3A_1623 = tpu.vector_load %arg8[%get3A_1621, %get3A_1622] {strides = array<i32>} : memref<800x64xf32, #tpu.memory_space<vmem>>, vector<16xf32>,
        %add3A_1624 = arith.addf %add3A_1602, %get3A_1623 : vector<16xf32>
        %get3A_1625 = arith.index_cast %add3A_1612 : i32 to index
        %get3A_1626 = arith.constant 48 : index
        %get3A_1627 = tpu.vector_load %arg8[%get3A_1625, %get3A_1626] {strides = array<i32>} : memref<800x64xf32, #tpu.memory_space<vmem>>, vector<16xf32>,
        %add3A_1628 = arith.addf %add3A_1606, %get3A_1627 : vector<16xf32>
        %mul3A_1629 = arith.constant 10 : i32
        %mul3A_1630 = arith.muli %scan3A_1580, %mul3A_1629 : i32
        %add3A_1631 = arith.constant 600 : i32
        %add3A_1632 = arith.addi %add3A_1631, %mul3A_1630 : i32
        %add3A_1633 = arith.constant 2 : i32
        %add3A_1634 = arith.addi %add3A_1632, %add3A_1633 : i32
        %get3A_1635 = arith.index_cast %add3A_1634 : i32 to index
        %get3A_1636 = arith.constant 0 : index
        %get3A_1637 = tpu.vector_load %arg8[%get3A_1635, %get3A_1636] {strides = array<i32>} : memref<800x64xf32, #tpu.memory_space<vmem>>, vector<16xf32>,
        %add3A_1638 = arith.addf %add3A_1616, %get3A_1637 : vector<16xf32>
        %get3A_1639 = arith.index_cast %add3A_1634 : i32 to index
        %get3A_1640 = arith.constant 16 : index
        %get3A_1641 = tpu.vector_load %arg8[%get3A_1639, %get3A_1640] {strides = array<i32>} : memref<800x64xf32, #tpu.memory_space<vmem>>, vector<16xf32>,
        %add3A_1642 = arith.addf %add3A_1620, %get3A_1641 : vector<16xf32>
        %get3A_1643 = arith.index_cast %add3A_1634 : i32 to index
        %get3A_1644 = arith.constant 32 : index
        %get3A_1645 = tpu.vector_load %arg8[%get3A_1643, %get3A_1644] {strides = array<i32>} : memref<800x64xf32, #tpu.memory_space<vmem>>, vector<16xf32>,
        %add3A_1646 = arith.addf %add3A_1624, %get3A_1645 : vector<16xf32>
        %get3A_1647 = arith.index_cast %add3A_1634 : i32 to index
        %get3A_1648 = arith.constant 48 : index
        %get3A_1649 = tpu.vector_load %arg8[%get3A_1647, %get3A_1648] {strides = array<i32>} : memref<800x64xf32, #tpu.memory_space<vmem>>, vector<16xf32>,
        %add3A_1650 = arith.addf %add3A_1628, %get3A_1649 : vector<16xf32>
        %mul3A_1651 = arith.constant 10 : i32
        %mul3A_1652 = arith.muli %scan3A_1580, %mul3A_1651 : i32
        %add3A_1653 = arith.constant 600 : i32
        %add3A_1654 = arith.addi %add3A_1653, %mul3A_1652 : i32
        %add3A_1655 = arith.constant 3 : i32
        %add3A_1656 = arith.addi %add3A_1654, %add3A_1655 : i32
        %get3A_1657 = arith.index_cast %add3A_1656 : i32 to index
        %get3A_1658 = arith.constant 0 : index
        %get3A_1659 = tpu.vector_load %arg8[%get3A_1657, %get3A_1658] {strides = array<i32>} : memref<800x64xf32, #tpu.memory_space<vmem>>, vector<16xf32>,
        %add3A_1660 = arith.addf %add3A_1638, %get3A_1659 : vector<16xf32>
        %get3A_1661 = arith.index_cast %add3A_1656 : i32 to index
        %get3A_1662 = arith.constant 16 : index
        %get3A_1663 = tpu.vector_load %arg8[%get3A_1661, %get3A_1662] {strides = array<i32>} : memref<800x64xf32, #tpu.memory_space<vmem>>, vector<16xf32>,
        %add3A_1664 = arith.addf %add3A_1642, %get3A_1663 : vector<16xf32>
        %get3A_1665 = arith.index_cast %add3A_1656 : i32 to index
        %get3A_1666 = arith.constant 32 : index
        %get3A_1667 = tpu.vector_load %arg8[%get3A_1665, %get3A_1666] {strides = array<i32>} : memref<800x64xf32, #tpu.memory_space<vmem>>, vector<16xf32>,
        %add3A_1668 = arith.addf %add3A_1646, %get3A_1667 : vector<16xf32>
        %get3A_1669 = arith.index_cast %add3A_1656 : i32 to index
        %get3A_1670 = arith.constant 48 : index
        %get3A_1671 = tpu.vector_load %arg8[%get3A_1669, %get3A_1670] {strides = array<i32>} : memref<800x64xf32, #tpu.memory_space<vmem>>, vector<16xf32>,
        %add3A_1672 = arith.addf %add3A_1650, %get3A_1671 : vector<16xf32>
        %mul3A_1673 = arith.constant 10 : i32
        %mul3A_1674 = arith.muli %scan3A_1580, %mul3A_1673 : i32
        %add3A_1675 = arith.constant 600 : i32
        %add3A_1676 = arith.addi %add3A_1675, %mul3A_1674 : i32
        %add3A_1677 = arith.constant 4 : i32
        %add3A_1678 = arith.addi %add3A_1676, %add3A_1677 : i32
        %get3A_1679 = arith.index_cast %add3A_1678 : i32 to index
        %get3A_1680 = arith.constant 0 : index
        %get3A_1681 = tpu.vector_load %arg8[%get3A_1679, %get3A_1680] {strides = array<i32>} : memref<800x64xf32, #tpu.memory_space<vmem>>, vector<16xf32>,
        %add3A_1682 = arith.addf %add3A_1660, %get3A_1681 : vector<16xf32>
        %get3A_1683 = arith.index_cast %add3A_1678 : i32 to index
        %get3A_1684 = arith.constant 16 : index
        %get3A_1685 = tpu.vector_load %arg8[%get3A_1683, %get3A_1684] {strides = array<i32>} : memref<800x64xf32, #tpu.memory_space<vmem>>, vector<16xf32>,
        %add3A_1686 = arith.addf %add3A_1664, %get3A_1685 : vector<16xf32>
        %get3A_1687 = arith.index_cast %add3A_1678 : i32 to index
        %get3A_1688 = arith.constant 32 : index
        %get3A_1689 = tpu.vector_load %arg8[%get3A_1687, %get3A_1688] {strides = array<i32>} : memref<800x64xf32, #tpu.memory_space<vmem>>, vector<16xf32>,
        %add3A_1690 = arith.addf %add3A_1668, %get3A_1689 : vector<16xf32>
        %get3A_1691 = arith.index_cast %add3A_1678 : i32 to index
        %get3A_1692 = arith.constant 48 : index
        %get3A_1693 = tpu.vector_load %arg8[%get3A_1691, %get3A_1692] {strides = array<i32>} : memref<800x64xf32, #tpu.memory_space<vmem>>, vector<16xf32>,
        %add3A_1694 = arith.addf %add3A_1672, %get3A_1693 : vector<16xf32>
        %mul3A_1695 = arith.constant 10 : i32
        %mul3A_1696 = arith.muli %scan3A_1580, %mul3A_1695 : i32
        %add3A_1697 = arith.constant 600 : i32
        %add3A_1698 = arith.addi %add3A_1697, %mul3A_1696 : i32
        %add3A_1699 = arith.constant 5 : i32
        %add3A_1700 = arith.addi %add3A_1698, %add3A_1699 : i32
        %get3A_1701 = arith.index_cast %add3A_1700 : i32 to index
        %get3A_1702 = arith.constant 0 : index
        %get3A_1703 = tpu.vector_load %arg8[%get3A_1701, %get3A_1702] {strides = array<i32>} : memref<800x64xf32, #tpu.memory_space<vmem>>, vector<16xf32>,
        %add3A_1704 = arith.addf %add3A_1682, %get3A_1703 : vector<16xf32>
        %get3A_1705 = arith.index_cast %add3A_1700 : i32 to index
        %get3A_1706 = arith.constant 16 : index
        %get3A_1707 = tpu.vector_load %arg8[%get3A_1705, %get3A_1706] {strides = array<i32>} : memref<800x64xf32, #tpu.memory_space<vmem>>, vector<16xf32>,
        %add3A_1708 = arith.addf %add3A_1686, %get3A_1707 : vector<16xf32>
        %get3A_1709 = arith.index_cast %add3A_1700 : i32 to index
        %get3A_1710 = arith.constant 32 : index
        %get3A_1711 = tpu.vector_load %arg8[%get3A_1709, %get3A_1710] {strides = array<i32>} : memref<800x64xf32, #tpu.memory_space<vmem>>, vector<16xf32>,
        %add3A_1712 = arith.addf %add3A_1690, %get3A_1711 : vector<16xf32>
        %get3A_1713 = arith.index_cast %add3A_1700 : i32 to index
        %get3A_1714 = arith.constant 48 : index
        %get3A_1715 = tpu.vector_load %arg8[%get3A_1713, %get3A_1714] {strides = array<i32>} : memref<800x64xf32, #tpu.memory_space<vmem>>, vector<16xf32>,
        %add3A_1716 = arith.addf %add3A_1694, %get3A_1715 : vector<16xf32>
        %mul3A_1717 = arith.constant 10 : i32
        %mul3A_1718 = arith.muli %scan3A_1580, %mul3A_1717 : i32
        %add3A_1719 = arith.constant 600 : i32
        %add3A_1720 = arith.addi %add3A_1719, %mul3A_1718 : i32
        %add3A_1721 = arith.constant 6 : i32
        %add3A_1722 = arith.addi %add3A_1720, %add3A_1721 : i32
        %get3A_1723 = arith.index_cast %add3A_1722 : i32 to index
        %get3A_1724 = arith.constant 0 : index
        %get3A_1725 = tpu.vector_load %arg8[%get3A_1723, %get3A_1724] {strides = array<i32>} : memref<800x64xf32, #tpu.memory_space<vmem>>, vector<16xf32>,
        %add3A_1726 = arith.addf %add3A_1704, %get3A_1725 : vector<16xf32>
        %get3A_1727 = arith.index_cast %add3A_1722 : i32 to index
        %get3A_1728 = arith.constant 16 : index
        %get3A_1729 = tpu.vector_load %arg8[%get3A_1727, %get3A_1728] {strides = array<i32>} : memref<800x64xf32, #tpu.memory_space<vmem>>, vector<16xf32>,
        %add3A_1730 = arith.addf %add3A_1708, %get3A_1729 : vector<16xf32>
        %get3A_1731 = arith.index_cast %add3A_1722 : i32 to index
        %get3A_1732 = arith.constant 32 : index
        %get3A_1733 = tpu.vector_load %arg8[%get3A_1731, %get3A_1732] {strides = array<i32>} : memref<800x64xf32, #tpu.memory_space<vmem>>, vector<16xf32>,
        %add3A_1734 = arith.addf %add3A_1712, %get3A_1733 : vector<16xf32>
        %get3A_1735 = arith.index_cast %add3A_1722 : i32 to index
        %get3A_1736 = arith.constant 48 : index
        %get3A_1737 = tpu.vector_load %arg8[%get3A_1735, %get3A_1736] {strides = array<i32>} : memref<800x64xf32, #tpu.memory_space<vmem>>, vector<16xf32>,
        %add3A_1738 = arith.addf %add3A_1716, %get3A_1737 : vector<16xf32>
        %mul3A_1739 = arith.constant 10 : i32
        %mul3A_1740 = arith.muli %scan3A_1580, %mul3A_1739 : i32
        %add3A_1741 = arith.constant 600 : i32
        %add3A_1742 = arith.addi %add3A_1741, %mul3A_1740 : i32
        %add3A_1743 = arith.constant 7 : i32
        %add3A_1744 = arith.addi %add3A_1742, %add3A_1743 : i32
        %get3A_1745 = arith.index_cast %add3A_1744 : i32 to index
        %get3A_1746 = arith.constant 0 : index
        %get3A_1747 = tpu.vector_load %arg8[%get3A_1745, %get3A_1746] {strides = array<i32>} : memref<800x64xf32, #tpu.memory_space<vmem>>, vector<16xf32>,
        %add3A_1748 = arith.addf %add3A_1726, %get3A_1747 : vector<16xf32>
        %get3A_1749 = arith.index_cast %add3A_1744 : i32 to index
        %get3A_1750 = arith.constant 16 : index
        %get3A_1751 = tpu.vector_load %arg8[%get3A_1749, %get3A_1750] {strides = array<i32>} : memref<800x64xf32, #tpu.memory_space<vmem>>, vector<16xf32>,
        %add3A_1752 = arith.addf %add3A_1730, %get3A_1751 : vector<16xf32>
        %get3A_1753 = arith.index_cast %add3A_1744 : i32 to index
        %get3A_1754 = arith.constant 32 : index
        %get3A_1755 = tpu.vector_load %arg8[%get3A_1753, %get3A_1754] {strides = array<i32>} : memref<800x64xf32, #tpu.memory_space<vmem>>, vector<16xf32>,
        %add3A_1756 = arith.addf %add3A_1734, %get3A_1755 : vector<16xf32>
        %get3A_1757 = arith.index_cast %add3A_1744 : i32 to index
        %get3A_1758 = arith.constant 48 : index
        %get3A_1759 = tpu.vector_load %arg8[%get3A_1757, %get3A_1758] {strides = array<i32>} : memref<800x64xf32, #tpu.memory_space<vmem>>, vector<16xf32>,
        %add3A_1760 = arith.addf %add3A_1738, %get3A_1759 : vector<16xf32>
        %mul3A_1761 = arith.constant 10 : i32
        %mul3A_1762 = arith.muli %scan3A_1580, %mul3A_1761 : i32
        %add3A_1763 = arith.constant 600 : i32
        %add3A_1764 = arith.addi %add3A_1763, %mul3A_1762 : i32
        %add3A_1765 = arith.constant 8 : i32
        %add3A_1766 = arith.addi %add3A_1764, %add3A_1765 : i32
        %get3A_1767 = arith.index_cast %add3A_1766 : i32 to index
        %get3A_1768 = arith.constant 0 : index
        %get3A_1769 = tpu.vector_load %arg8[%get3A_1767, %get3A_1768] {strides = array<i32>} : memref<800x64xf32, #tpu.memory_space<vmem>>, vector<16xf32>,
        %add3A_1770 = arith.addf %add3A_1748, %get3A_1769 : vector<16xf32>
        %get3A_1771 = arith.index_cast %add3A_1766 : i32 to index
        %get3A_1772 = arith.constant 16 : index
        %get3A_1773 = tpu.vector_load %arg8[%get3A_1771, %get3A_1772] {strides = array<i32>} : memref<800x64xf32, #tpu.memory_space<vmem>>, vector<16xf32>,
        %add3A_1774 = arith.addf %add3A_1752, %get3A_1773 : vector<16xf32>
        %get3A_1775 = arith.index_cast %add3A_1766 : i32 to index
        %get3A_1776 = arith.constant 32 : index
        %get3A_1777 = tpu.vector_load %arg8[%get3A_1775, %get3A_1776] {strides = array<i32>} : memref<800x64xf32, #tpu.memory_space<vmem>>, vector<16xf32>,
        %add3A_1778 = arith.addf %add3A_1756, %get3A_1777 : vector<16xf32>
        %get3A_1779 = arith.index_cast %add3A_1766 : i32 to index
        %get3A_1780 = arith.constant 48 : index
        %get3A_1781 = tpu.vector_load %arg8[%get3A_1779, %get3A_1780] {strides = array<i32>} : memref<800x64xf32, #tpu.memory_space<vmem>>, vector<16xf32>,
        %add3A_1782 = arith.addf %add3A_1760, %get3A_1781 : vector<16xf32>
        %mul3A_1783 = arith.constant 10 : i32
        %mul3A_1784 = arith.muli %scan3A_1580, %mul3A_1783 : i32
        %add3A_1785 = arith.constant 600 : i32
        %add3A_1786 = arith.addi %add3A_1785, %mul3A_1784 : i32
        %add3A_1787 = arith.constant 9 : i32
        %add3A_1788 = arith.addi %add3A_1786, %add3A_1787 : i32
        %get3A_1789 = arith.index_cast %add3A_1788 : i32 to index
        %get3A_1790 = arith.constant 0 : index
        %get3A_1791 = tpu.vector_load %arg8[%get3A_1789, %get3A_1790] {strides = array<i32>} : memref<800x64xf32, #tpu.memory_space<vmem>>, vector<16xf32>,
        %add3A_1792 = arith.addf %add3A_1770, %get3A_1791 : vector<16xf32>
        %get3A_1793 = arith.index_cast %add3A_1788 : i32 to index
        %get3A_1794 = arith.constant 16 : index
        %get3A_1795 = tpu.vector_load %arg8[%get3A_1793, %get3A_1794] {strides = array<i32>} : memref<800x64xf32, #tpu.memory_space<vmem>>, vector<16xf32>,
        %add3A_1796 = arith.addf %add3A_1774, %get3A_1795 : vector<16xf32>
        %get3A_1797 = arith.index_cast %add3A_1788 : i32 to index
        %get3A_1798 = arith.constant 32 : index
        %get3A_1799 = tpu.vector_load %arg8[%get3A_1797, %get3A_1798] {strides = array<i32>} : memref<800x64xf32, #tpu.memory_space<vmem>>, vector<16xf32>,
        %add3A_1800 = arith.addf %add3A_1778, %get3A_1799 : vector<16xf32>
        %get3A_1801 = arith.index_cast %add3A_1788 : i32 to index
        %get3A_1802 = arith.constant 48 : index
        %get3A_1803 = tpu.vector_load %arg8[%get3A_1801, %get3A_1802] {strides = array<i32>} : memref<800x64xf32, #tpu.memory_space<vmem>>, vector<16xf32>,
        %add3A_1804 = arith.addf %add3A_1782, %get3A_1803 : vector<16xf32>
        scf.yield %add3A_1792, %add3A_1796, %add3A_1800, %add3A_1804 : vector<16xf32>, vector<16xf32>, vector<16xf32>, vector<16xf32>
      }
      %scan3A_1539 = arith.constant 20 : i32
      %mul3A_1540 = arith.mulf %scan3A_1538#0, %div3A_1405 : vector<16xf32>
      %max3A_1541 = arith.constant 0.000000e+00 : f32
      %max3A_1542 = vector.broadcast %max3A_1541 : f32 to vector<16xf32>
      %max3A_1543 = arith.maximumf %mul3A_1540, %max3A_1542 : vector<16xf32>
      %swap3A_1544 = arith.constant 3 : i32
      %swap3A_1545 = arith.index_cast %swap3A_1544 : i32 to index
      %swap3A_1546 = arith.constant 0 : index
      %swap3A_1547 = tpu.vector_load %arg10[%swap3A_1545, %swap3A_1546] {strides = array<i32>} : memref<4x64xf32, #tpu.memory_space<vmem>>, vector<16xf32>,
      tpu.vector_store %arg10[%swap3A_1545, %swap3A_1546], %max3A_1543 {strides = array<i32>} : memref<4x64xf32, #tpu.memory_space<vmem>>, vector<16xf32>,
      %mul3A_1548 = arith.mulf %scan3A_1538#1, %div3A_1405 : vector<16xf32>
      %max3A_1549 = arith.constant 0.000000e+00 : f32
      %max3A_1550 = vector.broadcast %max3A_1549 : f32 to vector<16xf32>
      %max3A_1551 = arith.maximumf %mul3A_1548, %max3A_1550 : vector<16xf32>
      %swap3A_1552 = arith.constant 3 : i32
      %swap3A_1553 = arith.index_cast %swap3A_1552 : i32 to index
      %swap3A_1554 = arith.constant 16 : index
      %swap3A_1555 = tpu.vector_load %arg10[%swap3A_1553, %swap3A_1554] {strides = array<i32>} : memref<4x64xf32, #tpu.memory_space<vmem>>, vector<16xf32>,
      tpu.vector_store %arg10[%swap3A_1553, %swap3A_1554], %max3A_1551 {strides = array<i32>} : memref<4x64xf32, #tpu.memory_space<vmem>>, vector<16xf32>,
      %mul3A_1556 = arith.mulf %scan3A_1538#2, %div3A_1405 : vector<16xf32>
      %max3A_1557 = arith.constant 0.000000e+00 : f32
      %max3A_1558 = vector.broadcast %max3A_1557 : f32 to vector<16xf32>
      %max3A_1559 = arith.maximumf %mul3A_1556, %max3A_1558 : vector<16xf32>
      %swap3A_1560 = arith.constant 3 : i32
      %swap3A_1561 = arith.index_cast %swap3A_1560 : i32 to index
      %swap3A_1562 = arith.constant 32 : index
      %swap3A_1563 = tpu.vector_load %arg10[%swap3A_1561, %swap3A_1562] {strides = array<i32>} : memref<4x64xf32, #tpu.memory_space<vmem>>, vector<16xf32>,
      tpu.vector_store %arg10[%swap3A_1561, %swap3A_1562], %max3A_1559 {strides = array<i32>} : memref<4x64xf32, #tpu.memory_space<vmem>>, vector<16xf32>,
      %mul3A_1564 = arith.mulf %scan3A_1538#3, %div3A_1405 : vector<16xf32>
      %max3A_1565 = arith.constant 0.000000e+00 : f32
      %max3A_1566 = vector.broadcast %max3A_1565 : f32 to vector<16xf32>
      %max3A_1567 = arith.maximumf %mul3A_1564, %max3A_1566 : vector<16xf32>
      %swap3A_1568 = arith.constant 3 : i32
      %swap3A_1569 = arith.index_cast %swap3A_1568 : i32 to index
      %swap3A_1570 = arith.constant 48 : index
      %swap3A_1571 = tpu.vector_load %arg10[%swap3A_1569, %swap3A_1570] {strides = array<i32>} : memref<4x64xf32, #tpu.memory_space<vmem>>, vector<16xf32>,
      tpu.vector_store %arg10[%swap3A_1569, %swap3A_1570], %max3A_1567 {strides = array<i32>} : memref<4x64xf32, #tpu.memory_space<vmem>>, vector<16xf32>,
      %mul3A_1572 = arith.constant 4 : i32
      %mul3A_1573 = arith.muli %add3A_122, %mul3A_1572 : i32
      %add3A_1574 = arith.addi %mul3A_2, %mul3A_1573 : i32
      %dma_start3A_1575 = arith.constant 0 : i32
      %dma_start3A_1576 = tpu.memref_slice %arg4[%add3A_1574, %dma_start3A_1575] : memref<16384x64xf32, #tpu.memory_space<hbm>> -> memref<4x64xf32, #tpu.memory_space<hbm>>
      %dma_start3A_1577 = arith.constant 0 : i32
      %dma_start3A_1578 = tpu.memref_slice %arg4[%add3A_1574, %dma_start3A_1577] : memref<16384x64xf32, #tpu.memory_space<hbm>> -> memref<4x64xf32, #tpu.memory_space<hbm>>
      tpu.enqueue_dma source(%arg10 : memref<4x64xf32, #tpu.memory_space<vmem>>) target(%dma_start3A_1578 : memref<4x64xf32, #tpu.memory_space<hbm>>) target_semaphore(%arg16 : memref<!tpu.dma_semaphore, #tpu.memory_space<semaphore_mem>>)
      %scan3A_1579 = arith.constant 0 : i32
      scf.yield %scan3A_1579 : i32
    }
    %scan3A_104 = arith.constant 64 : i32
    %dma_wait3A_105 = arith.constant 0 : i32
    %dma_wait3A_106 = arith.constant 0 : i32
    %dma_wait3A_107 = tpu.memref_slice %arg4[%dma_wait3A_105, %dma_wait3A_106] : memref<16384x64xf32, #tpu.memory_space<hbm>> -> memref<4x64xf32, #tpu.memory_space<hbm>>
    %dma_wait3A_108 = arith.constant 0 : i32
    %dma_wait3A_109 = arith.constant 0 : i32
    %dma_wait3A_110 = tpu.memref_slice %arg4[%dma_wait3A_108, %dma_wait3A_109] : memref<16384x64xf32, #tpu.memory_space<hbm>> -> memref<4x64xf32, #tpu.memory_space<hbm>>
    tpu.wait_dma2 semaphore(%arg15 : memref<!tpu.dma_semaphore, #tpu.memory_space<semaphore_mem>>) src(%arg9 : memref<4x64xf32, #tpu.memory_space<vmem>>) dst(%dma_wait3A_110 : memref<4x64xf32, #tpu.memory_space<hbm>>)
    %dma_wait3A_111 = arith.constant 0 : i32
    %dma_wait3A_112 = arith.constant 0 : i32
    %dma_wait3A_113 = tpu.memref_slice %arg4[%dma_wait3A_111, %dma_wait3A_112] : memref<16384x64xf32, #tpu.memory_space<hbm>> -> memref<4x64xf32, #tpu.memory_space<hbm>>
    %dma_wait3A_114 = arith.constant 0 : i32
    %dma_wait3A_115 = arith.constant 0 : i32
    %dma_wait3A_116 = tpu.memref_slice %arg4[%dma_wait3A_114, %dma_wait3A_115] : memref<16384x64xf32, #tpu.memory_space<hbm>> -> memref<4x64xf32, #tpu.memory_space<hbm>>
    tpu.wait_dma2 semaphore(%arg16 : memref<!tpu.dma_semaphore, #tpu.memory_space<semaphore_mem>>) src(%arg10 : memref<4x64xf32, #tpu.memory_space<vmem>>) dst(%dma_wait3A_116 : memref<4x64xf32, #tpu.memory_space<hbm>>)
    return
  }
}

module attributes {stable_mosaic.version = 14 : i64} {
  func.func @_dense_body(%arg0: i32, %arg1: memref<2048x64xf32, #tpu.memory_space<vmem>>, %arg2: memref<2048x1xi32, #tpu.memory_space<vmem>>, %arg3: memref<64x32xf32, #tpu.memory_space<vmem>>, %arg4: memref<1x32xf32, #tpu.memory_space<vmem>>, %arg5: memref<96x1024xf32, #tpu.memory_space<vmem>>, %arg6: memref<1x1024xf32, #tpu.memory_space<vmem>>, %arg7: memref<2048x32xf32, #tpu.memory_space<vmem>>, %arg8: memref<2048x1024xf32, #tpu.memory_space<vmem>>) attributes {dimension_semantics = [#tpu.dimension_semantics<arbitrary>], iteration_bounds = array<i64: 8>, scalar_prefetch = 0 : i64, scratch_operands = 0 : i64, tpu.core_type = #tpu.core_type<tc>, window_params = [{transform_indices = @transform_0, window_bounds = array<i64: 2048, 64>}, {transform_indices = @transform_1, window_bounds = array<i64: 2048, 1>}, {pipeline_mode = #tpu.pipeline_mode<synchronous>, transform_indices = @transform_2, window_bounds = array<i64: 64, 32>}, {pipeline_mode = #tpu.pipeline_mode<synchronous>, transform_indices = @transform_3, window_bounds = array<i64: 1, 32>}, {pipeline_mode = #tpu.pipeline_mode<synchronous>, transform_indices = @transform_4, window_bounds = array<i64: 96, 1024>}, {pipeline_mode = #tpu.pipeline_mode<synchronous>, transform_indices = @transform_5, window_bounds = array<i64: 1, 1024>}, {transform_indices = @transform_6, window_bounds = array<i64: 2048, 32>}, {transform_indices = @transform_7, window_bounds = array<i64: 2048, 1024>}]} {
    %get3A = arith.constant 0 : index
    %get3A_0 = arith.constant 0 : index
    %get3A_1 = vector.load %arg1[%get3A, %get3A_0] : memref<2048x64xf32, #tpu.memory_space<vmem>>, vector<2048x64xf32>
    %get3A_2 = arith.constant 0 : index
    %get3A_3 = arith.constant 0 : index
    %get3A_4 = vector.load %arg3[%get3A_2, %get3A_3] : memref<64x32xf32, #tpu.memory_space<vmem>>, vector<64x32xf32>
    %dot_general3A = arith.constant dense<0.000000e+00> : vector<2048x32xf32>
    %dot_general3A_5 = tpu.matmul %get3A_1, %get3A_4, %dot_general3A {dimension_numbers = #tpu.dot_dimension_numbers<[1], [0], [0], [1], [0, 0, 1, 1], [], []>, transpose_lhs_hint = false} : vector<2048x64xf32>, vector<64x32xf32>, vector<2048x32xf32> -> vector<2048x32xf32>
    %get3A_6 = arith.constant 0 : index
    %get3A_7 = arith.constant 0 : index
    %get3A_8 = vector.load %arg4[%get3A_6, %get3A_7] : memref<1x32xf32, #tpu.memory_space<vmem>>, vector<1x32xf32>
    %add3A = vector.broadcast %get3A_8 : vector<1x32xf32> to vector<2048x32xf32>
    %add3A_9 = arith.addf %dot_general3A_5, %add3A : vector<2048x32xf32>
    %swap3A = arith.constant 0 : index
    %swap3A_10 = arith.constant 0 : index
    %swap3A_11 = vector.load %arg7[%swap3A, %swap3A_10] : memref<2048x32xf32, #tpu.memory_space<vmem>>, vector<2048x32xf32>
    tpu.vector_store %arg7[%swap3A, %swap3A_10], %add3A_9 {strides = array<i32>} : memref<2048x32xf32, #tpu.memory_space<vmem>>, vector<2048x32xf32>,
    %get3A_12 = arith.constant 0 : index
    %get3A_13 = arith.constant 0 : index
    %get3A_14 = vector.load %arg2[%get3A_12, %get3A_13] : memref<2048x1xi32, #tpu.memory_space<vmem>>, vector<2048x1xi32>
    %iota3A = tpu.iota {dimensions = array<i32: 1>} : vector<2048x32xi32>
    %eq3A = vector.broadcast %get3A_14 : vector<2048x1xi32> to vector<2048x32xi32>
    %eq3A_15 = arith.cmpi eq, %eq3A, %iota3A : vector<2048x32xi32>
    %convert_element_type3A = arith.extui %eq3A_15 : vector<2048x32xi1> to vector<2048x32xi32>
    %convert_element_type3A_16 = arith.sitofp %convert_element_type3A : vector<2048x32xi32> to vector<2048x32xf32>
    %get3A_17 = arith.constant 0 : index
    %get3A_18 = arith.constant 0 : index
    %get3A_19 = vector.load %arg5[%get3A_17, %get3A_18] : memref<96x1024xf32, #tpu.memory_space<vmem>>, vector<64x1024xf32>
    %dot_general3A_20 = arith.constant dense<0.000000e+00> : vector<2048x1024xf32>
    %dot_general3A_21 = tpu.matmul %get3A_1, %get3A_19, %dot_general3A_20 {dimension_numbers = #tpu.dot_dimension_numbers<[1], [0], [0], [1], [0, 0, 1, 1], [], []>, transpose_lhs_hint = false} : vector<2048x64xf32>, vector<64x1024xf32>, vector<2048x1024xf32> -> vector<2048x1024xf32>
    %get3A_22 = arith.constant 64 : index
    %get3A_23 = arith.constant 0 : index
    %get3A_24 = vector.load %arg5[%get3A_22, %get3A_23] : memref<96x1024xf32, #tpu.memory_space<vmem>>, vector<32x1024xf32>
    %dot_general3A_25 = arith.constant dense<0.000000e+00> : vector<2048x1024xf32>
    %dot_general3A_26 = tpu.matmul %convert_element_type3A_16, %get3A_24, %dot_general3A_25 {dimension_numbers = #tpu.dot_dimension_numbers<[1], [0], [0], [1], [0, 0, 1, 1], [], []>, transpose_lhs_hint = false} : vector<2048x32xf32>, vector<32x1024xf32>, vector<2048x1024xf32> -> vector<2048x1024xf32>
    %add3A_27 = arith.addf %dot_general3A_21, %dot_general3A_26 : vector<2048x1024xf32>
    %get3A_28 = arith.constant 0 : index
    %get3A_29 = arith.constant 0 : index
    %get3A_30 = vector.load %arg6[%get3A_28, %get3A_29] : memref<1x1024xf32, #tpu.memory_space<vmem>>, vector<1x1024xf32>
    %add3A_31 = vector.broadcast %get3A_30 : vector<1x1024xf32> to vector<2048x1024xf32>
    %add3A_32 = arith.addf %add3A_27, %add3A_31 : vector<2048x1024xf32>
    %swap3A_33 = arith.constant 0 : index
    %swap3A_34 = arith.constant 0 : index
    %swap3A_35 = vector.load %arg8[%swap3A_33, %swap3A_34] : memref<2048x1024xf32, #tpu.memory_space<vmem>>, vector<2048x1024xf32>
    tpu.vector_store %arg8[%swap3A_33, %swap3A_34], %add3A_32 {strides = array<i32>} : memref<2048x1024xf32, #tpu.memory_space<vmem>>, vector<2048x1024xf32>,
    return
  }
  func.func @transform_0(%arg0: i32) -> (i32, i32) {
    %c0_i32 = arith.constant 0 : i32
    %c0_i32_0 = arith.constant 0 : i32
    return %arg0, %c0_i32 : i32, i32
  }
  func.func @transform_1(%arg0: i32) -> (i32, i32) {
    %c0_i32 = arith.constant 0 : i32
    %c0_i32_0 = arith.constant 0 : i32
    return %arg0, %c0_i32 : i32, i32
  }
  func.func @transform_2(%arg0: i32) -> (i32, i32) {
    %c0_i32 = arith.constant 0 : i32
    %c0_i32_0 = arith.constant 0 : i32
    %c0_i32_1 = arith.constant 0 : i32
    return %c0_i32, %c0_i32_0 : i32, i32
  }
  func.func @transform_3(%arg0: i32) -> (i32, i32) {
    %c0_i32 = arith.constant 0 : i32
    %c0_i32_0 = arith.constant 0 : i32
    %c0_i32_1 = arith.constant 0 : i32
    return %c0_i32, %c0_i32_0 : i32, i32
  }
  func.func @transform_4(%arg0: i32) -> (i32, i32) {
    %c0_i32 = arith.constant 0 : i32
    %c0_i32_0 = arith.constant 0 : i32
    %c0_i32_1 = arith.constant 0 : i32
    return %c0_i32, %c0_i32_0 : i32, i32
  }
  func.func @transform_5(%arg0: i32) -> (i32, i32) {
    %c0_i32 = arith.constant 0 : i32
    %c0_i32_0 = arith.constant 0 : i32
    %c0_i32_1 = arith.constant 0 : i32
    return %c0_i32, %c0_i32_0 : i32, i32
  }
  func.func @transform_6(%arg0: i32) -> (i32, i32) {
    %c0_i32 = arith.constant 0 : i32
    %c0_i32_0 = arith.constant 0 : i32
    return %arg0, %c0_i32 : i32, i32
  }
  func.func @transform_7(%arg0: i32) -> (i32, i32) {
    %c0_i32 = arith.constant 0 : i32
    %c0_i32_0 = arith.constant 0 : i32
    return %arg0, %c0_i32 : i32, i32
  }
}

</mosaic_0001>

<sc_bundles>
// kernel: kernel.4.cloned.1.call-start
scs
__scs_entry_jumppad:
0x0: {  	(pc) =	sbr.rel $0x88, $3  }
0x1: {  	(tag) =	ssettag $0x0;
	lr =	simm.s32 $0x1  }
0x2: {  	[smem:$0x3F9A] =	sst lr;
	_ =	strace $0xD0000000  }
0x3: {  	_ = 	snop  }
0x4: {  	_ = 	snop  }
0x5: {  	_ = 	snop  }
0x6: {  	_ = 	snop  }
0x7: {  	_ = 	snop  }
__scs_overlays_trampoline_lowered:
0x8: {  	[smem:$0x3FA9] =	sst s0  }
0x9: {  	[smem:$0x3FAA] =	sst s1  }
0xa: {  	[smem:$0x3FAB] =	sst s2  }
0xb: {  	[smem:$0x3FAC] =	sst s3  }
0xc: {  	[smem:$0x3FAD] =	sst s4  }
0xd: {  	[smem:$0x3FAE] =	sst s5  }
0xe: {  	[smem:$0x3FAF] =	sst s6  }
0xf: {  	[smem:$0x3FB0] =	sst s7  }
0x10: {  	[smem:$0x3FB1] =	sst s8  }
0x11: {  	[smem:$0x3FB2] =	sst s9;
	s0 =	simm.s32 @!p0 $0x0  }
0x12: {  	s1 =	sld [smem:$0x3F98];
	s0 =	simm.s32 @p0 $0x1  }
0x13: {  	[smem:$0x3FB3] =	sst s0;
	s0 =	simm.s32 @!p1 $0x0  }
0x14: {  	s2 =	sld [smem:$0x3F97];
	s0 =	simm.s32 @p1 $0x1  }
0x15: {  	[smem:$0x3FB4] =	sst s0;
	s0 =	simm.s32 @!p2 $0x0  }
0x16: {  	s3 =	sld [smem:$0x3FDB];
	s0 =	simm.s32 @p2 $0x1  }
0x17: {  	s4 =	simm.s32 $0x1BF5;
	[smem:$0x3FB6] =	sst s0  }
0x18: {  	s0 =	sld [smem:$0x3F99];
	_ =	swait.ge [sflag:s4], $0x0  }
0x19: {  	s7 =	sld [smem:$0x3F9A]  }
0x1a: {  	s8 =	sadd.s32 $0xFFFFE003, lr  }
0x1b: {  	s9 =	sadd.s32 $0xFFFFFEF7, lr;
	s5 =	simm.s32 $0xFFFFFFFF;
	p2 =	slt.u32 s8, $0xFFFFF086  }
0x1c: {  	p1 =	slt.u32 s9, $0xF7A;
	s5 =	simm.s32 @!p2 $0x0  }
0x1d: {  	s5 =	simm.s32 @p1 $0x1;
	p0 =	seq.s32 s7, s2  }
0x1e: {  	s7 =	smul.u32 @!p0 $0xF7A, s2;
	p2 =	seq.s32 @!p0 s5, $0x0  }
0x1f: {  	s9 =	smul.u32 $0xF7A, s1;
	s8 =	simm.s32 @!p0 $0x1BF5;
	p2 =	por !p2, p0  }
0x20: {  	[sflag:s8] =	ssyncset.s32 @!p0 $0xFFFFF086;
	s6 =	sadd.s32 @!p0 s3, s7;
	s7 =	simm.s32 @!p0 $0x108  }
0x21: {  	s3 =	sadd.s32 s3, s9;
	s6 =	sadd.s32 @!p0 $0x88, s6;
	s7 =	simm.s32 @p2 $0x1082  }
0x22: {  	[simem:s7], [sflag:s8] =	dma.local @!p0 [hbm:s6], $0xF7A  }
0x23: {  	s9 =	sor.u32 $0xD0000000, s2;
	s6 =	simm.s32 $0x108;
	_ =	swait.ge @!p0 [sflag:s8], $0x0  }
0x24: {  	s3 =	sadd.s32 $0x88, s3;
	s6 =	simm.s32 @!p1 $0x1082;
	[sflag:s4] =	ssyncset.s32 $0xFFFFF086  }
0x25: {  	[simem:s6], [sflag:s4] =	dma.local [hbm:s3], $0xF7A  }
0x26: {  	[smem:$0x3F9A] =	sst s1;
	(tag) =	ssettag s2;
	_ =	strace s9  }
0x27: {  	s1 =	sld [smem:$0x3FAA]  }
0x28: {  	s2 =	sld [smem:$0x3FAB]  }
0x29: {  	s4 =	sld [smem:$0x3FAD]  }
0x2a: {  	p0 =	seq.s32 s5, $0x0;
	s5 =	sld [smem:$0x3FAE]  }
0x2b: {  	s6 =	sld [smem:$0x3FAF]  }
0x2c: {  	s7 =	sld [smem:$0x3FB0]  }
0x2d: {  	s3 =	simm.s32 $0x108;
	s8 =	sld [smem:$0x3FB1]  }
0x2e: {  	s3 =	simm.s32 @!p0 $0x1082;
	s9 =	sld [smem:$0x3FB2]  }
0x2f: {  	lr =	sadd.s32 s0, s3;
	s0 =	sld [smem:$0x3FA9]  }
0x30: {  	s3 =	sld [smem:$0x3FAC]  }
0x31: {  	[smem:$0x3FB5] =	sst s10  }
0x32: {  	s10 =	sld [smem:$0x3FB3];
	_ =	sdelay $0x3  }
0x33: {  	p0 =	seq.s32 s10, $0x1;
	s10 =	sld [smem:$0x3FB5];
	_ =	sdelay $0x3  }
0x34: {  	[smem:$0x3FB5] =	sst s10  }
0x35: {  	s10 =	sld [smem:$0x3FB4];
	_ =	sdelay $0x3  }
0x36: {  	p1 =	seq.s32 s10, $0x1;
	s10 =	sld [smem:$0x3FB5];
	_ =	sdelay $0x3  }
0x37: {  	[smem:$0x3FB5] =	sst s10  }
0x38: {  	s10 =	sld [smem:$0x3FB6]  }
0x39: {  	_ = 	snop;
	(pc) =	sbr.ind lr, $3  }
0x3a: {  	_ = 	snop  }
0x3b: {  	_ = 	snop  }
0x3c: {  	p2 =	seq.s32 s10, $0x1;
	s10 =	sld [smem:$0x3FB5]  }
0x3d: {  	_ =	shalt  }
0x3e: {  	_ =	shalt  }
0x3f: {  	_ =	shalt  }
0x40: {  	_ =	shalt  }
0x41: {  	_ =	shalt  }
0x42: {  	_ =	shalt  }
0x43: {  	_ =	shalt  }
0x44: {  	_ =	shalt  }
0x45: {  	_ =	shalt  }
0x46: {  	_ =	shalt  }
0x47: {  	_ =	shalt  }
0x48: {  	_ =	shalt  }
0x49: {  	_ =	shalt  }
0x4a: {  	_ =	shalt  }
0x4b: {  	_ =	shalt  }
0x4c: {  	_ =	shalt  }
0x4d: {  	_ =	shalt  }
0x4e: {  	_ =	shalt  }
0x4f: {  	_ =	shalt  }
0x50: {  	_ =	shalt  }
0x51: {  	_ =	shalt  }
0x52: {  	_ =	shalt  }
0x53: {  	_ =	shalt  }
0x54: {  	_ =	shalt  }
0x55: {  	_ =	shalt  }
0x56: {  	_ =	shalt  }
0x57: {  	_ =	shalt  }
0x58: {  	_ =	shalt  }
0x59: {  	_ =	shalt  }
0x5a: {  	_ =	shalt  }
0x5b: {  	_ =	shalt  }
0x5c: {  	_ =	shalt  }
0x5d: {  	_ =	shalt  }
0x5e: {  	_ =	shalt  }
0x5f: {  	_ =	shalt  }
0x60: {  	_ =	shalt  }
0x61: {  	_ =	shalt  }
0x62: {  	_ =	shalt  }
0x63: {  	_ =	shalt  }
0x64: {  	_ =	shalt  }
0x65: {  	_ =	shalt  }
0x66: {  	_ =	shalt  }
0x67: {  	_ =	shalt  }
0x68: {  	_ =	shalt  }
0x69: {  	_ =	shalt  }
0x6a: {  	_ =	shalt  }
0x6b: {  	_ =	shalt  }
0x6c: {  	_ =	shalt  }
0x6d: {  	_ =	shalt  }
0x6e: {  	_ =	shalt  }
0x6f: {  	_ =	shalt  }
0x70: {  	_ =	shalt  }
0x71: {  	_ =	shalt  }
0x72: {  	_ =	shalt  }
0x73: {  	_ =	shalt  }
0x74: {  	_ =	shalt  }
0x75: {  	_ =	shalt  }
0x76: {  	_ =	shalt  }
0x77: {  	_ =	shalt  }
0x78: {  	_ =	shalt  }
0x79: {  	_ =	shalt  }
0x7a: {  	_ =	shalt  }
0x7b: {  	_ =	shalt  }
0x7c: {  	_ =	shalt  }
0x7d: {  	_ =	shalt  }
0x7e: {  	_ =	shalt  }
0x7f: {  	_ =	shalt  }
0x80: {  	_ =	shalt  }
0x81: {  	_ =	shalt  }
0x82: {  	_ =	shalt  }
0x83: {  	_ =	shalt  }
0x84: {  	_ =	shalt  }
0x85: {  	_ =	shalt  }
0x86: {  	_ =	shalt  }
0x87: {  	_ =	shalt  }
.Lfunc_end0:
.L_simem_size_0:
called_computation_lowered:
.L_overlay_start_0:
0x88: {  	s2 =	sld [smem:$0x3FD9]  }
0x89: {  	s3 =	sld [smem:$0x3FFE];
	_ =	sdelay $0x1  }
0x8a: {  	s1 =	srdreg.scid  }
0x8b: {  	s0 =	sand.u32 $0x1, s1  }
0x8c: {  	s14 =	sshll.u32 s0, $0xA;
	s2 =	sadd.s32 s3, s2  }
0x8d: {  	s2 =	sadd.s32 s2, s14  }
0x8e: {  	[smem:$0x3FC1] =	sst s2  }
0x8f: {  	_ = 	snop  }
0x90: {  	s2 =	sld [smem:$0x3FD0];
	_ =	sdelay $0x2  }
0x91: {  	s15 =	simm.s32 $0xA;
	s4 =	simm.s32 $0x10  }
0x92: {  	[smem:s4], [sflag:s15] =	dma.local [hbm:s2], $0x1  }
0x93: {  	_ =	swait.eq [sflag:s15], $0x1  }
0x94: {  	[sflag:s15] =	ssyncset.done $0x0  }
0x95: {  	[sflag:s15] =	ssyncadd.s32 $0xFFFFFFFF  }
0x96: {  	s16 =	sld [smem:$0x11];
	(tm) =	ssettm $0x1  }
0x97: {  	s17 =	sld [smem:$0x3FFB];
	_ =	sdelay $0x3  }
0x98: {  	_ =	strace s17  }
0x99: {  	s3 =	sld [smem:$0x3FFC];
	_ =	sdelay $0x3  }
0x9a: {  	_ =	strace s3  }
0x9b: {  	s3 =	sld [smem:$0x3FFD];
	_ =	sdelay $0x3  }
0x9c: {  	_ =	strace s3  }
0x9d: {  	_ =	strace $0x8FFFFFFF  }
0x9e: {  	s18 =	sld [smem:$0x3FDB];
	_ =	sdelay $0x1  }
0x9f: {  	s19 =	simm.s32 $_scs_section_size  }
0xa0: {  	s5 =	simm.s32 $_size__tile_overlayer_lowered;
	s6 =	simm.s32 $_tile_overlayer_lowered  }
0xa1: {  	s22 =	simm.s32 $0x1BFF;
	s21 =	sshll.u32 s6, $0x1;
	s3 =	sadd.s32 s19, s18  }
0xa2: {  	s7 =	simm.s32 $0x0;
	s20 =	sshll.u32 s5, $0x1;
	s5 =	sadd.s32 s21, s3  }
0xa3: {  	[timem:s7], [sflag:s22] =	dma.local [hbm:s5], s20  }
0xa4: {  	_ =	swait.ge [sflag:s22], s20  }
0xa5: {  	s4 =	ssub.s32 $0x0, s20;
	[sflag:s22] =	ssyncset.done $0x0  }
0xa6: {  	[sflag:s22] =	ssyncadd.s32 s4;
	_ =	sdelay $0x1  }
0xa7: {  	s23 =	simm.s32 $0x1B8B  }
0xa8: {  	_ =	swait.ge [sflag:s23], $0x1  }
0xa9: {  	[sflag:s23] =	ssyncset.done $0x0  }
0xaa: {  	s25 =	simm.s32 $0x1B8E;
	s24 =	sld [smem:$0x3FFE];
	[sflag:s23] =	ssyncadd.s32 $0xFFFFFFFF  }
0xab: {  	s26 =	simm.s32 $execute0_lowered;
	[smem:$0x3FD2] =	sst s25  }
0xac: {  	s5 =	sshll.u32 s26, $0x1;
	_ =	strace $0x80000046;
	[dreg:$0x1] =	wrdreg $0xFFFFFFFF  }
0xad: {  	s28 =	simm.s32 $_size_execute0_lowered;
	s3 =	sadd.s32 s3, s5;
	[dreg:$0x0] =	wrdreg $0x0  }
0xae: {  	s5 =	sshll.u32 s28, $0x1;
	[dreg:$0x2] =	wrdreg s3  }
0xaf: {  	[dreg:$0x3] =	wrdreg s5  }
0xb0: {  	[dreg:$0x4] =	wrdreg $0xC0  }
0xb1: {  	_ =	task [dreg:s7], $0x5FFFF  }
0xb2: {  	[dreg:$0x1] =	wrdreg $0xFFFFFFFF  }
0xb3: {  	[dreg:$0x0] =	wrdreg $0x60  }
0xb4: {  	[dreg:$0x2] =	wrdreg s16  }
0xb5: {  	[dreg:$0x3] =	wrdreg s24  }
0xb6: {  	[dreg:$0x4] =	wrdreg $0x9  }
0xb7: {  	_ =	task.clear_ibuf [dreg:s7], $0x5FFFF;
	_ =	strace $0x90000046  }
0xb8: {  	s29 =	simm.s32 $0x9;
	_ =	strace $0x80000048  }
0xb9: {  	_ =	swait.ge [sflag:s29], $0x1  }
0xba: {  	[sflag:s29] =	ssyncadd.s32 $0xFFFFFFFF  }
0xbb: {  	_ =	strace $0x90000048  }
0xbc: {  	_ =	sfence  }
0xbd: {  	s30 =	sld [smem:$0x0];
	_ =	sdelay $0x2  }
0xbe: {  	s31 =	sshll.u32 s1, $0xD;
	s1 =	sshrl.u32 s1, $0x2  }
0xbf: {  	s3 =	sand.u32 $0x4000, s31;
	s1 =	sadd.s32 s1, s30  }
0xc0: {  	s0 =	sor.u32 s3, s0;
	s1 =	sshll.u32 s1, $0x11  }
0xc1: {  	s0 =	sor.u32 s1, s0  }
0xc2: {  	s0 =	sadd.s32 $0x8F2B, s0  }
0xc3: {  	[sflag:s0] =	ssyncadd.remote.s32 $0x1  }
0xc4: {  	_ =	sfence.sel $0xFFFF  }
0xc5: {  	[dreg:$0x0] =	wrdreg $0xFFFFFFFF;
	(pc) =	sbr.abs _section_cstart, $3  }
0xc6: {  	[dreg:$0x1] =	wrdreg $0xFFFFFFFF  }
0xc7: {  	_ =	task.clear_ibuf [dreg:s7], $0x2FFFF;
	_ =	strace $0x9FFFFFFF  }
0xc8: {  	(tm) =	ssettm $0x7FFFFFFF  }
0xc9: {  	_ =	shalt  }
tec
execute0_lowered:
.L_overlay_start_1:
0x0: {  	(tag) =	ssettag $0x1  }
0x1: {  	s2 =	rddreg [dreg:$0x0]  }
0x2: {  	s0 =	rddreg [dreg:$0x1];
	s1 =	srdreg.scid  }
0x3: {  	s4 =	stileid.u32;
	s3 =	simm.s32 $0x0;
	s13 =	simm.s32 $0x68  }
0x4: {  	s15 =	simm.s32 $0x60;
	s30 =	simm.s32 $0x320;
	s31 =	simm.s32 $0x2  }
0x5: {  	s22 =	simm.s32 $0x518;
	s23 =	simm.s32 $0x14C40;
	s24 =	simm.s32 $0x578  }
0x6: {  	s25 =	simm.s32 $0x16440;
	s28 =	simm.s32 $0x17E40;
	s29 =	simm.s32 $0x3  }
0x7: {  	s10 =	simm.s32 $0x4;
	s12 =	simm.s32 $0x5;
	s14 =	simm.s32 $0x0  }
0x8: {  	s1 =	sand.u32 $0x1, s1;
	s4 =	sshll.u32 s4, $0xA;
	[smem:$0x7FF] =	sst s3  }
0x9: {  	s5 =	sshll.u32 s1, $0x9;
	_ =	strace $0x80000047;
	s1 =	ssub.s32 $0x2, s1  }
0xa: {  	s5 =	sor.u32 s5, s4;
	s4 =	sadd.s32 $0xF43600, s0;
	s26 =	sshrl.u32 s1, $0x1  }
0xb: {  	s6 =	smul.u32 $0x19, s5;
	s7 =	sshll.u32 s5, $0x3;
	s1 =	ssub.s32 s1, s26  }
0xc: {  	s9 =	sor.u32 $0xC, s5;
	s26 =	simm.s32 $0x5E0;
	s0 =	sadd.s32 s7, s0  }
0xd: {  	s7 =	sor.u32 $0x8, s5;
	s1 =	smax.u32 s1, $0x1;
	s5 =	simm.s32 $0x19740  }
0xe: {  	s6 =	sadd.s32 s2, s6;
	s8 =	sadd.s32 $0x1200, s0;
	[dreg:$0x5] =	wrdreg s1  }
0xf: {  	s11 =	sadd.s32 $0x1220, s0;
	[dreg:$0x3] =	wrdreg s6;
	s6 =	sadd.s32 $0x64, s6  }
0x10: {  	vm0 =	vcmask $0x3F20;
	s0 =	simm.s32 $0x6;
	[dreg:$0x4] =	wrdreg s6;
	s6 =	simm.s32 $0x19640  }
.LBB2_1:
0x11: {  	[dreg:$0x6] =	wrdreg s14  }
0x12: {  	s1 =	rddreg [dreg:$0x3];
	s20 =	simm.s32 $0x1  }
0x13: {  	[tilespmem:s3], [sflag:$0x1] =	stream.linear.gather [hbm4b:s1+s3], $0x320, $0x38;
	[tilespmem:$0x19840] =	vst v63  }
0x14: {  	_ =	swait.ge [sflag:s20], $0x320  }
0x15: {  	[sflag:s20] =	ssyncset.done $0x0  }
0x16: {  	s21 =	simm.s32 $0x640;
	[sflag:s20] =	ssyncadd.s32 $0xFFFFFCE0  }
0x17: {  	[tilespmem:s21], [sflag:$0x3] =	stream.indirect.gather [hbm4b:s4+s13], $0x40, s3, s13, $0xb8;
	[tilespmem:$0x19840] =	vst v63  }
0x18: {  	s14 =	simm.s32 $0x2040  }
0x19: {  	[tilespmem:s14], [sflag:$0x3] =	stream.indirect.gather [hbm4b:s4+s15], $0x40, s13, s15, $0xb8;
	[tilespmem:$0x19840] =	vst v63  }
0x1a: {  	s16 =	simm.s32 $0xC8;
	s17 =	simm.s32 $0x3840  }
0x1b: {  	[tilespmem:s17], [sflag:$0x3] =	stream.indirect.gather [hbm4b:s4+s13], $0x40, s16, s13, $0xb8;
	[tilespmem:$0x19840] =	vst v63  }
0x1c: {  	s18 =	simm.s32 $0x130;
	s19 =	simm.s32 $0x5240  }
0x1d: {  	[tilespmem:s19], [sflag:$0x3] =	stream.indirect.gather [hbm4b:s4+s15], $0x40, s18, s15, $0xb8;
	[tilespmem:$0x19840] =	vst v63  }
0x1e: {  	s20 =	simm.s32 $0x190;
	s21 =	simm.s32 $0x6A40  }
0x1f: {  	[tilespmem:s21], [sflag:$0x3] =	stream.indirect.gather [hbm4b:s4+s13], $0x40, s20, s13, $0xb8;
	[tilespmem:$0x19840] =	vst v63  }
0x20: {  	s14 =	simm.s32 $0x1F8;
	s16 =	simm.s32 $0x8440  }
0x21: {  	[tilespmem:s16], [sflag:$0x3] =	stream.indirect.gather [hbm4b:s4+s15], $0x40, s14, s15, $0xb8;
	[tilespmem:$0x19840] =	vst v63  }
0x22: {  	s17 =	simm.s32 $0x258;
	s18 =	simm.s32 $0x9C40  }
0x23: {  	[tilespmem:s18], [sflag:$0x3] =	stream.indirect.gather [hbm4b:s4+s13], $0x40, s17, s13, $0xb8;
	[tilespmem:$0x19840] =	vst v63  }
0x24: {  	s19 =	simm.s32 $0x2C0;
	s20 =	simm.s32 $0xB640  }
0x25: {  	[tilespmem:s20], [sflag:$0x3] =	stream.indirect.gather [hbm4b:s4+s15], $0x40, s19, s15, $0xb8;
	[tilespmem:$0x19840] =	vst v63  }
0x26: {  	s1 =	simm.s32 $0x0;
	s21 =	rddreg [dreg:$0x4]  }
0x27: {  	[tilespmem:s30], [sflag:$0x2] =	stream.linear.gather [hbm4b:s21+s3], $0x320, $0x38;
	[tilespmem:$0x19840] =	vst v63  }
.LBB2_2:
0x28: {  	_ =	swait.ge [sflag:s31], $0x320  }
0x29: {  	[sflag:s31] =	ssyncset.done $0x0  }
0x2a: {  	s14 =	simm.s32 $0xCE40;
	[sflag:s31] =	ssyncadd.s32 $0xFFFFFCE0  }
0x2b: {  	[tilespmem:s14], [sflag:$0x4] =	stream.indirect.gather [hbm4b:s4+s13], $0x40, s30, s13, $0xb8;
	[tilespmem:$0x19840] =	vst v63  }
0x2c: {  	s21 =	simm.s32 $0x388;
	s16 =	simm.s32 $0xE840  }
0x2d: {  	[tilespmem:s16], [sflag:$0x4] =	stream.indirect.gather [hbm4b:s4+s15], $0x40, s21, s15, $0xb8;
	[tilespmem:$0x19840] =	vst v63  }
0x2e: {  	s17 =	simm.s32 $0x10040;
	s16 =	simm.s32 $0x3E8  }
0x2f: {  	[tilespmem:s17], [sflag:$0x4] =	stream.indirect.gather [hbm4b:s4+s13], $0x40, s16, s13, $0xb8;
	[tilespmem:$0x19840] =	vst v63  }
0x30: {  	s18 =	simm.s32 $0x450;
	s19 =	simm.s32 $0x11A40  }
0x31: {  	[tilespmem:s19], [sflag:$0x4] =	stream.indirect.gather [hbm4b:s4+s15], $0x40, s18, s15, $0xb8;
	[tilespmem:$0x19840] =	vst v63  }
0x32: {  	s20 =	simm.s32 $0x4B0;
	s21 =	simm.s32 $0x13240  }
0x33: {  	[tilespmem:s21], [sflag:$0x4] =	stream.indirect.gather [hbm4b:s4+s13], $0x40, s20, s13, $0xb8;
	[tilespmem:$0x19840] =	vst v63  }
0x34: {  	_ = 	snop  }
0x35: {  	[tilespmem:s23], [sflag:$0x4] =	stream.indirect.gather [hbm4b:s4+s15], $0x40, s22, s15, $0xb8;
	[tilespmem:$0x19840] =	vst v63  }
0x36: {  	_ = 	snop  }
0x37: {  	[tilespmem:s25], [sflag:$0x4] =	stream.indirect.gather [hbm4b:s4+s13], $0x40, s24, s13, $0xb8;
	[tilespmem:$0x19840] =	vst v63  }
0x38: {  	_ = 	snop  }
0x39: {  	[tilespmem:s28], [sflag:$0x4] =	stream.indirect.gather [hbm4b:s4+s15], $0x40, s26, s15, $0xb8;
	[tilespmem:$0x19840] =	vst v63  }
0x3a: {  	_ =	swait.ge [sflag:s29], $0xC800  }
0x3b: {  	[sflag:s29] =	ssyncset.done $0x0  }
0x3c: {  	[sflag:s29] =	ssyncadd.s32 $0xFFFF3800  }
0x3d: {  	v0 =	vld [tilespmem:$0x0]  }
0x3e: {  	v1 =	vld [tilespmem:$0x10]  }
0x3f: {  	v2 =	vld [tilespmem:$0x20]  }
0x40: {  	v3 =	vld [tilespmem:$0x30]  }
0x41: {  	v4 =	vld [tilespmem:$0x40]  }
0x42: {  	v5 =	vld [tilespmem:$0x50]  }
0x43: {  	v6 =	vld [tilespmem:$0x60]  }
0x44: {  	v7 =	vld [tilespmem:$0x70]  }
0x45: {  	v8 =	vld [tilespmem:$0x80]  }
0x46: {  	vm1 =	vne.s32 v0, $0x0;
	v0 =	vld [tilespmem:$0x90]  }
0x47: {  	vm2 =	vne.s32 v2, $0x0;
	v9 =	vmpcnt.ones.xlane vm1;
	vm1 =	vne.s32 v1, $0x0;
	v1 =	vld [tilespmem:$0xA0]  }
0x48: {  	v10 =	vmpcnt.ones.xlane vm2;
	v2 =	vmpcnt.ones.xlane vm1;
	vm1 =	vne.s32 v3, $0x0;
	v3 =	vld [tilespmem:$0xB8]  }
0x49: {  	vm2 =	vne.s32 v5, $0x0;
	v11 =	vmpcnt.ones.xlane vm1;
	vm1 =	vne.s32 v4, $0x0;
	v4 =	vld [tilespmem:$0xB0]  }
0x4a: {  	v55 =	vld [tilespmem:$0xC8];
	v12 =	vmpcnt.ones.xlane vm2;
	v5 =	vmpcnt.ones.xlane vm1;
	vm1 =	vne.s32 v6, $0x0  }
0x4b: {  	v56 =	vld [tilespmem:$0xD8];
	vm2 =	vne.s32 v8, $0x0;
	v13 =	vmpcnt.ones.xlane vm1;
	vm1 =	vne.s32 v7, $0x0  }
0x4c: {  	v14 =	vmpcnt.ones.xlane vm2;
	v57 =	vmpcnt.ones.xlane vm1;
	vm1 =	vne.s32 v0, $0x0;
	v0 =	vld [tilespmem:$0xE8]  }
0x4d: {  	v2 =	vadd.s32 v9, v2;
	v15 =	vmpcnt.ones.xlane vm1;
	vm1 =	vne.s32 v1, $0x0;
	v1 =	vld [tilespmem:$0xF8]  }
0x4e: {  	vm2 =	vne.s32 v3, $0x0;
	v3 =	vmpcnt.ones.xlane vm1;
	vm1 =	vne.s32 v4, $0x0;
	v4 =	vld [tilespmem:$0x108]  }
0x4f: {  	v58 =	vld [tilespmem:$0x118];
	v2 =	vadd.s32 v10, v2;
	v16 =	vmpcnt.ones.xlane vm1;
	vm1 =	vne.s32 v55, $0x0  }
0x50: {  	v60 =	vld [tilespmem:$0x128];
	v2 =	vadd.s32 v11, v2;
	v59 =	vmpcnt.ones.xlane vm1;
	vm1 =	vne.s32 v56, $0x0  }
0x51: {  	v2 =	vadd.s32 v5, v2;
	v61 =	vmpcnt.ones.xlane vm1;
	vm1 =	vne.s32 v0, $0x0;
	v0 =	vld [tilespmem:$0x138]  }
0x52: {  	vm2 =	vmand vm2, vm0;
	v62 =	vmpcnt.ones.xlane vm1;
	vm1 =	vne.s32 v1, $0x0;
	v1 =	vld [tilespmem:$0x148]  }
0x53: {  	v2 =	vadd.s32 v12, v2;
	v5 =	vmpcnt.ones.xlane vm1;
	vm1 =	vne.s32 v4, $0x0;
	v4 =	vld [tilespmem:$0x158]  }
0x54: {  	v18 =	vld [tilespmem:$0x168];
	v2 =	vadd.s32 v13, v2;
	v63 =	vmpcnt.ones.xlane vm1;
	vm1 =	vne.s32 v58, $0x0  }
0x55: {  	v20 =	vld [tilespmem:$0x178];
	v2 =	vadd.s32 v57, v2;
	v19 =	vmpcnt.ones.xlane vm1;
	vm1 =	vne.s32 v60, $0x0  }
0x56: {  	v2 =	vadd.s32 v14, v2;
	v21 =	vmpcnt.ones.xlane vm1;
	vm1 =	vne.s32 v0, $0x0;
	v0 =	vld [tilespmem:$0x180]  }
0x57: {  	v9 =	vadd.s32 v59, v61;
	v22 =	vmpcnt.ones.xlane vm1;
	vm1 =	vne.s32 v1, $0x0  }
0x58: {  	v1 =	vadd.s32 v15, v2;
	v2 =	vmpcnt.ones.xlane vm1;
	vm1 =	vne.s32 v4, $0x0;
	v4 =	vld [tilespmem:$0x190]  }
0x59: {  	v23 =	vld [tilespmem:$0x1A0];
	v1 =	vadd.s32 v3, v1;
	v3 =	vmpcnt.ones.xlane vm1;
	vm1 =	vne.s32 v18, $0x0  }
0x5a: {  	v25 =	vld [tilespmem:$0x1B0];
	v9 =	vadd.s32 v62, v9;
	v24 =	vmpcnt.ones.xlane vm1;
	vm1 =	vne.s32 v20, $0x0  }
0x5b: {  	v5 =	vadd.s32 v5, v9;
	v26 =	vmpcnt.ones.xlane vm1;
	vm1 =	vne.s32 v0, $0x0;
	v0 =	vld [tilespmem:$0x1C0]  }
0x5c: {  	v27 =	vld [tilespmem:$0x1D0];
	v17 =	vmpcnt.ones.xlane vm2;
	v5 =	vadd.s32 v63, v5;
	vm1 =	vmand vm1, vm0  }
0x5d: {  	v5 =	vadd.s32 v19, v5;
	v28 =	vmpcnt.ones.xlane vm1;
	vm1 =	vne.s32 v4, $0x0;
	v4 =	vld [tilespmem:$0x1E0]  }
0x5e: {  	v30 =	vld [tilespmem:$0x1F0];
	v5 =	vadd.s32 v21, v5;
	v29 =	vmpcnt.ones.xlane vm1;
	vm1 =	vne.s32 v23, $0x0  }
0x5f: {  	v32 =	vld [tilespmem:$0x200];
	v1 =	vadd.s32 v16, v1;
	v31 =	vmpcnt.ones.xlane vm1;
	vm1 =	vne.s32 v25, $0x0  }
0x60: {  	v5 =	vadd.s32 v22, v5;
	v33 =	vmpcnt.ones.xlane vm1;
	vm1 =	vne.s32 v0, $0x0;
	v0 =	vld [tilespmem:$0x210]  }
0x61: {  	v35 =	vld [tilespmem:$0x220];
	v1 =	vadd.s32 v17, v1;
	v34 =	vmpcnt.ones.xlane vm1;
	vm1 =	vne.s32 v27, $0x0  }
0x62: {  	v2 =	vadd.s32 v2, v5;
	v5 =	vmpcnt.ones.xlane vm1;
	vm1 =	vne.s32 v4, $0x0;
	v4 =	vld [tilespmem:$0x230]  }
0x63: {  	v36 =	vld [tilespmem:$0x240];
	v2 =	vadd.s32 v3, v2;
	v3 =	vmpcnt.ones.xlane vm1;
	vm1 =	vne.s32 v30, $0x0  }
0x64: {  	v38 =	vld [tilespmem:$0x248];
	v1 =	vcvt.s32.f32 v1;
	v37 =	vmpcnt.ones.xlane vm1;
	vm1 =	vne.s32 v32, $0x0  }
0x65: {  	v2 =	vadd.s32 v24, v2;
	v39 =	vmpcnt.ones.xlane vm1;
	vm1 =	vne.s32 v0, $0x0  }
0x66: {  	v41 =	vld [tilespmem:$0x258];
	v0 =	vadd.s32 v29, v31;
	v40 =	vmpcnt.ones.xlane vm1;
	vm1 =	vne.s32 v35, $0x0  }
0x67: {  	v0 =	vadd.s32 v33, v0;
	v42 =	vmpcnt.ones.xlane vm1;
	vm1 =	vne.s32 v4, $0x0;
	v4 =	vld [tilespmem:$0x268]  }
0x68: {  	v44 =	vld [tilespmem:$0x278];
	v0 =	vadd.s32 v34, v0;
	v43 =	vmpcnt.ones.xlane vm1;
	vm1 =	vne.s32 v36, $0x0  }
0x69: {  	v45 =	vld [tilespmem:$0x288];
	v0 =	vadd.s32 v5, v0;
	v5 =	vmpcnt.ones.xlane vm1;
	vm1 =	vne.s32 v38, $0x0  }
0x6a: {  	v2 =	vadd.s32 v26, v2;
	v0 =	vadd.s32 v3, v0;
	v3 =	vld [tilespmem:$0x298];
	vm1 =	vmand vm1, vm0  }
0x6b: {  	v47 =	vld [tilespmem:$0x2A8];
	v2 =	vadd.s32 v28, v2;
	v46 =	vmpcnt.ones.xlane vm1;
	vm1 =	vne.s32 v41, $0x0  }
0x6c: {  	v0 =	vadd.s32 v37, v0;
	v48 =	vmpcnt.ones.xlane vm1;
	vm1 =	vne.s32 v4, $0x0;
	v4 =	vld [tilespmem:$0x2B8]  }
0x6d: {  	v50 =	vld [tilespmem:$0x2C8];
	v0 =	vadd.s32 v39, v0;
	v49 =	vmpcnt.ones.xlane vm1;
	vm1 =	vne.s32 v44, $0x0  }
0x6e: {  	v52 =	vld [tilespmem:$0x2D8];
	v0 =	vadd.s32 v40, v0;
	v51 =	vmpcnt.ones.xlane vm1;
	vm1 =	vne.s32 v45, $0x0  }
0x6f: {  	v0 =	vadd.s32 v42, v0;
	v53 =	vmpcnt.ones.xlane vm1;
	vm1 =	vne.s32 v3, $0x0;
	v3 =	vld [tilespmem:$0x2E8]  }
0x70: {  	v55 =	vld [tilespmem:$0x2F8];
	v10 =	vadd.s32 v48, v49;
	v54 =	vmpcnt.ones.xlane vm1;
	vm1 =	vne.s32 v47, $0x0  }
0x71: {  	v8 =	vadd.s32 v51, v10;
	v56 =	vmpcnt.ones.xlane vm1;
	vm1 =	vne.s32 v4, $0x0;
	v4 =	vld [tilespmem:$0x308]  }
0x72: {  	v58 =	vld [tilespmem:$0x310];
	v8 =	vadd.s32 v53, v8;
	v57 =	vmpcnt.ones.xlane vm1;
	vm1 =	vne.s32 v50, $0x0  }
0x73: {  	v8 =	vadd.s32 v54, v8;
	v59 =	vmpcnt.ones.xlane vm1;
	vm1 =	vne.s32 v52, $0x0  }
0x74: {  	v60 =	vadd.s32 v56, v8;
	v61 =	vmpcnt.ones.xlane vm1;
	vm1 =	vne.s32 v3, $0x0  }
0x75: {  	v3 =	vadd.s32 v57, v60;
	v62 =	vmpcnt.ones.xlane vm1;
	vm1 =	vne.s32 v55, $0x0  }
0x76: {  	v3 =	vadd.s32 v59, v3;
	v63 =	vmpcnt.ones.xlane vm1;
	vm1 =	vne.s32 v4, $0x0  }
0x77: {  	v3 =	vadd.s32 v61, v3;
	v4 =	vmpcnt.ones.xlane vm1;
	vm1 =	vne.s32 v58, $0x0  }
0x78: {  	v0 =	vadd.s32 v43, v0;
	v3 =	vadd.s32 v62, v3;
	vm1 =	vmand vm1, vm0  }
0x79: {  	v0 =	vadd.s32 v5, v0;
	v3 =	vadd.s32 v63, v3;
	v5 =	vmpcnt.ones.xlane vm1  }
0x7a: {  	v2 =	vcvt.s32.f32 v2;
	v0 =	vadd.s32 v46, v0;
	v3 =	vadd.s32 v4, v3  }
0x7b: {  	(erf) = vrcp.f32 v1;
	v0 =	vcvt.s32.f32 v0;
	v1 =	vadd.s32 v5, v3  }
0x7c: {  	(erf) = vrcp.f32 v2;
	v1 =	vcvt.s32.f32 v1  }
0x7d: {  	(erf) = vrcp.f32 v0  }
0x7e: {  	(erf) = vrcp.f32 v1;
	_ =	sdelay $0x1  }
0x7f: {  	p0 =	seq.s32 s1, $0x3F  }
0x80: {  	p1 =	seq.s32 @!p0 s1, $0x0  }
0x81: {  	p1 =	por p0, !p1;
	s14 =	sshll.u32 @!p0 s1, $0x3  }
.Ltmp0:
0x82: {  	s16 =	sadd.s32 @!p0 s14, s7;
	(pc) =	sbr.rel @!p1 .LBB2_3-.Ltmp0, $4  }
0x83: {  	s16 =	smul.u32 @!p0 $0x19, s16;
	v3 =	vpop (erf)  }
0x84: {  	v2 =	vpop (erf)  }
0x85: {  	s17 =	simm.s32 @!p0 $0x0;
	s16 =	sadd.s32 @!p0 s2, s16;
	v1 =	vpop (erf)  }
0x86: {  	[tilespmem:s17], [sflag:$0x1] =	stream.linear.gather @!p0 [hbm4b:s16+s17], $0x320, $0x38;
	v0 =	vpop (erf);
	[tilespmem:$0x19840] =	vst v63  }
.Ltmp1:
0x87: {  	(pc) =	sbr.rel .LBB2_5-.Ltmp1, $4  }
0x88: {  	_ = 	snop  }
0x89: {  	_ =	swait.ge [sflag:s12], $0x100  }
0x8a: {  	[sflag:s12] =	ssyncset.done $0x0  }
0x8b: {  	p1 =	por $0x0, $0x0;
	[sflag:s12] =	ssyncadd.s32 $0xFFFFFF00  }
.LBB2_3:
0x8c: {  	p1 =	por @!p0 $0x1, $0x1  }
.LBB2_5:
0x8d: {  	s16 =	simm.s32 $0x0  }
0x8e: {  	v4 =	vld [tilespmem:s16+$0x880]  }
0x8f: {  	v5 =	vld [tilespmem:s16+$0x890]  }
0x90: {  	v6 =	vld [tilespmem:s16+$0x840]  }
0x91: {  	v7 =	vld [tilespmem:s16+$0x850]  }
0x92: {  	v8 =	vld [tilespmem:s16+$0x800]  }
0x93: {  	v9 =	vld [tilespmem:s16+$0x810]  }
0x94: {  	v10 =	vld [tilespmem:s16+$0x7C0]  }
0x95: {  	v11 =	vld [tilespmem:s16+$0x7D0]  }
0x96: {  	v13 =	vld [tilespmem:s16+$0x780]  }
0x97: {  	v12 =	vld [tilespmem:s16+$0x790]  }
0x98: {  	v15 =	vld [tilespmem:s16+$0x740]  }
0x99: {  	v14 =	vld [tilespmem:s16+$0x750]  }
0x9a: {  	v17 =	vld [tilespmem:s16+$0x700]  }
0x9b: {  	v16 =	vld [tilespmem:s16+$0x710]  }
0x9c: {  	v19 =	vld [tilespmem:s16+$0x6C0]  }
0x9d: {  	v18 =	vld [tilespmem:s16+$0x6D0]  }
0x9e: {  	v25 =	vld [tilespmem:s16+$0x680]  }
0x9f: {  	v24 =	vld [tilespmem:s16+$0x690]  }
0xa0: {  	v27 =	vld [tilespmem:s16+$0x640]  }
0xa1: {  	v20 =	vimm.f32 $0.0e+00;
	v28 =	vld [tilespmem:s16+$0x650]  }
0xa2: {  	s17 =	simm.s32 $0xA00;
	v23 =	vimm.f32 $0.0e+00;
	v22 =	vimm.f32 $0.0e+00;
	v21 =	vimm.f32 $0.0e+00;
	v26 =	vld [tilespmem:s16+$0x660]  }
.LBB2_6:
0xa3: {  	p2 =	sne.s32 s17, $0xBE00;
	v29 =	vld [tilespmem:s16+$0x670]  }
0xa4: {  	v30 =	vld [tilespmem:s16+$0x6A0]  }
0xa5: {  	v31 =	vld [tilespmem:s16+$0x6B0]  }
0xa6: {  	v32 =	vld [tilespmem:s16+$0x6E0]  }
0xa7: {  	v20 =	vadd.f32 v27, v20;
	v23 =	vadd.f32 v28, v23;
	v27 =	vld [tilespmem:s16+$0x6F0]  }
0xa8: {  	v22 =	vadd.f32 v26, v22;
	v21 =	vadd.f32 v29, v21;
	v26 =	vld [tilespmem:s16+$0x720]  }
0xa9: {  	v20 =	vadd.f32 v25, v20;
	v23 =	vadd.f32 v24, v23;
	v24 =	vld [tilespmem:s16+$0x730]  }
0xaa: {  	v22 =	vadd.f32 v30, v22;
	v21 =	vadd.f32 v31, v21;
	v25 =	vld [tilespmem:s16+$0x760]  }
0xab: {  	v19 =	vadd.f32 v19, v20;
	v18 =	vadd.f32 v18, v23;
	v20 =	vld [tilespmem:s16+$0x770]  }
0xac: {  	v22 =	vadd.f32 v32, v22;
	v21 =	vadd.f32 v27, v21;
	v23 =	vld [tilespmem:s16+$0x7A0]  }
0xad: {  	v17 =	vadd.f32 v17, v19;
	v16 =	vadd.f32 v16, v18;
	v18 =	vld [tilespmem:s16+$0x7B0]  }
0xae: {  	v19 =	vadd.f32 v26, v22;
	v21 =	vadd.f32 v24, v21;
	v22 =	vld [tilespmem:s16+$0x7E0]  }
0xaf: {  	v15 =	vadd.f32 v15, v17;
	v14 =	vadd.f32 v14, v16;
	v16 =	vld [tilespmem:s16+$0x7F0]  }
0xb0: {  	v17 =	vadd.f32 v25, v19;
	v19 =	vadd.f32 v20, v21;
	v20 =	vld [tilespmem:s16+$0x820]  }
0xb1: {  	v13 =	vadd.f32 v13, v15;
	v12 =	vadd.f32 v12, v14;
	v14 =	vld [tilespmem:s16+$0x830]  }
0xb2: {  	v15 =	vadd.f32 v23, v17;
	v17 =	vadd.f32 v18, v19;
	v18 =	vld [tilespmem:s16+$0x860]  }
0xb3: {  	v10 =	vadd.f32 v10, v13;
	v11 =	vadd.f32 v11, v12;
	v12 =	vld [tilespmem:s16+$0x870]  }
0xb4: {  	v13 =	vadd.f32 v22, v15;
	v15 =	vadd.f32 v16, v17;
	v16 =	vld [tilespmem:s16+$0x8A0]  }
0xb5: {  	v8 =	vadd.f32 v8, v10;
	v9 =	vadd.f32 v9, v11;
	v10 =	vld [tilespmem:s16+$0x8B0];
	s16 =	sshra.s32 s17, $0x2  }
0xb6: {  	v13 =	vadd.f32 v20, v13;
	v11 =	vld [tilespmem:s16+$0x880];
	v14 =	vadd.f32 v14, v15  }
0xb7: {  	v8 =	vadd.f32 v6, v8;
	v9 =	vadd.f32 v7, v9;
	v15 =	vld [tilespmem:s16+$0x890]  }
0xb8: {  	v13 =	vadd.f32 v18, v13;
	v6 =	vld [tilespmem:s16+$0x840];
	v12 =	vadd.f32 v12, v14  }
0xb9: {  	v20 =	vadd.f32 v4, v8;
	v23 =	vadd.f32 v5, v9;
	v7 =	vld [tilespmem:s16+$0x850]  }
0xba: {  	v22 =	vadd.f32 v16, v13;
	v8 =	vld [tilespmem:s16+$0x800];
	v21 =	vadd.f32 v10, v12  }
0xbb: {  	v9 =	vld [tilespmem:s16+$0x810];
	v4 =	vmov v11  }
0xbc: {  	v10 =	vld [tilespmem:s16+$0x7C0];
	v5 =	vmov v15  }
0xbd: {  	v11 =	vld [tilespmem:s16+$0x7D0]  }
0xbe: {  	v13 =	vld [tilespmem:s16+$0x780]  }
0xbf: {  	v12 =	vld [tilespmem:s16+$0x790]  }
0xc0: {  	v15 =	vld [tilespmem:s16+$0x740]  }
0xc1: {  	v14 =	vld [tilespmem:s16+$0x750]  }
0xc2: {  	v17 =	vld [tilespmem:s16+$0x700]  }
0xc3: {  	v16 =	vld [tilespmem:s16+$0x710]  }
0xc4: {  	v19 =	vld [tilespmem:s16+$0x6C0]  }
0xc5: {  	v18 =	vld [tilespmem:s16+$0x6D0]  }
.Ltmp2:
0xc6: {  	v25 =	vld [tilespmem:s16+$0x680];
	(pc) =	sbr.rel @p2 .LBB2_6-.Ltmp2, $4  }
0xc7: {  	v24 =	vld [tilespmem:s16+$0x690]  }
0xc8: {  	v27 =	vld [tilespmem:s16+$0x640]  }
0xc9: {  	v28 =	vld [tilespmem:s16+$0x650]  }
0xca: {  	s17 =	sadd.s32 $0xA00, s17;
	v26 =	vld [tilespmem:s16+$0x660]  }
0xcb: {  	v29 =	vld [tilespmem:s16+$0x670]  }
0xcc: {  	v30 =	vld [tilespmem:s16+$0x6A0]  }
0xcd: {  	v31 =	vld [tilespmem:s16+$0x6B0];
	v20 =	vadd.f32 v27, v20  }
0xce: {  	v27 =	vld [tilespmem:s16+$0x6E0];
	v23 =	vadd.f32 v28, v23  }
0xcf: {  	v28 =	vld [tilespmem:s16+$0x6F0];
	v22 =	vadd.f32 v26, v22;
	v20 =	vadd.f32 v25, v20  }
0xd0: {  	v25 =	vld [tilespmem:s16+$0x720];
	v21 =	vadd.f32 v29, v21;
	v23 =	vadd.f32 v24, v23  }
0xd1: {  	v24 =	vld [tilespmem:s16+$0x730];
	v22 =	vadd.f32 v30, v22;
	v19 =	vadd.f32 v19, v20  }
0xd2: {  	v20 =	vadd.f32 v31, v21;
	v21 =	vld [tilespmem:s16+$0x760];
	v18 =	vadd.f32 v18, v23  }
0xd3: {  	v23 =	vld [tilespmem:s16+$0x770];
	v22 =	vadd.f32 v27, v22;
	v17 =	vadd.f32 v17, v19  }
0xd4: {  	v19 =	vadd.f32 v28, v20;
	v20 =	vld [tilespmem:s16+$0x7A0];
	v16 =	vadd.f32 v16, v18  }
0xd5: {  	v18 =	vld [tilespmem:s16+$0x7B0];
	v22 =	vadd.f32 v25, v22;
	v15 =	vadd.f32 v15, v17  }
0xd6: {  	v17 =	vadd.f32 v24, v19;
	v19 =	vld [tilespmem:s16+$0x7E0];
	v14 =	vadd.f32 v14, v16  }
0xd7: {  	v16 =	vld [tilespmem:s16+$0x7F0];
	v21 =	vadd.f32 v21, v22;
	v13 =	vadd.f32 v13, v15  }
0xd8: {  	v15 =	vadd.f32 v23, v17;
	v17 =	vld [tilespmem:s16+$0x820];
	v12 =	vadd.f32 v12, v14  }
0xd9: {  	v14 =	vld [tilespmem:s16+$0x830];
	v20 =	vadd.f32 v20, v21;
	v10 =	vadd.f32 v10, v13  }
0xda: {  	v13 =	vadd.f32 v18, v15;
	v15 =	vld [tilespmem:s16+$0x860];
	v11 =	vadd.f32 v11, v12  }
0xdb: {  	v12 =	vld [tilespmem:s16+$0x870];
	v18 =	vadd.f32 v19, v20;
	v8 =	vadd.f32 v8, v10  }
0xdc: {  	v10 =	vadd.f32 v16, v13;
	v13 =	vld [tilespmem:s16+$0x8A0];
	v9 =	vadd.f32 v9, v11  }
0xdd: {  	v11 =	vld [tilespmem:s16+$0x8B0];
	v16 =	vadd.f32 v17, v18;
	v6 =	vadd.f32 v6, v8  }
0xde: {  	v8 =	vadd.f32 v14, v10;
	v7 =	vadd.f32 v7, v9  }
0xdf: {  	v9 =	vadd.f32 v15, v16;
	v4 =	vadd.f32 v4, v6  }
0xe0: {  	v6 =	vadd.f32 v12, v8;
	v5 =	vadd.f32 v5, v7  }
0xe1: {  	v7 =	vadd.f32 v13, v9;
	v4 =	vmul.f32 v4, v3  }
0xe2: {  	v6 =	vadd.f32 v11, v6;
	v5 =	vmul.f32 v5, v3  }
0xe3: {  	v4 =	vmax.f32 v4, $0.0e+00;
	v7 =	vmul.f32 v7, v3  }
0xe4: {  	[tilespmem:$0x19640] =	vst v4;
	v4 =	vmax.f32 v5, $0.0e+00;
	v3 =	vmul.f32 v6, v3  }
0xe5: {  	[tilespmem:$0x19650] =	vst v4;
	v4 =	vmax.f32 v7, $0.0e+00  }
0xe6: {  	[tilespmem:$0x19660] =	vst v4;
	v3 =	vmax.f32 v3, $0.0e+00  }
0xe7: {  	s16 =	simm.s32 $0x0;
	[tilespmem:$0x19670] =	vst v3  }
0xe8: {  	v3 =	vld [tilespmem:s16+$0x3A80]  }
0xe9: {  	v4 =	vld [tilespmem:s16+$0x3A90]  }
0xea: {  	v5 =	vld [tilespmem:s16+$0x3A40]  }
0xeb: {  	v6 =	vld [tilespmem:s16+$0x3A50]  }
0xec: {  	v7 =	vld [tilespmem:s16+$0x3A00]  }
0xed: {  	v8 =	vld [tilespmem:s16+$0x3A10]  }
0xee: {  	v9 =	vld [tilespmem:s16+$0x39C0]  }
0xef: {  	v10 =	vld [tilespmem:s16+$0x39D0]  }
0xf0: {  	v12 =	vld [tilespmem:s16+$0x3980]  }
0xf1: {  	v11 =	vld [tilespmem:s16+$0x3990]  }
0xf2: {  	v14 =	vld [tilespmem:s16+$0x3940]  }
0xf3: {  	v13 =	vld [tilespmem:s16+$0x3950]  }
0xf4: {  	v16 =	vld [tilespmem:s16+$0x3900]  }
0xf5: {  	v15 =	vld [tilespmem:s16+$0x3910]  }
0xf6: {  	v18 =	vld [tilespmem:s16+$0x38C0]  }
0xf7: {  	v17 =	vld [tilespmem:s16+$0x38D0]  }
0xf8: {  	v24 =	vld [tilespmem:s16+$0x3880]  }
0xf9: {  	v23 =	vld [tilespmem:s16+$0x3890]  }
0xfa: {  	v26 =	vld [tilespmem:s16+$0x3840]  }
0xfb: {  	v22 =	vimm.f32 $0.0e+00;
	v27 =	vld [tilespmem:s16+$0x3850]  }
0xfc: {  	s17 =	simm.s32 $0xA00;
	v21 =	vimm.f32 $0.0e+00;
	v19 =	vimm.f32 $0.0e+00;
	v20 =	vimm.f32 $0.0e+00;
	v25 =	vld [tilespmem:s16+$0x3860]  }
.LBB2_8:
0xfd: {  	p2 =	sne.s32 s17, $0xBE00;
	v28 =	vld [tilespmem:s16+$0x3870]  }
0xfe: {  	v29 =	vld [tilespmem:s16+$0x38A0]  }
0xff: {  	v30 =	vld [tilespmem:s16+$0x38B0]  }
0x100: {  	v31 =	vld [tilespmem:s16+$0x38E0]  }
0x101: {  	v19 =	vadd.f32 v26, v19;
	v22 =	vadd.f32 v27, v22;
	v26 =	vld [tilespmem:s16+$0x38F0]  }
0x102: {  	v21 =	vadd.f32 v25, v21;
	v20 =	vadd.f32 v28, v20;
	v25 =	vld [tilespmem:s16+$0x3920]  }
0x103: {  	v19 =	vadd.f32 v24, v19;
	v22 =	vadd.f32 v23, v22;
	v23 =	vld [tilespmem:s16+$0x3930]  }
0x104: {  	v21 =	vadd.f32 v29, v21;
	v20 =	vadd.f32 v30, v20;
	v24 =	vld [tilespmem:s16+$0x3960]  }
0x105: {  	v18 =	vadd.f32 v18, v19;
	v17 =	vadd.f32 v17, v22;
	v19 =	vld [tilespmem:s16+$0x3970]  }
0x106: {  	v21 =	vadd.f32 v31, v21;
	v20 =	vadd.f32 v26, v20;
	v22 =	vld [tilespmem:s16+$0x39A0]  }
0x107: {  	v16 =	vadd.f32 v16, v18;
	v15 =	vadd.f32 v15, v17;
	v17 =	vld [tilespmem:s16+$0x39B0]  }
0x108: {  	v18 =	vadd.f32 v25, v21;
	v20 =	vadd.f32 v23, v20;
	v21 =	vld [tilespmem:s16+$0x39E0]  }
0x109: {  	v14 =	vadd.f32 v14, v16;
	v13 =	vadd.f32 v13, v15;
	v15 =	vld [tilespmem:s16+$0x39F0]  }
0x10a: {  	v16 =	vadd.f32 v24, v18;
	v18 =	vadd.f32 v19, v20;
	v19 =	vld [tilespmem:s16+$0x3A20]  }
0x10b: {  	v12 =	vadd.f32 v12, v14;
	v11 =	vadd.f32 v11, v13;
	v13 =	vld [tilespmem:s16+$0x3A30]  }
0x10c: {  	v14 =	vadd.f32 v22, v16;
	v16 =	vadd.f32 v17, v18;
	v17 =	vld [tilespmem:s16+$0x3A60]  }
0x10d: {  	v9 =	vadd.f32 v9, v12;
	v10 =	vadd.f32 v10, v11;
	v11 =	vld [tilespmem:s16+$0x3A70]  }
0x10e: {  	v12 =	vadd.f32 v21, v14;
	v14 =	vadd.f32 v15, v16;
	v15 =	vld [tilespmem:s16+$0x3AA0]  }
0x10f: {  	v7 =	vadd.f32 v7, v9;
	v8 =	vadd.f32 v8, v10;
	v9 =	vld [tilespmem:s16+$0x3AB0];
	s16 =	sshra.s32 s17, $0x2  }
0x110: {  	v12 =	vadd.f32 v19, v12;
	v10 =	vld [tilespmem:s16+$0x3A80];
	v13 =	vadd.f32 v13, v14  }
0x111: {  	v7 =	vadd.f32 v5, v7;
	v8 =	vadd.f32 v6, v8;
	v14 =	vld [tilespmem:s16+$0x3A90]  }
0x112: {  	v12 =	vadd.f32 v17, v12;
	v5 =	vld [tilespmem:s16+$0x3A40];
	v11 =	vadd.f32 v11, v13  }
0x113: {  	v19 =	vadd.f32 v3, v7;
	v22 =	vadd.f32 v4, v8;
	v6 =	vld [tilespmem:s16+$0x3A50]  }
0x114: {  	v21 =	vadd.f32 v15, v12;
	v7 =	vld [tilespmem:s16+$0x3A00];
	v20 =	vadd.f32 v9, v11  }
0x115: {  	v8 =	vld [tilespmem:s16+$0x3A10];
	v3 =	vmov v10  }
0x116: {  	v9 =	vld [tilespmem:s16+$0x39C0];
	v4 =	vmov v14  }
0x117: {  	v10 =	vld [tilespmem:s16+$0x39D0]  }
0x118: {  	v12 =	vld [tilespmem:s16+$0x3980]  }
0x119: {  	v11 =	vld [tilespmem:s16+$0x3990]  }
0x11a: {  	v14 =	vld [tilespmem:s16+$0x3940]  }
0x11b: {  	v13 =	vld [tilespmem:s16+$0x3950]  }
0x11c: {  	v16 =	vld [tilespmem:s16+$0x3900]  }
0x11d: {  	v15 =	vld [tilespmem:s16+$0x3910]  }
0x11e: {  	v18 =	vld [tilespmem:s16+$0x38C0]  }
0x11f: {  	v17 =	vld [tilespmem:s16+$0x38D0]  }
.Ltmp3:
0x120: {  	v24 =	vld [tilespmem:s16+$0x3880];
	(pc) =	sbr.rel @p2 .LBB2_8-.Ltmp3, $4  }
0x121: {  	v23 =	vld [tilespmem:s16+$0x3890]  }
0x122: {  	v26 =	vld [tilespmem:s16+$0x3840]  }
0x123: {  	v27 =	vld [tilespmem:s16+$0x3850]  }
0x124: {  	s17 =	sadd.s32 $0xA00, s17;
	v25 =	vld [tilespmem:s16+$0x3860]  }
0x125: {  	v28 =	vld [tilespmem:s16+$0x3870]  }
0x126: {  	v29 =	vld [tilespmem:s16+$0x38A0]  }
0x127: {  	v30 =	vld [tilespmem:s16+$0x38B0];
	v19 =	vadd.f32 v26, v19  }
0x128: {  	v26 =	vld [tilespmem:s16+$0x38E0];
	v22 =	vadd.f32 v27, v22  }
0x129: {  	v27 =	vld [tilespmem:s16+$0x38F0];
	v21 =	vadd.f32 v25, v21;
	v19 =	vadd.f32 v24, v19  }
0x12a: {  	v24 =	vld [tilespmem:s16+$0x3920];
	v20 =	vadd.f32 v28, v20;
	v22 =	vadd.f32 v23, v22  }
0x12b: {  	v23 =	vld [tilespmem:s16+$0x3930];
	v21 =	vadd.f32 v29, v21;
	v18 =	vadd.f32 v18, v19  }
0x12c: {  	v19 =	vadd.f32 v30, v20;
	v20 =	vld [tilespmem:s16+$0x3960];
	v17 =	vadd.f32 v17, v22  }
0x12d: {  	v22 =	vld [tilespmem:s16+$0x3970];
	v21 =	vadd.f32 v26, v21;
	v16 =	vadd.f32 v16, v18  }
0x12e: {  	v18 =	vadd.f32 v27, v19;
	v19 =	vld [tilespmem:s16+$0x39A0];
	v15 =	vadd.f32 v15, v17  }
0x12f: {  	v17 =	vld [tilespmem:s16+$0x39B0];
	v21 =	vadd.f32 v24, v21;
	v14 =	vadd.f32 v14, v16  }
0x130: {  	v16 =	vadd.f32 v23, v18;
	v18 =	vld [tilespmem:s16+$0x39E0];
	v13 =	vadd.f32 v13, v15  }
0x131: {  	v15 =	vld [tilespmem:s16+$0x39F0];
	v20 =	vadd.f32 v20, v21;
	v12 =	vadd.f32 v12, v14  }
0x132: {  	v14 =	vadd.f32 v22, v16;
	v16 =	vld [tilespmem:s16+$0x3A20];
	v11 =	vadd.f32 v11, v13  }
0x133: {  	v13 =	vld [tilespmem:s16+$0x3A30];
	v19 =	vadd.f32 v19, v20;
	v9 =	vadd.f32 v9, v12  }
0x134: {  	v12 =	vadd.f32 v17, v14;
	v14 =	vld [tilespmem:s16+$0x3A60];
	v10 =	vadd.f32 v10, v11  }
0x135: {  	v11 =	vld [tilespmem:s16+$0x3A70];
	v17 =	vadd.f32 v18, v19;
	v7 =	vadd.f32 v7, v9  }
0x136: {  	v9 =	vadd.f32 v15, v12;
	v12 =	vld [tilespmem:s16+$0x3AA0];
	v8 =	vadd.f32 v8, v10  }
0x137: {  	v10 =	vld [tilespmem:s16+$0x3AB0];
	v15 =	vadd.f32 v16, v17;
	v5 =	vadd.f32 v5, v7  }
0x138: {  	v7 =	vadd.f32 v13, v9;
	v6 =	vadd.f32 v6, v8  }
0x139: {  	v8 =	vadd.f32 v14, v15;
	v3 =	vadd.f32 v3, v5  }
0x13a: {  	v5 =	vadd.f32 v11, v7;
	v4 =	vadd.f32 v4, v6  }
0x13b: {  	v6 =	vadd.f32 v12, v8;
	v3 =	vmul.f32 v3, v2  }
0x13c: {  	v5 =	vadd.f32 v10, v5;
	v4 =	vmul.f32 v4, v2  }
0x13d: {  	v3 =	vmax.f32 v3, $0.0e+00;
	v6 =	vmul.f32 v6, v2  }
0x13e: {  	[tilespmem:$0x19680] =	vst v3;
	v3 =	vmax.f32 v4, $0.0e+00;
	v2 =	vmul.f32 v5, v2  }
0x13f: {  	[tilespmem:$0x19690] =	vst v3;
	v3 =	vmax.f32 v6, $0.0e+00  }
0x140: {  	[tilespmem:$0x196A0] =	vst v3;
	v2 =	vmax.f32 v2, $0.0e+00  }
0x141: {  	s16 =	simm.s32 $0x0;
	[tilespmem:$0x196B0] =	vst v2  }
0x142: {  	v2 =	vld [tilespmem:s16+$0x6C80]  }
0x143: {  	v3 =	vld [tilespmem:s16+$0x6C90]  }
0x144: {  	v4 =	vld [tilespmem:s16+$0x6C40]  }
0x145: {  	v5 =	vld [tilespmem:s16+$0x6C50]  }
0x146: {  	v6 =	vld [tilespmem:s16+$0x6C00]  }
0x147: {  	v7 =	vld [tilespmem:s16+$0x6C10]  }
0x148: {  	v8 =	vld [tilespmem:s16+$0x6BC0]  }
0x149: {  	v9 =	vld [tilespmem:s16+$0x6BD0]  }
0x14a: {  	v11 =	vld [tilespmem:s16+$0x6B80]  }
0x14b: {  	v10 =	vld [tilespmem:s16+$0x6B90]  }
0x14c: {  	v13 =	vld [tilespmem:s16+$0x6B40]  }
0x14d: {  	v12 =	vld [tilespmem:s16+$0x6B50]  }
0x14e: {  	v15 =	vld [tilespmem:s16+$0x6B00]  }
0x14f: {  	v14 =	vld [tilespmem:s16+$0x6B10]  }
0x150: {  	v17 =	vld [tilespmem:s16+$0x6AC0]  }
0x151: {  	v16 =	vld [tilespmem:s16+$0x6AD0]  }
0x152: {  	v23 =	vld [tilespmem:s16+$0x6A80]  }
0x153: {  	v22 =	vld [tilespmem:s16+$0x6A90]  }
0x154: {  	v25 =	vld [tilespmem:s16+$0x6A40]  }
0x155: {  	v21 =	vimm.f32 $0.0e+00;
	v26 =	vld [tilespmem:s16+$0x6A50]  }
0x156: {  	s17 =	simm.s32 $0xA00;
	v20 =	vimm.f32 $0.0e+00;
	v18 =	vimm.f32 $0.0e+00;
	v19 =	vimm.f32 $0.0e+00;
	v24 =	vld [tilespmem:s16+$0x6A60]  }
.LBB2_10:
0x157: {  	p2 =	sne.s32 s17, $0xBE00;
	v27 =	vld [tilespmem:s16+$0x6A70]  }
0x158: {  	v28 =	vld [tilespmem:s16+$0x6AA0]  }
0x159: {  	v29 =	vld [tilespmem:s16+$0x6AB0]  }
0x15a: {  	v30 =	vld [tilespmem:s16+$0x6AE0]  }
0x15b: {  	v18 =	vadd.f32 v25, v18;
	v21 =	vadd.f32 v26, v21;
	v25 =	vld [tilespmem:s16+$0x6AF0]  }
0x15c: {  	v20 =	vadd.f32 v24, v20;
	v19 =	vadd.f32 v27, v19;
	v24 =	vld [tilespmem:s16+$0x6B20]  }
0x15d: {  	v18 =	vadd.f32 v23, v18;
	v21 =	vadd.f32 v22, v21;
	v22 =	vld [tilespmem:s16+$0x6B30]  }
0x15e: {  	v20 =	vadd.f32 v28, v20;
	v19 =	vadd.f32 v29, v19;
	v23 =	vld [tilespmem:s16+$0x6B60]  }
0x15f: {  	v17 =	vadd.f32 v17, v18;
	v16 =	vadd.f32 v16, v21;
	v18 =	vld [tilespmem:s16+$0x6B70]  }
0x160: {  	v20 =	vadd.f32 v30, v20;
	v19 =	vadd.f32 v25, v19;
	v21 =	vld [tilespmem:s16+$0x6BA0]  }
0x161: {  	v15 =	vadd.f32 v15, v17;
	v14 =	vadd.f32 v14, v16;
	v16 =	vld [tilespmem:s16+$0x6BB0]  }
0x162: {  	v17 =	vadd.f32 v24, v20;
	v19 =	vadd.f32 v22, v19;
	v20 =	vld [tilespmem:s16+$0x6BE0]  }
0x163: {  	v13 =	vadd.f32 v13, v15;
	v12 =	vadd.f32 v12, v14;
	v14 =	vld [tilespmem:s16+$0x6BF0]  }
0x164: {  	v15 =	vadd.f32 v23, v17;
	v17 =	vadd.f32 v18, v19;
	v18 =	vld [tilespmem:s16+$0x6C20]  }
0x165: {  	v11 =	vadd.f32 v11, v13;
	v10 =	vadd.f32 v10, v12;
	v12 =	vld [tilespmem:s16+$0x6C30]  }
0x166: {  	v13 =	vadd.f32 v21, v15;
	v15 =	vadd.f32 v16, v17;
	v16 =	vld [tilespmem:s16+$0x6C60]  }
0x167: {  	v8 =	vadd.f32 v8, v11;
	v9 =	vadd.f32 v9, v10;
	v10 =	vld [tilespmem:s16+$0x6C70]  }
0x168: {  	v11 =	vadd.f32 v20, v13;
	v13 =	vadd.f32 v14, v15;
	v14 =	vld [tilespmem:s16+$0x6CA0]  }
0x169: {  	v6 =	vadd.f32 v6, v8;
	v7 =	vadd.f32 v7, v9;
	v8 =	vld [tilespmem:s16+$0x6CB0];
	s16 =	sshra.s32 s17, $0x2  }
0x16a: {  	v11 =	vadd.f32 v18, v11;
	v9 =	vld [tilespmem:s16+$0x6C80];
	v12 =	vadd.f32 v12, v13  }
0x16b: {  	v6 =	vadd.f32 v4, v6;
	v7 =	vadd.f32 v5, v7;
	v13 =	vld [tilespmem:s16+$0x6C90]  }
0x16c: {  	v11 =	vadd.f32 v16, v11;
	v4 =	vld [tilespmem:s16+$0x6C40];
	v10 =	vadd.f32 v10, v12  }
0x16d: {  	v18 =	vadd.f32 v2, v6;
	v21 =	vadd.f32 v3, v7;
	v5 =	vld [tilespmem:s16+$0x6C50]  }
0x16e: {  	v20 =	vadd.f32 v14, v11;
	v6 =	vld [tilespmem:s16+$0x6C00];
	v19 =	vadd.f32 v8, v10  }
0x16f: {  	v7 =	vld [tilespmem:s16+$0x6C10];
	v2 =	vmov v9  }
0x170: {  	v8 =	vld [tilespmem:s16+$0x6BC0];
	v3 =	vmov v13  }
0x171: {  	v9 =	vld [tilespmem:s16+$0x6BD0]  }
0x172: {  	v11 =	vld [tilespmem:s16+$0x6B80]  }
0x173: {  	v10 =	vld [tilespmem:s16+$0x6B90]  }
0x174: {  	v13 =	vld [tilespmem:s16+$0x6B40]  }
0x175: {  	v12 =	vld [tilespmem:s16+$0x6B50]  }
0x176: {  	v15 =	vld [tilespmem:s16+$0x6B00]  }
0x177: {  	v14 =	vld [tilespmem:s16+$0x6B10]  }
0x178: {  	v17 =	vld [tilespmem:s16+$0x6AC0]  }
0x179: {  	v16 =	vld [tilespmem:s16+$0x6AD0]  }
.Ltmp4:
0x17a: {  	v23 =	vld [tilespmem:s16+$0x6A80];
	(pc) =	sbr.rel @p2 .LBB2_10-.Ltmp4, $4  }
0x17b: {  	v22 =	vld [tilespmem:s16+$0x6A90]  }
0x17c: {  	v25 =	vld [tilespmem:s16+$0x6A40]  }
0x17d: {  	v26 =	vld [tilespmem:s16+$0x6A50]  }
0x17e: {  	s17 =	sadd.s32 $0xA00, s17;
	v24 =	vld [tilespmem:s16+$0x6A60]  }
0x17f: {  	v27 =	vld [tilespmem:s16+$0x6A70]  }
0x180: {  	v28 =	vld [tilespmem:s16+$0x6AA0]  }
0x181: {  	v29 =	vld [tilespmem:s16+$0x6AB0];
	v18 =	vadd.f32 v25, v18  }
0x182: {  	v25 =	vld [tilespmem:s16+$0x6AE0];
	v21 =	vadd.f32 v26, v21  }
0x183: {  	v26 =	vld [tilespmem:s16+$0x6AF0];
	v20 =	vadd.f32 v24, v20;
	v18 =	vadd.f32 v23, v18  }
0x184: {  	v23 =	vld [tilespmem:s16+$0x6B20];
	v19 =	vadd.f32 v27, v19;
	v21 =	vadd.f32 v22, v21  }
0x185: {  	v22 =	vld [tilespmem:s16+$0x6B30];
	v20 =	vadd.f32 v28, v20;
	v17 =	vadd.f32 v17, v18  }
0x186: {  	v18 =	vadd.f32 v29, v19;
	v19 =	vld [tilespmem:s16+$0x6B60];
	v16 =	vadd.f32 v16, v21  }
0x187: {  	v21 =	vld [tilespmem:s16+$0x6B70];
	v20 =	vadd.f32 v25, v20;
	v15 =	vadd.f32 v15, v17  }
0x188: {  	v17 =	vadd.f32 v26, v18;
	v18 =	vld [tilespmem:s16+$0x6BA0];
	v14 =	vadd.f32 v14, v16  }
0x189: {  	v16 =	vld [tilespmem:s16+$0x6BB0];
	v20 =	vadd.f32 v23, v20;
	v13 =	vadd.f32 v13, v15  }
0x18a: {  	v15 =	vadd.f32 v22, v17;
	v17 =	vld [tilespmem:s16+$0x6BE0];
	v12 =	vadd.f32 v12, v14  }
0x18b: {  	v14 =	vld [tilespmem:s16+$0x6BF0];
	v19 =	vadd.f32 v19, v20;
	v11 =	vadd.f32 v11, v13  }
0x18c: {  	v13 =	vadd.f32 v21, v15;
	v15 =	vld [tilespmem:s16+$0x6C20];
	v10 =	vadd.f32 v10, v12  }
0x18d: {  	v12 =	vld [tilespmem:s16+$0x6C30];
	v18 =	vadd.f32 v18, v19;
	v8 =	vadd.f32 v8, v11  }
0x18e: {  	v11 =	vadd.f32 v16, v13;
	v13 =	vld [tilespmem:s16+$0x6C60];
	v9 =	vadd.f32 v9, v10  }
0x18f: {  	v10 =	vld [tilespmem:s16+$0x6C70];
	v16 =	vadd.f32 v17, v18;
	v6 =	vadd.f32 v6, v8  }
0x190: {  	v8 =	vadd.f32 v14, v11;
	v11 =	vld [tilespmem:s16+$0x6CA0];
	v7 =	vadd.f32 v7, v9  }
0x191: {  	v9 =	vld [tilespmem:s16+$0x6CB0];
	v14 =	vadd.f32 v15, v16;
	v4 =	vadd.f32 v4, v6  }
0x192: {  	v6 =	vadd.f32 v12, v8;
	v5 =	vadd.f32 v5, v7  }
0x193: {  	v7 =	vadd.f32 v13, v14;
	v2 =	vadd.f32 v2, v4  }
0x194: {  	v4 =	vadd.f32 v10, v6;
	v3 =	vadd.f32 v3, v5  }
0x195: {  	v5 =	vadd.f32 v11, v7;
	v2 =	vmul.f32 v2, v1  }
0x196: {  	v4 =	vadd.f32 v9, v4;
	v3 =	vmul.f32 v3, v1  }
0x197: {  	v2 =	vmax.f32 v2, $0.0e+00;
	v5 =	vmul.f32 v5, v1  }
0x198: {  	[tilespmem:$0x196C0] =	vst v2;
	v2 =	vmax.f32 v3, $0.0e+00;
	v1 =	vmul.f32 v4, v1  }
0x199: {  	[tilespmem:$0x196D0] =	vst v2;
	v2 =	vmax.f32 v5, $0.0e+00  }
0x19a: {  	[tilespmem:$0x196E0] =	vst v2;
	v1 =	vmax.f32 v1, $0.0e+00  }
0x19b: {  	s16 =	simm.s32 $0x0;
	[tilespmem:$0x196F0] =	vst v1  }
0x19c: {  	v1 =	vld [tilespmem:s16+$0x9E80]  }
0x19d: {  	v2 =	vld [tilespmem:s16+$0x9E90]  }
0x19e: {  	v3 =	vld [tilespmem:s16+$0x9E40]  }
0x19f: {  	v4 =	vld [tilespmem:s16+$0x9E50]  }
0x1a0: {  	v5 =	vld [tilespmem:s16+$0x9E00]  }
0x1a1: {  	v6 =	vld [tilespmem:s16+$0x9E10]  }
0x1a2: {  	v7 =	vld [tilespmem:s16+$0x9DC0]  }
0x1a3: {  	v8 =	vld [tilespmem:s16+$0x9DD0]  }
0x1a4: {  	v10 =	vld [tilespmem:s16+$0x9D80]  }
0x1a5: {  	v9 =	vld [tilespmem:s16+$0x9D90]  }
0x1a6: {  	v12 =	vld [tilespmem:s16+$0x9D40]  }
0x1a7: {  	v11 =	vld [tilespmem:s16+$0x9D50]  }
0x1a8: {  	v14 =	vld [tilespmem:s16+$0x9D00]  }
0x1a9: {  	v13 =	vld [tilespmem:s16+$0x9D10]  }
0x1aa: {  	v16 =	vld [tilespmem:s16+$0x9CC0]  }
0x1ab: {  	v15 =	vld [tilespmem:s16+$0x9CD0]  }
0x1ac: {  	v22 =	vld [tilespmem:s16+$0x9C80]  }
0x1ad: {  	v21 =	vld [tilespmem:s16+$0x9C90]  }
0x1ae: {  	v24 =	vld [tilespmem:s16+$0x9C40]  }
0x1af: {  	v20 =	vimm.f32 $0.0e+00;
	v25 =	vld [tilespmem:s16+$0x9C50]  }
0x1b0: {  	s17 =	simm.s32 $0xA00;
	v19 =	vimm.f32 $0.0e+00;
	v17 =	vimm.f32 $0.0e+00;
	v18 =	vimm.f32 $0.0e+00;
	v23 =	vld [tilespmem:s16+$0x9C60]  }
.LBB2_12:
0x1b1: {  	p2 =	sne.s32 s17, $0xBE00;
	v26 =	vld [tilespmem:s16+$0x9C70]  }
0x1b2: {  	v27 =	vld [tilespmem:s16+$0x9CA0]  }
0x1b3: {  	v28 =	vld [tilespmem:s16+$0x9CB0]  }
0x1b4: {  	v29 =	vld [tilespmem:s16+$0x9CE0]  }
0x1b5: {  	v17 =	vadd.f32 v24, v17;
	v20 =	vadd.f32 v25, v20;
	v24 =	vld [tilespmem:s16+$0x9CF0]  }
0x1b6: {  	v19 =	vadd.f32 v23, v19;
	v18 =	vadd.f32 v26, v18;
	v23 =	vld [tilespmem:s16+$0x9D20]  }
0x1b7: {  	v17 =	vadd.f32 v22, v17;
	v20 =	vadd.f32 v21, v20;
	v21 =	vld [tilespmem:s16+$0x9D30]  }
0x1b8: {  	v19 =	vadd.f32 v27, v19;
	v18 =	vadd.f32 v28, v18;
	v22 =	vld [tilespmem:s16+$0x9D60]  }
0x1b9: {  	v16 =	vadd.f32 v16, v17;
	v15 =	vadd.f32 v15, v20;
	v17 =	vld [tilespmem:s16+$0x9D70]  }
0x1ba: {  	v19 =	vadd.f32 v29, v19;
	v18 =	vadd.f32 v24, v18;
	v20 =	vld [tilespmem:s16+$0x9DA0]  }
0x1bb: {  	v14 =	vadd.f32 v14, v16;
	v13 =	vadd.f32 v13, v15;
	v15 =	vld [tilespmem:s16+$0x9DB0]  }
0x1bc: {  	v16 =	vadd.f32 v23, v19;
	v18 =	vadd.f32 v21, v18;
	v19 =	vld [tilespmem:s16+$0x9DE0]  }
0x1bd: {  	v12 =	vadd.f32 v12, v14;
	v11 =	vadd.f32 v11, v13;
	v13 =	vld [tilespmem:s16+$0x9DF0]  }
0x1be: {  	v14 =	vadd.f32 v22, v16;
	v16 =	vadd.f32 v17, v18;
	v17 =	vld [tilespmem:s16+$0x9E20]  }
0x1bf: {  	v10 =	vadd.f32 v10, v12;
	v9 =	vadd.f32 v9, v11;
	v11 =	vld [tilespmem:s16+$0x9E30]  }
0x1c0: {  	v12 =	vadd.f32 v20, v14;
	v14 =	vadd.f32 v15, v16;
	v15 =	vld [tilespmem:s16+$0x9E60]  }
0x1c1: {  	v7 =	vadd.f32 v7, v10;
	v8 =	vadd.f32 v8, v9;
	v9 =	vld [tilespmem:s16+$0x9E70]  }
0x1c2: {  	v10 =	vadd.f32 v19, v12;
	v12 =	vadd.f32 v13, v14;
	v13 =	vld [tilespmem:s16+$0x9EA0]  }
0x1c3: {  	v5 =	vadd.f32 v5, v7;
	v6 =	vadd.f32 v6, v8;
	v7 =	vld [tilespmem:s16+$0x9EB0];
	s16 =	sshra.s32 s17, $0x2  }
0x1c4: {  	v10 =	vadd.f32 v17, v10;
	v8 =	vld [tilespmem:s16+$0x9E80];
	v11 =	vadd.f32 v11, v12  }
0x1c5: {  	v5 =	vadd.f32 v3, v5;
	v6 =	vadd.f32 v4, v6;
	v12 =	vld [tilespmem:s16+$0x9E90]  }
0x1c6: {  	v10 =	vadd.f32 v15, v10;
	v3 =	vld [tilespmem:s16+$0x9E40];
	v9 =	vadd.f32 v9, v11  }
0x1c7: {  	v17 =	vadd.f32 v1, v5;
	v20 =	vadd.f32 v2, v6;
	v4 =	vld [tilespmem:s16+$0x9E50]  }
0x1c8: {  	v19 =	vadd.f32 v13, v10;
	v5 =	vld [tilespmem:s16+$0x9E00];
	v18 =	vadd.f32 v7, v9  }
0x1c9: {  	v6 =	vld [tilespmem:s16+$0x9E10];
	v1 =	vmov v8  }
0x1ca: {  	v7 =	vld [tilespmem:s16+$0x9DC0];
	v2 =	vmov v12  }
0x1cb: {  	v8 =	vld [tilespmem:s16+$0x9DD0]  }
0x1cc: {  	v10 =	vld [tilespmem:s16+$0x9D80]  }
0x1cd: {  	v9 =	vld [tilespmem:s16+$0x9D90]  }
0x1ce: {  	v12 =	vld [tilespmem:s16+$0x9D40]  }
0x1cf: {  	v11 =	vld [tilespmem:s16+$0x9D50]  }
0x1d0: {  	v14 =	vld [tilespmem:s16+$0x9D00]  }
0x1d1: {  	v13 =	vld [tilespmem:s16+$0x9D10]  }
0x1d2: {  	v16 =	vld [tilespmem:s16+$0x9CC0]  }
0x1d3: {  	v15 =	vld [tilespmem:s16+$0x9CD0]  }
.Ltmp5:
0x1d4: {  	v22 =	vld [tilespmem:s16+$0x9C80];
	(pc) =	sbr.rel @p2 .LBB2_12-.Ltmp5, $4  }
0x1d5: {  	v21 =	vld [tilespmem:s16+$0x9C90]  }
0x1d6: {  	v24 =	vld [tilespmem:s16+$0x9C40]  }
0x1d7: {  	v25 =	vld [tilespmem:s16+$0x9C50]  }
0x1d8: {  	s17 =	sadd.s32 $0xA00, s17;
	v23 =	vld [tilespmem:s16+$0x9C60]  }
0x1d9: {  	v26 =	vld [tilespmem:s16+$0x9C70]  }
0x1da: {  	v27 =	vld [tilespmem:s16+$0x9CA0]  }
0x1db: {  	v28 =	vld [tilespmem:s16+$0x9CB0];
	v17 =	vadd.f32 v24, v17  }
0x1dc: {  	v24 =	vld [tilespmem:s16+$0x9CE0];
	v20 =	vadd.f32 v25, v20  }
0x1dd: {  	v25 =	vld [tilespmem:s16+$0x9CF0];
	v19 =	vadd.f32 v23, v19;
	v17 =	vadd.f32 v22, v17  }
0x1de: {  	v22 =	vld [tilespmem:s16+$0x9D20];
	v18 =	vadd.f32 v26, v18;
	v20 =	vadd.f32 v21, v20  }
0x1df: {  	v21 =	vld [tilespmem:s16+$0x9D30];
	v19 =	vadd.f32 v27, v19;
	v16 =	vadd.f32 v16, v17  }
0x1e0: {  	v17 =	vadd.f32 v28, v18;
	v18 =	vld [tilespmem:s16+$0x9D60];
	v15 =	vadd.f32 v15, v20  }
0x1e1: {  	v20 =	vld [tilespmem:s16+$0x9D70];
	v19 =	vadd.f32 v24, v19;
	v14 =	vadd.f32 v14, v16  }
0x1e2: {  	v16 =	vadd.f32 v25, v17;
	v17 =	vld [tilespmem:s16+$0x9DA0];
	v13 =	vadd.f32 v13, v15  }
0x1e3: {  	v15 =	vld [tilespmem:s16+$0x9DB0];
	v19 =	vadd.f32 v22, v19;
	v12 =	vadd.f32 v12, v14  }
0x1e4: {  	v14 =	vadd.f32 v21, v16;
	v16 =	vld [tilespmem:s16+$0x9DE0];
	v11 =	vadd.f32 v11, v13  }
0x1e5: {  	v13 =	vld [tilespmem:s16+$0x9DF0];
	v18 =	vadd.f32 v18, v19;
	v10 =	vadd.f32 v10, v12  }
0x1e6: {  	v12 =	vadd.f32 v20, v14;
	v14 =	vld [tilespmem:s16+$0x9E20];
	v9 =	vadd.f32 v9, v11  }
0x1e7: {  	v11 =	vld [tilespmem:s16+$0x9E30];
	v17 =	vadd.f32 v17, v18;
	v7 =	vadd.f32 v7, v10  }
0x1e8: {  	v10 =	vadd.f32 v15, v12;
	v12 =	vld [tilespmem:s16+$0x9E60];
	v8 =	vadd.f32 v8, v9  }
0x1e9: {  	v9 =	vld [tilespmem:s16+$0x9E70];
	v15 =	vadd.f32 v16, v17;
	v5 =	vadd.f32 v5, v7  }
0x1ea: {  	v7 =	vadd.f32 v13, v10;
	v10 =	vld [tilespmem:s16+$0x9EA0];
	v6 =	vadd.f32 v6, v8  }
0x1eb: {  	v8 =	vld [tilespmem:s16+$0x9EB0];
	v13 =	vadd.f32 v14, v15;
	v3 =	vadd.f32 v3, v5  }
0x1ec: {  	v5 =	vadd.f32 v11, v7;
	v4 =	vadd.f32 v4, v6  }
0x1ed: {  	v6 =	vadd.f32 v12, v13;
	v1 =	vadd.f32 v1, v3  }
0x1ee: {  	v3 =	vadd.f32 v9, v5;
	v2 =	vadd.f32 v2, v4  }
0x1ef: {  	v4 =	vadd.f32 v10, v6;
	v1 =	vmul.f32 v1, v0  }
0x1f0: {  	v3 =	vadd.f32 v8, v3;
	v2 =	vmul.f32 v2, v0  }
0x1f1: {  	v1 =	vmax.f32 v1, $0.0e+00;
	v4 =	vmul.f32 v4, v0  }
0x1f2: {  	[tilespmem:$0x19700] =	vst v1;
	v1 =	vmax.f32 v2, $0.0e+00;
	v0 =	vmul.f32 v3, v0  }
0x1f3: {  	[tilespmem:$0x19710] =	vst v1;
	v1 =	vmax.f32 v4, $0.0e+00  }
0x1f4: {  	s16 =	sshll.u32 s1, $0x6;
	[tilespmem:$0x19720] =	vst v1;
	v0 =	vmax.f32 v0, $0.0e+00  }
0x1f5: {  	s17 =	sadd.s32 s16, s8;
	[tilespmem:$0x19730] =	vst v0  }
0x1f6: {  	[hbm4b:s17+s3] =	stream.linear.scatter [tilespmem:s6], [sflag:$0x5], $0x100, $0x38;
	[tilespmem:$0x19840] =	vst v63  }
0x1f7: {  	s17 =	simm.s32 @!p0 $0x1  }
0x1f8: {  	_ =	swait.ge @!p0 [sflag:s17], $0x320  }
0x1f9: {  	s18 =	simm.s32 @!p0 $0x68;
	[sflag:s17] =	ssyncset.done @!p0 $0x0  }
0x1fa: {  	s19 =	simm.s32 @!p0 $0x640;
	[sflag:s17] =	ssyncadd.s32 @!p0 $0xFFFFFCE0;
	s17 =	simm.s32 @!p0 $0x0  }
0x1fb: {  	[tilespmem:s19], [sflag:$0x3] =	stream.indirect.gather @!p0 [hbm4b:s4+s18], $0x40, s17, s18, $0xb8;
	[tilespmem:$0x19840] =	vst v63  }
0x1fc: {  	s20 =	simm.s32 @!p0 $0x2040;
	s19 =	simm.s32 @!p0 $0x60  }
0x1fd: {  	[tilespmem:s20], [sflag:$0x3] =	stream.indirect.gather @!p0 [hbm4b:s4+s19], $0x40, s18, s19, $0xb8;
	[tilespmem:$0x19840] =	vst v63  }
0x1fe: {  	s21 =	simm.s32 @!p0 $0x3840;
	s20 =	simm.s32 @!p0 $0xC8  }
0x1ff: {  	[tilespmem:s21], [sflag:$0x3] =	stream.indirect.gather @!p0 [hbm4b:s4+s18], $0x40, s20, s18, $0xb8;
	[tilespmem:$0x19840] =	vst v63  }
0x200: {  	s20 =	simm.s32 @!p0 $0x130;
	s21 =	simm.s32 @!p0 $0x5240  }
0x201: {  	[tilespmem:s21], [sflag:$0x3] =	stream.indirect.gather @!p0 [hbm4b:s4+s19], $0x40, s20, s19, $0xb8;
	[tilespmem:$0x19840] =	vst v63  }
0x202: {  	s20 =	simm.s32 @!p0 $0x190;
	s21 =	simm.s32 @!p0 $0x6A40  }
0x203: {  	[tilespmem:s21], [sflag:$0x3] =	stream.indirect.gather @!p0 [hbm4b:s4+s18], $0x40, s20, s18, $0xb8;
	[tilespmem:$0x19840] =	vst v63  }
0x204: {  	s20 =	simm.s32 @!p0 $0x1F8;
	s21 =	simm.s32 @!p0 $0x8440  }
0x205: {  	[tilespmem:s21], [sflag:$0x3] =	stream.indirect.gather @!p0 [hbm4b:s4+s19], $0x40, s20, s19, $0xb8;
	[tilespmem:$0x19840] =	vst v63  }
0x206: {  	s20 =	simm.s32 @!p0 $0x258;
	s21 =	simm.s32 @!p0 $0x9C40  }
0x207: {  	[tilespmem:s21], [sflag:$0x3] =	stream.indirect.gather @!p0 [hbm4b:s4+s18], $0x40, s20, s18, $0xb8;
	[tilespmem:$0x19840] =	vst v63  }
0x208: {  	s18 =	simm.s32 @!p0 $0x2C0;
	s20 =	simm.s32 @!p0 $0xB640  }
0x209: {  	[tilespmem:s20], [sflag:$0x3] =	stream.indirect.gather @!p0 [hbm4b:s4+s19], $0x40, s18, s19, $0xb8;
	[tilespmem:$0x19840] =	vst v63  }
0x20a: {  	_ =	swait.ge [sflag:s10], $0xC800  }
0x20b: {  	[sflag:s10] =	ssyncset.done $0x0  }
0x20c: {  	[sflag:s10] =	ssyncadd.s32 $0xFFFF3800  }
0x20d: {  	v0 =	vld [tilespmem:$0x320]  }
0x20e: {  	v1 =	vld [tilespmem:$0x330]  }
0x20f: {  	v2 =	vld [tilespmem:$0x340]  }
0x210: {  	v3 =	vld [tilespmem:$0x350]  }
0x211: {  	v4 =	vld [tilespmem:$0x360]  }
0x212: {  	v5 =	vld [tilespmem:$0x370]  }
0x213: {  	v6 =	vld [tilespmem:$0x380]  }
0x214: {  	v7 =	vld [tilespmem:$0x390]  }
0x215: {  	v8 =	vld [tilespmem:$0x3A0]  }
0x216: {  	vm1 =	vne.s32 v0, $0x0;
	v0 =	vld [tilespmem:$0x3B0]  }
0x217: {  	vm2 =	vne.s32 v2, $0x0;
	v9 =	vmpcnt.ones.xlane vm1;
	vm1 =	vne.s32 v1, $0x0;
	v1 =	vld [tilespmem:$0x3C0]  }
0x218: {  	v10 =	vmpcnt.ones.xlane vm2;
	v2 =	vmpcnt.ones.xlane vm1;
	vm1 =	vne.s32 v3, $0x0;
	v3 =	vld [tilespmem:$0x3D8]  }
0x219: {  	vm2 =	vne.s32 v5, $0x0;
	v11 =	vmpcnt.ones.xlane vm1;
	vm1 =	vne.s32 v4, $0x0;
	v4 =	vld [tilespmem:$0x3D0]  }
0x21a: {  	v12 =	vmpcnt.ones.xlane vm2;
	v5 =	vmpcnt.ones.xlane vm1;
	vm1 =	vne.s32 v6, $0x0;
	v6 =	vld [tilespmem:$0x3E8]  }
0x21b: {  	vm2 =	vne.s32 v8, $0x0;
	v13 =	vmpcnt.ones.xlane vm1;
	vm1 =	vne.s32 v7, $0x0;
	v7 =	vld [tilespmem:$0x3F8]  }
0x21c: {  	v14 =	vmpcnt.ones.xlane vm2;
	v8 =	vmpcnt.ones.xlane vm1;
	vm1 =	vne.s32 v0, $0x0;
	v0 =	vld [tilespmem:$0x408]  }
0x21d: {  	v2 =	vadd.s32 v9, v2;
	v15 =	vmpcnt.ones.xlane vm1;
	vm1 =	vne.s32 v1, $0x0;
	v1 =	vld [tilespmem:$0x418]  }
0x21e: {  	vm2 =	vne.s32 v3, $0x0;
	v3 =	vmpcnt.ones.xlane vm1;
	vm1 =	vne.s32 v4, $0x0;
	v4 =	vld [tilespmem:$0x428]  }
0x21f: {  	v2 =	vadd.s32 v10, v2;
	v16 =	vmpcnt.ones.xlane vm1;
	vm1 =	vne.s32 v6, $0x0;
	v6 =	vld [tilespmem:$0x438]  }
0x220: {  	v2 =	vadd.s32 v11, v2;
	v9 =	vmpcnt.ones.xlane vm1;
	vm1 =	vne.s32 v7, $0x0;
	v7 =	vld [tilespmem:$0x448]  }
0x221: {  	v2 =	vadd.s32 v5, v2;
	v10 =	vmpcnt.ones.xlane vm1;
	vm1 =	vne.s32 v0, $0x0;
	v0 =	vld [tilespmem:$0x458]  }
0x222: {  	vm2 =	vmand vm2, vm0;
	v11 =	vmpcnt.ones.xlane vm1;
	vm1 =	vne.s32 v1, $0x0;
	v1 =	vld [tilespmem:$0x468]  }
0x223: {  	v2 =	vadd.s32 v12, v2;
	v5 =	vmpcnt.ones.xlane vm1;
	vm1 =	vne.s32 v4, $0x0;
	v4 =	vld [tilespmem:$0x478]  }
0x224: {  	v2 =	vadd.s32 v13, v2;
	v12 =	vmpcnt.ones.xlane vm1;
	vm1 =	vne.s32 v6, $0x0;
	v6 =	vld [tilespmem:$0x488]  }
0x225: {  	v2 =	vadd.s32 v8, v2;
	v13 =	vmpcnt.ones.xlane vm1;
	vm1 =	vne.s32 v7, $0x0;
	v7 =	vld [tilespmem:$0x498]  }
0x226: {  	v2 =	vadd.s32 v14, v2;
	v8 =	vmpcnt.ones.xlane vm1;
	vm1 =	vne.s32 v0, $0x0;
	v0 =	vld [tilespmem:$0x4A0]  }
0x227: {  	v9 =	vadd.s32 v9, v10;
	v14 =	vmpcnt.ones.xlane vm1;
	vm1 =	vne.s32 v1, $0x0  }
0x228: {  	v1 =	vadd.s32 v15, v2;
	v2 =	vmpcnt.ones.xlane vm1;
	vm1 =	vne.s32 v4, $0x0;
	v4 =	vld [tilespmem:$0x4B0]  }
0x229: {  	v1 =	vadd.s32 v3, v1;
	v3 =	vmpcnt.ones.xlane vm1;
	vm1 =	vne.s32 v6, $0x0;
	v6 =	vld [tilespmem:$0x4C0]  }
0x22a: {  	v9 =	vadd.s32 v11, v9;
	v15 =	vmpcnt.ones.xlane vm1;
	vm1 =	vne.s32 v7, $0x0;
	v7 =	vld [tilespmem:$0x4D0]  }
0x22b: {  	v1 =	vadd.s32 v16, v1;
	v16 =	vmpcnt.ones.xlane vm1;
	vm1 =	vne.s32 v0, $0x0;
	v0 =	vld [tilespmem:$0x4E0]  }
0x22c: {  	v17 =	vmpcnt.ones.xlane vm2;
	v10 =	vld [tilespmem:$0x4F0];
	v5 =	vadd.s32 v5, v9;
	vm1 =	vmand vm1, vm0  }
0x22d: {  	v5 =	vadd.s32 v12, v5;
	v11 =	vmpcnt.ones.xlane vm1;
	vm1 =	vne.s32 v4, $0x0;
	v4 =	vld [tilespmem:$0x500]  }
0x22e: {  	v5 =	vadd.s32 v13, v5;
	v9 =	vmpcnt.ones.xlane vm1;
	vm1 =	vne.s32 v6, $0x0;
	v6 =	vld [tilespmem:$0x510]  }
0x22f: {  	v5 =	vadd.s32 v8, v5;
	v12 =	vmpcnt.ones.xlane vm1;
	vm1 =	vne.s32 v7, $0x0;
	v7 =	vld [tilespmem:$0x520]  }
0x230: {  	v5 =	vadd.s32 v14, v5;
	v13 =	vmpcnt.ones.xlane vm1;
	vm1 =	vne.s32 v0, $0x0;
	v0 =	vld [tilespmem:$0x530]  }
0x231: {  	v1 =	vadd.s32 v17, v1;
	v8 =	vmpcnt.ones.xlane vm1;
	vm1 =	vne.s32 v10, $0x0;
	v10 =	vld [tilespmem:$0x540]  }
0x232: {  	v2 =	vadd.s32 v2, v5;
	v14 =	vmpcnt.ones.xlane vm1;
	vm1 =	vne.s32 v4, $0x0;
	v4 =	vld [tilespmem:$0x550]  }
0x233: {  	v1 =	vcvt.s32.f32 v1;
	v5 =	vmpcnt.ones.xlane vm1;
	vm1 =	vne.s32 v6, $0x0;
	v6 =	vld [tilespmem:$0x560]  }
0x234: {  	v2 =	vadd.s32 v3, v2;
	v3 =	vmpcnt.ones.xlane vm1;
	vm1 =	vne.s32 v7, $0x0;
	v7 =	vld [tilespmem:$0x568]  }
0x235: {  	v2 =	vadd.s32 v15, v2;
	v15 =	vmpcnt.ones.xlane vm1;
	vm1 =	vne.s32 v0, $0x0  }
0x236: {  	v0 =	vadd.s32 v16, v2;
	v2 =	vmpcnt.ones.xlane vm1;
	vm1 =	vne.s32 v10, $0x0;
	v10 =	vld [tilespmem:$0x578]  }
0x237: {  	v9 =	vadd.s32 v9, v12;
	v12 =	vmpcnt.ones.xlane vm1;
	vm1 =	vne.s32 v4, $0x0;
	v4 =	vld [tilespmem:$0x588]  }
0x238: {  	v9 =	vadd.s32 v13, v9;
	v13 =	vmpcnt.ones.xlane vm1;
	vm1 =	vne.s32 v6, $0x0;
	v6 =	vld [tilespmem:$0x598]  }
0x239: {  	v8 =	vadd.s32 v8, v9;
	v9 =	vmpcnt.ones.xlane vm1;
	vm1 =	vne.s32 v7, $0x0;
	v7 =	vld [tilespmem:$0x5A8]  }
0x23a: {  	v8 =	vadd.s32 v14, v8;
	v0 =	vadd.s32 v11, v0;
	v11 =	vld [tilespmem:$0x5B8];
	vm1 =	vmand vm1, vm0  }
0x23b: {  	v5 =	vadd.s32 v5, v8;
	v8 =	vmpcnt.ones.xlane vm1;
	vm1 =	vne.s32 v10, $0x0;
	v10 =	vld [tilespmem:$0x5C8]  }
0x23c: {  	v3 =	vadd.s32 v3, v5;
	v5 =	vmpcnt.ones.xlane vm1;
	vm1 =	vne.s32 v4, $0x0;
	v4 =	vld [tilespmem:$0x5D8]  }
0x23d: {  	v3 =	vadd.s32 v15, v3;
	v14 =	vmpcnt.ones.xlane vm1;
	vm1 =	vne.s32 v6, $0x0;
	v6 =	vld [tilespmem:$0x5E8]  }
0x23e: {  	v2 =	vadd.s32 v2, v3;
	v3 =	vmpcnt.ones.xlane vm1;
	vm1 =	vne.s32 v7, $0x0;
	v7 =	vld [tilespmem:$0x5F8]  }
0x23f: {  	v2 =	vadd.s32 v12, v2;
	v12 =	vmpcnt.ones.xlane vm1;
	vm1 =	vne.s32 v11, $0x0;
	v11 =	vld [tilespmem:$0x608]  }
0x240: {  	v5 =	vadd.s32 v5, v14;
	v14 =	vmpcnt.ones.xlane vm1;
	vm1 =	vne.s32 v10, $0x0;
	v10 =	vld [tilespmem:$0x618]  }
0x241: {  	v3 =	vadd.s32 v3, v5;
	v5 =	vmpcnt.ones.xlane vm1;
	vm1 =	vne.s32 v4, $0x0;
	v4 =	vld [tilespmem:$0x628]  }
0x242: {  	v3 =	vadd.s32 v12, v3;
	v12 =	vmpcnt.ones.xlane vm1;
	vm1 =	vne.s32 v6, $0x0;
	v6 =	vld [tilespmem:$0x630]  }
0x243: {  	v3 =	vadd.s32 v14, v3;
	v14 =	vmpcnt.ones.xlane vm1;
	vm1 =	vne.s32 v7, $0x0  }
0x244: {  	v3 =	vadd.s32 v5, v3;
	v5 =	vmpcnt.ones.xlane vm1;
	vm1 =	vne.s32 v11, $0x0  }
0x245: {  	v3 =	vadd.s32 v12, v3;
	v7 =	vmpcnt.ones.xlane vm1;
	vm1 =	vne.s32 v10, $0x0  }
0x246: {  	v3 =	vadd.s32 v14, v3;
	v10 =	vmpcnt.ones.xlane vm1;
	vm1 =	vne.s32 v4, $0x0  }
0x247: {  	v3 =	vadd.s32 v5, v3;
	v4 =	vmpcnt.ones.xlane vm1;
	vm1 =	vne.s32 v6, $0x0  }
0x248: {  	v2 =	vadd.s32 v13, v2;
	v3 =	vadd.s32 v7, v3;
	vm1 =	vmand vm1, vm0  }
0x249: {  	v2 =	vadd.s32 v9, v2;
	v3 =	vadd.s32 v10, v3;
	v5 =	vmpcnt.ones.xlane vm1  }
0x24a: {  	v0 =	vcvt.s32.f32 v0;
	v2 =	vadd.s32 v8, v2;
	v3 =	vadd.s32 v4, v3  }
0x24b: {  	(erf) = vrcp.f32 v1;
	v1 =	vcvt.s32.f32 v2;
	v2 =	vadd.s32 v5, v3  }
0x24c: {  	(erf) = vrcp.f32 v0;
	v0 =	vcvt.s32.f32 v2  }
0x24d: {  	(erf) = vrcp.f32 v1  }
0x24e: {  	(erf) = vrcp.f32 v0;
	_ =	sdelay $0x3  }
0x24f: {  	s14 =	sadd.s32 @!p0 s14, s9  }
0x250: {  	s14 =	smul.u32 @!p0 $0x19, s14  }
0x251: {  	v3 =	vpop (erf)  }
0x252: {  	s14 =	sadd.s32 @!p0 s2, s14;
	s18 =	simm.s32 @!p0 $0x320;
	v2 =	vpop (erf)  }
0x253: {  	[tilespmem:s18], [sflag:$0x2] =	stream.linear.gather @!p0 [hbm4b:s14+s17], $0x320, $0x38;
	v1 =	vpop (erf);
	[tilespmem:$0x19840] =	vst v63  }
0x254: {  	p0 =	por p0, !p1;
	v0 =	vpop (erf)  }
0x255: {  	_ =	swait.ge @p0 [sflag:s0], $0x100  }
0x256: {  	[sflag:s0] =	ssyncset.done @p0 $0x0  }
0x257: {  	s14 =	simm.s32 $0x0;
	[sflag:s0] =	ssyncadd.s32 @p0 $0xFFFFFF00  }
0x258: {  	v4 =	vld [tilespmem:s14+$0xD080]  }
0x259: {  	v5 =	vld [tilespmem:s14+$0xD090]  }
0x25a: {  	v6 =	vld [tilespmem:s14+$0xD040]  }
0x25b: {  	v7 =	vld [tilespmem:s14+$0xD050]  }
0x25c: {  	v8 =	vld [tilespmem:s14+$0xD000]  }
0x25d: {  	v9 =	vld [tilespmem:s14+$0xD010]  }
0x25e: {  	v10 =	vld [tilespmem:s14+$0xCFC0]  }
0x25f: {  	v11 =	vld [tilespmem:s14+$0xCFD0]  }
0x260: {  	v13 =	vld [tilespmem:s14+$0xCF80]  }
0x261: {  	v12 =	vld [tilespmem:s14+$0xCF90]  }
0x262: {  	v15 =	vld [tilespmem:s14+$0xCF40]  }
0x263: {  	v14 =	vld [tilespmem:s14+$0xCF50]  }
0x264: {  	v17 =	vld [tilespmem:s14+$0xCF00]  }
0x265: {  	v16 =	vld [tilespmem:s14+$0xCF10]  }
0x266: {  	v19 =	vld [tilespmem:s14+$0xCEC0]  }
0x267: {  	v18 =	vld [tilespmem:s14+$0xCED0]  }
0x268: {  	v25 =	vld [tilespmem:s14+$0xCE80]  }
0x269: {  	v24 =	vld [tilespmem:s14+$0xCE90]  }
0x26a: {  	v27 =	vld [tilespmem:s14+$0xCE40]  }
0x26b: {  	v23 =	vimm.f32 $0.0e+00;
	v28 =	vld [tilespmem:s14+$0xCE50]  }
0x26c: {  	v22 =	vimm.f32 $0.0e+00;
	v21 =	vimm.f32 $0.0e+00;
	v20 =	vimm.f32 $0.0e+00;
	s17 =	simm.s32 $0xA00;
	v26 =	vld [tilespmem:s14+$0xCE60]  }
.LBB2_14:
0x26d: {  	p0 =	sne.s32 s17, $0xBE00;
	v29 =	vld [tilespmem:s14+$0xCE70]  }
0x26e: {  	v30 =	vld [tilespmem:s14+$0xCEA0]  }
0x26f: {  	v31 =	vld [tilespmem:s14+$0xCEB0]  }
0x270: {  	v32 =	vld [tilespmem:s14+$0xCEE0]  }
0x271: {  	v20 =	vadd.f32 v27, v20;
	v23 =	vadd.f32 v28, v23;
	v27 =	vld [tilespmem:s14+$0xCEF0]  }
0x272: {  	v22 =	vadd.f32 v26, v22;
	v21 =	vadd.f32 v29, v21;
	v26 =	vld [tilespmem:s14+$0xCF20]  }
0x273: {  	v20 =	vadd.f32 v25, v20;
	v23 =	vadd.f32 v24, v23;
	v24 =	vld [tilespmem:s14+$0xCF30]  }
0x274: {  	v22 =	vadd.f32 v30, v22;
	v21 =	vadd.f32 v31, v21;
	v25 =	vld [tilespmem:s14+$0xCF60]  }
0x275: {  	v19 =	vadd.f32 v19, v20;
	v18 =	vadd.f32 v18, v23;
	v20 =	vld [tilespmem:s14+$0xCF70]  }
0x276: {  	v22 =	vadd.f32 v32, v22;
	v21 =	vadd.f32 v27, v21;
	v23 =	vld [tilespmem:s14+$0xCFA0]  }
0x277: {  	v17 =	vadd.f32 v17, v19;
	v16 =	vadd.f32 v16, v18;
	v18 =	vld [tilespmem:s14+$0xCFB0]  }
0x278: {  	v19 =	vadd.f32 v26, v22;
	v21 =	vadd.f32 v24, v21;
	v22 =	vld [tilespmem:s14+$0xCFE0]  }
0x279: {  	v15 =	vadd.f32 v15, v17;
	v14 =	vadd.f32 v14, v16;
	v16 =	vld [tilespmem:s14+$0xCFF0]  }
0x27a: {  	v17 =	vadd.f32 v25, v19;
	v19 =	vadd.f32 v20, v21;
	v20 =	vld [tilespmem:s14+$0xD020]  }
0x27b: {  	v13 =	vadd.f32 v13, v15;
	v12 =	vadd.f32 v12, v14;
	v14 =	vld [tilespmem:s14+$0xD030]  }
0x27c: {  	v15 =	vadd.f32 v23, v17;
	v17 =	vadd.f32 v18, v19;
	v18 =	vld [tilespmem:s14+$0xD060]  }
0x27d: {  	v10 =	vadd.f32 v10, v13;
	v11 =	vadd.f32 v11, v12;
	v12 =	vld [tilespmem:s14+$0xD070]  }
0x27e: {  	v13 =	vadd.f32 v22, v15;
	v15 =	vadd.f32 v16, v17;
	v16 =	vld [tilespmem:s14+$0xD0A0]  }
0x27f: {  	v8 =	vadd.f32 v8, v10;
	v9 =	vadd.f32 v9, v11;
	v10 =	vld [tilespmem:s14+$0xD0B0];
	s14 =	sshra.s32 s17, $0x2  }
0x280: {  	v13 =	vadd.f32 v20, v13;
	v11 =	vld [tilespmem:s14+$0xD080];
	v14 =	vadd.f32 v14, v15  }
0x281: {  	v8 =	vadd.f32 v6, v8;
	v9 =	vadd.f32 v7, v9;
	v15 =	vld [tilespmem:s14+$0xD090]  }
0x282: {  	v13 =	vadd.f32 v18, v13;
	v6 =	vld [tilespmem:s14+$0xD040];
	v12 =	vadd.f32 v12, v14  }
0x283: {  	v20 =	vadd.f32 v4, v8;
	v23 =	vadd.f32 v5, v9;
	v7 =	vld [tilespmem:s14+$0xD050]  }
0x284: {  	v22 =	vadd.f32 v16, v13;
	v8 =	vld [tilespmem:s14+$0xD000];
	v21 =	vadd.f32 v10, v12  }
0x285: {  	v9 =	vld [tilespmem:s14+$0xD010];
	v4 =	vmov v11  }
0x286: {  	v10 =	vld [tilespmem:s14+$0xCFC0];
	v5 =	vmov v15  }
0x287: {  	v11 =	vld [tilespmem:s14+$0xCFD0]  }
0x288: {  	v13 =	vld [tilespmem:s14+$0xCF80]  }
0x289: {  	v12 =	vld [tilespmem:s14+$0xCF90]  }
0x28a: {  	v15 =	vld [tilespmem:s14+$0xCF40]  }
0x28b: {  	v14 =	vld [tilespmem:s14+$0xCF50]  }
0x28c: {  	v17 =	vld [tilespmem:s14+$0xCF00]  }
0x28d: {  	v16 =	vld [tilespmem:s14+$0xCF10]  }
0x28e: {  	v19 =	vld [tilespmem:s14+$0xCEC0]  }
0x28f: {  	v18 =	vld [tilespmem:s14+$0xCED0]  }
.Ltmp6:
0x290: {  	v25 =	vld [tilespmem:s14+$0xCE80];
	(pc) =	sbr.rel @p0 .LBB2_14-.Ltmp6, $4  }
0x291: {  	v24 =	vld [tilespmem:s14+$0xCE90]  }
0x292: {  	v27 =	vld [tilespmem:s14+$0xCE40]  }
0x293: {  	v28 =	vld [tilespmem:s14+$0xCE50]  }
0x294: {  	s17 =	sadd.s32 $0xA00, s17;
	v26 =	vld [tilespmem:s14+$0xCE60]  }
0x295: {  	v29 =	vld [tilespmem:s14+$0xCE70]  }
0x296: {  	v30 =	vld [tilespmem:s14+$0xCEA0]  }
0x297: {  	v31 =	vld [tilespmem:s14+$0xCEB0];
	v20 =	vadd.f32 v27, v20  }
0x298: {  	v27 =	vld [tilespmem:s14+$0xCEE0];
	v23 =	vadd.f32 v28, v23  }
0x299: {  	v28 =	vld [tilespmem:s14+$0xCEF0];
	v22 =	vadd.f32 v26, v22;
	v20 =	vadd.f32 v25, v20  }
0x29a: {  	v25 =	vld [tilespmem:s14+$0xCF20];
	v21 =	vadd.f32 v29, v21;
	v23 =	vadd.f32 v24, v23  }
0x29b: {  	v24 =	vld [tilespmem:s14+$0xCF30];
	v22 =	vadd.f32 v30, v22;
	v19 =	vadd.f32 v19, v20  }
0x29c: {  	v20 =	vadd.f32 v31, v21;
	v21 =	vld [tilespmem:s14+$0xCF60];
	v18 =	vadd.f32 v18, v23  }
0x29d: {  	v23 =	vld [tilespmem:s14+$0xCF70];
	v22 =	vadd.f32 v27, v22;
	v17 =	vadd.f32 v17, v19  }
0x29e: {  	v19 =	vadd.f32 v28, v20;
	v20 =	vld [tilespmem:s14+$0xCFA0];
	v16 =	vadd.f32 v16, v18  }
0x29f: {  	v18 =	vld [tilespmem:s14+$0xCFB0];
	v22 =	vadd.f32 v25, v22;
	v15 =	vadd.f32 v15, v17  }
0x2a0: {  	v17 =	vadd.f32 v24, v19;
	v19 =	vld [tilespmem:s14+$0xCFE0];
	v14 =	vadd.f32 v14, v16  }
0x2a1: {  	v16 =	vld [tilespmem:s14+$0xCFF0];
	v21 =	vadd.f32 v21, v22;
	v13 =	vadd.f32 v13, v15  }
0x2a2: {  	v15 =	vadd.f32 v23, v17;
	v17 =	vld [tilespmem:s14+$0xD020];
	v12 =	vadd.f32 v12, v14  }
0x2a3: {  	v14 =	vld [tilespmem:s14+$0xD030];
	v20 =	vadd.f32 v20, v21;
	v10 =	vadd.f32 v10, v13  }
0x2a4: {  	v13 =	vadd.f32 v18, v15;
	v15 =	vld [tilespmem:s14+$0xD060];
	v11 =	vadd.f32 v11, v12  }
0x2a5: {  	v12 =	vld [tilespmem:s14+$0xD070];
	v18 =	vadd.f32 v19, v20;
	v8 =	vadd.f32 v8, v10  }
0x2a6: {  	v10 =	vadd.f32 v16, v13;
	v13 =	vld [tilespmem:s14+$0xD0A0];
	v9 =	vadd.f32 v9, v11  }
0x2a7: {  	v11 =	vld [tilespmem:s14+$0xD0B0];
	v16 =	vadd.f32 v17, v18;
	v6 =	vadd.f32 v6, v8  }
0x2a8: {  	v8 =	vadd.f32 v14, v10;
	v7 =	vadd.f32 v7, v9  }
0x2a9: {  	v9 =	vadd.f32 v15, v16;
	v4 =	vadd.f32 v4, v6  }
0x2aa: {  	v6 =	vadd.f32 v12, v8;
	v5 =	vadd.f32 v5, v7  }
0x2ab: {  	v7 =	vadd.f32 v13, v9;
	v4 =	vmul.f32 v4, v3  }
0x2ac: {  	v6 =	vadd.f32 v11, v6;
	v5 =	vmul.f32 v5, v3  }
0x2ad: {  	v4 =	vmax.f32 v4, $0.0e+00;
	v7 =	vmul.f32 v7, v3  }
0x2ae: {  	[tilespmem:$0x19740] =	vst v4;
	v4 =	vmax.f32 v5, $0.0e+00;
	v3 =	vmul.f32 v6, v3  }
0x2af: {  	[tilespmem:$0x19750] =	vst v4;
	v4 =	vmax.f32 v7, $0.0e+00  }
0x2b0: {  	[tilespmem:$0x19760] =	vst v4;
	v3 =	vmax.f32 v3, $0.0e+00  }
0x2b1: {  	s14 =	simm.s32 $0x0;
	[tilespmem:$0x19770] =	vst v3  }
0x2b2: {  	v3 =	vld [tilespmem:s14+$0x10280]  }
0x2b3: {  	v4 =	vld [tilespmem:s14+$0x10290]  }
0x2b4: {  	v5 =	vld [tilespmem:s14+$0x10240]  }
0x2b5: {  	v6 =	vld [tilespmem:s14+$0x10250]  }
0x2b6: {  	v7 =	vld [tilespmem:s14+$0x10200]  }
0x2b7: {  	v8 =	vld [tilespmem:s14+$0x10210]  }
0x2b8: {  	v9 =	vld [tilespmem:s14+$0x101C0]  }
0x2b9: {  	v10 =	vld [tilespmem:s14+$0x101D0]  }
0x2ba: {  	v12 =	vld [tilespmem:s14+$0x10180]  }
0x2bb: {  	v11 =	vld [tilespmem:s14+$0x10190]  }
0x2bc: {  	v14 =	vld [tilespmem:s14+$0x10140]  }
0x2bd: {  	v13 =	vld [tilespmem:s14+$0x10150]  }
0x2be: {  	v16 =	vld [tilespmem:s14+$0x10100]  }
0x2bf: {  	v15 =	vld [tilespmem:s14+$0x10110]  }
0x2c0: {  	v18 =	vld [tilespmem:s14+$0x100C0]  }
0x2c1: {  	v17 =	vld [tilespmem:s14+$0x100D0]  }
0x2c2: {  	v24 =	vld [tilespmem:s14+$0x10080]  }
0x2c3: {  	v23 =	vld [tilespmem:s14+$0x10090]  }
0x2c4: {  	v26 =	vld [tilespmem:s14+$0x10040]  }
0x2c5: {  	v22 =	vimm.f32 $0.0e+00;
	v27 =	vld [tilespmem:s14+$0x10050]  }
0x2c6: {  	s17 =	simm.s32 $0xA00;
	v21 =	vimm.f32 $0.0e+00;
	v19 =	vimm.f32 $0.0e+00;
	v20 =	vimm.f32 $0.0e+00;
	v25 =	vld [tilespmem:s14+$0x10060]  }
.LBB2_16:
0x2c7: {  	p0 =	sne.s32 s17, $0xBE00;
	v28 =	vld [tilespmem:s14+$0x10070]  }
0x2c8: {  	v29 =	vld [tilespmem:s14+$0x100A0]  }
0x2c9: {  	v30 =	vld [tilespmem:s14+$0x100B0]  }
0x2ca: {  	v31 =	vld [tilespmem:s14+$0x100E0]  }
0x2cb: {  	v19 =	vadd.f32 v26, v19;
	v22 =	vadd.f32 v27, v22;
	v26 =	vld [tilespmem:s14+$0x100F0]  }
0x2cc: {  	v21 =	vadd.f32 v25, v21;
	v20 =	vadd.f32 v28, v20;
	v25 =	vld [tilespmem:s14+$0x10120]  }
0x2cd: {  	v19 =	vadd.f32 v24, v19;
	v22 =	vadd.f32 v23, v22;
	v23 =	vld [tilespmem:s14+$0x10130]  }
0x2ce: {  	v21 =	vadd.f32 v29, v21;
	v20 =	vadd.f32 v30, v20;
	v24 =	vld [tilespmem:s14+$0x10160]  }
0x2cf: {  	v18 =	vadd.f32 v18, v19;
	v17 =	vadd.f32 v17, v22;
	v19 =	vld [tilespmem:s14+$0x10170]  }
0x2d0: {  	v21 =	vadd.f32 v31, v21;
	v20 =	vadd.f32 v26, v20;
	v22 =	vld [tilespmem:s14+$0x101A0]  }
0x2d1: {  	v16 =	vadd.f32 v16, v18;
	v15 =	vadd.f32 v15, v17;
	v17 =	vld [tilespmem:s14+$0x101B0]  }
0x2d2: {  	v18 =	vadd.f32 v25, v21;
	v20 =	vadd.f32 v23, v20;
	v21 =	vld [tilespmem:s14+$0x101E0]  }
0x2d3: {  	v14 =	vadd.f32 v14, v16;
	v13 =	vadd.f32 v13, v15;
	v15 =	vld [tilespmem:s14+$0x101F0]  }
0x2d4: {  	v16 =	vadd.f32 v24, v18;
	v18 =	vadd.f32 v19, v20;
	v19 =	vld [tilespmem:s14+$0x10220]  }
0x2d5: {  	v12 =	vadd.f32 v12, v14;
	v11 =	vadd.f32 v11, v13;
	v13 =	vld [tilespmem:s14+$0x10230]  }
0x2d6: {  	v14 =	vadd.f32 v22, v16;
	v16 =	vadd.f32 v17, v18;
	v17 =	vld [tilespmem:s14+$0x10260]  }
0x2d7: {  	v9 =	vadd.f32 v9, v12;
	v10 =	vadd.f32 v10, v11;
	v11 =	vld [tilespmem:s14+$0x10270]  }
0x2d8: {  	v12 =	vadd.f32 v21, v14;
	v14 =	vadd.f32 v15, v16;
	v15 =	vld [tilespmem:s14+$0x102A0]  }
0x2d9: {  	v7 =	vadd.f32 v7, v9;
	v8 =	vadd.f32 v8, v10;
	v9 =	vld [tilespmem:s14+$0x102B0];
	s14 =	sshra.s32 s17, $0x2  }
0x2da: {  	v12 =	vadd.f32 v19, v12;
	v10 =	vld [tilespmem:s14+$0x10280];
	v13 =	vadd.f32 v13, v14  }
0x2db: {  	v7 =	vadd.f32 v5, v7;
	v8 =	vadd.f32 v6, v8;
	v14 =	vld [tilespmem:s14+$0x10290]  }
0x2dc: {  	v12 =	vadd.f32 v17, v12;
	v5 =	vld [tilespmem:s14+$0x10240];
	v11 =	vadd.f32 v11, v13  }
0x2dd: {  	v19 =	vadd.f32 v3, v7;
	v22 =	vadd.f32 v4, v8;
	v6 =	vld [tilespmem:s14+$0x10250]  }
0x2de: {  	v21 =	vadd.f32 v15, v12;
	v7 =	vld [tilespmem:s14+$0x10200];
	v20 =	vadd.f32 v9, v11  }
0x2df: {  	v8 =	vld [tilespmem:s14+$0x10210];
	v3 =	vmov v10  }
0x2e0: {  	v9 =	vld [tilespmem:s14+$0x101C0];
	v4 =	vmov v14  }
0x2e1: {  	v10 =	vld [tilespmem:s14+$0x101D0]  }
0x2e2: {  	v12 =	vld [tilespmem:s14+$0x10180]  }
0x2e3: {  	v11 =	vld [tilespmem:s14+$0x10190]  }
0x2e4: {  	v14 =	vld [tilespmem:s14+$0x10140]  }
0x2e5: {  	v13 =	vld [tilespmem:s14+$0x10150]  }
0x2e6: {  	v16 =	vld [tilespmem:s14+$0x10100]  }
0x2e7: {  	v15 =	vld [tilespmem:s14+$0x10110]  }
0x2e8: {  	v18 =	vld [tilespmem:s14+$0x100C0]  }
0x2e9: {  	v17 =	vld [tilespmem:s14+$0x100D0]  }
.Ltmp7:
0x2ea: {  	v24 =	vld [tilespmem:s14+$0x10080];
	(pc) =	sbr.rel @p0 .LBB2_16-.Ltmp7, $4  }
0x2eb: {  	v23 =	vld [tilespmem:s14+$0x10090]  }
0x2ec: {  	v26 =	vld [tilespmem:s14+$0x10040]  }
0x2ed: {  	v27 =	vld [tilespmem:s14+$0x10050]  }
0x2ee: {  	s17 =	sadd.s32 $0xA00, s17;
	v25 =	vld [tilespmem:s14+$0x10060]  }
0x2ef: {  	v28 =	vld [tilespmem:s14+$0x10070]  }
0x2f0: {  	v29 =	vld [tilespmem:s14+$0x100A0]  }
0x2f1: {  	v30 =	vld [tilespmem:s14+$0x100B0];
	v19 =	vadd.f32 v26, v19  }
0x2f2: {  	v26 =	vld [tilespmem:s14+$0x100E0];
	v22 =	vadd.f32 v27, v22  }
0x2f3: {  	v27 =	vld [tilespmem:s14+$0x100F0];
	v21 =	vadd.f32 v25, v21;
	v19 =	vadd.f32 v24, v19  }
0x2f4: {  	v24 =	vld [tilespmem:s14+$0x10120];
	v20 =	vadd.f32 v28, v20;
	v22 =	vadd.f32 v23, v22  }
0x2f5: {  	v23 =	vld [tilespmem:s14+$0x10130];
	v21 =	vadd.f32 v29, v21;
	v18 =	vadd.f32 v18, v19  }
0x2f6: {  	v19 =	vadd.f32 v30, v20;
	v20 =	vld [tilespmem:s14+$0x10160];
	v17 =	vadd.f32 v17, v22  }
0x2f7: {  	v22 =	vld [tilespmem:s14+$0x10170];
	v21 =	vadd.f32 v26, v21;
	v16 =	vadd.f32 v16, v18  }
0x2f8: {  	v18 =	vadd.f32 v27, v19;
	v19 =	vld [tilespmem:s14+$0x101A0];
	v15 =	vadd.f32 v15, v17  }
0x2f9: {  	v17 =	vld [tilespmem:s14+$0x101B0];
	v21 =	vadd.f32 v24, v21;
	v14 =	vadd.f32 v14, v16  }
0x2fa: {  	v16 =	vadd.f32 v23, v18;
	v18 =	vld [tilespmem:s14+$0x101E0];
	v13 =	vadd.f32 v13, v15  }
0x2fb: {  	v15 =	vld [tilespmem:s14+$0x101F0];
	v20 =	vadd.f32 v20, v21;
	v12 =	vadd.f32 v12, v14  }
0x2fc: {  	v14 =	vadd.f32 v22, v16;
	v16 =	vld [tilespmem:s14+$0x10220];
	v11 =	vadd.f32 v11, v13  }
0x2fd: {  	v13 =	vld [tilespmem:s14+$0x10230];
	v19 =	vadd.f32 v19, v20;
	v9 =	vadd.f32 v9, v12  }
0x2fe: {  	v12 =	vadd.f32 v17, v14;
	v14 =	vld [tilespmem:s14+$0x10260];
	v10 =	vadd.f32 v10, v11  }
0x2ff: {  	v11 =	vld [tilespmem:s14+$0x10270];
	v17 =	vadd.f32 v18, v19;
	v7 =	vadd.f32 v7, v9  }
0x300: {  	v9 =	vadd.f32 v15, v12;
	v12 =	vld [tilespmem:s14+$0x102A0];
	v8 =	vadd.f32 v8, v10  }
0x301: {  	v10 =	vld [tilespmem:s14+$0x102B0];
	v15 =	vadd.f32 v16, v17;
	v5 =	vadd.f32 v5, v7  }
0x302: {  	v7 =	vadd.f32 v13, v9;
	v6 =	vadd.f32 v6, v8  }
0x303: {  	v8 =	vadd.f32 v14, v15;
	v3 =	vadd.f32 v3, v5  }
0x304: {  	v5 =	vadd.f32 v11, v7;
	v4 =	vadd.f32 v4, v6  }
0x305: {  	v6 =	vadd.f32 v12, v8;
	v3 =	vmul.f32 v3, v2  }
0x306: {  	v5 =	vadd.f32 v10, v5;
	v4 =	vmul.f32 v4, v2  }
0x307: {  	v3 =	vmax.f32 v3, $0.0e+00;
	v6 =	vmul.f32 v6, v2  }
0x308: {  	[tilespmem:$0x19780] =	vst v3;
	v3 =	vmax.f32 v4, $0.0e+00;
	v2 =	vmul.f32 v5, v2  }
0x309: {  	[tilespmem:$0x19790] =	vst v3;
	v3 =	vmax.f32 v6, $0.0e+00  }
0x30a: {  	[tilespmem:$0x197A0] =	vst v3;
	v2 =	vmax.f32 v2, $0.0e+00  }
0x30b: {  	s14 =	simm.s32 $0x0;
	[tilespmem:$0x197B0] =	vst v2  }
0x30c: {  	v2 =	vld [tilespmem:s14+$0x13480]  }
0x30d: {  	v3 =	vld [tilespmem:s14+$0x13490]  }
0x30e: {  	v4 =	vld [tilespmem:s14+$0x13440]  }
0x30f: {  	v5 =	vld [tilespmem:s14+$0x13450]  }
0x310: {  	v6 =	vld [tilespmem:s14+$0x13400]  }
0x311: {  	v7 =	vld [tilespmem:s14+$0x13410]  }
0x312: {  	v8 =	vld [tilespmem:s14+$0x133C0]  }
0x313: {  	v9 =	vld [tilespmem:s14+$0x133D0]  }
0x314: {  	v11 =	vld [tilespmem:s14+$0x13380]  }
0x315: {  	v10 =	vld [tilespmem:s14+$0x13390]  }
0x316: {  	v13 =	vld [tilespmem:s14+$0x13340]  }
0x317: {  	v12 =	vld [tilespmem:s14+$0x13350]  }
0x318: {  	v15 =	vld [tilespmem:s14+$0x13300]  }
0x319: {  	v14 =	vld [tilespmem:s14+$0x13310]  }
0x31a: {  	v17 =	vld [tilespmem:s14+$0x132C0]  }
0x31b: {  	v16 =	vld [tilespmem:s14+$0x132D0]  }
0x31c: {  	v23 =	vld [tilespmem:s14+$0x13280]  }
0x31d: {  	v22 =	vld [tilespmem:s14+$0x13290]  }
0x31e: {  	v25 =	vld [tilespmem:s14+$0x13240]  }
0x31f: {  	v21 =	vimm.f32 $0.0e+00;
	v26 =	vld [tilespmem:s14+$0x13250]  }
0x320: {  	s17 =	simm.s32 $0xA00;
	v20 =	vimm.f32 $0.0e+00;
	v18 =	vimm.f32 $0.0e+00;
	v19 =	vimm.f32 $0.0e+00;
	v24 =	vld [tilespmem:s14+$0x13260]  }
.LBB2_18:
0x321: {  	p0 =	sne.s32 s17, $0xBE00;
	v27 =	vld [tilespmem:s14+$0x13270]  }
0x322: {  	v28 =	vld [tilespmem:s14+$0x132A0]  }
0x323: {  	v29 =	vld [tilespmem:s14+$0x132B0]  }
0x324: {  	v30 =	vld [tilespmem:s14+$0x132E0]  }
0x325: {  	v18 =	vadd.f32 v25, v18;
	v21 =	vadd.f32 v26, v21;
	v25 =	vld [tilespmem:s14+$0x132F0]  }
0x326: {  	v20 =	vadd.f32 v24, v20;
	v19 =	vadd.f32 v27, v19;
	v24 =	vld [tilespmem:s14+$0x13320]  }
0x327: {  	v18 =	vadd.f32 v23, v18;
	v21 =	vadd.f32 v22, v21;
	v22 =	vld [tilespmem:s14+$0x13330]  }
0x328: {  	v20 =	vadd.f32 v28, v20;
	v19 =	vadd.f32 v29, v19;
	v23 =	vld [tilespmem:s14+$0x13360]  }
0x329: {  	v17 =	vadd.f32 v17, v18;
	v16 =	vadd.f32 v16, v21;
	v18 =	vld [tilespmem:s14+$0x13370]  }
0x32a: {  	v20 =	vadd.f32 v30, v20;
	v19 =	vadd.f32 v25, v19;
	v21 =	vld [tilespmem:s14+$0x133A0]  }
0x32b: {  	v15 =	vadd.f32 v15, v17;
	v14 =	vadd.f32 v14, v16;
	v16 =	vld [tilespmem:s14+$0x133B0]  }
0x32c: {  	v17 =	vadd.f32 v24, v20;
	v19 =	vadd.f32 v22, v19;
	v20 =	vld [tilespmem:s14+$0x133E0]  }
0x32d: {  	v13 =	vadd.f32 v13, v15;
	v12 =	vadd.f32 v12, v14;
	v14 =	vld [tilespmem:s14+$0x133F0]  }
0x32e: {  	v15 =	vadd.f32 v23, v17;
	v17 =	vadd.f32 v18, v19;
	v18 =	vld [tilespmem:s14+$0x13420]  }
0x32f: {  	v11 =	vadd.f32 v11, v13;
	v10 =	vadd.f32 v10, v12;
	v12 =	vld [tilespmem:s14+$0x13430]  }
0x330: {  	v13 =	vadd.f32 v21, v15;
	v15 =	vadd.f32 v16, v17;
	v16 =	vld [tilespmem:s14+$0x13460]  }
0x331: {  	v8 =	vadd.f32 v8, v11;
	v9 =	vadd.f32 v9, v10;
	v10 =	vld [tilespmem:s14+$0x13470]  }
0x332: {  	v11 =	vadd.f32 v20, v13;
	v13 =	vadd.f32 v14, v15;
	v14 =	vld [tilespmem:s14+$0x134A0]  }
0x333: {  	v6 =	vadd.f32 v6, v8;
	v7 =	vadd.f32 v7, v9;
	v8 =	vld [tilespmem:s14+$0x134B0];
	s14 =	sshra.s32 s17, $0x2  }
0x334: {  	v11 =	vadd.f32 v18, v11;
	v9 =	vld [tilespmem:s14+$0x13480];
	v12 =	vadd.f32 v12, v13  }
0x335: {  	v6 =	vadd.f32 v4, v6;
	v7 =	vadd.f32 v5, v7;
	v13 =	vld [tilespmem:s14+$0x13490]  }
0x336: {  	v11 =	vadd.f32 v16, v11;
	v4 =	vld [tilespmem:s14+$0x13440];
	v10 =	vadd.f32 v10, v12  }
0x337: {  	v18 =	vadd.f32 v2, v6;
	v21 =	vadd.f32 v3, v7;
	v5 =	vld [tilespmem:s14+$0x13450]  }
0x338: {  	v20 =	vadd.f32 v14, v11;
	v6 =	vld [tilespmem:s14+$0x13400];
	v19 =	vadd.f32 v8, v10  }
0x339: {  	v7 =	vld [tilespmem:s14+$0x13410];
	v2 =	vmov v9  }
0x33a: {  	v8 =	vld [tilespmem:s14+$0x133C0];
	v3 =	vmov v13  }
0x33b: {  	v9 =	vld [tilespmem:s14+$0x133D0]  }
0x33c: {  	v11 =	vld [tilespmem:s14+$0x13380]  }
0x33d: {  	v10 =	vld [tilespmem:s14+$0x13390]  }
0x33e: {  	v13 =	vld [tilespmem:s14+$0x13340]  }
0x33f: {  	v12 =	vld [tilespmem:s14+$0x13350]  }
0x340: {  	v15 =	vld [tilespmem:s14+$0x13300]  }
0x341: {  	v14 =	vld [tilespmem:s14+$0x13310]  }
0x342: {  	v17 =	vld [tilespmem:s14+$0x132C0]  }
0x343: {  	v16 =	vld [tilespmem:s14+$0x132D0]  }
.Ltmp8:
0x344: {  	v23 =	vld [tilespmem:s14+$0x13280];
	(pc) =	sbr.rel @p0 .LBB2_18-.Ltmp8, $4  }
0x345: {  	v22 =	vld [tilespmem:s14+$0x13290]  }
0x346: {  	v25 =	vld [tilespmem:s14+$0x13240]  }
0x347: {  	v26 =	vld [tilespmem:s14+$0x13250]  }
0x348: {  	s17 =	sadd.s32 $0xA00, s17;
	v24 =	vld [tilespmem:s14+$0x13260]  }
0x349: {  	v27 =	vld [tilespmem:s14+$0x13270]  }
0x34a: {  	v28 =	vld [tilespmem:s14+$0x132A0]  }
0x34b: {  	v29 =	vld [tilespmem:s14+$0x132B0];
	v18 =	vadd.f32 v25, v18  }
0x34c: {  	v25 =	vld [tilespmem:s14+$0x132E0];
	v21 =	vadd.f32 v26, v21  }
0x34d: {  	v26 =	vld [tilespmem:s14+$0x132F0];
	v20 =	vadd.f32 v24, v20;
	v18 =	vadd.f32 v23, v18  }
0x34e: {  	v23 =	vld [tilespmem:s14+$0x13320];
	v19 =	vadd.f32 v27, v19;
	v21 =	vadd.f32 v22, v21  }
0x34f: {  	v22 =	vld [tilespmem:s14+$0x13330];
	v20 =	vadd.f32 v28, v20;
	v17 =	vadd.f32 v17, v18  }
0x350: {  	v18 =	vadd.f32 v29, v19;
	v19 =	vld [tilespmem:s14+$0x13360];
	v16 =	vadd.f32 v16, v21  }
0x351: {  	v21 =	vld [tilespmem:s14+$0x13370];
	v20 =	vadd.f32 v25, v20;
	v15 =	vadd.f32 v15, v17  }
0x352: {  	v17 =	vadd.f32 v26, v18;
	v18 =	vld [tilespmem:s14+$0x133A0];
	v14 =	vadd.f32 v14, v16  }
0x353: {  	v16 =	vld [tilespmem:s14+$0x133B0];
	v20 =	vadd.f32 v23, v20;
	v13 =	vadd.f32 v13, v15  }
0x354: {  	v15 =	vadd.f32 v22, v17;
	v17 =	vld [tilespmem:s14+$0x133E0];
	v12 =	vadd.f32 v12, v14  }
0x355: {  	v14 =	vld [tilespmem:s14+$0x133F0];
	v19 =	vadd.f32 v19, v20;
	v11 =	vadd.f32 v11, v13  }
0x356: {  	v13 =	vadd.f32 v21, v15;
	v15 =	vld [tilespmem:s14+$0x13420];
	v10 =	vadd.f32 v10, v12  }
0x357: {  	v12 =	vld [tilespmem:s14+$0x13430];
	v18 =	vadd.f32 v18, v19;
	v8 =	vadd.f32 v8, v11  }
0x358: {  	v11 =	vadd.f32 v16, v13;
	v13 =	vld [tilespmem:s14+$0x13460];
	v9 =	vadd.f32 v9, v10  }
0x359: {  	v10 =	vld [tilespmem:s14+$0x13470];
	v16 =	vadd.f32 v17, v18;
	v6 =	vadd.f32 v6, v8  }
0x35a: {  	v8 =	vadd.f32 v14, v11;
	v11 =	vld [tilespmem:s14+$0x134A0];
	v7 =	vadd.f32 v7, v9  }
0x35b: {  	v9 =	vld [tilespmem:s14+$0x134B0];
	v14 =	vadd.f32 v15, v16;
	v4 =	vadd.f32 v4, v6  }
0x35c: {  	v6 =	vadd.f32 v12, v8;
	v5 =	vadd.f32 v5, v7  }
0x35d: {  	v7 =	vadd.f32 v13, v14;
	v2 =	vadd.f32 v2, v4  }
0x35e: {  	v4 =	vadd.f32 v10, v6;
	v3 =	vadd.f32 v3, v5  }
0x35f: {  	v5 =	vadd.f32 v11, v7;
	v2 =	vmul.f32 v2, v1  }
0x360: {  	v4 =	vadd.f32 v9, v4;
	v3 =	vmul.f32 v3, v1  }
0x361: {  	v2 =	vmax.f32 v2, $0.0e+00;
	v5 =	vmul.f32 v5, v1  }
0x362: {  	[tilespmem:$0x197C0] =	vst v2;
	v2 =	vmax.f32 v3, $0.0e+00;
	v1 =	vmul.f32 v4, v1  }
0x363: {  	[tilespmem:$0x197D0] =	vst v2;
	v2 =	vmax.f32 v5, $0.0e+00  }
0x364: {  	[tilespmem:$0x197E0] =	vst v2;
	v1 =	vmax.f32 v1, $0.0e+00  }
0x365: {  	s14 =	simm.s32 $0x0;
	[tilespmem:$0x197F0] =	vst v1  }
0x366: {  	v1 =	vld [tilespmem:s14+$0x16680]  }
0x367: {  	v2 =	vld [tilespmem:s14+$0x16690]  }
0x368: {  	v3 =	vld [tilespmem:s14+$0x16640]  }
0x369: {  	v4 =	vld [tilespmem:s14+$0x16650]  }
0x36a: {  	v5 =	vld [tilespmem:s14+$0x16600]  }
0x36b: {  	v6 =	vld [tilespmem:s14+$0x16610]  }
0x36c: {  	v7 =	vld [tilespmem:s14+$0x165C0]  }
0x36d: {  	v8 =	vld [tilespmem:s14+$0x165D0]  }
0x36e: {  	v10 =	vld [tilespmem:s14+$0x16580]  }
0x36f: {  	v9 =	vld [tilespmem:s14+$0x16590]  }
0x370: {  	v12 =	vld [tilespmem:s14+$0x16540]  }
0x371: {  	v11 =	vld [tilespmem:s14+$0x16550]  }
0x372: {  	v14 =	vld [tilespmem:s14+$0x16500]  }
0x373: {  	v13 =	vld [tilespmem:s14+$0x16510]  }
0x374: {  	v16 =	vld [tilespmem:s14+$0x164C0]  }
0x375: {  	v15 =	vld [tilespmem:s14+$0x164D0]  }
0x376: {  	v22 =	vld [tilespmem:s14+$0x16480]  }
0x377: {  	v21 =	vld [tilespmem:s14+$0x16490]  }
0x378: {  	v24 =	vld [tilespmem:s14+$0x16440]  }
0x379: {  	v20 =	vimm.f32 $0.0e+00;
	v25 =	vld [tilespmem:s14+$0x16450]  }
0x37a: {  	s17 =	simm.s32 $0xA00;
	v19 =	vimm.f32 $0.0e+00;
	v17 =	vimm.f32 $0.0e+00;
	v18 =	vimm.f32 $0.0e+00;
	v23 =	vld [tilespmem:s14+$0x16460]  }
.LBB2_20:
0x37b: {  	p0 =	sne.s32 s17, $0xBE00;
	v26 =	vld [tilespmem:s14+$0x16470]  }
0x37c: {  	v27 =	vld [tilespmem:s14+$0x164A0]  }
0x37d: {  	v28 =	vld [tilespmem:s14+$0x164B0]  }
0x37e: {  	v29 =	vld [tilespmem:s14+$0x164E0]  }
0x37f: {  	v17 =	vadd.f32 v24, v17;
	v20 =	vadd.f32 v25, v20;
	v24 =	vld [tilespmem:s14+$0x164F0]  }
0x380: {  	v19 =	vadd.f32 v23, v19;
	v18 =	vadd.f32 v26, v18;
	v23 =	vld [tilespmem:s14+$0x16520]  }
0x381: {  	v17 =	vadd.f32 v22, v17;
	v20 =	vadd.f32 v21, v20;
	v21 =	vld [tilespmem:s14+$0x16530]  }
0x382: {  	v19 =	vadd.f32 v27, v19;
	v18 =	vadd.f32 v28, v18;
	v22 =	vld [tilespmem:s14+$0x16560]  }
0x383: {  	v16 =	vadd.f32 v16, v17;
	v15 =	vadd.f32 v15, v20;
	v17 =	vld [tilespmem:s14+$0x16570]  }
0x384: {  	v19 =	vadd.f32 v29, v19;
	v18 =	vadd.f32 v24, v18;
	v20 =	vld [tilespmem:s14+$0x165A0]  }
0x385: {  	v14 =	vadd.f32 v14, v16;
	v13 =	vadd.f32 v13, v15;
	v15 =	vld [tilespmem:s14+$0x165B0]  }
0x386: {  	v16 =	vadd.f32 v23, v19;
	v18 =	vadd.f32 v21, v18;
	v19 =	vld [tilespmem:s14+$0x165E0]  }
0x387: {  	v12 =	vadd.f32 v12, v14;
	v11 =	vadd.f32 v11, v13;
	v13 =	vld [tilespmem:s14+$0x165F0]  }
0x388: {  	v14 =	vadd.f32 v22, v16;
	v16 =	vadd.f32 v17, v18;
	v17 =	vld [tilespmem:s14+$0x16620]  }
0x389: {  	v10 =	vadd.f32 v10, v12;
	v9 =	vadd.f32 v9, v11;
	v11 =	vld [tilespmem:s14+$0x16630]  }
0x38a: {  	v12 =	vadd.f32 v20, v14;
	v14 =	vadd.f32 v15, v16;
	v15 =	vld [tilespmem:s14+$0x16660]  }
0x38b: {  	v7 =	vadd.f32 v7, v10;
	v8 =	vadd.f32 v8, v9;
	v9 =	vld [tilespmem:s14+$0x16670]  }
0x38c: {  	v10 =	vadd.f32 v19, v12;
	v12 =	vadd.f32 v13, v14;
	v13 =	vld [tilespmem:s14+$0x166A0]  }
0x38d: {  	v5 =	vadd.f32 v5, v7;
	v6 =	vadd.f32 v6, v8;
	v7 =	vld [tilespmem:s14+$0x166B0];
	s14 =	sshra.s32 s17, $0x2  }
0x38e: {  	v10 =	vadd.f32 v17, v10;
	v8 =	vld [tilespmem:s14+$0x16680];
	v11 =	vadd.f32 v11, v12  }
0x38f: {  	v5 =	vadd.f32 v3, v5;
	v6 =	vadd.f32 v4, v6;
	v12 =	vld [tilespmem:s14+$0x16690]  }
0x390: {  	v10 =	vadd.f32 v15, v10;
	v3 =	vld [tilespmem:s14+$0x16640];
	v9 =	vadd.f32 v9, v11  }
0x391: {  	v17 =	vadd.f32 v1, v5;
	v20 =	vadd.f32 v2, v6;
	v4 =	vld [tilespmem:s14+$0x16650]  }
0x392: {  	v19 =	vadd.f32 v13, v10;
	v5 =	vld [tilespmem:s14+$0x16600];
	v18 =	vadd.f32 v7, v9  }
0x393: {  	v6 =	vld [tilespmem:s14+$0x16610];
	v1 =	vmov v8  }
0x394: {  	v7 =	vld [tilespmem:s14+$0x165C0];
	v2 =	vmov v12  }
0x395: {  	v8 =	vld [tilespmem:s14+$0x165D0]  }
0x396: {  	v10 =	vld [tilespmem:s14+$0x16580]  }
0x397: {  	v9 =	vld [tilespmem:s14+$0x16590]  }
0x398: {  	v12 =	vld [tilespmem:s14+$0x16540]  }
0x399: {  	v11 =	vld [tilespmem:s14+$0x16550]  }
0x39a: {  	v14 =	vld [tilespmem:s14+$0x16500]  }
0x39b: {  	v13 =	vld [tilespmem:s14+$0x16510]  }
0x39c: {  	v16 =	vld [tilespmem:s14+$0x164C0]  }
0x39d: {  	v15 =	vld [tilespmem:s14+$0x164D0]  }
.Ltmp9:
0x39e: {  	v22 =	vld [tilespmem:s14+$0x16480];
	(pc) =	sbr.rel @p0 .LBB2_20-.Ltmp9, $4  }
0x39f: {  	v21 =	vld [tilespmem:s14+$0x16490]  }
0x3a0: {  	v24 =	vld [tilespmem:s14+$0x16440]  }
0x3a1: {  	v25 =	vld [tilespmem:s14+$0x16450]  }
0x3a2: {  	s17 =	sadd.s32 $0xA00, s17;
	v23 =	vld [tilespmem:s14+$0x16460]  }
0x3a3: {  	v26 =	vld [tilespmem:s14+$0x16470]  }
0x3a4: {  	v27 =	vld [tilespmem:s14+$0x164A0]  }
0x3a5: {  	v28 =	vld [tilespmem:s14+$0x164B0];
	v17 =	vadd.f32 v24, v17  }
0x3a6: {  	v33 =	vld [tilespmem:s14+$0x164E0];
	v20 =	vadd.f32 v25, v20  }
0x3a7: {  	v34 =	vld [tilespmem:s14+$0x164F0];
	v19 =	vadd.f32 v23, v19;
	v17 =	vadd.f32 v22, v17  }
0x3a8: {  	v35 =	vld [tilespmem:s14+$0x16520];
	v18 =	vadd.f32 v26, v18;
	v20 =	vadd.f32 v21, v20  }
0x3a9: {  	v36 =	vld [tilespmem:s14+$0x16530];
	v19 =	vadd.f32 v27, v19;
	v16 =	vadd.f32 v16, v17  }
0x3aa: {  	v38 =	vld [tilespmem:s14+$0x16560];
	v37 =	vadd.f32 v28, v18;
	v15 =	vadd.f32 v15, v20  }
0x3ab: {  	v39 =	vld [tilespmem:s14+$0x16570];
	v19 =	vadd.f32 v33, v19;
	v14 =	vadd.f32 v14, v16  }
0x3ac: {  	v41 =	vld [tilespmem:s14+$0x165A0];
	v40 =	vadd.f32 v34, v37;
	v13 =	vadd.f32 v13, v15  }
0x3ad: {  	v42 =	vld [tilespmem:s14+$0x165B0];
	v19 =	vadd.f32 v35, v19;
	v12 =	vadd.f32 v12, v14  }
0x3ae: {  	v44 =	vld [tilespmem:s14+$0x165E0];
	v43 =	vadd.f32 v36, v40;
	v11 =	vadd.f32 v11, v13  }
0x3af: {  	v45 =	vld [tilespmem:s14+$0x165F0];
	v18 =	vadd.f32 v38, v19;
	v10 =	vadd.f32 v10, v12  }
0x3b0: {  	v47 =	vld [tilespmem:s14+$0x16620];
	v46 =	vadd.f32 v39, v43;
	v9 =	vadd.f32 v9, v11  }
0x3b1: {  	v48 =	vld [tilespmem:s14+$0x16630];
	v17 =	vadd.f32 v41, v18;
	v7 =	vadd.f32 v7, v10  }
0x3b2: {  	v50 =	vld [tilespmem:s14+$0x16660];
	v49 =	vadd.f32 v42, v46;
	v8 =	vadd.f32 v8, v9  }
0x3b3: {  	v51 =	vld [tilespmem:s14+$0x16670];
	v52 =	vadd.f32 v44, v17;
	v5 =	vadd.f32 v5, v7  }
0x3b4: {  	v54 =	vld [tilespmem:s14+$0x166A0];
	v53 =	vadd.f32 v45, v49;
	v6 =	vadd.f32 v6, v8  }
0x3b5: {  	v55 =	vld [tilespmem:s14+$0x166B0];
	v56 =	vadd.f32 v47, v52;
	v3 =	vadd.f32 v3, v5  }
0x3b6: {  	v57 =	vadd.f32 v48, v53;
	v4 =	vadd.f32 v4, v6  }
0x3b7: {  	v58 =	vadd.f32 v50, v56;
	v1 =	vadd.f32 v1, v3  }
0x3b8: {  	v59 =	vadd.f32 v51, v57;
	v2 =	vadd.f32 v2, v4  }
0x3b9: {  	v60 =	vadd.f32 v54, v58;
	v1 =	vmul.f32 v1, v0  }
0x3ba: {  	s1 =	sadd.s32 $0x1, s1;
	v3 =	vadd.f32 v55, v59;
	v2 =	vmul.f32 v2, v0  }
0x3bb: {  	p0 =	sne.s32 s1, $0x40;
	v1 =	vmax.f32 v1, $0.0e+00;
	v4 =	vmul.f32 v60, v0  }
.Ltmp10:
0x3bc: {  	[tilespmem:$0x19800] =	vst v1;
	v61 =	vmax.f32 v2, $0.0e+00;
	v62 =	vmul.f32 v3, v0;
	(pc) =	sbr.rel @p0 .LBB2_2-.Ltmp10, $4  }
0x3bd: {  	[tilespmem:$0x19810] =	vst v61;
	v63 =	vmax.f32 v4, $0.0e+00  }
0x3be: {  	[tilespmem:$0x19820] =	vst v63;
	v0 =	vmax.f32 v62, $0.0e+00  }
0x3bf: {  	s21 =	sadd.s32 s11, s16;
	[tilespmem:$0x19830] =	vst v0  }
0x3c0: {  	[hbm4b:s21+s3] =	stream.linear.scatter [tilespmem:s5], [sflag:$0x6], $0x100, $0x38;
	[tilespmem:$0x19840] =	vst v63  }
0x3c1: {  	_ =	swait.ge [sflag:s12], $0x100  }
0x3c2: {  	[sflag:s12] =	ssyncset.done $0x0  }
0x3c3: {  	[sflag:s12] =	ssyncadd.s32 $0xFFFFFF00  }
0x3c4: {  	_ =	swait.ge [sflag:s0], $0x100  }
0x3c5: {  	s14 =	rddreg [dreg:$0x6]  }
0x3c6: {  	s1 =	rddreg [dreg:$0x5];
	s14 =	sadd.s32 $0x1, s14  }
0x3c7: {  	p0 =	sne.s32 s14, s1  }
.Ltmp11:
0x3c8: {  	_ = 	snop;
	(pc) =	sbr.rel @p0 .LBB2_1-.Ltmp11, $3  }
0x3c9: {  	_ =	sdelay $0x1  }
0x3ca: {  	[sflag:s0] =	ssyncset.done $0x0  }
0x3cb: {  	[sflag:s0] =	ssyncadd.s32 $0xFFFFFF00  }
0x3cc: {  	_ =	sfence.sel $0x180000  }
0x3cd: {  	[bflag:$0x0] =	sbarrier.arrive $0xFFFF  }
0x3ce: {  	_ =	strace $0x90000047  }
0x3cf: {  	s0 =	stileid.u32;
	[bflag:$0x2] =	sbarrier.arrive $0xFFFF  }
0x3d0: {  	p0 =	sne.s32 s0, $0x0;
	s0 =	rddreg [dreg:$0x2]  }
0x3d1: {  	s0 =	sadd.s32 @!p0 $0x100000, s0  }
0x3d2: {  	[sflag:s0] =	ssyncadd.tile.s32 @!p0 $0x1;
	_ =	shalt  }
.Lfunc_end2:
_tile_overlayer_lowered:
.L_overlay_start_2:
0x3d3: {  	(tag) =	ssettag $0x2  }
0x3d4: {  	s0 =	rddreg [dreg:$0x0];
	s2 =	stileid.u32  }
0x3d5: {  	s1 =	rddreg [dreg:$0x1];
	p0 =	sne.s32 s2, $0x0  }
0x3d6: {  	s3 =	rddreg [dreg:$0x2];
	[bflag:$0x3] =	sbarrier.arrive $0xFFFF;
	s2 =	simm.s32 @!p0 $0x1C07  }
0x3d7: {  	[timem:s3], [sflag:s2] =	dma.local @!p0 [hbm:s0], s1  }
0x3d8: {  	s0 =	simm.s32 @!p0 $0x7  }
0x3d9: {  	_ =	swait.ge @!p0 [sflag:s0], s1  }
0x3da: {  	s1 =	ssub.s32 @!p0 $0x0, s1;
	[sflag:s0] =	ssyncset.done @!p0 $0x0  }
0x3db: {  	[sflag:s0] =	ssyncadd.s32 @!p0 s1  }
0x3dc: {  	[bflag:$0x3] =	sbarrier.arrive $0xFFFF  }
0x3dd: {  	_ =	shalt  }

</sc_bundles>
